<compile_context>
chip_gen: v7x
topology: tpu7x:2x2x1
jax: 0.10.2.dev20260603
libtpu: 0.0.44.dev20260713+nightly
codegen_flags: <defaults>
</compile_context>

<pallas_src>
import functools

import jax
import jax.numpy as jnp
import numpy as np
from jax import lax
from jax.experimental import pallas as pl
from jax.experimental.pallas import tpu as pltpu
from jax.experimental.pallas import tpu_sc as plsc

N_POI = 10000
EMBED = 128
HEADS = 4
E_RAW = 320000
N_SESS = 256
SESS_LEN = 32

NC, NS = 2, 16
NW = NC * NS
NPAD = 10112
ROWS_PER_TILE = NPAD // NS
CHUNK = 128
CPT = -(-E_RAW // (CHUNK * NW))
EPAD = CPT * NW * CHUNK
GIDX = N_SESS + N_SESS * SESS_LEN
GPT = GIDX // NW


def _mesh():
    return plsc.VectorSubcoreMesh(core_axis_name="c", subcore_axis_name="s",
                                  num_cores=NC, num_subcores=NS)


def _stripe(sid):
    return pl.ds(sid * ROWS_PER_TILE, ROWS_PER_TILE)


def _sc_deg_body(e0_hbm, e1_hbm, zeros128_hbm, ones128_hbm, deg_out, acc_sh,
                 idx_v, ones_v):
    cid = lax.axis_index("c")
    sid = lax.axis_index("s")
    wid = sid * NC + cid

    pltpu.sync_copy(zeros128_hbm.at[_stripe(sid)], acc_sh.at[_stripe(sid)])
    pltpu.sync_copy(ones128_hbm, ones_v)
    plsc.subcore_barrier()

    def chunk_body(k, carry):
        base = (wid * CPT + k) * CHUNK
        pltpu.sync_copy(e0_hbm.at[pl.ds(base, CHUNK)], idx_v.at[0])
        pltpu.sync_copy(e1_hbm.at[pl.ds(base, CHUNK)], idx_v.at[1])
        pltpu.sync_copy(ones_v, acc_sh.at[idx_v.at[0]], add=True)
        pltpu.sync_copy(ones_v, acc_sh.at[idx_v.at[1]], add=True)
        return carry

    lax.fori_loop(0, CPT, chunk_body, 0)
    plsc.subcore_barrier()
    pltpu.sync_copy(acc_sh.at[_stripe(sid)], deg_out.at[cid, _stripe(sid)])


@functools.lru_cache(maxsize=None)
def _sc_deg_call():
    return pl.kernel(
        _sc_deg_body,
        out_type=jax.ShapeDtypeStruct((NC, NPAD, EMBED), jnp.float32),
        mesh=_mesh(),
        scratch_types=[
            pltpu.VMEM_SHARED((NPAD, EMBED), jnp.float32),
            pltpu.VMEM((2, CHUNK), jnp.int32),
            pltpu.VMEM((CHUNK, EMBED), jnp.float32),
        ],
    )


def _sc_deg(e0, e1, zeros128, ones128):
    return _sc_deg_call()(e0, e1, zeros128, ones128)


CPT0 = 101
CPT1 = 2 * CPT - CPT0


def _sc_agg_body(e0_hbm, e1_hbm, wflat_hbm, tbl_hbm, zeros128_hbm, acc_out,
                 acc_sh, idx_v, w_v, rows_v, gsem, ssem, isem):
    cid = lax.axis_index("c")
    sid = lax.axis_index("s")

    cpt_c = jnp.where(cid == 0, CPT0, CPT1)
    chunk0 = cid * NS * CPT0 + sid * cpt_c

    pltpu.sync_copy(zeros128_hbm.at[_stripe(sid)], acc_sh.at[_stripe(sid)])
    plsc.subcore_barrier()

    def cp_idx_async(k, b):
        base = (chunk0 + k) * CHUNK
        pltpu.async_copy(e0_hbm.at[pl.ds(base, CHUNK)], idx_v.at[b, 0], isem)
        pltpu.async_copy(e1_hbm.at[pl.ds(base, CHUNK)], idx_v.at[b, 1], isem)
        pltpu.async_copy(wflat_hbm.at[pl.ds(base * 16, CHUNK * 16)],
                         w_v.at[b], isem)

    def drain_idx():
        pltpu.make_async_copy(e0_hbm.at[pl.ds(0, CHUNK)], idx_v.at[0, 0],
                              isem).wait()
        pltpu.make_async_copy(e1_hbm.at[pl.ds(0, CHUNK)], idx_v.at[0, 1],
                              isem).wait()
        pltpu.make_async_copy(wflat_hbm.at[pl.ds(0, CHUNK * 16)], w_v.at[0],
                              isem).wait()

    def issue_gather(s):
        k = lax.div(s, 2)
        d = lax.rem(s, 2)
        pltpu.async_copy(tbl_hbm.at[idx_v.at[lax.rem(k, 2), 1 - d]],
                         rows_v.at[lax.rem(s, 2)], gsem)

    def drain_scatter():
        pltpu.make_async_copy(rows_v.at[0], acc_sh.at[idx_v.at[0, 0]],
                              ssem).wait()

    cp_idx_async(0, 0)
    drain_idx()
    issue_gather(0)

    S = 2 * cpt_c

    def loop_body(s, carry):
        k = lax.div(s, 2)
        d = lax.rem(s, 2)
        b = lax.rem(s, 2)
        bk = lax.rem(k, 2)

        @pl.when(s > 0)
        def _():
            drain_scatter()

        @pl.when((d == 1) & (k + 1 < cpt_c))
        def _():
            drain_idx()

        @pl.when(s + 1 < S)
        def _():
            issue_gather(s + 1)

        pltpu.make_async_copy(tbl_hbm.at[idx_v.at[bk, 1 - d]],
                              rows_v.at[b], gsem).wait()

        def e_body(e, ec):
            sc = w_v[bk, pl.ds(e * 16, 16)]
            for j in range(EMBED // 16):
                sl = pl.ds(j * 16, 16)
                rows_v[b, e, sl] = rows_v[b, e, sl] * sc
            return ec

        lax.fori_loop(0, CHUNK, e_body, 0)
        pltpu.async_copy(rows_v.at[b], acc_sh.at[idx_v.at[bk, d]], ssem,
                         add=True)

        @pl.when((d == 0) & (k + 1 < cpt_c))
        def _():
            cp_idx_async(k + 1, lax.rem(k + 1, 2))

        return carry

    lax.fori_loop(0, S, loop_body, 0)
    drain_scatter()
    plsc.subcore_barrier()
    pltpu.sync_copy(acc_sh.at[_stripe(sid)], acc_out.at[cid, _stripe(sid)])


@functools.lru_cache(maxsize=None)
def _sc_agg_call():
    return pl.kernel(
        _sc_agg_body,
        out_type=jax.ShapeDtypeStruct((NC, NPAD, EMBED), jnp.float32),
        mesh=_mesh(),
        scratch_types=[
            pltpu.VMEM_SHARED((NPAD, EMBED), jnp.float32),
            pltpu.VMEM((2, 2, CHUNK), jnp.int32),
            pltpu.VMEM((2, CHUNK * 16), jnp.float32),
            pltpu.VMEM((2, CHUNK, EMBED), jnp.float32),
            pltpu.SemaphoreType.DMA,
            pltpu.SemaphoreType.DMA,
            pltpu.SemaphoreType.DMA,
        ],
    )


def _sc_agg(e0, e1, w16, tbl, zeros128):
    return _sc_agg_call()(e0, e1, w16.reshape(EPAD * 16), tbl, zeros128)


def _sc_gather_body(idx_hbm, tbl_hbm, rows_out, idx_v, rows_v, sem):
    cid = lax.axis_index("c")
    sid = lax.axis_index("s")
    wid = sid * NC + cid
    for off, cnt in ((0, 128), (128, 128), (256, GPT - 256)):
        base = wid * GPT + off
        pltpu.sync_copy(idx_hbm.at[pl.ds(base, cnt)], idx_v.at[0, pl.ds(0, cnt)])
        pltpu.async_copy(tbl_hbm.at[idx_v.at[0, pl.ds(0, cnt)]],
                         rows_v.at[pl.ds(0, cnt)], sem).wait()
        pltpu.sync_copy(rows_v.at[pl.ds(0, cnt)], rows_out.at[pl.ds(base, cnt)])


@functools.lru_cache(maxsize=None)
def _sc_gather_call():
    return pl.kernel(
        _sc_gather_body,
        out_type=jax.ShapeDtypeStruct((GIDX, EMBED), jnp.float32),
        mesh=_mesh(),
        scratch_types=[
            pltpu.VMEM((1, 128), jnp.int32),
            pltpu.VMEM((128, EMBED), jnp.float32),
            pltpu.SemaphoreType.DMA,
        ],
    )


def _sc_gather(idx, tbl):
    return _sc_gather_call()(idx, tbl)


_WBLK = 4096


def _tc_wexp_body(dv, w_o):
    d = dv[...]
    w_o[...] = jnp.broadcast_to(jnp.exp(-d * d), (_WBLK, 16))


def _tc_wexp(dvp_col):
    return pl.pallas_call(
        _tc_wexp_body,
        grid=(EPAD // _WBLK,),
        in_specs=[pl.BlockSpec((_WBLK, 1), lambda i: (i, 0))],
        out_specs=pl.BlockSpec((_WBLK, 16), lambda i: (i, 0)),
        out_shape=jax.ShapeDtypeStruct((EPAD, 16), jnp.float32),
    )(dvp_col)


_ROWS_B = 632
_NBLK = NPAD // _ROWS_B


def _tc_prep_body(degp, emb, dis_o, encp_o):
    deg = degp[0, :, 0:1] + degp[1, :, 0:1] + 1.0
    dis = lax.rsqrt(deg)
    disb = jnp.broadcast_to(dis, (_ROWS_B, EMBED))
    dis_o[...] = disb
    encp_o[...] = disb * emb[...]


def _tc_prep(deg_parts, emb_pad):
    return pl.pallas_call(
        _tc_prep_body,
        grid=(_NBLK,),
        in_specs=[
            pl.BlockSpec((NC, _ROWS_B, EMBED), lambda i: (0, i, 0)),
            pl.BlockSpec((_ROWS_B, EMBED), lambda i: (i, 0)),
        ],
        out_specs=[
            pl.BlockSpec((_ROWS_B, EMBED), lambda i: (i, 0)),
            pl.BlockSpec((_ROWS_B, EMBED), lambda i: (i, 0)),
        ],
        out_shape=[
            jax.ShapeDtypeStruct((NPAD, EMBED), jnp.float32),
            jax.ShapeDtypeStruct((NPAD, EMBED), jnp.float32),
        ],
    )(deg_parts, emb_pad)


def _tc_dense_body(accp, tblprev, disb, W, b, enc_o, encs_o):
    side = (accp[0] + accp[1] + tblprev[...]) * disb[...]
    out = lax.dot_general(side, W[...], (((1,), (1,)), ((), ())),
                          preferred_element_type=jnp.float32) + b[...]
    out = jnp.where(out >= 0, out, 0.01 * out)
    nrm = jnp.sqrt(jnp.sum(out * out, axis=1, keepdims=True))
    enc = out / jnp.maximum(nrm, 1e-12)
    enc_o[...] = enc
    encs_o[...] = enc * disb[...]


def _tc_dense(acc_parts, tblprev, dis_b, W, b):
    return pl.pallas_call(
        _tc_dense_body,
        grid=(_NBLK,),
        in_specs=[
            pl.BlockSpec((NC, _ROWS_B, EMBED), lambda i: (0, i, 0)),
            pl.BlockSpec((_ROWS_B, EMBED), lambda i: (i, 0)),
            pl.BlockSpec((_ROWS_B, EMBED), lambda i: (i, 0)),
            pl.BlockSpec((EMBED, EMBED), lambda i: (0, 0)),
            pl.BlockSpec((1, EMBED), lambda i: (0, 0)),
        ],
        out_specs=[
            pl.BlockSpec((_ROWS_B, EMBED), lambda i: (i, 0)),
            pl.BlockSpec((_ROWS_B, EMBED), lambda i: (i, 0)),
        ],
        out_shape=[
            jax.ShapeDtypeStruct((NPAD, EMBED), jnp.float32),
            jax.ShapeDtypeStruct((NPAD, EMBED), jnp.float32),
        ],
    )(acc_parts, tblprev, dis_b, W, b)


_SB = 8
_TB = _SB * SESS_LEN
_HD = EMBED // HEADS


def _tc_attn_body(x, wqkv, bqkv, wo, bo, out_o):
    xb = x[...]
    qkv = lax.dot_general(xb, wqkv[...], (((1,), (1,)), ((), ())),
                          preferred_element_type=jnp.float32) + bqkv[...]
    r2 = lax.broadcasted_iota(jnp.int32, (_TB, _TB), 0) // SESS_LEN
    c2 = lax.broadcasted_iota(jnp.int32, (_TB, _TB), 1) // SESS_LEN
    same = r2 == c2
    pieces = []
    for h in range(HEADS):
        q = qkv[:, h * _HD:(h + 1) * _HD]
        k = qkv[:, EMBED + h * _HD:EMBED + (h + 1) * _HD]
        v = qkv[:, 2 * EMBED + h * _HD:2 * EMBED + (h + 1) * _HD]
        s = lax.dot_general(q, k, (((1,), (1,)), ((), ())),
                            preferred_element_type=jnp.float32)
        s = s * np.float32(1.0 / np.sqrt(_HD))
        s = jnp.where(same, s, -1e30)
        m = jnp.max(s, axis=1, keepdims=True)
        p = jnp.exp(s - m)
        p = p / jnp.sum(p, axis=1, keepdims=True)
        pieces.append(lax.dot_general(p, v, (((1,), (0,)), ((), ())),
                                      preferred_element_type=jnp.float32))
    ctx = jnp.concatenate(pieces, axis=1)
    ao = lax.dot_general(ctx, wo[...], (((1,), (1,)), ((), ())),
                         preferred_element_type=jnp.float32) + bo[...]
    rm = lax.broadcasted_iota(jnp.int32, (_SB, _TB), 0)
    cm = lax.broadcasted_iota(jnp.int32, (_SB, _TB), 1) // SESS_LEN
    Mm = jnp.where(cm == rm, np.float32(1.0 / SESS_LEN), 0.0)
    out_o[...] = lax.dot_general(Mm, ao, (((1,), (0,)), ((), ())),
                                 preferred_element_type=jnp.float32)


def _tc_attn(geo, wqkv, bqkv, wo, bo):
    return pl.pallas_call(
        _tc_attn_body,
        grid=(N_SESS // _SB,),
        in_specs=[
            pl.BlockSpec((_TB, EMBED), lambda i: (i, 0)),
            pl.BlockSpec((3 * EMBED, EMBED), lambda i: (0, 0)),
            pl.BlockSpec((1, 3 * EMBED), lambda i: (0, 0)),
            pl.BlockSpec((EMBED, EMBED), lambda i: (0, 0)),
            pl.BlockSpec((1, EMBED), lambda i: (0, 0)),
        ],
        out_specs=pl.BlockSpec((_SB, EMBED), lambda i: (i, 0)),
        out_shape=jax.ShapeDtypeStruct((N_SESS, EMBED), jnp.float32),
    )(geo, wqkv, bqkv, wo, bo)


def kernel(poi_embed_table, gcn_W, gcn_b, in_proj_w, in_proj_b, out_proj_w,
           out_proj_b, dist_vec, dist_edges, batch_idx, poi, x_idx):
    i32 = jnp.int32
    f32 = jnp.float32
    pad = EPAD - E_RAW
    trash = jnp.full((pad,), NPAD - 1, i32)
    e0 = jnp.concatenate([dist_edges[0].astype(i32), trash])
    e1 = jnp.concatenate([dist_edges[1].astype(i32), trash])
    dvp = jnp.concatenate([dist_vec, jnp.zeros((pad,), f32)])
    emb_pad = jnp.pad(poi_embed_table, ((0, NPAD - N_POI), (0, 0)))
    zeros128 = jnp.zeros((NPAD, EMBED), f32)
    ones128 = jnp.ones((CHUNK, EMBED), f32)

    w16 = _tc_wexp(dvp.reshape(EPAD, 1))
    deg_parts = _sc_deg(e0, e1, zeros128, ones128)
    dis_b, enc0p = _tc_prep(deg_parts, emb_pad)
    acc1 = _sc_agg(e0, e1, w16, enc0p, zeros128)
    enc1, enc1s = _tc_dense(acc1, enc0p, dis_b, gcn_W[0],
                            gcn_b[0].reshape(1, -1))
    acc2 = _sc_agg(e0, e1, w16, enc1s, zeros128)
    enc2, _ = _tc_dense(acc2, enc1s, dis_b, gcn_W[1], gcn_b[1].reshape(1, -1))

    gidx = jnp.concatenate([poi.astype(i32), x_idx.astype(i32)])
    rows = _sc_gather(gidx, enc2)
    tar_embed = rows[:N_SESS]
    geo = rows[N_SESS:]
    aggr_feat = _tc_attn(geo, in_proj_w, in_proj_b.reshape(1, -1),
                         out_proj_w, out_proj_b.reshape(1, -1))
    return aggr_feat, tar_embed

# --- scband reference (transcript-rebuilt; emitter-appended) ---
"""Pipeline reference for scband-geo-graph-16741782520369 (READ-ONLY COPY).

The authoritative reference and input builder live on the scoring server;
editing this copy changes nothing except your own understanding.
"""

import jax, jax.numpy as jnp
import numpy as np

N_POI = 10000
EMBED = 128
GCN_NUM = 2
HEADS = 4
E_RAW = 320000
N_SESS = 256
SESS_LEN = 32
TOTAL_TOK = N_SESS * SESS_LEN


def setup_inputs(seed: int = 0):
    key = jax.random.key(seed)
    ks = jax.random.split(key, 12)
    dist_edges = jax.random.randint(ks[0], (2, E_RAW), 0, N_POI, dtype=jnp.int32)
    dist_vec = jax.random.uniform(ks[1], (E_RAW,), dtype=jnp.float32)
    batch_idx = jnp.repeat(jnp.arange(N_SESS, dtype=jnp.int32), SESS_LEN)
    poi = jax.random.randint(ks[2], (N_SESS,), 0, N_POI, dtype=jnp.int32)
    x_idx = jax.random.randint(ks[3], (TOTAL_TOK,), 0, N_POI, dtype=jnp.int32)
    poi_embed_table = jax.random.normal(ks[4], (N_POI, EMBED), dtype=jnp.float32) * 0.02
    gcn_W = jax.random.normal(ks[5], (GCN_NUM, EMBED, EMBED), dtype=jnp.float32) * (1.0 / np.sqrt(EMBED))
    gcn_b = jnp.zeros((GCN_NUM, EMBED), dtype=jnp.float32)
    in_proj_w = jax.random.normal(ks[6], (3 * EMBED, EMBED), dtype=jnp.float32) * 0.05
    in_proj_b = jnp.zeros((3 * EMBED,), dtype=jnp.float32)
    out_proj_w = jax.random.normal(ks[7], (EMBED, EMBED), dtype=jnp.float32) * 0.05
    out_proj_b = jnp.zeros((EMBED,), dtype=jnp.float32)
    return {
        'poi_embed_table': poi_embed_table,
        'gcn_W': gcn_W,
        'gcn_b': gcn_b,
        'in_proj_w': in_proj_w,
        'in_proj_b': in_proj_b,
        'out_proj_w': out_proj_w,
        'out_proj_b': out_proj_b,
        'dist_vec': dist_vec,
        'dist_edges': dist_edges,
        'batch_idx': batch_idx,
        'poi': poi,
        'x_idx': x_idx,
    }


def reference(poi_embed_table, gcn_W, gcn_b, in_proj_w, in_proj_b, out_proj_w, out_proj_b,
              dist_vec, dist_edges, batch_idx, poi, x_idx):
    # --- replicate GeoGraph.__init__ edge construction ---
    loop = jnp.arange(N_POI, dtype=dist_edges.dtype)
    edges = jnp.concatenate([dist_edges, dist_edges[::-1], jnp.stack([loop, loop])], axis=1)
    dvec = jnp.concatenate([dist_vec, dist_vec, jnp.zeros((N_POI,), dist_vec.dtype)])
    row, col = edges[0], edges[1]
    enc = poi_embed_table
    for i in range(GCN_NUM):
        # Geo_GCN: symmetric normalization + distance-weighted sparse mm
        deg = jnp.zeros((N_POI,), enc.dtype).at[col].add(1.0)
        dis = jnp.where(deg > 0, deg ** -0.5, 0.0)
        norm = dis[row] * dis[col]
        w = jnp.exp(-dvec ** 2) * norm
        msg = w[:, None] * enc[col]
        side = jnp.zeros((N_POI, EMBED), enc.dtype).at[row].add(msg)
        out = side @ gcn_W[i].T + gcn_b[i]
        out = jax.nn.leaky_relu(out, negative_slope=0.01)
        nrm = jnp.maximum(jnp.linalg.norm(out, axis=-1, keepdims=True), 1e-12)
        enc = out / nrm
    tar_embed = enc[poi]
    geo_feat = enc[x_idx]
    # --- SelfAttn: split by sections, pad, MHA (no padding mask, like original) ---
    counts = jnp.bincount(batch_idx, length=N_SESS)
    n_sess = counts.shape[0]
    Lmax = SESS_LEN
    offsets = jnp.concatenate([jnp.zeros((1,), counts.dtype), jnp.cumsum(counts)[:-1]])
    pos = jnp.arange(TOTAL_TOK, dtype=counts.dtype) - offsets[batch_idx]
    padded = jnp.zeros((n_sess, Lmax, EMBED), enc.dtype).at[batch_idx, pos].set(geo_feat)
    qkv = padded @ in_proj_w.T + in_proj_b
    q, k, v = jnp.split(qkv, 3, axis=-1)
    hd = EMBED // HEADS
    def sp(t):
        return t.reshape(n_sess, Lmax, HEADS, hd).transpose(0, 2, 1, 3)
    q, k, v = sp(q), sp(k), sp(v)
    scores = (q @ k.transpose(0, 1, 3, 2)) / np.sqrt(hd)
    attn = jax.nn.softmax(scores, axis=-1)
    ctx = (attn @ v).transpose(0, 2, 1, 3).reshape(n_sess, Lmax, EMBED)
    attn_out = ctx @ out_proj_w.T + out_proj_b
    aggr_feat = jnp.mean(attn_out, axis=1)
    return aggr_feat, tar_embed

if __name__ == "__main__":
    import jax
    _d = setup_inputs()
    print(jax.jit(kernel)(*tuple(_d.values())))

</pallas_src>

<mosaic_0001>
#map = affine_map<(d0, d1) -> (0)>
#map1 = affine_map<(d0, d1) -> (0, 0)>
#map2 = affine_map<(d0, d1) -> (0, 0, 0)>
module attributes {stable_mosaic.version = 14 : i64} {
  func.func @_sc_deg_body(%arg0: i32, %arg1: i32, %arg2: memref<323584xi32, #tpu.memory_space<hbm>>, %arg3: memref<323584xi32, #tpu.memory_space<hbm>>, %arg4: memref<10112x128xf32, #tpu.memory_space<hbm>>, %arg5: memref<128x128xf32, #tpu.memory_space<hbm>>, %arg6: memref<2x10112x128xf32, #tpu.memory_space<hbm>>, %arg7: memref<10112x128xf32, #tpu.memory_space<vmem_shared>>, %arg8: memref<2x128xi32, #tpu.memory_space<vmem>>, %arg9: memref<128x128xf32, #tpu.memory_space<vmem>>) attributes {dimension_semantics = [#tpu.dimension_semantics<core_parallel>, #tpu.dimension_semantics<subcore_parallel>], iteration_bounds = array<i64: 2, 16>, scalar_prefetch = 0 : i64, scratch_operands = 3 : i64, tpu.core_type = #tpu.core_type<sc_vector_subcore>, window_params = [{transform_indices = #map}, {transform_indices = #map}, {transform_indices = #map1}, {transform_indices = #map1}, {transform_indices = #map2}]} {
    %mul3A = arith.constant 2 : i32
    %mul3A_0 = arith.muli %arg1, %mul3A : i32
    %add3A = arith.addi %mul3A_0, %arg0 : i32
    %mul3A_1 = arith.constant 632 : i32
    %mul3A_2 = arith.muli %arg1, %mul3A_1 : i32
    %mul3A_3 = arith.constant 632 : i32
    %mul3A_4 = arith.muli %arg1, %mul3A_3 : i32
    "tpu.region"() ({
      %run_scoped3A = tpu.sem_alloc : memref<!tpu.dma_semaphore, #tpu.memory_space<semaphore_mem>>
      %dma_start3A = arith.constant 0 : i32
      %dma_start3A_15 = tpu.memref_slice %arg7[%mul3A_4, %dma_start3A] : memref<10112x128xf32, #tpu.memory_space<vmem_shared>> -> memref<632x128xf32, #tpu.memory_space<vmem_shared>>
      %dma_start3A_16 = arith.constant 0 : i32
      %dma_start3A_17 = tpu.memref_slice %arg4[%mul3A_2, %dma_start3A_16] : memref<10112x128xf32, #tpu.memory_space<hbm>> -> memref<632x128xf32, #tpu.memory_space<hbm>>
      tpu.enqueue_dma source(%dma_start3A_17 : memref<632x128xf32, #tpu.memory_space<hbm>>) target(%dma_start3A_15 : memref<632x128xf32, #tpu.memory_space<vmem_shared>>) target_semaphore(%run_scoped3A : memref<!tpu.dma_semaphore, #tpu.memory_space<semaphore_mem>>)
      %dma_wait3A = arith.constant 0 : i32
      %dma_wait3A_18 = tpu.memref_slice %arg7[%mul3A_4, %dma_wait3A] : memref<10112x128xf32, #tpu.memory_space<vmem_shared>> -> memref<632x128xf32, #tpu.memory_space<vmem_shared>>
      %dma_wait3A_19 = arith.constant 0 : i32
      %dma_wait3A_20 = tpu.memref_slice %arg4[%mul3A_2, %dma_wait3A_19] : memref<10112x128xf32, #tpu.memory_space<hbm>> -> memref<632x128xf32, #tpu.memory_space<hbm>>
      tpu.wait_dma2 semaphore(%run_scoped3A : memref<!tpu.dma_semaphore, #tpu.memory_space<semaphore_mem>>) src(%dma_wait3A_20 : memref<632x128xf32, #tpu.memory_space<hbm>>) dst(%dma_wait3A_18 : memref<632x128xf32, #tpu.memory_space<vmem_shared>>)
      tpu.yield
    }) : () -> ()
    "tpu.region"() ({
      %run_scoped3A = tpu.sem_alloc : memref<!tpu.dma_semaphore, #tpu.memory_space<semaphore_mem>>
      tpu.enqueue_dma source(%arg5 : memref<128x128xf32, #tpu.memory_space<hbm>>) target(%arg9 : memref<128x128xf32, #tpu.memory_space<vmem>>) target_semaphore(%run_scoped3A : memref<!tpu.dma_semaphore, #tpu.memory_space<semaphore_mem>>)
      tpu.wait_dma2 semaphore(%run_scoped3A : memref<!tpu.dma_semaphore, #tpu.memory_space<semaphore_mem>>) src(%arg5 : memref<128x128xf32, #tpu.memory_space<hbm>>) dst(%arg9 : memref<128x128xf32, #tpu.memory_space<vmem>>)
      tpu.yield
    }) : () -> ()
    %barrier3A = arith.constant 0 : index
    tpu.barrier barrier_id(%barrier3A)
    %scan3A = arith.constant 0 : i32
    %scan3A_5 = arith.constant 0 : i32
    %scan3A_6 = arith.constant 79 : i32
    %scan3A_7 = arith.addi %scan3A_5, %scan3A_6 : i32
    %scan3A_8 = arith.constant 1 : i32
    scf.for %scan3A_15 = %scan3A_5 to %scan3A_7 step %scan3A_8  : i32 {
      %mul3A_16 = arith.constant 79 : i32
      %mul3A_17 = arith.muli %add3A, %mul3A_16 : i32
      %add3A_18 = arith.addi %mul3A_17, %scan3A_15 : i32
      %mul3A_19 = arith.constant 128 : i32
      %mul3A_20 = arith.muli %add3A_18, %mul3A_19 : i32
      %run_scoped3A = arith.constant 0 : i32
      "tpu.region"() ({
        %run_scoped3A_24 = tpu.sem_alloc : memref<!tpu.dma_semaphore, #tpu.memory_space<semaphore_mem>>
        %dma_start3A = arith.constant 0 : i32
        %dma_start3A_25 = tpu.memref_slice %arg8[%run_scoped3A, %dma_start3A] : memref<2x128xi32, #tpu.memory_space<vmem>> -> memref<1x128xi32, #tpu.memory_space<vmem>>
        %dma_start3A_26 = tpu.memref_squeeze %dma_start3A_25 : memref<1x128xi32, #tpu.memory_space<vmem>> -> memref<128xi32, #tpu.memory_space<vmem>>
        %dma_start3A_27 = tpu.memref_slice %arg2[%mul3A_20] : memref<323584xi32, #tpu.memory_space<hbm>> -> memref<128xi32, #tpu.memory_space<hbm>>
        %dma_start3A_28 = arith.constant 0 : i32
        %dma_start3A_29 = tpu.memref_slice %arg8[%run_scoped3A, %dma_start3A_28] : memref<2x128xi32, #tpu.memory_space<vmem>> -> memref<1x128xi32, #tpu.memory_space<vmem>>
        %dma_start3A_30 = tpu.memref_squeeze %dma_start3A_29 : memref<1x128xi32, #tpu.memory_space<vmem>> -> memref<128xi32, #tpu.memory_space<vmem>>
        %dma_start3A_31 = tpu.memref_slice %arg2[%mul3A_20] : memref<323584xi32, #tpu.memory_space<hbm>> -> memref<128xi32, #tpu.memory_space<hbm>>
        tpu.enqueue_dma source(%dma_start3A_31 : memref<128xi32, #tpu.memory_space<hbm>>) target(%dma_start3A_30 : memref<128xi32, #tpu.memory_space<vmem>>) target_semaphore(%run_scoped3A_24 : memref<!tpu.dma_semaphore, #tpu.memory_space<semaphore_mem>>)
        %dma_wait3A = arith.constant 0 : i32
        %dma_wait3A_32 = tpu.memref_slice %arg8[%run_scoped3A, %dma_wait3A] : memref<2x128xi32, #tpu.memory_space<vmem>> -> memref<1x128xi32, #tpu.memory_space<vmem>>
        %dma_wait3A_33 = tpu.memref_squeeze %dma_wait3A_32 : memref<1x128xi32, #tpu.memory_space<vmem>> -> memref<128xi32, #tpu.memory_space<vmem>>
        %dma_wait3A_34 = tpu.memref_slice %arg2[%mul3A_20] : memref<323584xi32, #tpu.memory_space<hbm>> -> memref<128xi32, #tpu.memory_space<hbm>>
        %dma_wait3A_35 = arith.constant 0 : i32
        %dma_wait3A_36 = tpu.memref_slice %arg8[%run_scoped3A, %dma_wait3A_35] : memref<2x128xi32, #tpu.memory_space<vmem>> -> memref<1x128xi32, #tpu.memory_space<vmem>>
        %dma_wait3A_37 = tpu.memref_squeeze %dma_wait3A_36 : memref<1x128xi32, #tpu.memory_space<vmem>> -> memref<128xi32, #tpu.memory_space<vmem>>
        %dma_wait3A_38 = tpu.memref_slice %arg2[%mul3A_20] : memref<323584xi32, #tpu.memory_space<hbm>> -> memref<128xi32, #tpu.memory_space<hbm>>
        tpu.wait_dma2 semaphore(%run_scoped3A_24 : memref<!tpu.dma_semaphore, #tpu.memory_space<semaphore_mem>>) src(%dma_wait3A_38 : memref<128xi32, #tpu.memory_space<hbm>>) dst(%dma_wait3A_37 : memref<128xi32, #tpu.memory_space<vmem>>)
        tpu.yield
      }) : () -> ()
      %run_scoped3A_21 = arith.constant 1 : i32
      "tpu.region"() ({
        %run_scoped3A_24 = tpu.sem_alloc : memref<!tpu.dma_semaphore, #tpu.memory_space<semaphore_mem>>
        %dma_start3A = arith.constant 0 : i32
        %dma_start3A_25 = tpu.memref_slice %arg8[%run_scoped3A_21, %dma_start3A] : memref<2x128xi32, #tpu.memory_space<vmem>> -> memref<1x128xi32, #tpu.memory_space<vmem>>
        %dma_start3A_26 = tpu.memref_squeeze %dma_start3A_25 : memref<1x128xi32, #tpu.memory_space<vmem>> -> memref<128xi32, #tpu.memory_space<vmem>>
        %dma_start3A_27 = tpu.memref_slice %arg3[%mul3A_20] : memref<323584xi32, #tpu.memory_space<hbm>> -> memref<128xi32, #tpu.memory_space<hbm>>
        %dma_start3A_28 = arith.constant 0 : i32
        %dma_start3A_29 = tpu.memref_slice %arg8[%run_scoped3A_21, %dma_start3A_28] : memref<2x128xi32, #tpu.memory_space<vmem>> -> memref<1x128xi32, #tpu.memory_space<vmem>>
        %dma_start3A_30 = tpu.memref_squeeze %dma_start3A_29 : memref<1x128xi32, #tpu.memory_space<vmem>> -> memref<128xi32, #tpu.memory_space<vmem>>
        %dma_start3A_31 = tpu.memref_slice %arg3[%mul3A_20] : memref<323584xi32, #tpu.memory_space<hbm>> -> memref<128xi32, #tpu.memory_space<hbm>>
        tpu.enqueue_dma source(%dma_start3A_31 : memref<128xi32, #tpu.memory_space<hbm>>) target(%dma_start3A_30 : memref<128xi32, #tpu.memory_space<vmem>>) target_semaphore(%run_scoped3A_24 : memref<!tpu.dma_semaphore, #tpu.memory_space<semaphore_mem>>)
        %dma_wait3A = arith.constant 0 : i32
        %dma_wait3A_32 = tpu.memref_slice %arg8[%run_scoped3A_21, %dma_wait3A] : memref<2x128xi32, #tpu.memory_space<vmem>> -> memref<1x128xi32, #tpu.memory_space<vmem>>
        %dma_wait3A_33 = tpu.memref_squeeze %dma_wait3A_32 : memref<1x128xi32, #tpu.memory_space<vmem>> -> memref<128xi32, #tpu.memory_space<vmem>>
        %dma_wait3A_34 = tpu.memref_slice %arg3[%mul3A_20] : memref<323584xi32, #tpu.memory_space<hbm>> -> memref<128xi32, #tpu.memory_space<hbm>>
        %dma_wait3A_35 = arith.constant 0 : i32
        %dma_wait3A_36 = tpu.memref_slice %arg8[%run_scoped3A_21, %dma_wait3A_35] : memref<2x128xi32, #tpu.memory_space<vmem>> -> memref<1x128xi32, #tpu.memory_space<vmem>>
        %dma_wait3A_37 = tpu.memref_squeeze %dma_wait3A_36 : memref<1x128xi32, #tpu.memory_space<vmem>> -> memref<128xi32, #tpu.memory_space<vmem>>
        %dma_wait3A_38 = tpu.memref_slice %arg3[%mul3A_20] : memref<323584xi32, #tpu.memory_space<hbm>> -> memref<128xi32, #tpu.memory_space<hbm>>
        tpu.wait_dma2 semaphore(%run_scoped3A_24 : memref<!tpu.dma_semaphore, #tpu.memory_space<semaphore_mem>>) src(%dma_wait3A_38 : memref<128xi32, #tpu.memory_space<hbm>>) dst(%dma_wait3A_37 : memref<128xi32, #tpu.memory_space<vmem>>)
        tpu.yield
      }) : () -> ()
      %run_scoped3A_22 = arith.constant 0 : i32
      "tpu.region"() ({
        %run_scoped3A_24 = tpu.sem_alloc : memref<!tpu.dma_semaphore, #tpu.memory_space<semaphore_mem>>
        %dma_start3A = arith.constant 0 : i32
        %dma_start3A_25 = tpu.memref_slice %arg8[%run_scoped3A_22, %dma_start3A] : memref<2x128xi32, #tpu.memory_space<vmem>> -> memref<1x128xi32, #tpu.memory_space<vmem>>
        %dma_start3A_26 = tpu.memref_squeeze %dma_start3A_25 : memref<1x128xi32, #tpu.memory_space<vmem>> -> memref<128xi32, #tpu.memory_space<vmem>>
        %dma_start3A_27 = arith.constant 0 : i32
        %dma_start3A_28 = arith.constant 0 : i32
        %dma_start3A_29 = tpu.memref_slice %arg7[%dma_start3A_27, %dma_start3A_28] : memref<10112x128xf32, #tpu.memory_space<vmem_shared>> -> memref<10112x128xf32, #tpu.memory_space<vmem_shared>>
        tpu.enqueue_indirect_dma source(%arg9 : memref<128x128xf32, #tpu.memory_space<vmem>>) target(%dma_start3A_29 : memref<10112x128xf32, #tpu.memory_space<vmem_shared>>) offsets(%dma_start3A_26 : memref<128xi32, #tpu.memory_space<vmem>>) semaphore(%run_scoped3A_24 : memref<!tpu.dma_semaphore, #tpu.memory_space<semaphore_mem>>) {add = true}
        %dma_wait3A = arith.constant 0 : i32
        %dma_wait3A_30 = tpu.memref_slice %arg8[%run_scoped3A_22, %dma_wait3A] : memref<2x128xi32, #tpu.memory_space<vmem>> -> memref<1x128xi32, #tpu.memory_space<vmem>>
        %dma_wait3A_31 = tpu.memref_squeeze %dma_wait3A_30 : memref<1x128xi32, #tpu.memory_space<vmem>> -> memref<128xi32, #tpu.memory_space<vmem>>
        %dma_wait3A_32 = arith.constant 0 : i32
        %dma_wait3A_33 = arith.constant 0 : i32
        %dma_wait3A_34 = tpu.memref_slice %arg7[%dma_wait3A_32, %dma_wait3A_33] : memref<10112x128xf32, #tpu.memory_space<vmem_shared>> -> memref<10112x128xf32, #tpu.memory_space<vmem_shared>>
        tpu.wait_indirect_dma semaphore(%run_scoped3A_24 : memref<!tpu.dma_semaphore, #tpu.memory_space<semaphore_mem>>) src(%arg9 : memref<128x128xf32, #tpu.memory_space<vmem>>) dst(%dma_wait3A_34 : memref<10112x128xf32, #tpu.memory_space<vmem_shared>>)
        tpu.yield
      }) : () -> ()
      %run_scoped3A_23 = arith.constant 1 : i32
      "tpu.region"() ({
        %run_scoped3A_24 = tpu.sem_alloc : memref<!tpu.dma_semaphore, #tpu.memory_space<semaphore_mem>>
        %dma_start3A = arith.constant 0 : i32
        %dma_start3A_25 = tpu.memref_slice %arg8[%run_scoped3A_23, %dma_start3A] : memref<2x128xi32, #tpu.memory_space<vmem>> -> memref<1x128xi32, #tpu.memory_space<vmem>>
        %dma_start3A_26 = tpu.memref_squeeze %dma_start3A_25 : memref<1x128xi32, #tpu.memory_space<vmem>> -> memref<128xi32, #tpu.memory_space<vmem>>
        %dma_start3A_27 = arith.constant 0 : i32
        %dma_start3A_28 = arith.constant 0 : i32
        %dma_start3A_29 = tpu.memref_slice %arg7[%dma_start3A_27, %dma_start3A_28] : memref<10112x128xf32, #tpu.memory_space<vmem_shared>> -> memref<10112x128xf32, #tpu.memory_space<vmem_shared>>
        tpu.enqueue_indirect_dma source(%arg9 : memref<128x128xf32, #tpu.memory_space<vmem>>) target(%dma_start3A_29 : memref<10112x128xf32, #tpu.memory_space<vmem_shared>>) offsets(%dma_start3A_26 : memref<128xi32, #tpu.memory_space<vmem>>) semaphore(%run_scoped3A_24 : memref<!tpu.dma_semaphore, #tpu.memory_space<semaphore_mem>>) {add = true}
        %dma_wait3A = arith.constant 0 : i32
        %dma_wait3A_30 = tpu.memref_slice %arg8[%run_scoped3A_23, %dma_wait3A] : memref<2x128xi32, #tpu.memory_space<vmem>> -> memref<1x128xi32, #tpu.memory_space<vmem>>
        %dma_wait3A_31 = tpu.memref_squeeze %dma_wait3A_30 : memref<1x128xi32, #tpu.memory_space<vmem>> -> memref<128xi32, #tpu.memory_space<vmem>>
        %dma_wait3A_32 = arith.constant 0 : i32
        %dma_wait3A_33 = arith.constant 0 : i32
        %dma_wait3A_34 = tpu.memref_slice %arg7[%dma_wait3A_32, %dma_wait3A_33] : memref<10112x128xf32, #tpu.memory_space<vmem_shared>> -> memref<10112x128xf32, #tpu.memory_space<vmem_shared>>
        tpu.wait_indirect_dma semaphore(%run_scoped3A_24 : memref<!tpu.dma_semaphore, #tpu.memory_space<semaphore_mem>>) src(%arg9 : memref<128x128xf32, #tpu.memory_space<vmem>>) dst(%dma_wait3A_34 : memref<10112x128xf32, #tpu.memory_space<vmem_shared>>)
        tpu.yield
      }) : () -> ()
    }
    %scan3A_9 = arith.constant 79 : i32
    %barrier3A_10 = arith.constant 0 : index
    tpu.barrier barrier_id(%barrier3A_10)
    %mul3A_11 = arith.constant 632 : i32
    %mul3A_12 = arith.muli %arg1, %mul3A_11 : i32
    %mul3A_13 = arith.constant 632 : i32
    %mul3A_14 = arith.muli %arg1, %mul3A_13 : i32
    "tpu.region"() ({
      %run_scoped3A = tpu.sem_alloc : memref<!tpu.dma_semaphore, #tpu.memory_space<semaphore_mem>>
      %dma_start3A = arith.constant 0 : i32
      %dma_start3A_15 = tpu.memref_slice %arg6[%arg0, %mul3A_14, %dma_start3A] : memref<2x10112x128xf32, #tpu.memory_space<hbm>> -> memref<1x632x128xf32, #tpu.memory_space<hbm>>
      %dma_start3A_16 = tpu.memref_squeeze %dma_start3A_15 : memref<1x632x128xf32, #tpu.memory_space<hbm>> -> memref<632x128xf32, #tpu.memory_space<hbm>>
      %dma_start3A_17 = arith.constant 0 : i32
      %dma_start3A_18 = tpu.memref_slice %arg7[%mul3A_12, %dma_start3A_17] : memref<10112x128xf32, #tpu.memory_space<vmem_shared>> -> memref<632x128xf32, #tpu.memory_space<vmem_shared>>
      tpu.enqueue_dma source(%dma_start3A_18 : memref<632x128xf32, #tpu.memory_space<vmem_shared>>) target(%dma_start3A_16 : memref<632x128xf32, #tpu.memory_space<hbm>>) target_semaphore(%run_scoped3A : memref<!tpu.dma_semaphore, #tpu.memory_space<semaphore_mem>>)
      %dma_wait3A = arith.constant 0 : i32
      %dma_wait3A_19 = tpu.memref_slice %arg6[%arg0, %mul3A_14, %dma_wait3A] : memref<2x10112x128xf32, #tpu.memory_space<hbm>> -> memref<1x632x128xf32, #tpu.memory_space<hbm>>
      %dma_wait3A_20 = tpu.memref_squeeze %dma_wait3A_19 : memref<1x632x128xf32, #tpu.memory_space<hbm>> -> memref<632x128xf32, #tpu.memory_space<hbm>>
      %dma_wait3A_21 = arith.constant 0 : i32
      %dma_wait3A_22 = tpu.memref_slice %arg7[%mul3A_12, %dma_wait3A_21] : memref<10112x128xf32, #tpu.memory_space<vmem_shared>> -> memref<632x128xf32, #tpu.memory_space<vmem_shared>>
      tpu.wait_dma2 semaphore(%run_scoped3A : memref<!tpu.dma_semaphore, #tpu.memory_space<semaphore_mem>>) src(%dma_wait3A_22 : memref<632x128xf32, #tpu.memory_space<vmem_shared>>) dst(%dma_wait3A_20 : memref<632x128xf32, #tpu.memory_space<hbm>>)
      tpu.yield
    }) : () -> ()
    return
  }
}

#map = affine_map<(d0, d1) -> (0)>
#map1 = affine_map<(d0, d1) -> (0, 0)>
#map2 = affine_map<(d0, d1) -> (0, 0, 0)>
module attributes {stable_mosaic.version = 14 : i64} {
  func.func @_sc_agg_body(%arg0: i32, %arg1: i32, %arg2: memref<323584xi32, #tpu.memory_space<hbm>>, %arg3: memref<323584xi32, #tpu.memory_space<hbm>>, %arg4: memref<5177344xf32, #tpu.memory_space<hbm>>, %arg5: memref<10112x128xf32, #tpu.memory_space<hbm>>, %arg6: memref<10112x128xf32, #tpu.memory_space<hbm>>, %arg7: memref<2x10112x128xf32, #tpu.memory_space<hbm>>, %arg8: memref<10112x128xf32, #tpu.memory_space<vmem_shared>>, %arg9: memref<2x2x128xi32, #tpu.memory_space<vmem>>, %arg10: memref<2x2048xf32, #tpu.memory_space<vmem>>, %arg11: memref<2x128x128xf32, #tpu.memory_space<vmem>>, %arg12: memref<!tpu.dma_semaphore, #tpu.memory_space<semaphore_mem>>, %arg13: memref<!tpu.dma_semaphore, #tpu.memory_space<semaphore_mem>>, %arg14: memref<!tpu.dma_semaphore, #tpu.memory_space<semaphore_mem>>) attributes {dimension_semantics = [#tpu.dimension_semantics<core_parallel>, #tpu.dimension_semantics<subcore_parallel>], iteration_bounds = array<i64: 2, 16>, scalar_prefetch = 0 : i64, scratch_operands = 7 : i64, tpu.core_type = #tpu.core_type<sc_vector_subcore>, window_params = [{transform_indices = #map}, {transform_indices = #map}, {transform_indices = #map}, {transform_indices = #map1}, {transform_indices = #map1}, {transform_indices = #map2}]} {
    %eq3A = arith.constant 0 : i32
    %eq3A_0 = arith.cmpi eq, %arg0, %eq3A : i32
    %jit3A = arith.constant 101 : i32
    %jit3A_1 = arith.constant 57 : i32
    %select_n3A = arith.select %eq3A_0, %jit3A, %jit3A_1 : i32
    %mul3A = arith.constant 16 : i32
    %mul3A_2 = arith.muli %arg0, %mul3A : i32
    %mul3A_3 = arith.constant 101 : i32
    %mul3A_4 = arith.muli %mul3A_2, %mul3A_3 : i32
    %mul3A_5 = arith.muli %arg1, %select_n3A : i32
    %add3A = arith.addi %mul3A_4, %mul3A_5 : i32
    %mul3A_6 = arith.constant 632 : i32
    %mul3A_7 = arith.muli %arg1, %mul3A_6 : i32
    %mul3A_8 = arith.constant 632 : i32
    %mul3A_9 = arith.muli %arg1, %mul3A_8 : i32
    "tpu.region"() ({
      %run_scoped3A = tpu.sem_alloc : memref<!tpu.dma_semaphore, #tpu.memory_space<semaphore_mem>>
      %dma_start3A_127 = arith.constant 0 : i32
      %dma_start3A_128 = tpu.memref_slice %arg8[%mul3A_9, %dma_start3A_127] : memref<10112x128xf32, #tpu.memory_space<vmem_shared>> -> memref<632x128xf32, #tpu.memory_space<vmem_shared>>
      %dma_start3A_129 = arith.constant 0 : i32
      %dma_start3A_130 = tpu.memref_slice %arg6[%mul3A_7, %dma_start3A_129] : memref<10112x128xf32, #tpu.memory_space<hbm>> -> memref<632x128xf32, #tpu.memory_space<hbm>>
      tpu.enqueue_dma source(%dma_start3A_130 : memref<632x128xf32, #tpu.memory_space<hbm>>) target(%dma_start3A_128 : memref<632x128xf32, #tpu.memory_space<vmem_shared>>) target_semaphore(%run_scoped3A : memref<!tpu.dma_semaphore, #tpu.memory_space<semaphore_mem>>)
      %dma_wait3A_131 = arith.constant 0 : i32
      %dma_wait3A_132 = tpu.memref_slice %arg8[%mul3A_9, %dma_wait3A_131] : memref<10112x128xf32, #tpu.memory_space<vmem_shared>> -> memref<632x128xf32, #tpu.memory_space<vmem_shared>>
      %dma_wait3A_133 = arith.constant 0 : i32
      %dma_wait3A_134 = tpu.memref_slice %arg6[%mul3A_7, %dma_wait3A_133] : memref<10112x128xf32, #tpu.memory_space<hbm>> -> memref<632x128xf32, #tpu.memory_space<hbm>>
      tpu.wait_dma2 semaphore(%run_scoped3A : memref<!tpu.dma_semaphore, #tpu.memory_space<semaphore_mem>>) src(%dma_wait3A_134 : memref<632x128xf32, #tpu.memory_space<hbm>>) dst(%dma_wait3A_132 : memref<632x128xf32, #tpu.memory_space<vmem_shared>>)
      tpu.yield
    }) : () -> ()
    %barrier3A = arith.constant 0 : index
    tpu.barrier barrier_id(%barrier3A)
    %add3A_10 = arith.constant 0 : i32
    %add3A_11 = arith.addi %add3A, %add3A_10 : i32
    %mul3A_12 = arith.constant 128 : i32
    %mul3A_13 = arith.muli %add3A_11, %mul3A_12 : i32
    %dma_start3A = arith.constant 0 : i32
    %dma_start3A_14 = arith.constant 0 : i32
    %dma_start3A_15 = arith.constant 0 : i32
    %dma_start3A_16 = tpu.memref_slice %arg9[%dma_start3A, %dma_start3A_14, %dma_start3A_15] : memref<2x2x128xi32, #tpu.memory_space<vmem>> -> memref<1x1x128xi32, #tpu.memory_space<vmem>>
    %dma_start3A_17 = tpu.memref_squeeze %dma_start3A_16 : memref<1x1x128xi32, #tpu.memory_space<vmem>> -> memref<128xi32, #tpu.memory_space<vmem>>
    %dma_start3A_18 = tpu.memref_slice %arg2[%mul3A_13] : memref<323584xi32, #tpu.memory_space<hbm>> -> memref<128xi32, #tpu.memory_space<hbm>>
    %dma_start3A_19 = arith.constant 0 : i32
    %dma_start3A_20 = tpu.memref_slice %arg9[%dma_start3A, %dma_start3A_14, %dma_start3A_19] : memref<2x2x128xi32, #tpu.memory_space<vmem>> -> memref<1x1x128xi32, #tpu.memory_space<vmem>>
    %dma_start3A_21 = tpu.memref_squeeze %dma_start3A_20 : memref<1x1x128xi32, #tpu.memory_space<vmem>> -> memref<128xi32, #tpu.memory_space<vmem>>
    %dma_start3A_22 = tpu.memref_slice %arg2[%mul3A_13] : memref<323584xi32, #tpu.memory_space<hbm>> -> memref<128xi32, #tpu.memory_space<hbm>>
    tpu.enqueue_dma source(%dma_start3A_22 : memref<128xi32, #tpu.memory_space<hbm>>) target(%dma_start3A_21 : memref<128xi32, #tpu.memory_space<vmem>>) target_semaphore(%arg14 : memref<!tpu.dma_semaphore, #tpu.memory_space<semaphore_mem>>)
    %dma_start3A_23 = arith.constant 0 : i32
    %dma_start3A_24 = arith.constant 1 : i32
    %dma_start3A_25 = arith.constant 0 : i32
    %dma_start3A_26 = tpu.memref_slice %arg9[%dma_start3A_23, %dma_start3A_24, %dma_start3A_25] : memref<2x2x128xi32, #tpu.memory_space<vmem>> -> memref<1x1x128xi32, #tpu.memory_space<vmem>>
    %dma_start3A_27 = tpu.memref_squeeze %dma_start3A_26 : memref<1x1x128xi32, #tpu.memory_space<vmem>> -> memref<128xi32, #tpu.memory_space<vmem>>
    %dma_start3A_28 = tpu.memref_slice %arg3[%mul3A_13] : memref<323584xi32, #tpu.memory_space<hbm>> -> memref<128xi32, #tpu.memory_space<hbm>>
    %dma_start3A_29 = arith.constant 0 : i32
    %dma_start3A_30 = tpu.memref_slice %arg9[%dma_start3A_23, %dma_start3A_24, %dma_start3A_29] : memref<2x2x128xi32, #tpu.memory_space<vmem>> -> memref<1x1x128xi32, #tpu.memory_space<vmem>>
    %dma_start3A_31 = tpu.memref_squeeze %dma_start3A_30 : memref<1x1x128xi32, #tpu.memory_space<vmem>> -> memref<128xi32, #tpu.memory_space<vmem>>
    %dma_start3A_32 = tpu.memref_slice %arg3[%mul3A_13] : memref<323584xi32, #tpu.memory_space<hbm>> -> memref<128xi32, #tpu.memory_space<hbm>>
    tpu.enqueue_dma source(%dma_start3A_32 : memref<128xi32, #tpu.memory_space<hbm>>) target(%dma_start3A_31 : memref<128xi32, #tpu.memory_space<vmem>>) target_semaphore(%arg14 : memref<!tpu.dma_semaphore, #tpu.memory_space<semaphore_mem>>)
    %mul3A_33 = arith.constant 16 : i32
    %mul3A_34 = arith.muli %mul3A_13, %mul3A_33 : i32
    %dma_start3A_35 = arith.constant 0 : i32
    %dma_start3A_36 = arith.constant 0 : i32
    %dma_start3A_37 = tpu.memref_slice %arg10[%dma_start3A_35, %dma_start3A_36] : memref<2x2048xf32, #tpu.memory_space<vmem>> -> memref<1x2048xf32, #tpu.memory_space<vmem>>
    %dma_start3A_38 = tpu.memref_squeeze %dma_start3A_37 : memref<1x2048xf32, #tpu.memory_space<vmem>> -> memref<2048xf32, #tpu.memory_space<vmem>>
    %dma_start3A_39 = tpu.memref_slice %arg4[%mul3A_34] : memref<5177344xf32, #tpu.memory_space<hbm>> -> memref<2048xf32, #tpu.memory_space<hbm>>
    %dma_start3A_40 = arith.constant 0 : i32
    %dma_start3A_41 = tpu.memref_slice %arg10[%dma_start3A_35, %dma_start3A_40] : memref<2x2048xf32, #tpu.memory_space<vmem>> -> memref<1x2048xf32, #tpu.memory_space<vmem>>
    %dma_start3A_42 = tpu.memref_squeeze %dma_start3A_41 : memref<1x2048xf32, #tpu.memory_space<vmem>> -> memref<2048xf32, #tpu.memory_space<vmem>>
    %dma_start3A_43 = tpu.memref_slice %arg4[%mul3A_34] : memref<5177344xf32, #tpu.memory_space<hbm>> -> memref<2048xf32, #tpu.memory_space<hbm>>
    tpu.enqueue_dma source(%dma_start3A_43 : memref<2048xf32, #tpu.memory_space<hbm>>) target(%dma_start3A_42 : memref<2048xf32, #tpu.memory_space<vmem>>) target_semaphore(%arg14 : memref<!tpu.dma_semaphore, #tpu.memory_space<semaphore_mem>>)
    %dma_wait3A = arith.constant 0 : i32
    %dma_wait3A_44 = arith.constant 0 : i32
    %dma_wait3A_45 = arith.constant 0 : i32
    %dma_wait3A_46 = tpu.memref_slice %arg9[%dma_wait3A, %dma_wait3A_44, %dma_wait3A_45] : memref<2x2x128xi32, #tpu.memory_space<vmem>> -> memref<1x1x128xi32, #tpu.memory_space<vmem>>
    %dma_wait3A_47 = tpu.memref_squeeze %dma_wait3A_46 : memref<1x1x128xi32, #tpu.memory_space<vmem>> -> memref<128xi32, #tpu.memory_space<vmem>>
    %dma_wait3A_48 = arith.constant 0 : i32
    %dma_wait3A_49 = tpu.memref_slice %arg2[%dma_wait3A_48] : memref<323584xi32, #tpu.memory_space<hbm>> -> memref<128xi32, #tpu.memory_space<hbm>>
    %dma_wait3A_50 = arith.constant 0 : i32
    %dma_wait3A_51 = tpu.memref_slice %arg9[%dma_wait3A, %dma_wait3A_44, %dma_wait3A_50] : memref<2x2x128xi32, #tpu.memory_space<vmem>> -> memref<1x1x128xi32, #tpu.memory_space<vmem>>
    %dma_wait3A_52 = tpu.memref_squeeze %dma_wait3A_51 : memref<1x1x128xi32, #tpu.memory_space<vmem>> -> memref<128xi32, #tpu.memory_space<vmem>>
    %dma_wait3A_53 = arith.constant 0 : i32
    %dma_wait3A_54 = tpu.memref_slice %arg2[%dma_wait3A_53] : memref<323584xi32, #tpu.memory_space<hbm>> -> memref<128xi32, #tpu.memory_space<hbm>>
    tpu.wait_dma2 semaphore(%arg14 : memref<!tpu.dma_semaphore, #tpu.memory_space<semaphore_mem>>) src(%dma_wait3A_54 : memref<128xi32, #tpu.memory_space<hbm>>) dst(%dma_wait3A_52 : memref<128xi32, #tpu.memory_space<vmem>>)
    %dma_wait3A_55 = arith.constant 0 : i32
    %dma_wait3A_56 = arith.constant 1 : i32
    %dma_wait3A_57 = arith.constant 0 : i32
    %dma_wait3A_58 = tpu.memref_slice %arg9[%dma_wait3A_55, %dma_wait3A_56, %dma_wait3A_57] : memref<2x2x128xi32, #tpu.memory_space<vmem>> -> memref<1x1x128xi32, #tpu.memory_space<vmem>>
    %dma_wait3A_59 = tpu.memref_squeeze %dma_wait3A_58 : memref<1x1x128xi32, #tpu.memory_space<vmem>> -> memref<128xi32, #tpu.memory_space<vmem>>
    %dma_wait3A_60 = arith.constant 0 : i32
    %dma_wait3A_61 = tpu.memref_slice %arg3[%dma_wait3A_60] : memref<323584xi32, #tpu.memory_space<hbm>> -> memref<128xi32, #tpu.memory_space<hbm>>
    %dma_wait3A_62 = arith.constant 0 : i32
    %dma_wait3A_63 = tpu.memref_slice %arg9[%dma_wait3A_55, %dma_wait3A_56, %dma_wait3A_62] : memref<2x2x128xi32, #tpu.memory_space<vmem>> -> memref<1x1x128xi32, #tpu.memory_space<vmem>>
    %dma_wait3A_64 = tpu.memref_squeeze %dma_wait3A_63 : memref<1x1x128xi32, #tpu.memory_space<vmem>> -> memref<128xi32, #tpu.memory_space<vmem>>
    %dma_wait3A_65 = arith.constant 0 : i32
    %dma_wait3A_66 = tpu.memref_slice %arg3[%dma_wait3A_65] : memref<323584xi32, #tpu.memory_space<hbm>> -> memref<128xi32, #tpu.memory_space<hbm>>
    tpu.wait_dma2 semaphore(%arg14 : memref<!tpu.dma_semaphore, #tpu.memory_space<semaphore_mem>>) src(%dma_wait3A_66 : memref<128xi32, #tpu.memory_space<hbm>>) dst(%dma_wait3A_64 : memref<128xi32, #tpu.memory_space<vmem>>)
    %dma_wait3A_67 = arith.constant 0 : i32
    %dma_wait3A_68 = arith.constant 0 : i32
    %dma_wait3A_69 = tpu.memref_slice %arg10[%dma_wait3A_67, %dma_wait3A_68] : memref<2x2048xf32, #tpu.memory_space<vmem>> -> memref<1x2048xf32, #tpu.memory_space<vmem>>
    %dma_wait3A_70 = tpu.memref_squeeze %dma_wait3A_69 : memref<1x2048xf32, #tpu.memory_space<vmem>> -> memref<2048xf32, #tpu.memory_space<vmem>>
    %dma_wait3A_71 = arith.constant 0 : i32
    %dma_wait3A_72 = tpu.memref_slice %arg4[%dma_wait3A_71] : memref<5177344xf32, #tpu.memory_space<hbm>> -> memref<2048xf32, #tpu.memory_space<hbm>>
    %dma_wait3A_73 = arith.constant 0 : i32
    %dma_wait3A_74 = tpu.memref_slice %arg10[%dma_wait3A_67, %dma_wait3A_73] : memref<2x2048xf32, #tpu.memory_space<vmem>> -> memref<1x2048xf32, #tpu.memory_space<vmem>>
    %dma_wait3A_75 = tpu.memref_squeeze %dma_wait3A_74 : memref<1x2048xf32, #tpu.memory_space<vmem>> -> memref<2048xf32, #tpu.memory_space<vmem>>
    %dma_wait3A_76 = arith.constant 0 : i32
    %dma_wait3A_77 = tpu.memref_slice %arg4[%dma_wait3A_76] : memref<5177344xf32, #tpu.memory_space<hbm>> -> memref<2048xf32, #tpu.memory_space<hbm>>
    tpu.wait_dma2 semaphore(%arg14 : memref<!tpu.dma_semaphore, #tpu.memory_space<semaphore_mem>>) src(%dma_wait3A_77 : memref<2048xf32, #tpu.memory_space<hbm>>) dst(%dma_wait3A_75 : memref<2048xf32, #tpu.memory_space<vmem>>)
    %div3A = arith.constant 0 : i32
    %div3A_78 = arith.constant 2 : i32
    %div3A_79 = arith.divsi %div3A, %div3A_78 : i32
    %rem3A = arith.constant 0 : i32
    %rem3A_80 = arith.constant 2 : i32
    %rem3A_81 = arith.remsi %rem3A, %rem3A_80 : i32
    %rem3A_82 = arith.constant 2 : i32
    %rem3A_83 = arith.remsi %div3A_79, %rem3A_82 : i32
    %sub3A = arith.constant 1 : i32
    %sub3A_84 = arith.subi %sub3A, %rem3A_81 : i32
    %rem3A_85 = arith.constant 0 : i32
    %rem3A_86 = arith.constant 2 : i32
    %rem3A_87 = arith.remsi %rem3A_85, %rem3A_86 : i32
    %dma_start3A_88 = arith.constant 0 : i32
    %dma_start3A_89 = arith.constant 0 : i32
    %dma_start3A_90 = tpu.memref_slice %arg11[%rem3A_87, %dma_start3A_88, %dma_start3A_89] : memref<2x128x128xf32, #tpu.memory_space<vmem>> -> memref<1x128x128xf32, #tpu.memory_space<vmem>>
    %dma_start3A_91 = tpu.memref_squeeze %dma_start3A_90 : memref<1x128x128xf32, #tpu.memory_space<vmem>> -> memref<128x128xf32, #tpu.memory_space<vmem>>
    %dma_start3A_92 = arith.constant 0 : i32
    %dma_start3A_93 = tpu.memref_slice %arg9[%rem3A_83, %sub3A_84, %dma_start3A_92] : memref<2x2x128xi32, #tpu.memory_space<vmem>> -> memref<1x1x128xi32, #tpu.memory_space<vmem>>
    %dma_start3A_94 = tpu.memref_squeeze %dma_start3A_93 : memref<1x1x128xi32, #tpu.memory_space<vmem>> -> memref<128xi32, #tpu.memory_space<vmem>>
    %dma_start3A_95 = arith.constant 0 : i32
    %dma_start3A_96 = arith.constant 0 : i32
    %dma_start3A_97 = tpu.memref_slice %arg5[%dma_start3A_95, %dma_start3A_96] : memref<10112x128xf32, #tpu.memory_space<hbm>> -> memref<10112x128xf32, #tpu.memory_space<hbm>>
    tpu.enqueue_indirect_dma source(%dma_start3A_97 : memref<10112x128xf32, #tpu.memory_space<hbm>>) target(%dma_start3A_91 : memref<128x128xf32, #tpu.memory_space<vmem>>) offsets(%dma_start3A_94 : memref<128xi32, #tpu.memory_space<vmem>>) semaphore(%arg12 : memref<!tpu.dma_semaphore, #tpu.memory_space<semaphore_mem>>)
    %mul3A_98 = arith.constant 2 : i32
    %mul3A_99 = arith.muli %mul3A_98, %select_n3A : i32
    %while3A = arith.constant 0 : i32
    %while3A_100 = arith.constant 0 : i32
    %while3A_101 = arith.subi %mul3A_99, %while3A_100 : i32
    %while3A_102 = arith.addi %while3A_100, %while3A_101 : i32
    %while3A_103 = arith.constant 1 : i32
    %while3A_104 = arith.divsi %while3A_101, %while3A_103 : i32
    %while3A_105 = arith.muli %while3A_104, %while3A_103 : i32
    %while3A_106 = arith.addi %while3A_100, %while3A_105 : i32
    %while3A_107 = arith.constant 1 : i32
    scf.for %while3A_127 = %while3A_100 to %while3A_106 step %while3A_107  : i32 {
      %div3A_128 = arith.constant 2 : i32
      %div3A_129 = arith.divsi %while3A_127, %div3A_128 : i32
      %rem3A_130 = arith.constant 2 : i32
      %rem3A_131 = arith.remsi %while3A_127, %rem3A_130 : i32
      %rem3A_132 = arith.constant 2 : i32
      %rem3A_133 = arith.remsi %while3A_127, %rem3A_132 : i32
      %rem3A_134 = arith.constant 2 : i32
      %rem3A_135 = arith.remsi %div3A_129, %rem3A_134 : i32
      %gt3A = arith.constant 0 : i32
      %gt3A_136 = arith.cmpi sgt, %while3A_127, %gt3A : i32
      %convert_element_type3A = arith.extui %gt3A_136 : i1 to i32
      %cond3A = arith.constant 0 : i32
      %cond3A_137 = arith.cmpi ne, %convert_element_type3A, %cond3A : i32
      scf.if %cond3A_137 {
        %dma_wait3A_187 = arith.constant 0 : i32
        %dma_wait3A_188 = arith.constant 0 : i32
        %dma_wait3A_189 = arith.constant 0 : i32
        %dma_wait3A_190 = arith.constant 0 : i32
        %dma_wait3A_191 = arith.constant 0 : i32
        %dma_wait3A_192 = tpu.memref_slice %arg11[%dma_wait3A_187, %dma_wait3A_190, %dma_wait3A_191] : memref<2x128x128xf32, #tpu.memory_space<vmem>> -> memref<1x128x128xf32, #tpu.memory_space<vmem>>
        %dma_wait3A_193 = tpu.memref_squeeze %dma_wait3A_192 : memref<1x128x128xf32, #tpu.memory_space<vmem>> -> memref<128x128xf32, #tpu.memory_space<vmem>>
        %dma_wait3A_194 = arith.constant 0 : i32
        %dma_wait3A_195 = tpu.memref_slice %arg9[%dma_wait3A_188, %dma_wait3A_189, %dma_wait3A_194] : memref<2x2x128xi32, #tpu.memory_space<vmem>> -> memref<1x1x128xi32, #tpu.memory_space<vmem>>
        %dma_wait3A_196 = tpu.memref_squeeze %dma_wait3A_195 : memref<1x1x128xi32, #tpu.memory_space<vmem>> -> memref<128xi32, #tpu.memory_space<vmem>>
        %dma_wait3A_197 = arith.constant 0 : i32
        %dma_wait3A_198 = arith.constant 0 : i32
        %dma_wait3A_199 = tpu.memref_slice %arg8[%dma_wait3A_197, %dma_wait3A_198] : memref<10112x128xf32, #tpu.memory_space<vmem_shared>> -> memref<10112x128xf32, #tpu.memory_space<vmem_shared>>
        tpu.wait_indirect_dma semaphore(%arg13 : memref<!tpu.dma_semaphore, #tpu.memory_space<semaphore_mem>>) src(%dma_wait3A_193 : memref<128x128xf32, #tpu.memory_space<vmem>>) dst(%dma_wait3A_199 : memref<10112x128xf32, #tpu.memory_space<vmem_shared>>)
      } else {
      }
      %eq3A_138 = arith.constant 1 : i32
      %eq3A_139 = arith.cmpi eq, %rem3A_131, %eq3A_138 : i32
      %add3A_140 = arith.constant 1 : i32
      %add3A_141 = arith.addi %div3A_129, %add3A_140 : i32
      %lt3A = arith.cmpi slt, %add3A_141, %select_n3A : i32
      %and3A = arith.andi %eq3A_139, %lt3A : i1
      %convert_element_type3A_142 = arith.extui %and3A : i1 to i32
      %cond3A_143 = arith.constant 0 : i32
      %cond3A_144 = arith.cmpi ne, %convert_element_type3A_142, %cond3A_143 : i32
      scf.if %cond3A_144 {
        %dma_wait3A_187 = arith.constant 0 : i32
        %dma_wait3A_188 = arith.constant 0 : i32
        %dma_wait3A_189 = arith.constant 0 : i32
        %dma_wait3A_190 = tpu.memref_slice %arg9[%dma_wait3A_187, %dma_wait3A_188, %dma_wait3A_189] : memref<2x2x128xi32, #tpu.memory_space<vmem>> -> memref<1x1x128xi32, #tpu.memory_space<vmem>>
        %dma_wait3A_191 = tpu.memref_squeeze %dma_wait3A_190 : memref<1x1x128xi32, #tpu.memory_space<vmem>> -> memref<128xi32, #tpu.memory_space<vmem>>
        %dma_wait3A_192 = arith.constant 0 : i32
        %dma_wait3A_193 = tpu.memref_slice %arg2[%dma_wait3A_192] : memref<323584xi32, #tpu.memory_space<hbm>> -> memref<128xi32, #tpu.memory_space<hbm>>
        %dma_wait3A_194 = arith.constant 0 : i32
        %dma_wait3A_195 = tpu.memref_slice %arg9[%dma_wait3A_187, %dma_wait3A_188, %dma_wait3A_194] : memref<2x2x128xi32, #tpu.memory_space<vmem>> -> memref<1x1x128xi32, #tpu.memory_space<vmem>>
        %dma_wait3A_196 = tpu.memref_squeeze %dma_wait3A_195 : memref<1x1x128xi32, #tpu.memory_space<vmem>> -> memref<128xi32, #tpu.memory_space<vmem>>
        %dma_wait3A_197 = arith.constant 0 : i32
        %dma_wait3A_198 = tpu.memref_slice %arg2[%dma_wait3A_197] : memref<323584xi32, #tpu.memory_space<hbm>> -> memref<128xi32, #tpu.memory_space<hbm>>
        tpu.wait_dma2 semaphore(%arg14 : memref<!tpu.dma_semaphore, #tpu.memory_space<semaphore_mem>>) src(%dma_wait3A_198 : memref<128xi32, #tpu.memory_space<hbm>>) dst(%dma_wait3A_196 : memref<128xi32, #tpu.memory_space<vmem>>)
        %dma_wait3A_199 = arith.constant 0 : i32
        %dma_wait3A_200 = arith.constant 1 : i32
        %dma_wait3A_201 = arith.constant 0 : i32
        %dma_wait3A_202 = tpu.memref_slice %arg9[%dma_wait3A_199, %dma_wait3A_200, %dma_wait3A_201] : memref<2x2x128xi32, #tpu.memory_space<vmem>> -> memref<1x1x128xi32, #tpu.memory_space<vmem>>
        %dma_wait3A_203 = tpu.memref_squeeze %dma_wait3A_202 : memref<1x1x128xi32, #tpu.memory_space<vmem>> -> memref<128xi32, #tpu.memory_space<vmem>>
        %dma_wait3A_204 = arith.constant 0 : i32
        %dma_wait3A_205 = tpu.memref_slice %arg3[%dma_wait3A_204] : memref<323584xi32, #tpu.memory_space<hbm>> -> memref<128xi32, #tpu.memory_space<hbm>>
        %dma_wait3A_206 = arith.constant 0 : i32
        %dma_wait3A_207 = tpu.memref_slice %arg9[%dma_wait3A_199, %dma_wait3A_200, %dma_wait3A_206] : memref<2x2x128xi32, #tpu.memory_space<vmem>> -> memref<1x1x128xi32, #tpu.memory_space<vmem>>
        %dma_wait3A_208 = tpu.memref_squeeze %dma_wait3A_207 : memref<1x1x128xi32, #tpu.memory_space<vmem>> -> memref<128xi32, #tpu.memory_space<vmem>>
        %dma_wait3A_209 = arith.constant 0 : i32
        %dma_wait3A_210 = tpu.memref_slice %arg3[%dma_wait3A_209] : memref<323584xi32, #tpu.memory_space<hbm>> -> memref<128xi32, #tpu.memory_space<hbm>>
        tpu.wait_dma2 semaphore(%arg14 : memref<!tpu.dma_semaphore, #tpu.memory_space<semaphore_mem>>) src(%dma_wait3A_210 : memref<128xi32, #tpu.memory_space<hbm>>) dst(%dma_wait3A_208 : memref<128xi32, #tpu.memory_space<vmem>>)
        %dma_wait3A_211 = arith.constant 0 : i32
        %dma_wait3A_212 = arith.constant 0 : i32
        %dma_wait3A_213 = tpu.memref_slice %arg10[%dma_wait3A_211, %dma_wait3A_212] : memref<2x2048xf32, #tpu.memory_space<vmem>> -> memref<1x2048xf32, #tpu.memory_space<vmem>>
        %dma_wait3A_214 = tpu.memref_squeeze %dma_wait3A_213 : memref<1x2048xf32, #tpu.memory_space<vmem>> -> memref<2048xf32, #tpu.memory_space<vmem>>
        %dma_wait3A_215 = arith.constant 0 : i32
        %dma_wait3A_216 = tpu.memref_slice %arg4[%dma_wait3A_215] : memref<5177344xf32, #tpu.memory_space<hbm>> -> memref<2048xf32, #tpu.memory_space<hbm>>
        %dma_wait3A_217 = arith.constant 0 : i32
        %dma_wait3A_218 = tpu.memref_slice %arg10[%dma_wait3A_211, %dma_wait3A_217] : memref<2x2048xf32, #tpu.memory_space<vmem>> -> memref<1x2048xf32, #tpu.memory_space<vmem>>
        %dma_wait3A_219 = tpu.memref_squeeze %dma_wait3A_218 : memref<1x2048xf32, #tpu.memory_space<vmem>> -> memref<2048xf32, #tpu.memory_space<vmem>>
        %dma_wait3A_220 = arith.constant 0 : i32
        %dma_wait3A_221 = tpu.memref_slice %arg4[%dma_wait3A_220] : memref<5177344xf32, #tpu.memory_space<hbm>> -> memref<2048xf32, #tpu.memory_space<hbm>>
        tpu.wait_dma2 semaphore(%arg14 : memref<!tpu.dma_semaphore, #tpu.memory_space<semaphore_mem>>) src(%dma_wait3A_221 : memref<2048xf32, #tpu.memory_space<hbm>>) dst(%dma_wait3A_219 : memref<2048xf32, #tpu.memory_space<vmem>>)
      } else {
      }
      %add3A_145 = arith.constant 1 : i32
      %add3A_146 = arith.addi %while3A_127, %add3A_145 : i32
      %lt3A_147 = arith.cmpi slt, %add3A_146, %mul3A_99 : i32
      %convert_element_type3A_148 = arith.extui %lt3A_147 : i1 to i32
      %cond3A_149 = arith.constant 0 : i32
      %cond3A_150 = arith.cmpi ne, %convert_element_type3A_148, %cond3A_149 : i32
      scf.if %cond3A_150 {
        %add3A_187 = arith.constant 1 : i32
        %add3A_188 = arith.addi %while3A_127, %add3A_187 : i32
        %div3A_189 = arith.constant 2 : i32
        %div3A_190 = arith.divsi %add3A_188, %div3A_189 : i32
        %rem3A_191 = arith.constant 2 : i32
        %rem3A_192 = arith.remsi %add3A_188, %rem3A_191 : i32
        %rem3A_193 = arith.constant 2 : i32
        %rem3A_194 = arith.remsi %div3A_190, %rem3A_193 : i32
        %sub3A_195 = arith.constant 1 : i32
        %sub3A_196 = arith.subi %sub3A_195, %rem3A_192 : i32
        %rem3A_197 = arith.constant 2 : i32
        %rem3A_198 = arith.remsi %add3A_188, %rem3A_197 : i32
        %dma_start3A_199 = arith.constant 0 : i32
        %dma_start3A_200 = arith.constant 0 : i32
        %dma_start3A_201 = tpu.memref_slice %arg11[%rem3A_198, %dma_start3A_199, %dma_start3A_200] : memref<2x128x128xf32, #tpu.memory_space<vmem>> -> memref<1x128x128xf32, #tpu.memory_space<vmem>>
        %dma_start3A_202 = tpu.memref_squeeze %dma_start3A_201 : memref<1x128x128xf32, #tpu.memory_space<vmem>> -> memref<128x128xf32, #tpu.memory_space<vmem>>
        %dma_start3A_203 = arith.constant 0 : i32
        %dma_start3A_204 = tpu.memref_slice %arg9[%rem3A_194, %sub3A_196, %dma_start3A_203] : memref<2x2x128xi32, #tpu.memory_space<vmem>> -> memref<1x1x128xi32, #tpu.memory_space<vmem>>
        %dma_start3A_205 = tpu.memref_squeeze %dma_start3A_204 : memref<1x1x128xi32, #tpu.memory_space<vmem>> -> memref<128xi32, #tpu.memory_space<vmem>>
        %dma_start3A_206 = arith.constant 0 : i32
        %dma_start3A_207 = arith.constant 0 : i32
        %dma_start3A_208 = tpu.memref_slice %arg5[%dma_start3A_206, %dma_start3A_207] : memref<10112x128xf32, #tpu.memory_space<hbm>> -> memref<10112x128xf32, #tpu.memory_space<hbm>>
        tpu.enqueue_indirect_dma source(%dma_start3A_208 : memref<10112x128xf32, #tpu.memory_space<hbm>>) target(%dma_start3A_202 : memref<128x128xf32, #tpu.memory_space<vmem>>) offsets(%dma_start3A_205 : memref<128xi32, #tpu.memory_space<vmem>>) semaphore(%arg12 : memref<!tpu.dma_semaphore, #tpu.memory_space<semaphore_mem>>)
      } else {
      }
      %sub3A_151 = arith.constant 1 : i32
      %sub3A_152 = arith.subi %sub3A_151, %rem3A_131 : i32
      %dma_wait3A_153 = arith.constant 0 : i32
      %dma_wait3A_154 = arith.constant 0 : i32
      %dma_wait3A_155 = tpu.memref_slice %arg11[%rem3A_133, %dma_wait3A_153, %dma_wait3A_154] : memref<2x128x128xf32, #tpu.memory_space<vmem>> -> memref<1x128x128xf32, #tpu.memory_space<vmem>>
      %dma_wait3A_156 = tpu.memref_squeeze %dma_wait3A_155 : memref<1x128x128xf32, #tpu.memory_space<vmem>> -> memref<128x128xf32, #tpu.memory_space<vmem>>
      %dma_wait3A_157 = arith.constant 0 : i32
      %dma_wait3A_158 = tpu.memref_slice %arg9[%rem3A_135, %sub3A_152, %dma_wait3A_157] : memref<2x2x128xi32, #tpu.memory_space<vmem>> -> memref<1x1x128xi32, #tpu.memory_space<vmem>>
      %dma_wait3A_159 = tpu.memref_squeeze %dma_wait3A_158 : memref<1x1x128xi32, #tpu.memory_space<vmem>> -> memref<128xi32, #tpu.memory_space<vmem>>
      %dma_wait3A_160 = arith.constant 0 : i32
      %dma_wait3A_161 = arith.constant 0 : i32
      %dma_wait3A_162 = tpu.memref_slice %arg5[%dma_wait3A_160, %dma_wait3A_161] : memref<10112x128xf32, #tpu.memory_space<hbm>> -> memref<10112x128xf32, #tpu.memory_space<hbm>>
      tpu.wait_indirect_dma semaphore(%arg12 : memref<!tpu.dma_semaphore, #tpu.memory_space<semaphore_mem>>) src(%dma_wait3A_162 : memref<10112x128xf32, #tpu.memory_space<hbm>>) dst(%dma_wait3A_156 : memref<128x128xf32, #tpu.memory_space<vmem>>)
      %scan3A = arith.constant 0 : i32
      %scan3A_163 = arith.constant 0 : i32
      %scan3A_164 = arith.constant 128 : i32
      %scan3A_165 = arith.addi %scan3A_163, %scan3A_164 : i32
      %scan3A_166 = arith.constant 1 : i32
      scf.for %scan3A_187 = %scan3A_163 to %scan3A_165 step %scan3A_166  : i32 {
        %mul3A_188 = arith.constant 16 : i32
        %mul3A_189 = arith.muli %scan3A_187, %mul3A_188 : i32
        %get3A = arith.index_cast %rem3A_135 : i32 to index
        %get3A_190 = arith.index_cast %mul3A_189 : i32 to index
        %get3A_191 = tpu.vector_load %arg10[%get3A, %get3A_190] {strides = array<i32>} : memref<2x2048xf32, #tpu.memory_space<vmem>>, vector<1x16xf32>,
        %get3A_192 = vector.shape_cast %get3A_191 : vector<1x16xf32> to vector<16xf32>
        %get3A_193 = arith.index_cast %rem3A_133 : i32 to index
        %get3A_194 = arith.index_cast %scan3A_187 : i32 to index
        %get3A_195 = arith.constant 0 : index
        %get3A_196 = tpu.vector_load %arg11[%get3A_193, %get3A_194, %get3A_195] {strides = array<i32>} : memref<2x128x128xf32, #tpu.memory_space<vmem>>, vector<1x1x16xf32>,
        %get3A_197 = vector.shape_cast %get3A_196 : vector<1x1x16xf32> to vector<16xf32>
        %mul3A_198 = arith.mulf %get3A_197, %get3A_192 : vector<16xf32>
        %swap3A = arith.index_cast %rem3A_133 : i32 to index
        %swap3A_199 = arith.index_cast %scan3A_187 : i32 to index
        %swap3A_200 = arith.constant 0 : index
        %swap3A_201 = tpu.vector_load %arg11[%swap3A, %swap3A_199, %swap3A_200] {strides = array<i32>} : memref<2x128x128xf32, #tpu.memory_space<vmem>>, vector<1x1x16xf32>,
        %swap3A_202 = vector.shape_cast %swap3A_201 : vector<1x1x16xf32> to vector<16xf32>
        %swap3A_203 = vector.shape_cast %mul3A_198 : vector<16xf32> to vector<1x1x16xf32>
        tpu.vector_store %arg11[%swap3A, %swap3A_199, %swap3A_200], %swap3A_203 {strides = array<i32>} : memref<2x128x128xf32, #tpu.memory_space<vmem>>, vector<1x1x16xf32>,
        %get3A_204 = arith.index_cast %rem3A_133 : i32 to index
        %get3A_205 = arith.index_cast %scan3A_187 : i32 to index
        %get3A_206 = arith.constant 16 : index
        %get3A_207 = tpu.vector_load %arg11[%get3A_204, %get3A_205, %get3A_206] {strides = array<i32>} : memref<2x128x128xf32, #tpu.memory_space<vmem>>, vector<1x1x16xf32>,
        %get3A_208 = vector.shape_cast %get3A_207 : vector<1x1x16xf32> to vector<16xf32>
        %mul3A_209 = arith.mulf %get3A_208, %get3A_192 : vector<16xf32>
        %swap3A_210 = arith.index_cast %rem3A_133 : i32 to index
        %swap3A_211 = arith.index_cast %scan3A_187 : i32 to index
        %swap3A_212 = arith.constant 16 : index
        %swap3A_213 = tpu.vector_load %arg11[%swap3A_210, %swap3A_211, %swap3A_212] {strides = array<i32>} : memref<2x128x128xf32, #tpu.memory_space<vmem>>, vector<1x1x16xf32>,
        %swap3A_214 = vector.shape_cast %swap3A_213 : vector<1x1x16xf32> to vector<16xf32>
        %swap3A_215 = vector.shape_cast %mul3A_209 : vector<16xf32> to vector<1x1x16xf32>
        tpu.vector_store %arg11[%swap3A_210, %swap3A_211, %swap3A_212], %swap3A_215 {strides = array<i32>} : memref<2x128x128xf32, #tpu.memory_space<vmem>>, vector<1x1x16xf32>,
        %get3A_216 = arith.index_cast %rem3A_133 : i32 to index
        %get3A_217 = arith.index_cast %scan3A_187 : i32 to index
        %get3A_218 = arith.constant 32 : index
        %get3A_219 = tpu.vector_load %arg11[%get3A_216, %get3A_217, %get3A_218] {strides = array<i32>} : memref<2x128x128xf32, #tpu.memory_space<vmem>>, vector<1x1x16xf32>,
        %get3A_220 = vector.shape_cast %get3A_219 : vector<1x1x16xf32> to vector<16xf32>
        %mul3A_221 = arith.mulf %get3A_220, %get3A_192 : vector<16xf32>
        %swap3A_222 = arith.index_cast %rem3A_133 : i32 to index
        %swap3A_223 = arith.index_cast %scan3A_187 : i32 to index
        %swap3A_224 = arith.constant 32 : index
        %swap3A_225 = tpu.vector_load %arg11[%swap3A_222, %swap3A_223, %swap3A_224] {strides = array<i32>} : memref<2x128x128xf32, #tpu.memory_space<vmem>>, vector<1x1x16xf32>,
        %swap3A_226 = vector.shape_cast %swap3A_225 : vector<1x1x16xf32> to vector<16xf32>
        %swap3A_227 = vector.shape_cast %mul3A_221 : vector<16xf32> to vector<1x1x16xf32>
        tpu.vector_store %arg11[%swap3A_222, %swap3A_223, %swap3A_224], %swap3A_227 {strides = array<i32>} : memref<2x128x128xf32, #tpu.memory_space<vmem>>, vector<1x1x16xf32>,
        %get3A_228 = arith.index_cast %rem3A_133 : i32 to index
        %get3A_229 = arith.index_cast %scan3A_187 : i32 to index
        %get3A_230 = arith.constant 48 : index
        %get3A_231 = tpu.vector_load %arg11[%get3A_228, %get3A_229, %get3A_230] {strides = array<i32>} : memref<2x128x128xf32, #tpu.memory_space<vmem>>, vector<1x1x16xf32>,
        %get3A_232 = vector.shape_cast %get3A_231 : vector<1x1x16xf32> to vector<16xf32>
        %mul3A_233 = arith.mulf %get3A_232, %get3A_192 : vector<16xf32>
        %swap3A_234 = arith.index_cast %rem3A_133 : i32 to index
        %swap3A_235 = arith.index_cast %scan3A_187 : i32 to index
        %swap3A_236 = arith.constant 48 : index
        %swap3A_237 = tpu.vector_load %arg11[%swap3A_234, %swap3A_235, %swap3A_236] {strides = array<i32>} : memref<2x128x128xf32, #tpu.memory_space<vmem>>, vector<1x1x16xf32>,
        %swap3A_238 = vector.shape_cast %swap3A_237 : vector<1x1x16xf32> to vector<16xf32>
        %swap3A_239 = vector.shape_cast %mul3A_233 : vector<16xf32> to vector<1x1x16xf32>
        tpu.vector_store %arg11[%swap3A_234, %swap3A_235, %swap3A_236], %swap3A_239 {strides = array<i32>} : memref<2x128x128xf32, #tpu.memory_space<vmem>>, vector<1x1x16xf32>,
        %get3A_240 = arith.index_cast %rem3A_133 : i32 to index
        %get3A_241 = arith.index_cast %scan3A_187 : i32 to index
        %get3A_242 = arith.constant 64 : index
        %get3A_243 = tpu.vector_load %arg11[%get3A_240, %get3A_241, %get3A_242] {strides = array<i32>} : memref<2x128x128xf32, #tpu.memory_space<vmem>>, vector<1x1x16xf32>,
        %get3A_244 = vector.shape_cast %get3A_243 : vector<1x1x16xf32> to vector<16xf32>
        %mul3A_245 = arith.mulf %get3A_244, %get3A_192 : vector<16xf32>
        %swap3A_246 = arith.index_cast %rem3A_133 : i32 to index
        %swap3A_247 = arith.index_cast %scan3A_187 : i32 to index
        %swap3A_248 = arith.constant 64 : index
        %swap3A_249 = tpu.vector_load %arg11[%swap3A_246, %swap3A_247, %swap3A_248] {strides = array<i32>} : memref<2x128x128xf32, #tpu.memory_space<vmem>>, vector<1x1x16xf32>,
        %swap3A_250 = vector.shape_cast %swap3A_249 : vector<1x1x16xf32> to vector<16xf32>
        %swap3A_251 = vector.shape_cast %mul3A_245 : vector<16xf32> to vector<1x1x16xf32>
        tpu.vector_store %arg11[%swap3A_246, %swap3A_247, %swap3A_248], %swap3A_251 {strides = array<i32>} : memref<2x128x128xf32, #tpu.memory_space<vmem>>, vector<1x1x16xf32>,
        %get3A_252 = arith.index_cast %rem3A_133 : i32 to index
        %get3A_253 = arith.index_cast %scan3A_187 : i32 to index
        %get3A_254 = arith.constant 80 : index
        %get3A_255 = tpu.vector_load %arg11[%get3A_252, %get3A_253, %get3A_254] {strides = array<i32>} : memref<2x128x128xf32, #tpu.memory_space<vmem>>, vector<1x1x16xf32>,
        %get3A_256 = vector.shape_cast %get3A_255 : vector<1x1x16xf32> to vector<16xf32>
        %mul3A_257 = arith.mulf %get3A_256, %get3A_192 : vector<16xf32>
        %swap3A_258 = arith.index_cast %rem3A_133 : i32 to index
        %swap3A_259 = arith.index_cast %scan3A_187 : i32 to index
        %swap3A_260 = arith.constant 80 : index
        %swap3A_261 = tpu.vector_load %arg11[%swap3A_258, %swap3A_259, %swap3A_260] {strides = array<i32>} : memref<2x128x128xf32, #tpu.memory_space<vmem>>, vector<1x1x16xf32>,
        %swap3A_262 = vector.shape_cast %swap3A_261 : vector<1x1x16xf32> to vector<16xf32>
        %swap3A_263 = vector.shape_cast %mul3A_257 : vector<16xf32> to vector<1x1x16xf32>
        tpu.vector_store %arg11[%swap3A_258, %swap3A_259, %swap3A_260], %swap3A_263 {strides = array<i32>} : memref<2x128x128xf32, #tpu.memory_space<vmem>>, vector<1x1x16xf32>,
        %get3A_264 = arith.index_cast %rem3A_133 : i32 to index
        %get3A_265 = arith.index_cast %scan3A_187 : i32 to index
        %get3A_266 = arith.constant 96 : index
        %get3A_267 = tpu.vector_load %arg11[%get3A_264, %get3A_265, %get3A_266] {strides = array<i32>} : memref<2x128x128xf32, #tpu.memory_space<vmem>>, vector<1x1x16xf32>,
        %get3A_268 = vector.shape_cast %get3A_267 : vector<1x1x16xf32> to vector<16xf32>
        %mul3A_269 = arith.mulf %get3A_268, %get3A_192 : vector<16xf32>
        %swap3A_270 = arith.index_cast %rem3A_133 : i32 to index
        %swap3A_271 = arith.index_cast %scan3A_187 : i32 to index
        %swap3A_272 = arith.constant 96 : index
        %swap3A_273 = tpu.vector_load %arg11[%swap3A_270, %swap3A_271, %swap3A_272] {strides = array<i32>} : memref<2x128x128xf32, #tpu.memory_space<vmem>>, vector<1x1x16xf32>,
        %swap3A_274 = vector.shape_cast %swap3A_273 : vector<1x1x16xf32> to vector<16xf32>
        %swap3A_275 = vector.shape_cast %mul3A_269 : vector<16xf32> to vector<1x1x16xf32>
        tpu.vector_store %arg11[%swap3A_270, %swap3A_271, %swap3A_272], %swap3A_275 {strides = array<i32>} : memref<2x128x128xf32, #tpu.memory_space<vmem>>, vector<1x1x16xf32>,
        %get3A_276 = arith.index_cast %rem3A_133 : i32 to index
        %get3A_277 = arith.index_cast %scan3A_187 : i32 to index
        %get3A_278 = arith.constant 112 : index
        %get3A_279 = tpu.vector_load %arg11[%get3A_276, %get3A_277, %get3A_278] {strides = array<i32>} : memref<2x128x128xf32, #tpu.memory_space<vmem>>, vector<1x1x16xf32>,
        %get3A_280 = vector.shape_cast %get3A_279 : vector<1x1x16xf32> to vector<16xf32>
        %mul3A_281 = arith.mulf %get3A_280, %get3A_192 : vector<16xf32>
        %swap3A_282 = arith.index_cast %rem3A_133 : i32 to index
        %swap3A_283 = arith.index_cast %scan3A_187 : i32 to index
        %swap3A_284 = arith.constant 112 : index
        %swap3A_285 = tpu.vector_load %arg11[%swap3A_282, %swap3A_283, %swap3A_284] {strides = array<i32>} : memref<2x128x128xf32, #tpu.memory_space<vmem>>, vector<1x1x16xf32>,
        %swap3A_286 = vector.shape_cast %swap3A_285 : vector<1x1x16xf32> to vector<16xf32>
        %swap3A_287 = vector.shape_cast %mul3A_281 : vector<16xf32> to vector<1x1x16xf32>
        tpu.vector_store %arg11[%swap3A_282, %swap3A_283, %swap3A_284], %swap3A_287 {strides = array<i32>} : memref<2x128x128xf32, #tpu.memory_space<vmem>>, vector<1x1x16xf32>,
      }
      %scan3A_167 = arith.constant 128 : i32
      %dma_start3A_168 = arith.constant 0 : i32
      %dma_start3A_169 = arith.constant 0 : i32
      %dma_start3A_170 = tpu.memref_slice %arg11[%rem3A_133, %dma_start3A_168, %dma_start3A_169] : memref<2x128x128xf32, #tpu.memory_space<vmem>> -> memref<1x128x128xf32, #tpu.memory_space<vmem>>
      %dma_start3A_171 = tpu.memref_squeeze %dma_start3A_170 : memref<1x128x128xf32, #tpu.memory_space<vmem>> -> memref<128x128xf32, #tpu.memory_space<vmem>>
      %dma_start3A_172 = arith.constant 0 : i32
      %dma_start3A_173 = tpu.memref_slice %arg9[%rem3A_135, %rem3A_131, %dma_start3A_172] : memref<2x2x128xi32, #tpu.memory_space<vmem>> -> memref<1x1x128xi32, #tpu.memory_space<vmem>>
      %dma_start3A_174 = tpu.memref_squeeze %dma_start3A_173 : memref<1x1x128xi32, #tpu.memory_space<vmem>> -> memref<128xi32, #tpu.memory_space<vmem>>
      %dma_start3A_175 = arith.constant 0 : i32
      %dma_start3A_176 = arith.constant 0 : i32
      %dma_start3A_177 = tpu.memref_slice %arg8[%dma_start3A_175, %dma_start3A_176] : memref<10112x128xf32, #tpu.memory_space<vmem_shared>> -> memref<10112x128xf32, #tpu.memory_space<vmem_shared>>
      tpu.enqueue_indirect_dma source(%dma_start3A_171 : memref<128x128xf32, #tpu.memory_space<vmem>>) target(%dma_start3A_177 : memref<10112x128xf32, #tpu.memory_space<vmem_shared>>) offsets(%dma_start3A_174 : memref<128xi32, #tpu.memory_space<vmem>>) semaphore(%arg13 : memref<!tpu.dma_semaphore, #tpu.memory_space<semaphore_mem>>) {add = true}
      %eq3A_178 = arith.constant 0 : i32
      %eq3A_179 = arith.cmpi eq, %rem3A_131, %eq3A_178 : i32
      %add3A_180 = arith.constant 1 : i32
      %add3A_181 = arith.addi %div3A_129, %add3A_180 : i32
      %lt3A_182 = arith.cmpi slt, %add3A_181, %select_n3A : i32
      %and3A_183 = arith.andi %eq3A_179, %lt3A_182 : i1
      %convert_element_type3A_184 = arith.extui %and3A_183 : i1 to i32
      %cond3A_185 = arith.constant 0 : i32
      %cond3A_186 = arith.cmpi ne, %convert_element_type3A_184, %cond3A_185 : i32
      scf.if %cond3A_186 {
        %add3A_187 = arith.constant 1 : i32
        %add3A_188 = arith.addi %div3A_129, %add3A_187 : i32
        %add3A_189 = arith.constant 1 : i32
        %add3A_190 = arith.addi %div3A_129, %add3A_189 : i32
        %rem3A_191 = arith.constant 2 : i32
        %rem3A_192 = arith.remsi %add3A_190, %rem3A_191 : i32
        %add3A_193 = arith.addi %add3A, %add3A_188 : i32
        %mul3A_194 = arith.constant 128 : i32
        %mul3A_195 = arith.muli %add3A_193, %mul3A_194 : i32
        %dma_start3A_196 = arith.constant 0 : i32
        %dma_start3A_197 = arith.constant 0 : i32
        %dma_start3A_198 = tpu.memref_slice %arg9[%rem3A_192, %dma_start3A_196, %dma_start3A_197] : memref<2x2x128xi32, #tpu.memory_space<vmem>> -> memref<1x1x128xi32, #tpu.memory_space<vmem>>
        %dma_start3A_199 = tpu.memref_squeeze %dma_start3A_198 : memref<1x1x128xi32, #tpu.memory_space<vmem>> -> memref<128xi32, #tpu.memory_space<vmem>>
        %dma_start3A_200 = tpu.memref_slice %arg2[%mul3A_195] : memref<323584xi32, #tpu.memory_space<hbm>> -> memref<128xi32, #tpu.memory_space<hbm>>
        %dma_start3A_201 = arith.constant 0 : i32
        %dma_start3A_202 = tpu.memref_slice %arg9[%rem3A_192, %dma_start3A_196, %dma_start3A_201] : memref<2x2x128xi32, #tpu.memory_space<vmem>> -> memref<1x1x128xi32, #tpu.memory_space<vmem>>
        %dma_start3A_203 = tpu.memref_squeeze %dma_start3A_202 : memref<1x1x128xi32, #tpu.memory_space<vmem>> -> memref<128xi32, #tpu.memory_space<vmem>>
        %dma_start3A_204 = tpu.memref_slice %arg2[%mul3A_195] : memref<323584xi32, #tpu.memory_space<hbm>> -> memref<128xi32, #tpu.memory_space<hbm>>
        tpu.enqueue_dma source(%dma_start3A_204 : memref<128xi32, #tpu.memory_space<hbm>>) target(%dma_start3A_203 : memref<128xi32, #tpu.memory_space<vmem>>) target_semaphore(%arg14 : memref<!tpu.dma_semaphore, #tpu.memory_space<semaphore_mem>>)
        %dma_start3A_205 = arith.constant 1 : i32
        %dma_start3A_206 = arith.constant 0 : i32
        %dma_start3A_207 = tpu.memref_slice %arg9[%rem3A_192, %dma_start3A_205, %dma_start3A_206] : memref<2x2x128xi32, #tpu.memory_space<vmem>> -> memref<1x1x128xi32, #tpu.memory_space<vmem>>
        %dma_start3A_208 = tpu.memref_squeeze %dma_start3A_207 : memref<1x1x128xi32, #tpu.memory_space<vmem>> -> memref<128xi32, #tpu.memory_space<vmem>>
        %dma_start3A_209 = tpu.memref_slice %arg3[%mul3A_195] : memref<323584xi32, #tpu.memory_space<hbm>> -> memref<128xi32, #tpu.memory_space<hbm>>
        %dma_start3A_210 = arith.constant 0 : i32
        %dma_start3A_211 = tpu.memref_slice %arg9[%rem3A_192, %dma_start3A_205, %dma_start3A_210] : memref<2x2x128xi32, #tpu.memory_space<vmem>> -> memref<1x1x128xi32, #tpu.memory_space<vmem>>
        %dma_start3A_212 = tpu.memref_squeeze %dma_start3A_211 : memref<1x1x128xi32, #tpu.memory_space<vmem>> -> memref<128xi32, #tpu.memory_space<vmem>>
        %dma_start3A_213 = tpu.memref_slice %arg3[%mul3A_195] : memref<323584xi32, #tpu.memory_space<hbm>> -> memref<128xi32, #tpu.memory_space<hbm>>
        tpu.enqueue_dma source(%dma_start3A_213 : memref<128xi32, #tpu.memory_space<hbm>>) target(%dma_start3A_212 : memref<128xi32, #tpu.memory_space<vmem>>) target_semaphore(%arg14 : memref<!tpu.dma_semaphore, #tpu.memory_space<semaphore_mem>>)
        %mul3A_214 = arith.constant 16 : i32
        %mul3A_215 = arith.muli %mul3A_195, %mul3A_214 : i32
        %dma_start3A_216 = arith.constant 0 : i32
        %dma_start3A_217 = tpu.memref_slice %arg10[%rem3A_192, %dma_start3A_216] : memref<2x2048xf32, #tpu.memory_space<vmem>> -> memref<1x2048xf32, #tpu.memory_space<vmem>>
        %dma_start3A_218 = tpu.memref_squeeze %dma_start3A_217 : memref<1x2048xf32, #tpu.memory_space<vmem>> -> memref<2048xf32, #tpu.memory_space<vmem>>
        %dma_start3A_219 = tpu.memref_slice %arg4[%mul3A_215] : memref<5177344xf32, #tpu.memory_space<hbm>> -> memref<2048xf32, #tpu.memory_space<hbm>>
        %dma_start3A_220 = arith.constant 0 : i32
        %dma_start3A_221 = tpu.memref_slice %arg10[%rem3A_192, %dma_start3A_220] : memref<2x2048xf32, #tpu.memory_space<vmem>> -> memref<1x2048xf32, #tpu.memory_space<vmem>>
        %dma_start3A_222 = tpu.memref_squeeze %dma_start3A_221 : memref<1x2048xf32, #tpu.memory_space<vmem>> -> memref<2048xf32, #tpu.memory_space<vmem>>
        %dma_start3A_223 = tpu.memref_slice %arg4[%mul3A_215] : memref<5177344xf32, #tpu.memory_space<hbm>> -> memref<2048xf32, #tpu.memory_space<hbm>>
        tpu.enqueue_dma source(%dma_start3A_223 : memref<2048xf32, #tpu.memory_space<hbm>>) target(%dma_start3A_222 : memref<2048xf32, #tpu.memory_space<vmem>>) target_semaphore(%arg14 : memref<!tpu.dma_semaphore, #tpu.memory_space<semaphore_mem>>)
      } else {
      }
    }
    %while3A_108 = arith.constant 1 : i32
    scf.for %while3A_127 = %while3A_106 to %while3A_102 step %while3A_108  : i32 {
      %div3A_128 = arith.constant 2 : i32
      %div3A_129 = arith.divsi %while3A_127, %div3A_128 : i32
      %rem3A_130 = arith.constant 2 : i32
      %rem3A_131 = arith.remsi %while3A_127, %rem3A_130 : i32
      %rem3A_132 = arith.constant 2 : i32
      %rem3A_133 = arith.remsi %while3A_127, %rem3A_132 : i32
      %rem3A_134 = arith.constant 2 : i32
      %rem3A_135 = arith.remsi %div3A_129, %rem3A_134 : i32
      %gt3A = arith.constant 0 : i32
      %gt3A_136 = arith.cmpi sgt, %while3A_127, %gt3A : i32
      %convert_element_type3A = arith.extui %gt3A_136 : i1 to i32
      %cond3A = arith.constant 0 : i32
      %cond3A_137 = arith.cmpi ne, %convert_element_type3A, %cond3A : i32
      scf.if %cond3A_137 {
        %dma_wait3A_187 = arith.constant 0 : i32
        %dma_wait3A_188 = arith.constant 0 : i32
        %dma_wait3A_189 = arith.constant 0 : i32
        %dma_wait3A_190 = arith.constant 0 : i32
        %dma_wait3A_191 = arith.constant 0 : i32
        %dma_wait3A_192 = tpu.memref_slice %arg11[%dma_wait3A_187, %dma_wait3A_190, %dma_wait3A_191] : memref<2x128x128xf32, #tpu.memory_space<vmem>> -> memref<1x128x128xf32, #tpu.memory_space<vmem>>
        %dma_wait3A_193 = tpu.memref_squeeze %dma_wait3A_192 : memref<1x128x128xf32, #tpu.memory_space<vmem>> -> memref<128x128xf32, #tpu.memory_space<vmem>>
        %dma_wait3A_194 = arith.constant 0 : i32
        %dma_wait3A_195 = tpu.memref_slice %arg9[%dma_wait3A_188, %dma_wait3A_189, %dma_wait3A_194] : memref<2x2x128xi32, #tpu.memory_space<vmem>> -> memref<1x1x128xi32, #tpu.memory_space<vmem>>
        %dma_wait3A_196 = tpu.memref_squeeze %dma_wait3A_195 : memref<1x1x128xi32, #tpu.memory_space<vmem>> -> memref<128xi32, #tpu.memory_space<vmem>>
        %dma_wait3A_197 = arith.constant 0 : i32
        %dma_wait3A_198 = arith.constant 0 : i32
        %dma_wait3A_199 = tpu.memref_slice %arg8[%dma_wait3A_197, %dma_wait3A_198] : memref<10112x128xf32, #tpu.memory_space<vmem_shared>> -> memref<10112x128xf32, #tpu.memory_space<vmem_shared>>
        tpu.wait_indirect_dma semaphore(%arg13 : memref<!tpu.dma_semaphore, #tpu.memory_space<semaphore_mem>>) src(%dma_wait3A_193 : memref<128x128xf32, #tpu.memory_space<vmem>>) dst(%dma_wait3A_199 : memref<10112x128xf32, #tpu.memory_space<vmem_shared>>)
      } else {
      }
      %eq3A_138 = arith.constant 1 : i32
      %eq3A_139 = arith.cmpi eq, %rem3A_131, %eq3A_138 : i32
      %add3A_140 = arith.constant 1 : i32
      %add3A_141 = arith.addi %div3A_129, %add3A_140 : i32
      %lt3A = arith.cmpi slt, %add3A_141, %select_n3A : i32
      %and3A = arith.andi %eq3A_139, %lt3A : i1
      %convert_element_type3A_142 = arith.extui %and3A : i1 to i32
      %cond3A_143 = arith.constant 0 : i32
      %cond3A_144 = arith.cmpi ne, %convert_element_type3A_142, %cond3A_143 : i32
      scf.if %cond3A_144 {
        %dma_wait3A_187 = arith.constant 0 : i32
        %dma_wait3A_188 = arith.constant 0 : i32
        %dma_wait3A_189 = arith.constant 0 : i32
        %dma_wait3A_190 = tpu.memref_slice %arg9[%dma_wait3A_187, %dma_wait3A_188, %dma_wait3A_189] : memref<2x2x128xi32, #tpu.memory_space<vmem>> -> memref<1x1x128xi32, #tpu.memory_space<vmem>>
        %dma_wait3A_191 = tpu.memref_squeeze %dma_wait3A_190 : memref<1x1x128xi32, #tpu.memory_space<vmem>> -> memref<128xi32, #tpu.memory_space<vmem>>
        %dma_wait3A_192 = arith.constant 0 : i32
        %dma_wait3A_193 = tpu.memref_slice %arg2[%dma_wait3A_192] : memref<323584xi32, #tpu.memory_space<hbm>> -> memref<128xi32, #tpu.memory_space<hbm>>
        %dma_wait3A_194 = arith.constant 0 : i32
        %dma_wait3A_195 = tpu.memref_slice %arg9[%dma_wait3A_187, %dma_wait3A_188, %dma_wait3A_194] : memref<2x2x128xi32, #tpu.memory_space<vmem>> -> memref<1x1x128xi32, #tpu.memory_space<vmem>>
        %dma_wait3A_196 = tpu.memref_squeeze %dma_wait3A_195 : memref<1x1x128xi32, #tpu.memory_space<vmem>> -> memref<128xi32, #tpu.memory_space<vmem>>
        %dma_wait3A_197 = arith.constant 0 : i32
        %dma_wait3A_198 = tpu.memref_slice %arg2[%dma_wait3A_197] : memref<323584xi32, #tpu.memory_space<hbm>> -> memref<128xi32, #tpu.memory_space<hbm>>
        tpu.wait_dma2 semaphore(%arg14 : memref<!tpu.dma_semaphore, #tpu.memory_space<semaphore_mem>>) src(%dma_wait3A_198 : memref<128xi32, #tpu.memory_space<hbm>>) dst(%dma_wait3A_196 : memref<128xi32, #tpu.memory_space<vmem>>)
        %dma_wait3A_199 = arith.constant 0 : i32
        %dma_wait3A_200 = arith.constant 1 : i32
        %dma_wait3A_201 = arith.constant 0 : i32
        %dma_wait3A_202 = tpu.memref_slice %arg9[%dma_wait3A_199, %dma_wait3A_200, %dma_wait3A_201] : memref<2x2x128xi32, #tpu.memory_space<vmem>> -> memref<1x1x128xi32, #tpu.memory_space<vmem>>
        %dma_wait3A_203 = tpu.memref_squeeze %dma_wait3A_202 : memref<1x1x128xi32, #tpu.memory_space<vmem>> -> memref<128xi32, #tpu.memory_space<vmem>>
        %dma_wait3A_204 = arith.constant 0 : i32
        %dma_wait3A_205 = tpu.memref_slice %arg3[%dma_wait3A_204] : memref<323584xi32, #tpu.memory_space<hbm>> -> memref<128xi32, #tpu.memory_space<hbm>>
        %dma_wait3A_206 = arith.constant 0 : i32
        %dma_wait3A_207 = tpu.memref_slice %arg9[%dma_wait3A_199, %dma_wait3A_200, %dma_wait3A_206] : memref<2x2x128xi32, #tpu.memory_space<vmem>> -> memref<1x1x128xi32, #tpu.memory_space<vmem>>
        %dma_wait3A_208 = tpu.memref_squeeze %dma_wait3A_207 : memref<1x1x128xi32, #tpu.memory_space<vmem>> -> memref<128xi32, #tpu.memory_space<vmem>>
        %dma_wait3A_209 = arith.constant 0 : i32
        %dma_wait3A_210 = tpu.memref_slice %arg3[%dma_wait3A_209] : memref<323584xi32, #tpu.memory_space<hbm>> -> memref<128xi32, #tpu.memory_space<hbm>>
        tpu.wait_dma2 semaphore(%arg14 : memref<!tpu.dma_semaphore, #tpu.memory_space<semaphore_mem>>) src(%dma_wait3A_210 : memref<128xi32, #tpu.memory_space<hbm>>) dst(%dma_wait3A_208 : memref<128xi32, #tpu.memory_space<vmem>>)
        %dma_wait3A_211 = arith.constant 0 : i32
        %dma_wait3A_212 = arith.constant 0 : i32
        %dma_wait3A_213 = tpu.memref_slice %arg10[%dma_wait3A_211, %dma_wait3A_212] : memref<2x2048xf32, #tpu.memory_space<vmem>> -> memref<1x2048xf32, #tpu.memory_space<vmem>>
        %dma_wait3A_214 = tpu.memref_squeeze %dma_wait3A_213 : memref<1x2048xf32, #tpu.memory_space<vmem>> -> memref<2048xf32, #tpu.memory_space<vmem>>
        %dma_wait3A_215 = arith.constant 0 : i32
        %dma_wait3A_216 = tpu.memref_slice %arg4[%dma_wait3A_215] : memref<5177344xf32, #tpu.memory_space<hbm>> -> memref<2048xf32, #tpu.memory_space<hbm>>
        %dma_wait3A_217 = arith.constant 0 : i32
        %dma_wait3A_218 = tpu.memref_slice %arg10[%dma_wait3A_211, %dma_wait3A_217] : memref<2x2048xf32, #tpu.memory_space<vmem>> -> memref<1x2048xf32, #tpu.memory_space<vmem>>
        %dma_wait3A_219 = tpu.memref_squeeze %dma_wait3A_218 : memref<1x2048xf32, #tpu.memory_space<vmem>> -> memref<2048xf32, #tpu.memory_space<vmem>>
        %dma_wait3A_220 = arith.constant 0 : i32
        %dma_wait3A_221 = tpu.memref_slice %arg4[%dma_wait3A_220] : memref<5177344xf32, #tpu.memory_space<hbm>> -> memref<2048xf32, #tpu.memory_space<hbm>>
        tpu.wait_dma2 semaphore(%arg14 : memref<!tpu.dma_semaphore, #tpu.memory_space<semaphore_mem>>) src(%dma_wait3A_221 : memref<2048xf32, #tpu.memory_space<hbm>>) dst(%dma_wait3A_219 : memref<2048xf32, #tpu.memory_space<vmem>>)
      } else {
      }
      %add3A_145 = arith.constant 1 : i32
      %add3A_146 = arith.addi %while3A_127, %add3A_145 : i32
      %lt3A_147 = arith.cmpi slt, %add3A_146, %mul3A_99 : i32
      %convert_element_type3A_148 = arith.extui %lt3A_147 : i1 to i32
      %cond3A_149 = arith.constant 0 : i32
      %cond3A_150 = arith.cmpi ne, %convert_element_type3A_148, %cond3A_149 : i32
      scf.if %cond3A_150 {
        %add3A_187 = arith.constant 1 : i32
        %add3A_188 = arith.addi %while3A_127, %add3A_187 : i32
        %div3A_189 = arith.constant 2 : i32
        %div3A_190 = arith.divsi %add3A_188, %div3A_189 : i32
        %rem3A_191 = arith.constant 2 : i32
        %rem3A_192 = arith.remsi %add3A_188, %rem3A_191 : i32
        %rem3A_193 = arith.constant 2 : i32
        %rem3A_194 = arith.remsi %div3A_190, %rem3A_193 : i32
        %sub3A_195 = arith.constant 1 : i32
        %sub3A_196 = arith.subi %sub3A_195, %rem3A_192 : i32
        %rem3A_197 = arith.constant 2 : i32
        %rem3A_198 = arith.remsi %add3A_188, %rem3A_197 : i32
        %dma_start3A_199 = arith.constant 0 : i32
        %dma_start3A_200 = arith.constant 0 : i32
        %dma_start3A_201 = tpu.memref_slice %arg11[%rem3A_198, %dma_start3A_199, %dma_start3A_200] : memref<2x128x128xf32, #tpu.memory_space<vmem>> -> memref<1x128x128xf32, #tpu.memory_space<vmem>>
        %dma_start3A_202 = tpu.memref_squeeze %dma_start3A_201 : memref<1x128x128xf32, #tpu.memory_space<vmem>> -> memref<128x128xf32, #tpu.memory_space<vmem>>
        %dma_start3A_203 = arith.constant 0 : i32
        %dma_start3A_204 = tpu.memref_slice %arg9[%rem3A_194, %sub3A_196, %dma_start3A_203] : memref<2x2x128xi32, #tpu.memory_space<vmem>> -> memref<1x1x128xi32, #tpu.memory_space<vmem>>
        %dma_start3A_205 = tpu.memref_squeeze %dma_start3A_204 : memref<1x1x128xi32, #tpu.memory_space<vmem>> -> memref<128xi32, #tpu.memory_space<vmem>>
        %dma_start3A_206 = arith.constant 0 : i32
        %dma_start3A_207 = arith.constant 0 : i32
        %dma_start3A_208 = tpu.memref_slice %arg5[%dma_start3A_206, %dma_start3A_207] : memref<10112x128xf32, #tpu.memory_space<hbm>> -> memref<10112x128xf32, #tpu.memory_space<hbm>>
        tpu.enqueue_indirect_dma source(%dma_start3A_208 : memref<10112x128xf32, #tpu.memory_space<hbm>>) target(%dma_start3A_202 : memref<128x128xf32, #tpu.memory_space<vmem>>) offsets(%dma_start3A_205 : memref<128xi32, #tpu.memory_space<vmem>>) semaphore(%arg12 : memref<!tpu.dma_semaphore, #tpu.memory_space<semaphore_mem>>)
      } else {
      }
      %sub3A_151 = arith.constant 1 : i32
      %sub3A_152 = arith.subi %sub3A_151, %rem3A_131 : i32
      %dma_wait3A_153 = arith.constant 0 : i32
      %dma_wait3A_154 = arith.constant 0 : i32
      %dma_wait3A_155 = tpu.memref_slice %arg11[%rem3A_133, %dma_wait3A_153, %dma_wait3A_154] : memref<2x128x128xf32, #tpu.memory_space<vmem>> -> memref<1x128x128xf32, #tpu.memory_space<vmem>>
      %dma_wait3A_156 = tpu.memref_squeeze %dma_wait3A_155 : memref<1x128x128xf32, #tpu.memory_space<vmem>> -> memref<128x128xf32, #tpu.memory_space<vmem>>
      %dma_wait3A_157 = arith.constant 0 : i32
      %dma_wait3A_158 = tpu.memref_slice %arg9[%rem3A_135, %sub3A_152, %dma_wait3A_157] : memref<2x2x128xi32, #tpu.memory_space<vmem>> -> memref<1x1x128xi32, #tpu.memory_space<vmem>>
      %dma_wait3A_159 = tpu.memref_squeeze %dma_wait3A_158 : memref<1x1x128xi32, #tpu.memory_space<vmem>> -> memref<128xi32, #tpu.memory_space<vmem>>
      %dma_wait3A_160 = arith.constant 0 : i32
      %dma_wait3A_161 = arith.constant 0 : i32
      %dma_wait3A_162 = tpu.memref_slice %arg5[%dma_wait3A_160, %dma_wait3A_161] : memref<10112x128xf32, #tpu.memory_space<hbm>> -> memref<10112x128xf32, #tpu.memory_space<hbm>>
      tpu.wait_indirect_dma semaphore(%arg12 : memref<!tpu.dma_semaphore, #tpu.memory_space<semaphore_mem>>) src(%dma_wait3A_162 : memref<10112x128xf32, #tpu.memory_space<hbm>>) dst(%dma_wait3A_156 : memref<128x128xf32, #tpu.memory_space<vmem>>)
      %scan3A = arith.constant 0 : i32
      %scan3A_163 = arith.constant 0 : i32
      %scan3A_164 = arith.constant 128 : i32
      %scan3A_165 = arith.addi %scan3A_163, %scan3A_164 : i32
      %scan3A_166 = arith.constant 1 : i32
      scf.for %scan3A_187 = %scan3A_163 to %scan3A_165 step %scan3A_166  : i32 {
        %mul3A_188 = arith.constant 16 : i32
        %mul3A_189 = arith.muli %scan3A_187, %mul3A_188 : i32
        %get3A = arith.index_cast %rem3A_135 : i32 to index
        %get3A_190 = arith.index_cast %mul3A_189 : i32 to index
        %get3A_191 = tpu.vector_load %arg10[%get3A, %get3A_190] {strides = array<i32>} : memref<2x2048xf32, #tpu.memory_space<vmem>>, vector<1x16xf32>,
        %get3A_192 = vector.shape_cast %get3A_191 : vector<1x16xf32> to vector<16xf32>
        %get3A_193 = arith.index_cast %rem3A_133 : i32 to index
        %get3A_194 = arith.index_cast %scan3A_187 : i32 to index
        %get3A_195 = arith.constant 0 : index
        %get3A_196 = tpu.vector_load %arg11[%get3A_193, %get3A_194, %get3A_195] {strides = array<i32>} : memref<2x128x128xf32, #tpu.memory_space<vmem>>, vector<1x1x16xf32>,
        %get3A_197 = vector.shape_cast %get3A_196 : vector<1x1x16xf32> to vector<16xf32>
        %mul3A_198 = arith.mulf %get3A_197, %get3A_192 : vector<16xf32>
        %swap3A = arith.index_cast %rem3A_133 : i32 to index
        %swap3A_199 = arith.index_cast %scan3A_187 : i32 to index
        %swap3A_200 = arith.constant 0 : index
        %swap3A_201 = tpu.vector_load %arg11[%swap3A, %swap3A_199, %swap3A_200] {strides = array<i32>} : memref<2x128x128xf32, #tpu.memory_space<vmem>>, vector<1x1x16xf32>,
        %swap3A_202 = vector.shape_cast %swap3A_201 : vector<1x1x16xf32> to vector<16xf32>
        %swap3A_203 = vector.shape_cast %mul3A_198 : vector<16xf32> to vector<1x1x16xf32>
        tpu.vector_store %arg11[%swap3A, %swap3A_199, %swap3A_200], %swap3A_203 {strides = array<i32>} : memref<2x128x128xf32, #tpu.memory_space<vmem>>, vector<1x1x16xf32>,
        %get3A_204 = arith.index_cast %rem3A_133 : i32 to index
        %get3A_205 = arith.index_cast %scan3A_187 : i32 to index
        %get3A_206 = arith.constant 16 : index
        %get3A_207 = tpu.vector_load %arg11[%get3A_204, %get3A_205, %get3A_206] {strides = array<i32>} : memref<2x128x128xf32, #tpu.memory_space<vmem>>, vector<1x1x16xf32>,
        %get3A_208 = vector.shape_cast %get3A_207 : vector<1x1x16xf32> to vector<16xf32>
        %mul3A_209 = arith.mulf %get3A_208, %get3A_192 : vector<16xf32>
        %swap3A_210 = arith.index_cast %rem3A_133 : i32 to index
        %swap3A_211 = arith.index_cast %scan3A_187 : i32 to index
        %swap3A_212 = arith.constant 16 : index
        %swap3A_213 = tpu.vector_load %arg11[%swap3A_210, %swap3A_211, %swap3A_212] {strides = array<i32>} : memref<2x128x128xf32, #tpu.memory_space<vmem>>, vector<1x1x16xf32>,
        %swap3A_214 = vector.shape_cast %swap3A_213 : vector<1x1x16xf32> to vector<16xf32>
        %swap3A_215 = vector.shape_cast %mul3A_209 : vector<16xf32> to vector<1x1x16xf32>
        tpu.vector_store %arg11[%swap3A_210, %swap3A_211, %swap3A_212], %swap3A_215 {strides = array<i32>} : memref<2x128x128xf32, #tpu.memory_space<vmem>>, vector<1x1x16xf32>,
        %get3A_216 = arith.index_cast %rem3A_133 : i32 to index
        %get3A_217 = arith.index_cast %scan3A_187 : i32 to index
        %get3A_218 = arith.constant 32 : index
        %get3A_219 = tpu.vector_load %arg11[%get3A_216, %get3A_217, %get3A_218] {strides = array<i32>} : memref<2x128x128xf32, #tpu.memory_space<vmem>>, vector<1x1x16xf32>,
        %get3A_220 = vector.shape_cast %get3A_219 : vector<1x1x16xf32> to vector<16xf32>
        %mul3A_221 = arith.mulf %get3A_220, %get3A_192 : vector<16xf32>
        %swap3A_222 = arith.index_cast %rem3A_133 : i32 to index
        %swap3A_223 = arith.index_cast %scan3A_187 : i32 to index
        %swap3A_224 = arith.constant 32 : index
        %swap3A_225 = tpu.vector_load %arg11[%swap3A_222, %swap3A_223, %swap3A_224] {strides = array<i32>} : memref<2x128x128xf32, #tpu.memory_space<vmem>>, vector<1x1x16xf32>,
        %swap3A_226 = vector.shape_cast %swap3A_225 : vector<1x1x16xf32> to vector<16xf32>
        %swap3A_227 = vector.shape_cast %mul3A_221 : vector<16xf32> to vector<1x1x16xf32>
        tpu.vector_store %arg11[%swap3A_222, %swap3A_223, %swap3A_224], %swap3A_227 {strides = array<i32>} : memref<2x128x128xf32, #tpu.memory_space<vmem>>, vector<1x1x16xf32>,
        %get3A_228 = arith.index_cast %rem3A_133 : i32 to index
        %get3A_229 = arith.index_cast %scan3A_187 : i32 to index
        %get3A_230 = arith.constant 48 : index
        %get3A_231 = tpu.vector_load %arg11[%get3A_228, %get3A_229, %get3A_230] {strides = array<i32>} : memref<2x128x128xf32, #tpu.memory_space<vmem>>, vector<1x1x16xf32>,
        %get3A_232 = vector.shape_cast %get3A_231 : vector<1x1x16xf32> to vector<16xf32>
        %mul3A_233 = arith.mulf %get3A_232, %get3A_192 : vector<16xf32>
        %swap3A_234 = arith.index_cast %rem3A_133 : i32 to index
        %swap3A_235 = arith.index_cast %scan3A_187 : i32 to index
        %swap3A_236 = arith.constant 48 : index
        %swap3A_237 = tpu.vector_load %arg11[%swap3A_234, %swap3A_235, %swap3A_236] {strides = array<i32>} : memref<2x128x128xf32, #tpu.memory_space<vmem>>, vector<1x1x16xf32>,
        %swap3A_238 = vector.shape_cast %swap3A_237 : vector<1x1x16xf32> to vector<16xf32>
        %swap3A_239 = vector.shape_cast %mul3A_233 : vector<16xf32> to vector<1x1x16xf32>
        tpu.vector_store %arg11[%swap3A_234, %swap3A_235, %swap3A_236], %swap3A_239 {strides = array<i32>} : memref<2x128x128xf32, #tpu.memory_space<vmem>>, vector<1x1x16xf32>,
        %get3A_240 = arith.index_cast %rem3A_133 : i32 to index
        %get3A_241 = arith.index_cast %scan3A_187 : i32 to index
        %get3A_242 = arith.constant 64 : index
        %get3A_243 = tpu.vector_load %arg11[%get3A_240, %get3A_241, %get3A_242] {strides = array<i32>} : memref<2x128x128xf32, #tpu.memory_space<vmem>>, vector<1x1x16xf32>,
        %get3A_244 = vector.shape_cast %get3A_243 : vector<1x1x16xf32> to vector<16xf32>
        %mul3A_245 = arith.mulf %get3A_244, %get3A_192 : vector<16xf32>
        %swap3A_246 = arith.index_cast %rem3A_133 : i32 to index
        %swap3A_247 = arith.index_cast %scan3A_187 : i32 to index
        %swap3A_248 = arith.constant 64 : index
        %swap3A_249 = tpu.vector_load %arg11[%swap3A_246, %swap3A_247, %swap3A_248] {strides = array<i32>} : memref<2x128x128xf32, #tpu.memory_space<vmem>>, vector<1x1x16xf32>,
        %swap3A_250 = vector.shape_cast %swap3A_249 : vector<1x1x16xf32> to vector<16xf32>
        %swap3A_251 = vector.shape_cast %mul3A_245 : vector<16xf32> to vector<1x1x16xf32>
        tpu.vector_store %arg11[%swap3A_246, %swap3A_247, %swap3A_248], %swap3A_251 {strides = array<i32>} : memref<2x128x128xf32, #tpu.memory_space<vmem>>, vector<1x1x16xf32>,
        %get3A_252 = arith.index_cast %rem3A_133 : i32 to index
        %get3A_253 = arith.index_cast %scan3A_187 : i32 to index
        %get3A_254 = arith.constant 80 : index
        %get3A_255 = tpu.vector_load %arg11[%get3A_252, %get3A_253, %get3A_254] {strides = array<i32>} : memref<2x128x128xf32, #tpu.memory_space<vmem>>, vector<1x1x16xf32>,
        %get3A_256 = vector.shape_cast %get3A_255 : vector<1x1x16xf32> to vector<16xf32>
        %mul3A_257 = arith.mulf %get3A_256, %get3A_192 : vector<16xf32>
        %swap3A_258 = arith.index_cast %rem3A_133 : i32 to index
        %swap3A_259 = arith.index_cast %scan3A_187 : i32 to index
        %swap3A_260 = arith.constant 80 : index
        %swap3A_261 = tpu.vector_load %arg11[%swap3A_258, %swap3A_259, %swap3A_260] {strides = array<i32>} : memref<2x128x128xf32, #tpu.memory_space<vmem>>, vector<1x1x16xf32>,
        %swap3A_262 = vector.shape_cast %swap3A_261 : vector<1x1x16xf32> to vector<16xf32>
        %swap3A_263 = vector.shape_cast %mul3A_257 : vector<16xf32> to vector<1x1x16xf32>
        tpu.vector_store %arg11[%swap3A_258, %swap3A_259, %swap3A_260], %swap3A_263 {strides = array<i32>} : memref<2x128x128xf32, #tpu.memory_space<vmem>>, vector<1x1x16xf32>,
        %get3A_264 = arith.index_cast %rem3A_133 : i32 to index
        %get3A_265 = arith.index_cast %scan3A_187 : i32 to index
        %get3A_266 = arith.constant 96 : index
        %get3A_267 = tpu.vector_load %arg11[%get3A_264, %get3A_265, %get3A_266] {strides = array<i32>} : memref<2x128x128xf32, #tpu.memory_space<vmem>>, vector<1x1x16xf32>,
        %get3A_268 = vector.shape_cast %get3A_267 : vector<1x1x16xf32> to vector<16xf32>
        %mul3A_269 = arith.mulf %get3A_268, %get3A_192 : vector<16xf32>
        %swap3A_270 = arith.index_cast %rem3A_133 : i32 to index
        %swap3A_271 = arith.index_cast %scan3A_187 : i32 to index
        %swap3A_272 = arith.constant 96 : index
        %swap3A_273 = tpu.vector_load %arg11[%swap3A_270, %swap3A_271, %swap3A_272] {strides = array<i32>} : memref<2x128x128xf32, #tpu.memory_space<vmem>>, vector<1x1x16xf32>,
        %swap3A_274 = vector.shape_cast %swap3A_273 : vector<1x1x16xf32> to vector<16xf32>
        %swap3A_275 = vector.shape_cast %mul3A_269 : vector<16xf32> to vector<1x1x16xf32>
        tpu.vector_store %arg11[%swap3A_270, %swap3A_271, %swap3A_272], %swap3A_275 {strides = array<i32>} : memref<2x128x128xf32, #tpu.memory_space<vmem>>, vector<1x1x16xf32>,
        %get3A_276 = arith.index_cast %rem3A_133 : i32 to index
        %get3A_277 = arith.index_cast %scan3A_187 : i32 to index
        %get3A_278 = arith.constant 112 : index
        %get3A_279 = tpu.vector_load %arg11[%get3A_276, %get3A_277, %get3A_278] {strides = array<i32>} : memref<2x128x128xf32, #tpu.memory_space<vmem>>, vector<1x1x16xf32>,
        %get3A_280 = vector.shape_cast %get3A_279 : vector<1x1x16xf32> to vector<16xf32>
        %mul3A_281 = arith.mulf %get3A_280, %get3A_192 : vector<16xf32>
        %swap3A_282 = arith.index_cast %rem3A_133 : i32 to index
        %swap3A_283 = arith.index_cast %scan3A_187 : i32 to index
        %swap3A_284 = arith.constant 112 : index
        %swap3A_285 = tpu.vector_load %arg11[%swap3A_282, %swap3A_283, %swap3A_284] {strides = array<i32>} : memref<2x128x128xf32, #tpu.memory_space<vmem>>, vector<1x1x16xf32>,
        %swap3A_286 = vector.shape_cast %swap3A_285 : vector<1x1x16xf32> to vector<16xf32>
        %swap3A_287 = vector.shape_cast %mul3A_281 : vector<16xf32> to vector<1x1x16xf32>
        tpu.vector_store %arg11[%swap3A_282, %swap3A_283, %swap3A_284], %swap3A_287 {strides = array<i32>} : memref<2x128x128xf32, #tpu.memory_space<vmem>>, vector<1x1x16xf32>,
      }
      %scan3A_167 = arith.constant 128 : i32
      %dma_start3A_168 = arith.constant 0 : i32
      %dma_start3A_169 = arith.constant 0 : i32
      %dma_start3A_170 = tpu.memref_slice %arg11[%rem3A_133, %dma_start3A_168, %dma_start3A_169] : memref<2x128x128xf32, #tpu.memory_space<vmem>> -> memref<1x128x128xf32, #tpu.memory_space<vmem>>
      %dma_start3A_171 = tpu.memref_squeeze %dma_start3A_170 : memref<1x128x128xf32, #tpu.memory_space<vmem>> -> memref<128x128xf32, #tpu.memory_space<vmem>>
      %dma_start3A_172 = arith.constant 0 : i32
      %dma_start3A_173 = tpu.memref_slice %arg9[%rem3A_135, %rem3A_131, %dma_start3A_172] : memref<2x2x128xi32, #tpu.memory_space<vmem>> -> memref<1x1x128xi32, #tpu.memory_space<vmem>>
      %dma_start3A_174 = tpu.memref_squeeze %dma_start3A_173 : memref<1x1x128xi32, #tpu.memory_space<vmem>> -> memref<128xi32, #tpu.memory_space<vmem>>
      %dma_start3A_175 = arith.constant 0 : i32
      %dma_start3A_176 = arith.constant 0 : i32
      %dma_start3A_177 = tpu.memref_slice %arg8[%dma_start3A_175, %dma_start3A_176] : memref<10112x128xf32, #tpu.memory_space<vmem_shared>> -> memref<10112x128xf32, #tpu.memory_space<vmem_shared>>
      tpu.enqueue_indirect_dma source(%dma_start3A_171 : memref<128x128xf32, #tpu.memory_space<vmem>>) target(%dma_start3A_177 : memref<10112x128xf32, #tpu.memory_space<vmem_shared>>) offsets(%dma_start3A_174 : memref<128xi32, #tpu.memory_space<vmem>>) semaphore(%arg13 : memref<!tpu.dma_semaphore, #tpu.memory_space<semaphore_mem>>) {add = true}
      %eq3A_178 = arith.constant 0 : i32
      %eq3A_179 = arith.cmpi eq, %rem3A_131, %eq3A_178 : i32
      %add3A_180 = arith.constant 1 : i32
      %add3A_181 = arith.addi %div3A_129, %add3A_180 : i32
      %lt3A_182 = arith.cmpi slt, %add3A_181, %select_n3A : i32
      %and3A_183 = arith.andi %eq3A_179, %lt3A_182 : i1
      %convert_element_type3A_184 = arith.extui %and3A_183 : i1 to i32
      %cond3A_185 = arith.constant 0 : i32
      %cond3A_186 = arith.cmpi ne, %convert_element_type3A_184, %cond3A_185 : i32
      scf.if %cond3A_186 {
        %add3A_187 = arith.constant 1 : i32
        %add3A_188 = arith.addi %div3A_129, %add3A_187 : i32
        %add3A_189 = arith.constant 1 : i32
        %add3A_190 = arith.addi %div3A_129, %add3A_189 : i32
        %rem3A_191 = arith.constant 2 : i32
        %rem3A_192 = arith.remsi %add3A_190, %rem3A_191 : i32
        %add3A_193 = arith.addi %add3A, %add3A_188 : i32
        %mul3A_194 = arith.constant 128 : i32
        %mul3A_195 = arith.muli %add3A_193, %mul3A_194 : i32
        %dma_start3A_196 = arith.constant 0 : i32
        %dma_start3A_197 = arith.constant 0 : i32
        %dma_start3A_198 = tpu.memref_slice %arg9[%rem3A_192, %dma_start3A_196, %dma_start3A_197] : memref<2x2x128xi32, #tpu.memory_space<vmem>> -> memref<1x1x128xi32, #tpu.memory_space<vmem>>
        %dma_start3A_199 = tpu.memref_squeeze %dma_start3A_198 : memref<1x1x128xi32, #tpu.memory_space<vmem>> -> memref<128xi32, #tpu.memory_space<vmem>>
        %dma_start3A_200 = tpu.memref_slice %arg2[%mul3A_195] : memref<323584xi32, #tpu.memory_space<hbm>> -> memref<128xi32, #tpu.memory_space<hbm>>
        %dma_start3A_201 = arith.constant 0 : i32
        %dma_start3A_202 = tpu.memref_slice %arg9[%rem3A_192, %dma_start3A_196, %dma_start3A_201] : memref<2x2x128xi32, #tpu.memory_space<vmem>> -> memref<1x1x128xi32, #tpu.memory_space<vmem>>
        %dma_start3A_203 = tpu.memref_squeeze %dma_start3A_202 : memref<1x1x128xi32, #tpu.memory_space<vmem>> -> memref<128xi32, #tpu.memory_space<vmem>>
        %dma_start3A_204 = tpu.memref_slice %arg2[%mul3A_195] : memref<323584xi32, #tpu.memory_space<hbm>> -> memref<128xi32, #tpu.memory_space<hbm>>
        tpu.enqueue_dma source(%dma_start3A_204 : memref<128xi32, #tpu.memory_space<hbm>>) target(%dma_start3A_203 : memref<128xi32, #tpu.memory_space<vmem>>) target_semaphore(%arg14 : memref<!tpu.dma_semaphore, #tpu.memory_space<semaphore_mem>>)
        %dma_start3A_205 = arith.constant 1 : i32
        %dma_start3A_206 = arith.constant 0 : i32
        %dma_start3A_207 = tpu.memref_slice %arg9[%rem3A_192, %dma_start3A_205, %dma_start3A_206] : memref<2x2x128xi32, #tpu.memory_space<vmem>> -> memref<1x1x128xi32, #tpu.memory_space<vmem>>
        %dma_start3A_208 = tpu.memref_squeeze %dma_start3A_207 : memref<1x1x128xi32, #tpu.memory_space<vmem>> -> memref<128xi32, #tpu.memory_space<vmem>>
        %dma_start3A_209 = tpu.memref_slice %arg3[%mul3A_195] : memref<323584xi32, #tpu.memory_space<hbm>> -> memref<128xi32, #tpu.memory_space<hbm>>
        %dma_start3A_210 = arith.constant 0 : i32
        %dma_start3A_211 = tpu.memref_slice %arg9[%rem3A_192, %dma_start3A_205, %dma_start3A_210] : memref<2x2x128xi32, #tpu.memory_space<vmem>> -> memref<1x1x128xi32, #tpu.memory_space<vmem>>
        %dma_start3A_212 = tpu.memref_squeeze %dma_start3A_211 : memref<1x1x128xi32, #tpu.memory_space<vmem>> -> memref<128xi32, #tpu.memory_space<vmem>>
        %dma_start3A_213 = tpu.memref_slice %arg3[%mul3A_195] : memref<323584xi32, #tpu.memory_space<hbm>> -> memref<128xi32, #tpu.memory_space<hbm>>
        tpu.enqueue_dma source(%dma_start3A_213 : memref<128xi32, #tpu.memory_space<hbm>>) target(%dma_start3A_212 : memref<128xi32, #tpu.memory_space<vmem>>) target_semaphore(%arg14 : memref<!tpu.dma_semaphore, #tpu.memory_space<semaphore_mem>>)
        %mul3A_214 = arith.constant 16 : i32
        %mul3A_215 = arith.muli %mul3A_195, %mul3A_214 : i32
        %dma_start3A_216 = arith.constant 0 : i32
        %dma_start3A_217 = tpu.memref_slice %arg10[%rem3A_192, %dma_start3A_216] : memref<2x2048xf32, #tpu.memory_space<vmem>> -> memref<1x2048xf32, #tpu.memory_space<vmem>>
        %dma_start3A_218 = tpu.memref_squeeze %dma_start3A_217 : memref<1x2048xf32, #tpu.memory_space<vmem>> -> memref<2048xf32, #tpu.memory_space<vmem>>
        %dma_start3A_219 = tpu.memref_slice %arg4[%mul3A_215] : memref<5177344xf32, #tpu.memory_space<hbm>> -> memref<2048xf32, #tpu.memory_space<hbm>>
        %dma_start3A_220 = arith.constant 0 : i32
        %dma_start3A_221 = tpu.memref_slice %arg10[%rem3A_192, %dma_start3A_220] : memref<2x2048xf32, #tpu.memory_space<vmem>> -> memref<1x2048xf32, #tpu.memory_space<vmem>>
        %dma_start3A_222 = tpu.memref_squeeze %dma_start3A_221 : memref<1x2048xf32, #tpu.memory_space<vmem>> -> memref<2048xf32, #tpu.memory_space<vmem>>
        %dma_start3A_223 = tpu.memref_slice %arg4[%mul3A_215] : memref<5177344xf32, #tpu.memory_space<hbm>> -> memref<2048xf32, #tpu.memory_space<hbm>>
        tpu.enqueue_dma source(%dma_start3A_223 : memref<2048xf32, #tpu.memory_space<hbm>>) target(%dma_start3A_222 : memref<2048xf32, #tpu.memory_space<vmem>>) target_semaphore(%arg14 : memref<!tpu.dma_semaphore, #tpu.memory_space<semaphore_mem>>)
      } else {
      }
    }
    %dma_wait3A_109 = arith.constant 0 : i32
    %dma_wait3A_110 = arith.constant 0 : i32
    %dma_wait3A_111 = arith.constant 0 : i32
    %dma_wait3A_112 = arith.constant 0 : i32
    %dma_wait3A_113 = arith.constant 0 : i32
    %dma_wait3A_114 = tpu.memref_slice %arg11[%dma_wait3A_109, %dma_wait3A_112, %dma_wait3A_113] : memref<2x128x128xf32, #tpu.memory_space<vmem>> -> memref<1x128x128xf32, #tpu.memory_space<vmem>>
    %dma_wait3A_115 = tpu.memref_squeeze %dma_wait3A_114 : memref<1x128x128xf32, #tpu.memory_space<vmem>> -> memref<128x128xf32, #tpu.memory_space<vmem>>
    %dma_wait3A_116 = arith.constant 0 : i32
    %dma_wait3A_117 = tpu.memref_slice %arg9[%dma_wait3A_110, %dma_wait3A_111, %dma_wait3A_116] : memref<2x2x128xi32, #tpu.memory_space<vmem>> -> memref<1x1x128xi32, #tpu.memory_space<vmem>>
    %dma_wait3A_118 = tpu.memref_squeeze %dma_wait3A_117 : memref<1x1x128xi32, #tpu.memory_space<vmem>> -> memref<128xi32, #tpu.memory_space<vmem>>
    %dma_wait3A_119 = arith.constant 0 : i32
    %dma_wait3A_120 = arith.constant 0 : i32
    %dma_wait3A_121 = tpu.memref_slice %arg8[%dma_wait3A_119, %dma_wait3A_120] : memref<10112x128xf32, #tpu.memory_space<vmem_shared>> -> memref<10112x128xf32, #tpu.memory_space<vmem_shared>>
    tpu.wait_indirect_dma semaphore(%arg13 : memref<!tpu.dma_semaphore, #tpu.memory_space<semaphore_mem>>) src(%dma_wait3A_115 : memref<128x128xf32, #tpu.memory_space<vmem>>) dst(%dma_wait3A_121 : memref<10112x128xf32, #tpu.memory_space<vmem_shared>>)
    %barrier3A_122 = arith.constant 0 : index
    tpu.barrier barrier_id(%barrier3A_122)
    %mul3A_123 = arith.constant 632 : i32
    %mul3A_124 = arith.muli %arg1, %mul3A_123 : i32
    %mul3A_125 = arith.constant 632 : i32
    %mul3A_126 = arith.muli %arg1, %mul3A_125 : i32
    "tpu.region"() ({
      %run_scoped3A = tpu.sem_alloc : memref<!tpu.dma_semaphore, #tpu.memory_space<semaphore_mem>>
      %dma_start3A_127 = arith.constant 0 : i32
      %dma_start3A_128 = tpu.memref_slice %arg7[%arg0, %mul3A_126, %dma_start3A_127] : memref<2x10112x128xf32, #tpu.memory_space<hbm>> -> memref<1x632x128xf32, #tpu.memory_space<hbm>>
      %dma_start3A_129 = tpu.memref_squeeze %dma_start3A_128 : memref<1x632x128xf32, #tpu.memory_space<hbm>> -> memref<632x128xf32, #tpu.memory_space<hbm>>
      %dma_start3A_130 = arith.constant 0 : i32
      %dma_start3A_131 = tpu.memref_slice %arg8[%mul3A_124, %dma_start3A_130] : memref<10112x128xf32, #tpu.memory_space<vmem_shared>> -> memref<632x128xf32, #tpu.memory_space<vmem_shared>>
      tpu.enqueue_dma source(%dma_start3A_131 : memref<632x128xf32, #tpu.memory_space<vmem_shared>>) target(%dma_start3A_129 : memref<632x128xf32, #tpu.memory_space<hbm>>) target_semaphore(%run_scoped3A : memref<!tpu.dma_semaphore, #tpu.memory_space<semaphore_mem>>)
      %dma_wait3A_132 = arith.constant 0 : i32
      %dma_wait3A_133 = tpu.memref_slice %arg7[%arg0, %mul3A_126, %dma_wait3A_132] : memref<2x10112x128xf32, #tpu.memory_space<hbm>> -> memref<1x632x128xf32, #tpu.memory_space<hbm>>
      %dma_wait3A_134 = tpu.memref_squeeze %dma_wait3A_133 : memref<1x632x128xf32, #tpu.memory_space<hbm>> -> memref<632x128xf32, #tpu.memory_space<hbm>>
      %dma_wait3A_135 = arith.constant 0 : i32
      %dma_wait3A_136 = tpu.memref_slice %arg8[%mul3A_124, %dma_wait3A_135] : memref<10112x128xf32, #tpu.memory_space<vmem_shared>> -> memref<632x128xf32, #tpu.memory_space<vmem_shared>>
      tpu.wait_dma2 semaphore(%run_scoped3A : memref<!tpu.dma_semaphore, #tpu.memory_space<semaphore_mem>>) src(%dma_wait3A_136 : memref<632x128xf32, #tpu.memory_space<vmem_shared>>) dst(%dma_wait3A_134 : memref<632x128xf32, #tpu.memory_space<hbm>>)
      tpu.yield
    }) : () -> ()
    return
  }
}

#map = affine_map<(d0, d1) -> (0)>
#map1 = affine_map<(d0, d1) -> (0, 0)>
module attributes {stable_mosaic.version = 14 : i64} {
  func.func @_sc_gather_body(%arg0: i32, %arg1: i32, %arg2: memref<8448xi32, #tpu.memory_space<hbm>>, %arg3: memref<10112x128xf32, #tpu.memory_space<hbm>>, %arg4: memref<8448x128xf32, #tpu.memory_space<hbm>>, %arg5: memref<1x128xi32, #tpu.memory_space<vmem>>, %arg6: memref<128x128xf32, #tpu.memory_space<vmem>>, %arg7: memref<!tpu.dma_semaphore, #tpu.memory_space<semaphore_mem>>) attributes {dimension_semantics = [#tpu.dimension_semantics<core_parallel>, #tpu.dimension_semantics<subcore_parallel>], iteration_bounds = array<i64: 2, 16>, scalar_prefetch = 0 : i64, scratch_operands = 3 : i64, tpu.core_type = #tpu.core_type<sc_vector_subcore>, window_params = [{transform_indices = #map}, {transform_indices = #map1}, {transform_indices = #map1}]} {
    %mul3A = arith.constant 2 : i32
    %mul3A_0 = arith.muli %arg1, %mul3A : i32
    %add3A = arith.addi %mul3A_0, %arg0 : i32
    %mul3A_1 = arith.constant 264 : i32
    %mul3A_2 = arith.muli %add3A, %mul3A_1 : i32
    %add3A_3 = arith.constant 0 : i32
    %add3A_4 = arith.addi %mul3A_2, %add3A_3 : i32
    %run_scoped3A = arith.constant 0 : i32
    "tpu.region"() ({
      %run_scoped3A_73 = tpu.sem_alloc : memref<!tpu.dma_semaphore, #tpu.memory_space<semaphore_mem>>
      %dma_start3A_74 = arith.constant 0 : i32
      %dma_start3A_75 = tpu.memref_slice %arg5[%run_scoped3A, %dma_start3A_74] : memref<1x128xi32, #tpu.memory_space<vmem>> -> memref<1x128xi32, #tpu.memory_space<vmem>>
      %dma_start3A_76 = tpu.memref_squeeze %dma_start3A_75 : memref<1x128xi32, #tpu.memory_space<vmem>> -> memref<128xi32, #tpu.memory_space<vmem>>
      %dma_start3A_77 = tpu.memref_slice %arg2[%add3A_4] : memref<8448xi32, #tpu.memory_space<hbm>> -> memref<128xi32, #tpu.memory_space<hbm>>
      %dma_start3A_78 = arith.constant 0 : i32
      %dma_start3A_79 = tpu.memref_slice %arg5[%run_scoped3A, %dma_start3A_78] : memref<1x128xi32, #tpu.memory_space<vmem>> -> memref<1x128xi32, #tpu.memory_space<vmem>>
      %dma_start3A_80 = tpu.memref_squeeze %dma_start3A_79 : memref<1x128xi32, #tpu.memory_space<vmem>> -> memref<128xi32, #tpu.memory_space<vmem>>
      %dma_start3A_81 = tpu.memref_slice %arg2[%add3A_4] : memref<8448xi32, #tpu.memory_space<hbm>> -> memref<128xi32, #tpu.memory_space<hbm>>
      tpu.enqueue_dma source(%dma_start3A_81 : memref<128xi32, #tpu.memory_space<hbm>>) target(%dma_start3A_80 : memref<128xi32, #tpu.memory_space<vmem>>) target_semaphore(%run_scoped3A_73 : memref<!tpu.dma_semaphore, #tpu.memory_space<semaphore_mem>>)
      %dma_wait3A_82 = arith.constant 0 : i32
      %dma_wait3A_83 = tpu.memref_slice %arg5[%run_scoped3A, %dma_wait3A_82] : memref<1x128xi32, #tpu.memory_space<vmem>> -> memref<1x128xi32, #tpu.memory_space<vmem>>
      %dma_wait3A_84 = tpu.memref_squeeze %dma_wait3A_83 : memref<1x128xi32, #tpu.memory_space<vmem>> -> memref<128xi32, #tpu.memory_space<vmem>>
      %dma_wait3A_85 = tpu.memref_slice %arg2[%add3A_4] : memref<8448xi32, #tpu.memory_space<hbm>> -> memref<128xi32, #tpu.memory_space<hbm>>
      %dma_wait3A_86 = arith.constant 0 : i32
      %dma_wait3A_87 = tpu.memref_slice %arg5[%run_scoped3A, %dma_wait3A_86] : memref<1x128xi32, #tpu.memory_space<vmem>> -> memref<1x128xi32, #tpu.memory_space<vmem>>
      %dma_wait3A_88 = tpu.memref_squeeze %dma_wait3A_87 : memref<1x128xi32, #tpu.memory_space<vmem>> -> memref<128xi32, #tpu.memory_space<vmem>>
      %dma_wait3A_89 = tpu.memref_slice %arg2[%add3A_4] : memref<8448xi32, #tpu.memory_space<hbm>> -> memref<128xi32, #tpu.memory_space<hbm>>
      tpu.wait_dma2 semaphore(%run_scoped3A_73 : memref<!tpu.dma_semaphore, #tpu.memory_space<semaphore_mem>>) src(%dma_wait3A_89 : memref<128xi32, #tpu.memory_space<hbm>>) dst(%dma_wait3A_88 : memref<128xi32, #tpu.memory_space<vmem>>)
      tpu.yield
    }) : () -> ()
    %dma_start3A = arith.constant 0 : i32
    %dma_start3A_5 = arith.constant 0 : i32
    %dma_start3A_6 = arith.constant 0 : i32
    %dma_start3A_7 = tpu.memref_slice %arg6[%dma_start3A_5, %dma_start3A_6] : memref<128x128xf32, #tpu.memory_space<vmem>> -> memref<128x128xf32, #tpu.memory_space<vmem>>
    %dma_start3A_8 = arith.constant 0 : i32
    %dma_start3A_9 = tpu.memref_slice %arg5[%dma_start3A, %dma_start3A_8] : memref<1x128xi32, #tpu.memory_space<vmem>> -> memref<1x128xi32, #tpu.memory_space<vmem>>
    %dma_start3A_10 = tpu.memref_squeeze %dma_start3A_9 : memref<1x128xi32, #tpu.memory_space<vmem>> -> memref<128xi32, #tpu.memory_space<vmem>>
    %dma_start3A_11 = arith.constant 0 : i32
    %dma_start3A_12 = arith.constant 0 : i32
    %dma_start3A_13 = tpu.memref_slice %arg3[%dma_start3A_11, %dma_start3A_12] : memref<10112x128xf32, #tpu.memory_space<hbm>> -> memref<10112x128xf32, #tpu.memory_space<hbm>>
    tpu.enqueue_indirect_dma source(%dma_start3A_13 : memref<10112x128xf32, #tpu.memory_space<hbm>>) target(%dma_start3A_7 : memref<128x128xf32, #tpu.memory_space<vmem>>) offsets(%dma_start3A_10 : memref<128xi32, #tpu.memory_space<vmem>>) semaphore(%arg7 : memref<!tpu.dma_semaphore, #tpu.memory_space<semaphore_mem>>)
    %dma_wait3A = arith.constant 0 : i32
    %dma_wait3A_14 = arith.constant 0 : i32
    %dma_wait3A_15 = arith.constant 0 : i32
    %dma_wait3A_16 = tpu.memref_slice %arg6[%dma_wait3A_14, %dma_wait3A_15] : memref<128x128xf32, #tpu.memory_space<vmem>> -> memref<128x128xf32, #tpu.memory_space<vmem>>
    %dma_wait3A_17 = arith.constant 0 : i32
    %dma_wait3A_18 = tpu.memref_slice %arg5[%dma_wait3A, %dma_wait3A_17] : memref<1x128xi32, #tpu.memory_space<vmem>> -> memref<1x128xi32, #tpu.memory_space<vmem>>
    %dma_wait3A_19 = tpu.memref_squeeze %dma_wait3A_18 : memref<1x128xi32, #tpu.memory_space<vmem>> -> memref<128xi32, #tpu.memory_space<vmem>>
    %dma_wait3A_20 = arith.constant 0 : i32
    %dma_wait3A_21 = arith.constant 0 : i32
    %dma_wait3A_22 = tpu.memref_slice %arg3[%dma_wait3A_20, %dma_wait3A_21] : memref<10112x128xf32, #tpu.memory_space<hbm>> -> memref<10112x128xf32, #tpu.memory_space<hbm>>
    tpu.wait_indirect_dma semaphore(%arg7 : memref<!tpu.dma_semaphore, #tpu.memory_space<semaphore_mem>>) src(%dma_wait3A_22 : memref<10112x128xf32, #tpu.memory_space<hbm>>) dst(%dma_wait3A_16 : memref<128x128xf32, #tpu.memory_space<vmem>>)
    "tpu.region"() ({
      %run_scoped3A_73 = tpu.sem_alloc : memref<!tpu.dma_semaphore, #tpu.memory_space<semaphore_mem>>
      %dma_start3A_74 = arith.constant 0 : i32
      %dma_start3A_75 = arith.constant 0 : i32
      %dma_start3A_76 = tpu.memref_slice %arg6[%dma_start3A_74, %dma_start3A_75] : memref<128x128xf32, #tpu.memory_space<vmem>> -> memref<128x128xf32, #tpu.memory_space<vmem>>
      %dma_start3A_77 = arith.constant 0 : i32
      %dma_start3A_78 = tpu.memref_slice %arg4[%add3A_4, %dma_start3A_77] : memref<8448x128xf32, #tpu.memory_space<hbm>> -> memref<128x128xf32, #tpu.memory_space<hbm>>
      %dma_start3A_79 = arith.constant 0 : i32
      %dma_start3A_80 = tpu.memref_slice %arg4[%add3A_4, %dma_start3A_79] : memref<8448x128xf32, #tpu.memory_space<hbm>> -> memref<128x128xf32, #tpu.memory_space<hbm>>
      %dma_start3A_81 = arith.constant 0 : i32
      %dma_start3A_82 = arith.constant 0 : i32
      %dma_start3A_83 = tpu.memref_slice %arg6[%dma_start3A_81, %dma_start3A_82] : memref<128x128xf32, #tpu.memory_space<vmem>> -> memref<128x128xf32, #tpu.memory_space<vmem>>
      tpu.enqueue_dma source(%dma_start3A_83 : memref<128x128xf32, #tpu.memory_space<vmem>>) target(%dma_start3A_80 : memref<128x128xf32, #tpu.memory_space<hbm>>) target_semaphore(%run_scoped3A_73 : memref<!tpu.dma_semaphore, #tpu.memory_space<semaphore_mem>>)
      %dma_wait3A_84 = arith.constant 0 : i32
      %dma_wait3A_85 = arith.constant 0 : i32
      %dma_wait3A_86 = tpu.memref_slice %arg6[%dma_wait3A_84, %dma_wait3A_85] : memref<128x128xf32, #tpu.memory_space<vmem>> -> memref<128x128xf32, #tpu.memory_space<vmem>>
      %dma_wait3A_87 = arith.constant 0 : i32
      %dma_wait3A_88 = tpu.memref_slice %arg4[%add3A_4, %dma_wait3A_87] : memref<8448x128xf32, #tpu.memory_space<hbm>> -> memref<128x128xf32, #tpu.memory_space<hbm>>
      %dma_wait3A_89 = arith.constant 0 : i32
      %dma_wait3A_90 = tpu.memref_slice %arg4[%add3A_4, %dma_wait3A_89] : memref<8448x128xf32, #tpu.memory_space<hbm>> -> memref<128x128xf32, #tpu.memory_space<hbm>>
      %dma_wait3A_91 = arith.constant 0 : i32
      %dma_wait3A_92 = arith.constant 0 : i32
      %dma_wait3A_93 = tpu.memref_slice %arg6[%dma_wait3A_91, %dma_wait3A_92] : memref<128x128xf32, #tpu.memory_space<vmem>> -> memref<128x128xf32, #tpu.memory_space<vmem>>
      tpu.wait_dma2 semaphore(%run_scoped3A_73 : memref<!tpu.dma_semaphore, #tpu.memory_space<semaphore_mem>>) src(%dma_wait3A_93 : memref<128x128xf32, #tpu.memory_space<vmem>>) dst(%dma_wait3A_90 : memref<128x128xf32, #tpu.memory_space<hbm>>)
      tpu.yield
    }) : () -> ()
    %mul3A_23 = arith.constant 264 : i32
    %mul3A_24 = arith.muli %add3A, %mul3A_23 : i32
    %add3A_25 = arith.constant 128 : i32
    %add3A_26 = arith.addi %mul3A_24, %add3A_25 : i32
    %run_scoped3A_27 = arith.constant 0 : i32
    "tpu.region"() ({
      %run_scoped3A_73 = tpu.sem_alloc : memref<!tpu.dma_semaphore, #tpu.memory_space<semaphore_mem>>
      %dma_start3A_74 = arith.constant 0 : i32
      %dma_start3A_75 = tpu.memref_slice %arg5[%run_scoped3A_27, %dma_start3A_74] : memref<1x128xi32, #tpu.memory_space<vmem>> -> memref<1x128xi32, #tpu.memory_space<vmem>>
      %dma_start3A_76 = tpu.memref_squeeze %dma_start3A_75 : memref<1x128xi32, #tpu.memory_space<vmem>> -> memref<128xi32, #tpu.memory_space<vmem>>
      %dma_start3A_77 = tpu.memref_slice %arg2[%add3A_26] : memref<8448xi32, #tpu.memory_space<hbm>> -> memref<128xi32, #tpu.memory_space<hbm>>
      %dma_start3A_78 = arith.constant 0 : i32
      %dma_start3A_79 = tpu.memref_slice %arg5[%run_scoped3A_27, %dma_start3A_78] : memref<1x128xi32, #tpu.memory_space<vmem>> -> memref<1x128xi32, #tpu.memory_space<vmem>>
      %dma_start3A_80 = tpu.memref_squeeze %dma_start3A_79 : memref<1x128xi32, #tpu.memory_space<vmem>> -> memref<128xi32, #tpu.memory_space<vmem>>
      %dma_start3A_81 = tpu.memref_slice %arg2[%add3A_26] : memref<8448xi32, #tpu.memory_space<hbm>> -> memref<128xi32, #tpu.memory_space<hbm>>
      tpu.enqueue_dma source(%dma_start3A_81 : memref<128xi32, #tpu.memory_space<hbm>>) target(%dma_start3A_80 : memref<128xi32, #tpu.memory_space<vmem>>) target_semaphore(%run_scoped3A_73 : memref<!tpu.dma_semaphore, #tpu.memory_space<semaphore_mem>>)
      %dma_wait3A_82 = arith.constant 0 : i32
      %dma_wait3A_83 = tpu.memref_slice %arg5[%run_scoped3A_27, %dma_wait3A_82] : memref<1x128xi32, #tpu.memory_space<vmem>> -> memref<1x128xi32, #tpu.memory_space<vmem>>
      %dma_wait3A_84 = tpu.memref_squeeze %dma_wait3A_83 : memref<1x128xi32, #tpu.memory_space<vmem>> -> memref<128xi32, #tpu.memory_space<vmem>>
      %dma_wait3A_85 = tpu.memref_slice %arg2[%add3A_26] : memref<8448xi32, #tpu.memory_space<hbm>> -> memref<128xi32, #tpu.memory_space<hbm>>
      %dma_wait3A_86 = arith.constant 0 : i32
      %dma_wait3A_87 = tpu.memref_slice %arg5[%run_scoped3A_27, %dma_wait3A_86] : memref<1x128xi32, #tpu.memory_space<vmem>> -> memref<1x128xi32, #tpu.memory_space<vmem>>
      %dma_wait3A_88 = tpu.memref_squeeze %dma_wait3A_87 : memref<1x128xi32, #tpu.memory_space<vmem>> -> memref<128xi32, #tpu.memory_space<vmem>>
      %dma_wait3A_89 = tpu.memref_slice %arg2[%add3A_26] : memref<8448xi32, #tpu.memory_space<hbm>> -> memref<128xi32, #tpu.memory_space<hbm>>
      tpu.wait_dma2 semaphore(%run_scoped3A_73 : memref<!tpu.dma_semaphore, #tpu.memory_space<semaphore_mem>>) src(%dma_wait3A_89 : memref<128xi32, #tpu.memory_space<hbm>>) dst(%dma_wait3A_88 : memref<128xi32, #tpu.memory_space<vmem>>)
      tpu.yield
    }) : () -> ()
    %dma_start3A_28 = arith.constant 0 : i32
    %dma_start3A_29 = arith.constant 0 : i32
    %dma_start3A_30 = arith.constant 0 : i32
    %dma_start3A_31 = tpu.memref_slice %arg6[%dma_start3A_29, %dma_start3A_30] : memref<128x128xf32, #tpu.memory_space<vmem>> -> memref<128x128xf32, #tpu.memory_space<vmem>>
    %dma_start3A_32 = arith.constant 0 : i32
    %dma_start3A_33 = tpu.memref_slice %arg5[%dma_start3A_28, %dma_start3A_32] : memref<1x128xi32, #tpu.memory_space<vmem>> -> memref<1x128xi32, #tpu.memory_space<vmem>>
    %dma_start3A_34 = tpu.memref_squeeze %dma_start3A_33 : memref<1x128xi32, #tpu.memory_space<vmem>> -> memref<128xi32, #tpu.memory_space<vmem>>
    %dma_start3A_35 = arith.constant 0 : i32
    %dma_start3A_36 = arith.constant 0 : i32
    %dma_start3A_37 = tpu.memref_slice %arg3[%dma_start3A_35, %dma_start3A_36] : memref<10112x128xf32, #tpu.memory_space<hbm>> -> memref<10112x128xf32, #tpu.memory_space<hbm>>
    tpu.enqueue_indirect_dma source(%dma_start3A_37 : memref<10112x128xf32, #tpu.memory_space<hbm>>) target(%dma_start3A_31 : memref<128x128xf32, #tpu.memory_space<vmem>>) offsets(%dma_start3A_34 : memref<128xi32, #tpu.memory_space<vmem>>) semaphore(%arg7 : memref<!tpu.dma_semaphore, #tpu.memory_space<semaphore_mem>>)
    %dma_wait3A_38 = arith.constant 0 : i32
    %dma_wait3A_39 = arith.constant 0 : i32
    %dma_wait3A_40 = arith.constant 0 : i32
    %dma_wait3A_41 = tpu.memref_slice %arg6[%dma_wait3A_39, %dma_wait3A_40] : memref<128x128xf32, #tpu.memory_space<vmem>> -> memref<128x128xf32, #tpu.memory_space<vmem>>
    %dma_wait3A_42 = arith.constant 0 : i32
    %dma_wait3A_43 = tpu.memref_slice %arg5[%dma_wait3A_38, %dma_wait3A_42] : memref<1x128xi32, #tpu.memory_space<vmem>> -> memref<1x128xi32, #tpu.memory_space<vmem>>
    %dma_wait3A_44 = tpu.memref_squeeze %dma_wait3A_43 : memref<1x128xi32, #tpu.memory_space<vmem>> -> memref<128xi32, #tpu.memory_space<vmem>>
    %dma_wait3A_45 = arith.constant 0 : i32
    %dma_wait3A_46 = arith.constant 0 : i32
    %dma_wait3A_47 = tpu.memref_slice %arg3[%dma_wait3A_45, %dma_wait3A_46] : memref<10112x128xf32, #tpu.memory_space<hbm>> -> memref<10112x128xf32, #tpu.memory_space<hbm>>
    tpu.wait_indirect_dma semaphore(%arg7 : memref<!tpu.dma_semaphore, #tpu.memory_space<semaphore_mem>>) src(%dma_wait3A_47 : memref<10112x128xf32, #tpu.memory_space<hbm>>) dst(%dma_wait3A_41 : memref<128x128xf32, #tpu.memory_space<vmem>>)
    "tpu.region"() ({
      %run_scoped3A_73 = tpu.sem_alloc : memref<!tpu.dma_semaphore, #tpu.memory_space<semaphore_mem>>
      %dma_start3A_74 = arith.constant 0 : i32
      %dma_start3A_75 = arith.constant 0 : i32
      %dma_start3A_76 = tpu.memref_slice %arg6[%dma_start3A_74, %dma_start3A_75] : memref<128x128xf32, #tpu.memory_space<vmem>> -> memref<128x128xf32, #tpu.memory_space<vmem>>
      %dma_start3A_77 = arith.constant 0 : i32
      %dma_start3A_78 = tpu.memref_slice %arg4[%add3A_26, %dma_start3A_77] : memref<8448x128xf32, #tpu.memory_space<hbm>> -> memref<128x128xf32, #tpu.memory_space<hbm>>
      %dma_start3A_79 = arith.constant 0 : i32
      %dma_start3A_80 = tpu.memref_slice %arg4[%add3A_26, %dma_start3A_79] : memref<8448x128xf32, #tpu.memory_space<hbm>> -> memref<128x128xf32, #tpu.memory_space<hbm>>
      %dma_start3A_81 = arith.constant 0 : i32
      %dma_start3A_82 = arith.constant 0 : i32
      %dma_start3A_83 = tpu.memref_slice %arg6[%dma_start3A_81, %dma_start3A_82] : memref<128x128xf32, #tpu.memory_space<vmem>> -> memref<128x128xf32, #tpu.memory_space<vmem>>
      tpu.enqueue_dma source(%dma_start3A_83 : memref<128x128xf32, #tpu.memory_space<vmem>>) target(%dma_start3A_80 : memref<128x128xf32, #tpu.memory_space<hbm>>) target_semaphore(%run_scoped3A_73 : memref<!tpu.dma_semaphore, #tpu.memory_space<semaphore_mem>>)
      %dma_wait3A_84 = arith.constant 0 : i32
      %dma_wait3A_85 = arith.constant 0 : i32
      %dma_wait3A_86 = tpu.memref_slice %arg6[%dma_wait3A_84, %dma_wait3A_85] : memref<128x128xf32, #tpu.memory_space<vmem>> -> memref<128x128xf32, #tpu.memory_space<vmem>>
      %dma_wait3A_87 = arith.constant 0 : i32
      %dma_wait3A_88 = tpu.memref_slice %arg4[%add3A_26, %dma_wait3A_87] : memref<8448x128xf32, #tpu.memory_space<hbm>> -> memref<128x128xf32, #tpu.memory_space<hbm>>
      %dma_wait3A_89 = arith.constant 0 : i32
      %dma_wait3A_90 = tpu.memref_slice %arg4[%add3A_26, %dma_wait3A_89] : memref<8448x128xf32, #tpu.memory_space<hbm>> -> memref<128x128xf32, #tpu.memory_space<hbm>>
      %dma_wait3A_91 = arith.constant 0 : i32
      %dma_wait3A_92 = arith.constant 0 : i32
      %dma_wait3A_93 = tpu.memref_slice %arg6[%dma_wait3A_91, %dma_wait3A_92] : memref<128x128xf32, #tpu.memory_space<vmem>> -> memref<128x128xf32, #tpu.memory_space<vmem>>
      tpu.wait_dma2 semaphore(%run_scoped3A_73 : memref<!tpu.dma_semaphore, #tpu.memory_space<semaphore_mem>>) src(%dma_wait3A_93 : memref<128x128xf32, #tpu.memory_space<vmem>>) dst(%dma_wait3A_90 : memref<128x128xf32, #tpu.memory_space<hbm>>)
      tpu.yield
    }) : () -> ()
    %mul3A_48 = arith.constant 264 : i32
    %mul3A_49 = arith.muli %add3A, %mul3A_48 : i32
    %add3A_50 = arith.constant 256 : i32
    %add3A_51 = arith.addi %mul3A_49, %add3A_50 : i32
    %run_scoped3A_52 = arith.constant 0 : i32
    "tpu.region"() ({
      %run_scoped3A_73 = tpu.sem_alloc : memref<!tpu.dma_semaphore, #tpu.memory_space<semaphore_mem>>
      %dma_start3A_74 = arith.constant 0 : i32
      %dma_start3A_75 = tpu.memref_slice %arg5[%run_scoped3A_52, %dma_start3A_74] : memref<1x128xi32, #tpu.memory_space<vmem>> -> memref<1x8xi32, #tpu.memory_space<vmem>>
      %dma_start3A_76 = tpu.memref_squeeze %dma_start3A_75 : memref<1x8xi32, #tpu.memory_space<vmem>> -> memref<8xi32, #tpu.memory_space<vmem>>
      %dma_start3A_77 = tpu.memref_slice %arg2[%add3A_51] : memref<8448xi32, #tpu.memory_space<hbm>> -> memref<8xi32, #tpu.memory_space<hbm>>
      %dma_start3A_78 = arith.constant 0 : i32
      %dma_start3A_79 = tpu.memref_slice %arg5[%run_scoped3A_52, %dma_start3A_78] : memref<1x128xi32, #tpu.memory_space<vmem>> -> memref<1x8xi32, #tpu.memory_space<vmem>>
      %dma_start3A_80 = tpu.memref_squeeze %dma_start3A_79 : memref<1x8xi32, #tpu.memory_space<vmem>> -> memref<8xi32, #tpu.memory_space<vmem>>
      %dma_start3A_81 = tpu.memref_slice %arg2[%add3A_51] : memref<8448xi32, #tpu.memory_space<hbm>> -> memref<8xi32, #tpu.memory_space<hbm>>
      tpu.enqueue_dma source(%dma_start3A_81 : memref<8xi32, #tpu.memory_space<hbm>>) target(%dma_start3A_80 : memref<8xi32, #tpu.memory_space<vmem>>) target_semaphore(%run_scoped3A_73 : memref<!tpu.dma_semaphore, #tpu.memory_space<semaphore_mem>>)
      %dma_wait3A_82 = arith.constant 0 : i32
      %dma_wait3A_83 = tpu.memref_slice %arg5[%run_scoped3A_52, %dma_wait3A_82] : memref<1x128xi32, #tpu.memory_space<vmem>> -> memref<1x8xi32, #tpu.memory_space<vmem>>
      %dma_wait3A_84 = tpu.memref_squeeze %dma_wait3A_83 : memref<1x8xi32, #tpu.memory_space<vmem>> -> memref<8xi32, #tpu.memory_space<vmem>>
      %dma_wait3A_85 = tpu.memref_slice %arg2[%add3A_51] : memref<8448xi32, #tpu.memory_space<hbm>> -> memref<8xi32, #tpu.memory_space<hbm>>
      %dma_wait3A_86 = arith.constant 0 : i32
      %dma_wait3A_87 = tpu.memref_slice %arg5[%run_scoped3A_52, %dma_wait3A_86] : memref<1x128xi32, #tpu.memory_space<vmem>> -> memref<1x8xi32, #tpu.memory_space<vmem>>
      %dma_wait3A_88 = tpu.memref_squeeze %dma_wait3A_87 : memref<1x8xi32, #tpu.memory_space<vmem>> -> memref<8xi32, #tpu.memory_space<vmem>>
      %dma_wait3A_89 = tpu.memref_slice %arg2[%add3A_51] : memref<8448xi32, #tpu.memory_space<hbm>> -> memref<8xi32, #tpu.memory_space<hbm>>
      tpu.wait_dma2 semaphore(%run_scoped3A_73 : memref<!tpu.dma_semaphore, #tpu.memory_space<semaphore_mem>>) src(%dma_wait3A_89 : memref<8xi32, #tpu.memory_space<hbm>>) dst(%dma_wait3A_88 : memref<8xi32, #tpu.memory_space<vmem>>)
      tpu.yield
    }) : () -> ()
    %dma_start3A_53 = arith.constant 0 : i32
    %dma_start3A_54 = arith.constant 0 : i32
    %dma_start3A_55 = arith.constant 0 : i32
    %dma_start3A_56 = tpu.memref_slice %arg6[%dma_start3A_54, %dma_start3A_55] : memref<128x128xf32, #tpu.memory_space<vmem>> -> memref<8x128xf32, #tpu.memory_space<vmem>>
    %dma_start3A_57 = arith.constant 0 : i32
    %dma_start3A_58 = tpu.memref_slice %arg5[%dma_start3A_53, %dma_start3A_57] : memref<1x128xi32, #tpu.memory_space<vmem>> -> memref<1x8xi32, #tpu.memory_space<vmem>>
    %dma_start3A_59 = tpu.memref_squeeze %dma_start3A_58 : memref<1x8xi32, #tpu.memory_space<vmem>> -> memref<8xi32, #tpu.memory_space<vmem>>
    %dma_start3A_60 = arith.constant 0 : i32
    %dma_start3A_61 = arith.constant 0 : i32
    %dma_start3A_62 = tpu.memref_slice %arg3[%dma_start3A_60, %dma_start3A_61] : memref<10112x128xf32, #tpu.memory_space<hbm>> -> memref<10112x128xf32, #tpu.memory_space<hbm>>
    tpu.enqueue_indirect_dma source(%dma_start3A_62 : memref<10112x128xf32, #tpu.memory_space<hbm>>) target(%dma_start3A_56 : memref<8x128xf32, #tpu.memory_space<vmem>>) offsets(%dma_start3A_59 : memref<8xi32, #tpu.memory_space<vmem>>) semaphore(%arg7 : memref<!tpu.dma_semaphore, #tpu.memory_space<semaphore_mem>>)
    %dma_wait3A_63 = arith.constant 0 : i32
    %dma_wait3A_64 = arith.constant 0 : i32
    %dma_wait3A_65 = arith.constant 0 : i32
    %dma_wait3A_66 = tpu.memref_slice %arg6[%dma_wait3A_64, %dma_wait3A_65] : memref<128x128xf32, #tpu.memory_space<vmem>> -> memref<8x128xf32, #tpu.memory_space<vmem>>
    %dma_wait3A_67 = arith.constant 0 : i32
    %dma_wait3A_68 = tpu.memref_slice %arg5[%dma_wait3A_63, %dma_wait3A_67] : memref<1x128xi32, #tpu.memory_space<vmem>> -> memref<1x8xi32, #tpu.memory_space<vmem>>
    %dma_wait3A_69 = tpu.memref_squeeze %dma_wait3A_68 : memref<1x8xi32, #tpu.memory_space<vmem>> -> memref<8xi32, #tpu.memory_space<vmem>>
    %dma_wait3A_70 = arith.constant 0 : i32
    %dma_wait3A_71 = arith.constant 0 : i32
    %dma_wait3A_72 = tpu.memref_slice %arg3[%dma_wait3A_70, %dma_wait3A_71] : memref<10112x128xf32, #tpu.memory_space<hbm>> -> memref<10112x128xf32, #tpu.memory_space<hbm>>
    tpu.wait_indirect_dma semaphore(%arg7 : memref<!tpu.dma_semaphore, #tpu.memory_space<semaphore_mem>>) src(%dma_wait3A_72 : memref<10112x128xf32, #tpu.memory_space<hbm>>) dst(%dma_wait3A_66 : memref<8x128xf32, #tpu.memory_space<vmem>>)
    "tpu.region"() ({
      %run_scoped3A_73 = tpu.sem_alloc : memref<!tpu.dma_semaphore, #tpu.memory_space<semaphore_mem>>
      %dma_start3A_74 = arith.constant 0 : i32
      %dma_start3A_75 = arith.constant 0 : i32
      %dma_start3A_76 = tpu.memref_slice %arg6[%dma_start3A_74, %dma_start3A_75] : memref<128x128xf32, #tpu.memory_space<vmem>> -> memref<8x128xf32, #tpu.memory_space<vmem>>
      %dma_start3A_77 = arith.constant 0 : i32
      %dma_start3A_78 = tpu.memref_slice %arg4[%add3A_51, %dma_start3A_77] : memref<8448x128xf32, #tpu.memory_space<hbm>> -> memref<8x128xf32, #tpu.memory_space<hbm>>
      %dma_start3A_79 = arith.constant 0 : i32
      %dma_start3A_80 = tpu.memref_slice %arg4[%add3A_51, %dma_start3A_79] : memref<8448x128xf32, #tpu.memory_space<hbm>> -> memref<8x128xf32, #tpu.memory_space<hbm>>
      %dma_start3A_81 = arith.constant 0 : i32
      %dma_start3A_82 = arith.constant 0 : i32
      %dma_start3A_83 = tpu.memref_slice %arg6[%dma_start3A_81, %dma_start3A_82] : memref<128x128xf32, #tpu.memory_space<vmem>> -> memref<8x128xf32, #tpu.memory_space<vmem>>
      tpu.enqueue_dma source(%dma_start3A_83 : memref<8x128xf32, #tpu.memory_space<vmem>>) target(%dma_start3A_80 : memref<8x128xf32, #tpu.memory_space<hbm>>) target_semaphore(%run_scoped3A_73 : memref<!tpu.dma_semaphore, #tpu.memory_space<semaphore_mem>>)
      %dma_wait3A_84 = arith.constant 0 : i32
      %dma_wait3A_85 = arith.constant 0 : i32
      %dma_wait3A_86 = tpu.memref_slice %arg6[%dma_wait3A_84, %dma_wait3A_85] : memref<128x128xf32, #tpu.memory_space<vmem>> -> memref<8x128xf32, #tpu.memory_space<vmem>>
      %dma_wait3A_87 = arith.constant 0 : i32
      %dma_wait3A_88 = tpu.memref_slice %arg4[%add3A_51, %dma_wait3A_87] : memref<8448x128xf32, #tpu.memory_space<hbm>> -> memref<8x128xf32, #tpu.memory_space<hbm>>
      %dma_wait3A_89 = arith.constant 0 : i32
      %dma_wait3A_90 = tpu.memref_slice %arg4[%add3A_51, %dma_wait3A_89] : memref<8448x128xf32, #tpu.memory_space<hbm>> -> memref<8x128xf32, #tpu.memory_space<hbm>>
      %dma_wait3A_91 = arith.constant 0 : i32
      %dma_wait3A_92 = arith.constant 0 : i32
      %dma_wait3A_93 = tpu.memref_slice %arg6[%dma_wait3A_91, %dma_wait3A_92] : memref<128x128xf32, #tpu.memory_space<vmem>> -> memref<8x128xf32, #tpu.memory_space<vmem>>
      tpu.wait_dma2 semaphore(%run_scoped3A_73 : memref<!tpu.dma_semaphore, #tpu.memory_space<semaphore_mem>>) src(%dma_wait3A_93 : memref<8x128xf32, #tpu.memory_space<vmem>>) dst(%dma_wait3A_90 : memref<8x128xf32, #tpu.memory_space<hbm>>)
      tpu.yield
    }) : () -> ()
    return
  }
}

#map = affine_map<(d0, d1) -> (0)>
#map1 = affine_map<(d0, d1) -> (0, 0)>
#map2 = affine_map<(d0, d1) -> (0, 0, 0)>
module attributes {stable_mosaic.version = 14 : i64} {
  func.func @_sc_agg_body(%arg0: i32, %arg1: i32, %arg2: memref<323584xi32, #tpu.memory_space<hbm>>, %arg3: memref<323584xi32, #tpu.memory_space<hbm>>, %arg4: memref<5177344xf32, #tpu.memory_space<hbm>>, %arg5: memref<10112x128xf32, #tpu.memory_space<hbm>>, %arg6: memref<10112x128xf32, #tpu.memory_space<hbm>>, %arg7: memref<2x10112x128xf32, #tpu.memory_space<hbm>>, %arg8: memref<10112x128xf32, #tpu.memory_space<vmem_shared>>, %arg9: memref<2x2x128xi32, #tpu.memory_space<vmem>>, %arg10: memref<2x2048xf32, #tpu.memory_space<vmem>>, %arg11: memref<2x128x128xf32, #tpu.memory_space<vmem>>, %arg12: memref<!tpu.dma_semaphore, #tpu.memory_space<semaphore_mem>>, %arg13: memref<!tpu.dma_semaphore, #tpu.memory_space<semaphore_mem>>, %arg14: memref<!tpu.dma_semaphore, #tpu.memory_space<semaphore_mem>>) attributes {dimension_semantics = [#tpu.dimension_semantics<core_parallel>, #tpu.dimension_semantics<subcore_parallel>], iteration_bounds = array<i64: 2, 16>, scalar_prefetch = 0 : i64, scratch_operands = 7 : i64, tpu.core_type = #tpu.core_type<sc_vector_subcore>, window_params = [{transform_indices = #map}, {transform_indices = #map}, {transform_indices = #map}, {transform_indices = #map1}, {transform_indices = #map1}, {transform_indices = #map2}]} {
    %eq3A = arith.constant 0 : i32
    %eq3A_0 = arith.cmpi eq, %arg0, %eq3A : i32
    %jit3A = arith.constant 101 : i32
    %jit3A_1 = arith.constant 57 : i32
    %select_n3A = arith.select %eq3A_0, %jit3A, %jit3A_1 : i32
    %mul3A = arith.constant 16 : i32
    %mul3A_2 = arith.muli %arg0, %mul3A : i32
    %mul3A_3 = arith.constant 101 : i32
    %mul3A_4 = arith.muli %mul3A_2, %mul3A_3 : i32
    %mul3A_5 = arith.muli %arg1, %select_n3A : i32
    %add3A = arith.addi %mul3A_4, %mul3A_5 : i32
    %mul3A_6 = arith.constant 632 : i32
    %mul3A_7 = arith.muli %arg1, %mul3A_6 : i32
    %mul3A_8 = arith.constant 632 : i32
    %mul3A_9 = arith.muli %arg1, %mul3A_8 : i32
    "tpu.region"() ({
      %run_scoped3A = tpu.sem_alloc : memref<!tpu.dma_semaphore, #tpu.memory_space<semaphore_mem>>
      %dma_start3A_127 = arith.constant 0 : i32
      %dma_start3A_128 = tpu.memref_slice %arg8[%mul3A_9, %dma_start3A_127] : memref<10112x128xf32, #tpu.memory_space<vmem_shared>> -> memref<632x128xf32, #tpu.memory_space<vmem_shared>>
      %dma_start3A_129 = arith.constant 0 : i32
      %dma_start3A_130 = tpu.memref_slice %arg6[%mul3A_7, %dma_start3A_129] : memref<10112x128xf32, #tpu.memory_space<hbm>> -> memref<632x128xf32, #tpu.memory_space<hbm>>
      tpu.enqueue_dma source(%dma_start3A_130 : memref<632x128xf32, #tpu.memory_space<hbm>>) target(%dma_start3A_128 : memref<632x128xf32, #tpu.memory_space<vmem_shared>>) target_semaphore(%run_scoped3A : memref<!tpu.dma_semaphore, #tpu.memory_space<semaphore_mem>>)
      %dma_wait3A_131 = arith.constant 0 : i32
      %dma_wait3A_132 = tpu.memref_slice %arg8[%mul3A_9, %dma_wait3A_131] : memref<10112x128xf32, #tpu.memory_space<vmem_shared>> -> memref<632x128xf32, #tpu.memory_space<vmem_shared>>
      %dma_wait3A_133 = arith.constant 0 : i32
      %dma_wait3A_134 = tpu.memref_slice %arg6[%mul3A_7, %dma_wait3A_133] : memref<10112x128xf32, #tpu.memory_space<hbm>> -> memref<632x128xf32, #tpu.memory_space<hbm>>
      tpu.wait_dma2 semaphore(%run_scoped3A : memref<!tpu.dma_semaphore, #tpu.memory_space<semaphore_mem>>) src(%dma_wait3A_134 : memref<632x128xf32, #tpu.memory_space<hbm>>) dst(%dma_wait3A_132 : memref<632x128xf32, #tpu.memory_space<vmem_shared>>)
      tpu.yield
    }) : () -> ()
    %barrier3A = arith.constant 0 : index
    tpu.barrier barrier_id(%barrier3A)
    %add3A_10 = arith.constant 0 : i32
    %add3A_11 = arith.addi %add3A, %add3A_10 : i32
    %mul3A_12 = arith.constant 128 : i32
    %mul3A_13 = arith.muli %add3A_11, %mul3A_12 : i32
    %dma_start3A = arith.constant 0 : i32
    %dma_start3A_14 = arith.constant 0 : i32
    %dma_start3A_15 = arith.constant 0 : i32
    %dma_start3A_16 = tpu.memref_slice %arg9[%dma_start3A, %dma_start3A_14, %dma_start3A_15] : memref<2x2x128xi32, #tpu.memory_space<vmem>> -> memref<1x1x128xi32, #tpu.memory_space<vmem>>
    %dma_start3A_17 = tpu.memref_squeeze %dma_start3A_16 : memref<1x1x128xi32, #tpu.memory_space<vmem>> -> memref<128xi32, #tpu.memory_space<vmem>>
    %dma_start3A_18 = tpu.memref_slice %arg2[%mul3A_13] : memref<323584xi32, #tpu.memory_space<hbm>> -> memref<128xi32, #tpu.memory_space<hbm>>
    %dma_start3A_19 = arith.constant 0 : i32
    %dma_start3A_20 = tpu.memref_slice %arg9[%dma_start3A, %dma_start3A_14, %dma_start3A_19] : memref<2x2x128xi32, #tpu.memory_space<vmem>> -> memref<1x1x128xi32, #tpu.memory_space<vmem>>
    %dma_start3A_21 = tpu.memref_squeeze %dma_start3A_20 : memref<1x1x128xi32, #tpu.memory_space<vmem>> -> memref<128xi32, #tpu.memory_space<vmem>>
    %dma_start3A_22 = tpu.memref_slice %arg2[%mul3A_13] : memref<323584xi32, #tpu.memory_space<hbm>> -> memref<128xi32, #tpu.memory_space<hbm>>
    tpu.enqueue_dma source(%dma_start3A_22 : memref<128xi32, #tpu.memory_space<hbm>>) target(%dma_start3A_21 : memref<128xi32, #tpu.memory_space<vmem>>) target_semaphore(%arg14 : memref<!tpu.dma_semaphore, #tpu.memory_space<semaphore_mem>>)
    %dma_start3A_23 = arith.constant 0 : i32
    %dma_start3A_24 = arith.constant 1 : i32
    %dma_start3A_25 = arith.constant 0 : i32
    %dma_start3A_26 = tpu.memref_slice %arg9[%dma_start3A_23, %dma_start3A_24, %dma_start3A_25] : memref<2x2x128xi32, #tpu.memory_space<vmem>> -> memref<1x1x128xi32, #tpu.memory_space<vmem>>
    %dma_start3A_27 = tpu.memref_squeeze %dma_start3A_26 : memref<1x1x128xi32, #tpu.memory_space<vmem>> -> memref<128xi32, #tpu.memory_space<vmem>>
    %dma_start3A_28 = tpu.memref_slice %arg3[%mul3A_13] : memref<323584xi32, #tpu.memory_space<hbm>> -> memref<128xi32, #tpu.memory_space<hbm>>
    %dma_start3A_29 = arith.constant 0 : i32
    %dma_start3A_30 = tpu.memref_slice %arg9[%dma_start3A_23, %dma_start3A_24, %dma_start3A_29] : memref<2x2x128xi32, #tpu.memory_space<vmem>> -> memref<1x1x128xi32, #tpu.memory_space<vmem>>
    %dma_start3A_31 = tpu.memref_squeeze %dma_start3A_30 : memref<1x1x128xi32, #tpu.memory_space<vmem>> -> memref<128xi32, #tpu.memory_space<vmem>>
    %dma_start3A_32 = tpu.memref_slice %arg3[%mul3A_13] : memref<323584xi32, #tpu.memory_space<hbm>> -> memref<128xi32, #tpu.memory_space<hbm>>
    tpu.enqueue_dma source(%dma_start3A_32 : memref<128xi32, #tpu.memory_space<hbm>>) target(%dma_start3A_31 : memref<128xi32, #tpu.memory_space<vmem>>) target_semaphore(%arg14 : memref<!tpu.dma_semaphore, #tpu.memory_space<semaphore_mem>>)
    %mul3A_33 = arith.constant 16 : i32
    %mul3A_34 = arith.muli %mul3A_13, %mul3A_33 : i32
    %dma_start3A_35 = arith.constant 0 : i32
    %dma_start3A_36 = arith.constant 0 : i32
    %dma_start3A_37 = tpu.memref_slice %arg10[%dma_start3A_35, %dma_start3A_36] : memref<2x2048xf32, #tpu.memory_space<vmem>> -> memref<1x2048xf32, #tpu.memory_space<vmem>>
    %dma_start3A_38 = tpu.memref_squeeze %dma_start3A_37 : memref<1x2048xf32, #tpu.memory_space<vmem>> -> memref<2048xf32, #tpu.memory_space<vmem>>
    %dma_start3A_39 = tpu.memref_slice %arg4[%mul3A_34] : memref<5177344xf32, #tpu.memory_space<hbm>> -> memref<2048xf32, #tpu.memory_space<hbm>>
    %dma_start3A_40 = arith.constant 0 : i32
    %dma_start3A_41 = tpu.memref_slice %arg10[%dma_start3A_35, %dma_start3A_40] : memref<2x2048xf32, #tpu.memory_space<vmem>> -> memref<1x2048xf32, #tpu.memory_space<vmem>>
    %dma_start3A_42 = tpu.memref_squeeze %dma_start3A_41 : memref<1x2048xf32, #tpu.memory_space<vmem>> -> memref<2048xf32, #tpu.memory_space<vmem>>
    %dma_start3A_43 = tpu.memref_slice %arg4[%mul3A_34] : memref<5177344xf32, #tpu.memory_space<hbm>> -> memref<2048xf32, #tpu.memory_space<hbm>>
    tpu.enqueue_dma source(%dma_start3A_43 : memref<2048xf32, #tpu.memory_space<hbm>>) target(%dma_start3A_42 : memref<2048xf32, #tpu.memory_space<vmem>>) target_semaphore(%arg14 : memref<!tpu.dma_semaphore, #tpu.memory_space<semaphore_mem>>)
    %dma_wait3A = arith.constant 0 : i32
    %dma_wait3A_44 = arith.constant 0 : i32
    %dma_wait3A_45 = arith.constant 0 : i32
    %dma_wait3A_46 = tpu.memref_slice %arg9[%dma_wait3A, %dma_wait3A_44, %dma_wait3A_45] : memref<2x2x128xi32, #tpu.memory_space<vmem>> -> memref<1x1x128xi32, #tpu.memory_space<vmem>>
    %dma_wait3A_47 = tpu.memref_squeeze %dma_wait3A_46 : memref<1x1x128xi32, #tpu.memory_space<vmem>> -> memref<128xi32, #tpu.memory_space<vmem>>
    %dma_wait3A_48 = arith.constant 0 : i32
    %dma_wait3A_49 = tpu.memref_slice %arg2[%dma_wait3A_48] : memref<323584xi32, #tpu.memory_space<hbm>> -> memref<128xi32, #tpu.memory_space<hbm>>
    %dma_wait3A_50 = arith.constant 0 : i32
    %dma_wait3A_51 = tpu.memref_slice %arg9[%dma_wait3A, %dma_wait3A_44, %dma_wait3A_50] : memref<2x2x128xi32, #tpu.memory_space<vmem>> -> memref<1x1x128xi32, #tpu.memory_space<vmem>>
    %dma_wait3A_52 = tpu.memref_squeeze %dma_wait3A_51 : memref<1x1x128xi32, #tpu.memory_space<vmem>> -> memref<128xi32, #tpu.memory_space<vmem>>
    %dma_wait3A_53 = arith.constant 0 : i32
    %dma_wait3A_54 = tpu.memref_slice %arg2[%dma_wait3A_53] : memref<323584xi32, #tpu.memory_space<hbm>> -> memref<128xi32, #tpu.memory_space<hbm>>
    tpu.wait_dma2 semaphore(%arg14 : memref<!tpu.dma_semaphore, #tpu.memory_space<semaphore_mem>>) src(%dma_wait3A_54 : memref<128xi32, #tpu.memory_space<hbm>>) dst(%dma_wait3A_52 : memref<128xi32, #tpu.memory_space<vmem>>)
    %dma_wait3A_55 = arith.constant 0 : i32
    %dma_wait3A_56 = arith.constant 1 : i32
    %dma_wait3A_57 = arith.constant 0 : i32
    %dma_wait3A_58 = tpu.memref_slice %arg9[%dma_wait3A_55, %dma_wait3A_56, %dma_wait3A_57] : memref<2x2x128xi32, #tpu.memory_space<vmem>> -> memref<1x1x128xi32, #tpu.memory_space<vmem>>
    %dma_wait3A_59 = tpu.memref_squeeze %dma_wait3A_58 : memref<1x1x128xi32, #tpu.memory_space<vmem>> -> memref<128xi32, #tpu.memory_space<vmem>>
    %dma_wait3A_60 = arith.constant 0 : i32
    %dma_wait3A_61 = tpu.memref_slice %arg3[%dma_wait3A_60] : memref<323584xi32, #tpu.memory_space<hbm>> -> memref<128xi32, #tpu.memory_space<hbm>>
    %dma_wait3A_62 = arith.constant 0 : i32
    %dma_wait3A_63 = tpu.memref_slice %arg9[%dma_wait3A_55, %dma_wait3A_56, %dma_wait3A_62] : memref<2x2x128xi32, #tpu.memory_space<vmem>> -> memref<1x1x128xi32, #tpu.memory_space<vmem>>
    %dma_wait3A_64 = tpu.memref_squeeze %dma_wait3A_63 : memref<1x1x128xi32, #tpu.memory_space<vmem>> -> memref<128xi32, #tpu.memory_space<vmem>>
    %dma_wait3A_65 = arith.constant 0 : i32
    %dma_wait3A_66 = tpu.memref_slice %arg3[%dma_wait3A_65] : memref<323584xi32, #tpu.memory_space<hbm>> -> memref<128xi32, #tpu.memory_space<hbm>>
    tpu.wait_dma2 semaphore(%arg14 : memref<!tpu.dma_semaphore, #tpu.memory_space<semaphore_mem>>) src(%dma_wait3A_66 : memref<128xi32, #tpu.memory_space<hbm>>) dst(%dma_wait3A_64 : memref<128xi32, #tpu.memory_space<vmem>>)
    %dma_wait3A_67 = arith.constant 0 : i32
    %dma_wait3A_68 = arith.constant 0 : i32
    %dma_wait3A_69 = tpu.memref_slice %arg10[%dma_wait3A_67, %dma_wait3A_68] : memref<2x2048xf32, #tpu.memory_space<vmem>> -> memref<1x2048xf32, #tpu.memory_space<vmem>>
    %dma_wait3A_70 = tpu.memref_squeeze %dma_wait3A_69 : memref<1x2048xf32, #tpu.memory_space<vmem>> -> memref<2048xf32, #tpu.memory_space<vmem>>
    %dma_wait3A_71 = arith.constant 0 : i32
    %dma_wait3A_72 = tpu.memref_slice %arg4[%dma_wait3A_71] : memref<5177344xf32, #tpu.memory_space<hbm>> -> memref<2048xf32, #tpu.memory_space<hbm>>
    %dma_wait3A_73 = arith.constant 0 : i32
    %dma_wait3A_74 = tpu.memref_slice %arg10[%dma_wait3A_67, %dma_wait3A_73] : memref<2x2048xf32, #tpu.memory_space<vmem>> -> memref<1x2048xf32, #tpu.memory_space<vmem>>
    %dma_wait3A_75 = tpu.memref_squeeze %dma_wait3A_74 : memref<1x2048xf32, #tpu.memory_space<vmem>> -> memref<2048xf32, #tpu.memory_space<vmem>>
    %dma_wait3A_76 = arith.constant 0 : i32
    %dma_wait3A_77 = tpu.memref_slice %arg4[%dma_wait3A_76] : memref<5177344xf32, #tpu.memory_space<hbm>> -> memref<2048xf32, #tpu.memory_space<hbm>>
    tpu.wait_dma2 semaphore(%arg14 : memref<!tpu.dma_semaphore, #tpu.memory_space<semaphore_mem>>) src(%dma_wait3A_77 : memref<2048xf32, #tpu.memory_space<hbm>>) dst(%dma_wait3A_75 : memref<2048xf32, #tpu.memory_space<vmem>>)
    %div3A = arith.constant 0 : i32
    %div3A_78 = arith.constant 2 : i32
    %div3A_79 = arith.divsi %div3A, %div3A_78 : i32
    %rem3A = arith.constant 0 : i32
    %rem3A_80 = arith.constant 2 : i32
    %rem3A_81 = arith.remsi %rem3A, %rem3A_80 : i32
    %rem3A_82 = arith.constant 2 : i32
    %rem3A_83 = arith.remsi %div3A_79, %rem3A_82 : i32
    %sub3A = arith.constant 1 : i32
    %sub3A_84 = arith.subi %sub3A, %rem3A_81 : i32
    %rem3A_85 = arith.constant 0 : i32
    %rem3A_86 = arith.constant 2 : i32
    %rem3A_87 = arith.remsi %rem3A_85, %rem3A_86 : i32
    %dma_start3A_88 = arith.constant 0 : i32
    %dma_start3A_89 = arith.constant 0 : i32
    %dma_start3A_90 = tpu.memref_slice %arg11[%rem3A_87, %dma_start3A_88, %dma_start3A_89] : memref<2x128x128xf32, #tpu.memory_space<vmem>> -> memref<1x128x128xf32, #tpu.memory_space<vmem>>
    %dma_start3A_91 = tpu.memref_squeeze %dma_start3A_90 : memref<1x128x128xf32, #tpu.memory_space<vmem>> -> memref<128x128xf32, #tpu.memory_space<vmem>>
    %dma_start3A_92 = arith.constant 0 : i32
    %dma_start3A_93 = tpu.memref_slice %arg9[%rem3A_83, %sub3A_84, %dma_start3A_92] : memref<2x2x128xi32, #tpu.memory_space<vmem>> -> memref<1x1x128xi32, #tpu.memory_space<vmem>>
    %dma_start3A_94 = tpu.memref_squeeze %dma_start3A_93 : memref<1x1x128xi32, #tpu.memory_space<vmem>> -> memref<128xi32, #tpu.memory_space<vmem>>
    %dma_start3A_95 = arith.constant 0 : i32
    %dma_start3A_96 = arith.constant 0 : i32
    %dma_start3A_97 = tpu.memref_slice %arg5[%dma_start3A_95, %dma_start3A_96] : memref<10112x128xf32, #tpu.memory_space<hbm>> -> memref<10112x128xf32, #tpu.memory_space<hbm>>
    tpu.enqueue_indirect_dma source(%dma_start3A_97 : memref<10112x128xf32, #tpu.memory_space<hbm>>) target(%dma_start3A_91 : memref<128x128xf32, #tpu.memory_space<vmem>>) offsets(%dma_start3A_94 : memref<128xi32, #tpu.memory_space<vmem>>) semaphore(%arg12 : memref<!tpu.dma_semaphore, #tpu.memory_space<semaphore_mem>>)
    %mul3A_98 = arith.constant 2 : i32
    %mul3A_99 = arith.muli %mul3A_98, %select_n3A : i32
    %while3A = arith.constant 0 : i32
    %while3A_100 = arith.constant 0 : i32
    %while3A_101 = arith.subi %mul3A_99, %while3A_100 : i32
    %while3A_102 = arith.addi %while3A_100, %while3A_101 : i32
    %while3A_103 = arith.constant 1 : i32
    %while3A_104 = arith.divsi %while3A_101, %while3A_103 : i32
    %while3A_105 = arith.muli %while3A_104, %while3A_103 : i32
    %while3A_106 = arith.addi %while3A_100, %while3A_105 : i32
    %while3A_107 = arith.constant 1 : i32
    scf.for %while3A_127 = %while3A_100 to %while3A_106 step %while3A_107  : i32 {
      %div3A_128 = arith.constant 2 : i32
      %div3A_129 = arith.divsi %while3A_127, %div3A_128 : i32
      %rem3A_130 = arith.constant 2 : i32
      %rem3A_131 = arith.remsi %while3A_127, %rem3A_130 : i32
      %rem3A_132 = arith.constant 2 : i32
      %rem3A_133 = arith.remsi %while3A_127, %rem3A_132 : i32
      %rem3A_134 = arith.constant 2 : i32
      %rem3A_135 = arith.remsi %div3A_129, %rem3A_134 : i32
      %gt3A = arith.constant 0 : i32
      %gt3A_136 = arith.cmpi sgt, %while3A_127, %gt3A : i32
      %convert_element_type3A = arith.extui %gt3A_136 : i1 to i32
      %cond3A = arith.constant 0 : i32
      %cond3A_137 = arith.cmpi ne, %convert_element_type3A, %cond3A : i32
      scf.if %cond3A_137 {
        %dma_wait3A_187 = arith.constant 0 : i32
        %dma_wait3A_188 = arith.constant 0 : i32
        %dma_wait3A_189 = arith.constant 0 : i32
        %dma_wait3A_190 = arith.constant 0 : i32
        %dma_wait3A_191 = arith.constant 0 : i32
        %dma_wait3A_192 = tpu.memref_slice %arg11[%dma_wait3A_187, %dma_wait3A_190, %dma_wait3A_191] : memref<2x128x128xf32, #tpu.memory_space<vmem>> -> memref<1x128x128xf32, #tpu.memory_space<vmem>>
        %dma_wait3A_193 = tpu.memref_squeeze %dma_wait3A_192 : memref<1x128x128xf32, #tpu.memory_space<vmem>> -> memref<128x128xf32, #tpu.memory_space<vmem>>
        %dma_wait3A_194 = arith.constant 0 : i32
        %dma_wait3A_195 = tpu.memref_slice %arg9[%dma_wait3A_188, %dma_wait3A_189, %dma_wait3A_194] : memref<2x2x128xi32, #tpu.memory_space<vmem>> -> memref<1x1x128xi32, #tpu.memory_space<vmem>>
        %dma_wait3A_196 = tpu.memref_squeeze %dma_wait3A_195 : memref<1x1x128xi32, #tpu.memory_space<vmem>> -> memref<128xi32, #tpu.memory_space<vmem>>
        %dma_wait3A_197 = arith.constant 0 : i32
        %dma_wait3A_198 = arith.constant 0 : i32
        %dma_wait3A_199 = tpu.memref_slice %arg8[%dma_wait3A_197, %dma_wait3A_198] : memref<10112x128xf32, #tpu.memory_space<vmem_shared>> -> memref<10112x128xf32, #tpu.memory_space<vmem_shared>>
        tpu.wait_indirect_dma semaphore(%arg13 : memref<!tpu.dma_semaphore, #tpu.memory_space<semaphore_mem>>) src(%dma_wait3A_193 : memref<128x128xf32, #tpu.memory_space<vmem>>) dst(%dma_wait3A_199 : memref<10112x128xf32, #tpu.memory_space<vmem_shared>>)
      } else {
      }
      %eq3A_138 = arith.constant 1 : i32
      %eq3A_139 = arith.cmpi eq, %rem3A_131, %eq3A_138 : i32
      %add3A_140 = arith.constant 1 : i32
      %add3A_141 = arith.addi %div3A_129, %add3A_140 : i32
      %lt3A = arith.cmpi slt, %add3A_141, %select_n3A : i32
      %and3A = arith.andi %eq3A_139, %lt3A : i1
      %convert_element_type3A_142 = arith.extui %and3A : i1 to i32
      %cond3A_143 = arith.constant 0 : i32
      %cond3A_144 = arith.cmpi ne, %convert_element_type3A_142, %cond3A_143 : i32
      scf.if %cond3A_144 {
        %dma_wait3A_187 = arith.constant 0 : i32
        %dma_wait3A_188 = arith.constant 0 : i32
        %dma_wait3A_189 = arith.constant 0 : i32
        %dma_wait3A_190 = tpu.memref_slice %arg9[%dma_wait3A_187, %dma_wait3A_188, %dma_wait3A_189] : memref<2x2x128xi32, #tpu.memory_space<vmem>> -> memref<1x1x128xi32, #tpu.memory_space<vmem>>
        %dma_wait3A_191 = tpu.memref_squeeze %dma_wait3A_190 : memref<1x1x128xi32, #tpu.memory_space<vmem>> -> memref<128xi32, #tpu.memory_space<vmem>>
        %dma_wait3A_192 = arith.constant 0 : i32
        %dma_wait3A_193 = tpu.memref_slice %arg2[%dma_wait3A_192] : memref<323584xi32, #tpu.memory_space<hbm>> -> memref<128xi32, #tpu.memory_space<hbm>>
        %dma_wait3A_194 = arith.constant 0 : i32
        %dma_wait3A_195 = tpu.memref_slice %arg9[%dma_wait3A_187, %dma_wait3A_188, %dma_wait3A_194] : memref<2x2x128xi32, #tpu.memory_space<vmem>> -> memref<1x1x128xi32, #tpu.memory_space<vmem>>
        %dma_wait3A_196 = tpu.memref_squeeze %dma_wait3A_195 : memref<1x1x128xi32, #tpu.memory_space<vmem>> -> memref<128xi32, #tpu.memory_space<vmem>>
        %dma_wait3A_197 = arith.constant 0 : i32
        %dma_wait3A_198 = tpu.memref_slice %arg2[%dma_wait3A_197] : memref<323584xi32, #tpu.memory_space<hbm>> -> memref<128xi32, #tpu.memory_space<hbm>>
        tpu.wait_dma2 semaphore(%arg14 : memref<!tpu.dma_semaphore, #tpu.memory_space<semaphore_mem>>) src(%dma_wait3A_198 : memref<128xi32, #tpu.memory_space<hbm>>) dst(%dma_wait3A_196 : memref<128xi32, #tpu.memory_space<vmem>>)
        %dma_wait3A_199 = arith.constant 0 : i32
        %dma_wait3A_200 = arith.constant 1 : i32
        %dma_wait3A_201 = arith.constant 0 : i32
        %dma_wait3A_202 = tpu.memref_slice %arg9[%dma_wait3A_199, %dma_wait3A_200, %dma_wait3A_201] : memref<2x2x128xi32, #tpu.memory_space<vmem>> -> memref<1x1x128xi32, #tpu.memory_space<vmem>>
        %dma_wait3A_203 = tpu.memref_squeeze %dma_wait3A_202 : memref<1x1x128xi32, #tpu.memory_space<vmem>> -> memref<128xi32, #tpu.memory_space<vmem>>
        %dma_wait3A_204 = arith.constant 0 : i32
        %dma_wait3A_205 = tpu.memref_slice %arg3[%dma_wait3A_204] : memref<323584xi32, #tpu.memory_space<hbm>> -> memref<128xi32, #tpu.memory_space<hbm>>
        %dma_wait3A_206 = arith.constant 0 : i32
        %dma_wait3A_207 = tpu.memref_slice %arg9[%dma_wait3A_199, %dma_wait3A_200, %dma_wait3A_206] : memref<2x2x128xi32, #tpu.memory_space<vmem>> -> memref<1x1x128xi32, #tpu.memory_space<vmem>>
        %dma_wait3A_208 = tpu.memref_squeeze %dma_wait3A_207 : memref<1x1x128xi32, #tpu.memory_space<vmem>> -> memref<128xi32, #tpu.memory_space<vmem>>
        %dma_wait3A_209 = arith.constant 0 : i32
        %dma_wait3A_210 = tpu.memref_slice %arg3[%dma_wait3A_209] : memref<323584xi32, #tpu.memory_space<hbm>> -> memref<128xi32, #tpu.memory_space<hbm>>
        tpu.wait_dma2 semaphore(%arg14 : memref<!tpu.dma_semaphore, #tpu.memory_space<semaphore_mem>>) src(%dma_wait3A_210 : memref<128xi32, #tpu.memory_space<hbm>>) dst(%dma_wait3A_208 : memref<128xi32, #tpu.memory_space<vmem>>)
        %dma_wait3A_211 = arith.constant 0 : i32
        %dma_wait3A_212 = arith.constant 0 : i32
        %dma_wait3A_213 = tpu.memref_slice %arg10[%dma_wait3A_211, %dma_wait3A_212] : memref<2x2048xf32, #tpu.memory_space<vmem>> -> memref<1x2048xf32, #tpu.memory_space<vmem>>
        %dma_wait3A_214 = tpu.memref_squeeze %dma_wait3A_213 : memref<1x2048xf32, #tpu.memory_space<vmem>> -> memref<2048xf32, #tpu.memory_space<vmem>>
        %dma_wait3A_215 = arith.constant 0 : i32
        %dma_wait3A_216 = tpu.memref_slice %arg4[%dma_wait3A_215] : memref<5177344xf32, #tpu.memory_space<hbm>> -> memref<2048xf32, #tpu.memory_space<hbm>>
        %dma_wait3A_217 = arith.constant 0 : i32
        %dma_wait3A_218 = tpu.memref_slice %arg10[%dma_wait3A_211, %dma_wait3A_217] : memref<2x2048xf32, #tpu.memory_space<vmem>> -> memref<1x2048xf32, #tpu.memory_space<vmem>>
        %dma_wait3A_219 = tpu.memref_squeeze %dma_wait3A_218 : memref<1x2048xf32, #tpu.memory_space<vmem>> -> memref<2048xf32, #tpu.memory_space<vmem>>
        %dma_wait3A_220 = arith.constant 0 : i32
        %dma_wait3A_221 = tpu.memref_slice %arg4[%dma_wait3A_220] : memref<5177344xf32, #tpu.memory_space<hbm>> -> memref<2048xf32, #tpu.memory_space<hbm>>
        tpu.wait_dma2 semaphore(%arg14 : memref<!tpu.dma_semaphore, #tpu.memory_space<semaphore_mem>>) src(%dma_wait3A_221 : memref<2048xf32, #tpu.memory_space<hbm>>) dst(%dma_wait3A_219 : memref<2048xf32, #tpu.memory_space<vmem>>)
      } else {
      }
      %add3A_145 = arith.constant 1 : i32
      %add3A_146 = arith.addi %while3A_127, %add3A_145 : i32
      %lt3A_147 = arith.cmpi slt, %add3A_146, %mul3A_99 : i32
      %convert_element_type3A_148 = arith.extui %lt3A_147 : i1 to i32
      %cond3A_149 = arith.constant 0 : i32
      %cond3A_150 = arith.cmpi ne, %convert_element_type3A_148, %cond3A_149 : i32
      scf.if %cond3A_150 {
        %add3A_187 = arith.constant 1 : i32
        %add3A_188 = arith.addi %while3A_127, %add3A_187 : i32
        %div3A_189 = arith.constant 2 : i32
        %div3A_190 = arith.divsi %add3A_188, %div3A_189 : i32
        %rem3A_191 = arith.constant 2 : i32
        %rem3A_192 = arith.remsi %add3A_188, %rem3A_191 : i32
        %rem3A_193 = arith.constant 2 : i32
        %rem3A_194 = arith.remsi %div3A_190, %rem3A_193 : i32
        %sub3A_195 = arith.constant 1 : i32
        %sub3A_196 = arith.subi %sub3A_195, %rem3A_192 : i32
        %rem3A_197 = arith.constant 2 : i32
        %rem3A_198 = arith.remsi %add3A_188, %rem3A_197 : i32
        %dma_start3A_199 = arith.constant 0 : i32
        %dma_start3A_200 = arith.constant 0 : i32
        %dma_start3A_201 = tpu.memref_slice %arg11[%rem3A_198, %dma_start3A_199, %dma_start3A_200] : memref<2x128x128xf32, #tpu.memory_space<vmem>> -> memref<1x128x128xf32, #tpu.memory_space<vmem>>
        %dma_start3A_202 = tpu.memref_squeeze %dma_start3A_201 : memref<1x128x128xf32, #tpu.memory_space<vmem>> -> memref<128x128xf32, #tpu.memory_space<vmem>>
        %dma_start3A_203 = arith.constant 0 : i32
        %dma_start3A_204 = tpu.memref_slice %arg9[%rem3A_194, %sub3A_196, %dma_start3A_203] : memref<2x2x128xi32, #tpu.memory_space<vmem>> -> memref<1x1x128xi32, #tpu.memory_space<vmem>>
        %dma_start3A_205 = tpu.memref_squeeze %dma_start3A_204 : memref<1x1x128xi32, #tpu.memory_space<vmem>> -> memref<128xi32, #tpu.memory_space<vmem>>
        %dma_start3A_206 = arith.constant 0 : i32
        %dma_start3A_207 = arith.constant 0 : i32
        %dma_start3A_208 = tpu.memref_slice %arg5[%dma_start3A_206, %dma_start3A_207] : memref<10112x128xf32, #tpu.memory_space<hbm>> -> memref<10112x128xf32, #tpu.memory_space<hbm>>
        tpu.enqueue_indirect_dma source(%dma_start3A_208 : memref<10112x128xf32, #tpu.memory_space<hbm>>) target(%dma_start3A_202 : memref<128x128xf32, #tpu.memory_space<vmem>>) offsets(%dma_start3A_205 : memref<128xi32, #tpu.memory_space<vmem>>) semaphore(%arg12 : memref<!tpu.dma_semaphore, #tpu.memory_space<semaphore_mem>>)
      } else {
      }
      %sub3A_151 = arith.constant 1 : i32
      %sub3A_152 = arith.subi %sub3A_151, %rem3A_131 : i32
      %dma_wait3A_153 = arith.constant 0 : i32
      %dma_wait3A_154 = arith.constant 0 : i32
      %dma_wait3A_155 = tpu.memref_slice %arg11[%rem3A_133, %dma_wait3A_153, %dma_wait3A_154] : memref<2x128x128xf32, #tpu.memory_space<vmem>> -> memref<1x128x128xf32, #tpu.memory_space<vmem>>
      %dma_wait3A_156 = tpu.memref_squeeze %dma_wait3A_155 : memref<1x128x128xf32, #tpu.memory_space<vmem>> -> memref<128x128xf32, #tpu.memory_space<vmem>>
      %dma_wait3A_157 = arith.constant 0 : i32
      %dma_wait3A_158 = tpu.memref_slice %arg9[%rem3A_135, %sub3A_152, %dma_wait3A_157] : memref<2x2x128xi32, #tpu.memory_space<vmem>> -> memref<1x1x128xi32, #tpu.memory_space<vmem>>
      %dma_wait3A_159 = tpu.memref_squeeze %dma_wait3A_158 : memref<1x1x128xi32, #tpu.memory_space<vmem>> -> memref<128xi32, #tpu.memory_space<vmem>>
      %dma_wait3A_160 = arith.constant 0 : i32
      %dma_wait3A_161 = arith.constant 0 : i32
      %dma_wait3A_162 = tpu.memref_slice %arg5[%dma_wait3A_160, %dma_wait3A_161] : memref<10112x128xf32, #tpu.memory_space<hbm>> -> memref<10112x128xf32, #tpu.memory_space<hbm>>
      tpu.wait_indirect_dma semaphore(%arg12 : memref<!tpu.dma_semaphore, #tpu.memory_space<semaphore_mem>>) src(%dma_wait3A_162 : memref<10112x128xf32, #tpu.memory_space<hbm>>) dst(%dma_wait3A_156 : memref<128x128xf32, #tpu.memory_space<vmem>>)
      %scan3A = arith.constant 0 : i32
      %scan3A_163 = arith.constant 0 : i32
      %scan3A_164 = arith.constant 128 : i32
      %scan3A_165 = arith.addi %scan3A_163, %scan3A_164 : i32
      %scan3A_166 = arith.constant 1 : i32
      scf.for %scan3A_187 = %scan3A_163 to %scan3A_165 step %scan3A_166  : i32 {
        %mul3A_188 = arith.constant 16 : i32
        %mul3A_189 = arith.muli %scan3A_187, %mul3A_188 : i32
        %get3A = arith.index_cast %rem3A_135 : i32 to index
        %get3A_190 = arith.index_cast %mul3A_189 : i32 to index
        %get3A_191 = tpu.vector_load %arg10[%get3A, %get3A_190] {strides = array<i32>} : memref<2x2048xf32, #tpu.memory_space<vmem>>, vector<1x16xf32>,
        %get3A_192 = vector.shape_cast %get3A_191 : vector<1x16xf32> to vector<16xf32>
        %get3A_193 = arith.index_cast %rem3A_133 : i32 to index
        %get3A_194 = arith.index_cast %scan3A_187 : i32 to index
        %get3A_195 = arith.constant 0 : index
        %get3A_196 = tpu.vector_load %arg11[%get3A_193, %get3A_194, %get3A_195] {strides = array<i32>} : memref<2x128x128xf32, #tpu.memory_space<vmem>>, vector<1x1x16xf32>,
        %get3A_197 = vector.shape_cast %get3A_196 : vector<1x1x16xf32> to vector<16xf32>
        %mul3A_198 = arith.mulf %get3A_197, %get3A_192 : vector<16xf32>
        %swap3A = arith.index_cast %rem3A_133 : i32 to index
        %swap3A_199 = arith.index_cast %scan3A_187 : i32 to index
        %swap3A_200 = arith.constant 0 : index
        %swap3A_201 = tpu.vector_load %arg11[%swap3A, %swap3A_199, %swap3A_200] {strides = array<i32>} : memref<2x128x128xf32, #tpu.memory_space<vmem>>, vector<1x1x16xf32>,
        %swap3A_202 = vector.shape_cast %swap3A_201 : vector<1x1x16xf32> to vector<16xf32>
        %swap3A_203 = vector.shape_cast %mul3A_198 : vector<16xf32> to vector<1x1x16xf32>
        tpu.vector_store %arg11[%swap3A, %swap3A_199, %swap3A_200], %swap3A_203 {strides = array<i32>} : memref<2x128x128xf32, #tpu.memory_space<vmem>>, vector<1x1x16xf32>,
        %get3A_204 = arith.index_cast %rem3A_133 : i32 to index
        %get3A_205 = arith.index_cast %scan3A_187 : i32 to index
        %get3A_206 = arith.constant 16 : index
        %get3A_207 = tpu.vector_load %arg11[%get3A_204, %get3A_205, %get3A_206] {strides = array<i32>} : memref<2x128x128xf32, #tpu.memory_space<vmem>>, vector<1x1x16xf32>,
        %get3A_208 = vector.shape_cast %get3A_207 : vector<1x1x16xf32> to vector<16xf32>
        %mul3A_209 = arith.mulf %get3A_208, %get3A_192 : vector<16xf32>
        %swap3A_210 = arith.index_cast %rem3A_133 : i32 to index
        %swap3A_211 = arith.index_cast %scan3A_187 : i32 to index
        %swap3A_212 = arith.constant 16 : index
        %swap3A_213 = tpu.vector_load %arg11[%swap3A_210, %swap3A_211, %swap3A_212] {strides = array<i32>} : memref<2x128x128xf32, #tpu.memory_space<vmem>>, vector<1x1x16xf32>,
        %swap3A_214 = vector.shape_cast %swap3A_213 : vector<1x1x16xf32> to vector<16xf32>
        %swap3A_215 = vector.shape_cast %mul3A_209 : vector<16xf32> to vector<1x1x16xf32>
        tpu.vector_store %arg11[%swap3A_210, %swap3A_211, %swap3A_212], %swap3A_215 {strides = array<i32>} : memref<2x128x128xf32, #tpu.memory_space<vmem>>, vector<1x1x16xf32>,
        %get3A_216 = arith.index_cast %rem3A_133 : i32 to index
        %get3A_217 = arith.index_cast %scan3A_187 : i32 to index
        %get3A_218 = arith.constant 32 : index
        %get3A_219 = tpu.vector_load %arg11[%get3A_216, %get3A_217, %get3A_218] {strides = array<i32>} : memref<2x128x128xf32, #tpu.memory_space<vmem>>, vector<1x1x16xf32>,
        %get3A_220 = vector.shape_cast %get3A_219 : vector<1x1x16xf32> to vector<16xf32>
        %mul3A_221 = arith.mulf %get3A_220, %get3A_192 : vector<16xf32>
        %swap3A_222 = arith.index_cast %rem3A_133 : i32 to index
        %swap3A_223 = arith.index_cast %scan3A_187 : i32 to index
        %swap3A_224 = arith.constant 32 : index
        %swap3A_225 = tpu.vector_load %arg11[%swap3A_222, %swap3A_223, %swap3A_224] {strides = array<i32>} : memref<2x128x128xf32, #tpu.memory_space<vmem>>, vector<1x1x16xf32>,
        %swap3A_226 = vector.shape_cast %swap3A_225 : vector<1x1x16xf32> to vector<16xf32>
        %swap3A_227 = vector.shape_cast %mul3A_221 : vector<16xf32> to vector<1x1x16xf32>
        tpu.vector_store %arg11[%swap3A_222, %swap3A_223, %swap3A_224], %swap3A_227 {strides = array<i32>} : memref<2x128x128xf32, #tpu.memory_space<vmem>>, vector<1x1x16xf32>,
        %get3A_228 = arith.index_cast %rem3A_133 : i32 to index
        %get3A_229 = arith.index_cast %scan3A_187 : i32 to index
        %get3A_230 = arith.constant 48 : index
        %get3A_231 = tpu.vector_load %arg11[%get3A_228, %get3A_229, %get3A_230] {strides = array<i32>} : memref<2x128x128xf32, #tpu.memory_space<vmem>>, vector<1x1x16xf32>,
        %get3A_232 = vector.shape_cast %get3A_231 : vector<1x1x16xf32> to vector<16xf32>
        %mul3A_233 = arith.mulf %get3A_232, %get3A_192 : vector<16xf32>
        %swap3A_234 = arith.index_cast %rem3A_133 : i32 to index
        %swap3A_235 = arith.index_cast %scan3A_187 : i32 to index
        %swap3A_236 = arith.constant 48 : index
        %swap3A_237 = tpu.vector_load %arg11[%swap3A_234, %swap3A_235, %swap3A_236] {strides = array<i32>} : memref<2x128x128xf32, #tpu.memory_space<vmem>>, vector<1x1x16xf32>,
        %swap3A_238 = vector.shape_cast %swap3A_237 : vector<1x1x16xf32> to vector<16xf32>
        %swap3A_239 = vector.shape_cast %mul3A_233 : vector<16xf32> to vector<1x1x16xf32>
        tpu.vector_store %arg11[%swap3A_234, %swap3A_235, %swap3A_236], %swap3A_239 {strides = array<i32>} : memref<2x128x128xf32, #tpu.memory_space<vmem>>, vector<1x1x16xf32>,
        %get3A_240 = arith.index_cast %rem3A_133 : i32 to index
        %get3A_241 = arith.index_cast %scan3A_187 : i32 to index
        %get3A_242 = arith.constant 64 : index
        %get3A_243 = tpu.vector_load %arg11[%get3A_240, %get3A_241, %get3A_242] {strides = array<i32>} : memref<2x128x128xf32, #tpu.memory_space<vmem>>, vector<1x1x16xf32>,
        %get3A_244 = vector.shape_cast %get3A_243 : vector<1x1x16xf32> to vector<16xf32>
        %mul3A_245 = arith.mulf %get3A_244, %get3A_192 : vector<16xf32>
        %swap3A_246 = arith.index_cast %rem3A_133 : i32 to index
        %swap3A_247 = arith.index_cast %scan3A_187 : i32 to index
        %swap3A_248 = arith.constant 64 : index
        %swap3A_249 = tpu.vector_load %arg11[%swap3A_246, %swap3A_247, %swap3A_248] {strides = array<i32>} : memref<2x128x128xf32, #tpu.memory_space<vmem>>, vector<1x1x16xf32>,
        %swap3A_250 = vector.shape_cast %swap3A_249 : vector<1x1x16xf32> to vector<16xf32>
        %swap3A_251 = vector.shape_cast %mul3A_245 : vector<16xf32> to vector<1x1x16xf32>
        tpu.vector_store %arg11[%swap3A_246, %swap3A_247, %swap3A_248], %swap3A_251 {strides = array<i32>} : memref<2x128x128xf32, #tpu.memory_space<vmem>>, vector<1x1x16xf32>,
        %get3A_252 = arith.index_cast %rem3A_133 : i32 to index
        %get3A_253 = arith.index_cast %scan3A_187 : i32 to index
        %get3A_254 = arith.constant 80 : index
        %get3A_255 = tpu.vector_load %arg11[%get3A_252, %get3A_253, %get3A_254] {strides = array<i32>} : memref<2x128x128xf32, #tpu.memory_space<vmem>>, vector<1x1x16xf32>,
        %get3A_256 = vector.shape_cast %get3A_255 : vector<1x1x16xf32> to vector<16xf32>
        %mul3A_257 = arith.mulf %get3A_256, %get3A_192 : vector<16xf32>
        %swap3A_258 = arith.index_cast %rem3A_133 : i32 to index
        %swap3A_259 = arith.index_cast %scan3A_187 : i32 to index
        %swap3A_260 = arith.constant 80 : index
        %swap3A_261 = tpu.vector_load %arg11[%swap3A_258, %swap3A_259, %swap3A_260] {strides = array<i32>} : memref<2x128x128xf32, #tpu.memory_space<vmem>>, vector<1x1x16xf32>,
        %swap3A_262 = vector.shape_cast %swap3A_261 : vector<1x1x16xf32> to vector<16xf32>
        %swap3A_263 = vector.shape_cast %mul3A_257 : vector<16xf32> to vector<1x1x16xf32>
        tpu.vector_store %arg11[%swap3A_258, %swap3A_259, %swap3A_260], %swap3A_263 {strides = array<i32>} : memref<2x128x128xf32, #tpu.memory_space<vmem>>, vector<1x1x16xf32>,
        %get3A_264 = arith.index_cast %rem3A_133 : i32 to index
        %get3A_265 = arith.index_cast %scan3A_187 : i32 to index
        %get3A_266 = arith.constant 96 : index
        %get3A_267 = tpu.vector_load %arg11[%get3A_264, %get3A_265, %get3A_266] {strides = array<i32>} : memref<2x128x128xf32, #tpu.memory_space<vmem>>, vector<1x1x16xf32>,
        %get3A_268 = vector.shape_cast %get3A_267 : vector<1x1x16xf32> to vector<16xf32>
        %mul3A_269 = arith.mulf %get3A_268, %get3A_192 : vector<16xf32>
        %swap3A_270 = arith.index_cast %rem3A_133 : i32 to index
        %swap3A_271 = arith.index_cast %scan3A_187 : i32 to index
        %swap3A_272 = arith.constant 96 : index
        %swap3A_273 = tpu.vector_load %arg11[%swap3A_270, %swap3A_271, %swap3A_272] {strides = array<i32>} : memref<2x128x128xf32, #tpu.memory_space<vmem>>, vector<1x1x16xf32>,
        %swap3A_274 = vector.shape_cast %swap3A_273 : vector<1x1x16xf32> to vector<16xf32>
        %swap3A_275 = vector.shape_cast %mul3A_269 : vector<16xf32> to vector<1x1x16xf32>
        tpu.vector_store %arg11[%swap3A_270, %swap3A_271, %swap3A_272], %swap3A_275 {strides = array<i32>} : memref<2x128x128xf32, #tpu.memory_space<vmem>>, vector<1x1x16xf32>,
        %get3A_276 = arith.index_cast %rem3A_133 : i32 to index
        %get3A_277 = arith.index_cast %scan3A_187 : i32 to index
        %get3A_278 = arith.constant 112 : index
        %get3A_279 = tpu.vector_load %arg11[%get3A_276, %get3A_277, %get3A_278] {strides = array<i32>} : memref<2x128x128xf32, #tpu.memory_space<vmem>>, vector<1x1x16xf32>,
        %get3A_280 = vector.shape_cast %get3A_279 : vector<1x1x16xf32> to vector<16xf32>
        %mul3A_281 = arith.mulf %get3A_280, %get3A_192 : vector<16xf32>
        %swap3A_282 = arith.index_cast %rem3A_133 : i32 to index
        %swap3A_283 = arith.index_cast %scan3A_187 : i32 to index
        %swap3A_284 = arith.constant 112 : index
        %swap3A_285 = tpu.vector_load %arg11[%swap3A_282, %swap3A_283, %swap3A_284] {strides = array<i32>} : memref<2x128x128xf32, #tpu.memory_space<vmem>>, vector<1x1x16xf32>,
        %swap3A_286 = vector.shape_cast %swap3A_285 : vector<1x1x16xf32> to vector<16xf32>
        %swap3A_287 = vector.shape_cast %mul3A_281 : vector<16xf32> to vector<1x1x16xf32>
        tpu.vector_store %arg11[%swap3A_282, %swap3A_283, %swap3A_284], %swap3A_287 {strides = array<i32>} : memref<2x128x128xf32, #tpu.memory_space<vmem>>, vector<1x1x16xf32>,
      }
      %scan3A_167 = arith.constant 128 : i32
      %dma_start3A_168 = arith.constant 0 : i32
      %dma_start3A_169 = arith.constant 0 : i32
      %dma_start3A_170 = tpu.memref_slice %arg11[%rem3A_133, %dma_start3A_168, %dma_start3A_169] : memref<2x128x128xf32, #tpu.memory_space<vmem>> -> memref<1x128x128xf32, #tpu.memory_space<vmem>>
      %dma_start3A_171 = tpu.memref_squeeze %dma_start3A_170 : memref<1x128x128xf32, #tpu.memory_space<vmem>> -> memref<128x128xf32, #tpu.memory_space<vmem>>
      %dma_start3A_172 = arith.constant 0 : i32
      %dma_start3A_173 = tpu.memref_slice %arg9[%rem3A_135, %rem3A_131, %dma_start3A_172] : memref<2x2x128xi32, #tpu.memory_space<vmem>> -> memref<1x1x128xi32, #tpu.memory_space<vmem>>
      %dma_start3A_174 = tpu.memref_squeeze %dma_start3A_173 : memref<1x1x128xi32, #tpu.memory_space<vmem>> -> memref<128xi32, #tpu.memory_space<vmem>>
      %dma_start3A_175 = arith.constant 0 : i32
      %dma_start3A_176 = arith.constant 0 : i32
      %dma_start3A_177 = tpu.memref_slice %arg8[%dma_start3A_175, %dma_start3A_176] : memref<10112x128xf32, #tpu.memory_space<vmem_shared>> -> memref<10112x128xf32, #tpu.memory_space<vmem_shared>>
      tpu.enqueue_indirect_dma source(%dma_start3A_171 : memref<128x128xf32, #tpu.memory_space<vmem>>) target(%dma_start3A_177 : memref<10112x128xf32, #tpu.memory_space<vmem_shared>>) offsets(%dma_start3A_174 : memref<128xi32, #tpu.memory_space<vmem>>) semaphore(%arg13 : memref<!tpu.dma_semaphore, #tpu.memory_space<semaphore_mem>>) {add = true}
      %eq3A_178 = arith.constant 0 : i32
      %eq3A_179 = arith.cmpi eq, %rem3A_131, %eq3A_178 : i32
      %add3A_180 = arith.constant 1 : i32
      %add3A_181 = arith.addi %div3A_129, %add3A_180 : i32
      %lt3A_182 = arith.cmpi slt, %add3A_181, %select_n3A : i32
      %and3A_183 = arith.andi %eq3A_179, %lt3A_182 : i1
      %convert_element_type3A_184 = arith.extui %and3A_183 : i1 to i32
      %cond3A_185 = arith.constant 0 : i32
      %cond3A_186 = arith.cmpi ne, %convert_element_type3A_184, %cond3A_185 : i32
      scf.if %cond3A_186 {
        %add3A_187 = arith.constant 1 : i32
        %add3A_188 = arith.addi %div3A_129, %add3A_187 : i32
        %add3A_189 = arith.constant 1 : i32
        %add3A_190 = arith.addi %div3A_129, %add3A_189 : i32
        %rem3A_191 = arith.constant 2 : i32
        %rem3A_192 = arith.remsi %add3A_190, %rem3A_191 : i32
        %add3A_193 = arith.addi %add3A, %add3A_188 : i32
        %mul3A_194 = arith.constant 128 : i32
        %mul3A_195 = arith.muli %add3A_193, %mul3A_194 : i32
        %dma_start3A_196 = arith.constant 0 : i32
        %dma_start3A_197 = arith.constant 0 : i32
        %dma_start3A_198 = tpu.memref_slice %arg9[%rem3A_192, %dma_start3A_196, %dma_start3A_197] : memref<2x2x128xi32, #tpu.memory_space<vmem>> -> memref<1x1x128xi32, #tpu.memory_space<vmem>>
        %dma_start3A_199 = tpu.memref_squeeze %dma_start3A_198 : memref<1x1x128xi32, #tpu.memory_space<vmem>> -> memref<128xi32, #tpu.memory_space<vmem>>
        %dma_start3A_200 = tpu.memref_slice %arg2[%mul3A_195] : memref<323584xi32, #tpu.memory_space<hbm>> -> memref<128xi32, #tpu.memory_space<hbm>>
        %dma_start3A_201 = arith.constant 0 : i32
        %dma_start3A_202 = tpu.memref_slice %arg9[%rem3A_192, %dma_start3A_196, %dma_start3A_201] : memref<2x2x128xi32, #tpu.memory_space<vmem>> -> memref<1x1x128xi32, #tpu.memory_space<vmem>>
        %dma_start3A_203 = tpu.memref_squeeze %dma_start3A_202 : memref<1x1x128xi32, #tpu.memory_space<vmem>> -> memref<128xi32, #tpu.memory_space<vmem>>
        %dma_start3A_204 = tpu.memref_slice %arg2[%mul3A_195] : memref<323584xi32, #tpu.memory_space<hbm>> -> memref<128xi32, #tpu.memory_space<hbm>>
        tpu.enqueue_dma source(%dma_start3A_204 : memref<128xi32, #tpu.memory_space<hbm>>) target(%dma_start3A_203 : memref<128xi32, #tpu.memory_space<vmem>>) target_semaphore(%arg14 : memref<!tpu.dma_semaphore, #tpu.memory_space<semaphore_mem>>)
        %dma_start3A_205 = arith.constant 1 : i32
        %dma_start3A_206 = arith.constant 0 : i32
        %dma_start3A_207 = tpu.memref_slice %arg9[%rem3A_192, %dma_start3A_205, %dma_start3A_206] : memref<2x2x128xi32, #tpu.memory_space<vmem>> -> memref<1x1x128xi32, #tpu.memory_space<vmem>>
        %dma_start3A_208 = tpu.memref_squeeze %dma_start3A_207 : memref<1x1x128xi32, #tpu.memory_space<vmem>> -> memref<128xi32, #tpu.memory_space<vmem>>
        %dma_start3A_209 = tpu.memref_slice %arg3[%mul3A_195] : memref<323584xi32, #tpu.memory_space<hbm>> -> memref<128xi32, #tpu.memory_space<hbm>>
        %dma_start3A_210 = arith.constant 0 : i32
        %dma_start3A_211 = tpu.memref_slice %arg9[%rem3A_192, %dma_start3A_205, %dma_start3A_210] : memref<2x2x128xi32, #tpu.memory_space<vmem>> -> memref<1x1x128xi32, #tpu.memory_space<vmem>>
        %dma_start3A_212 = tpu.memref_squeeze %dma_start3A_211 : memref<1x1x128xi32, #tpu.memory_space<vmem>> -> memref<128xi32, #tpu.memory_space<vmem>>
        %dma_start3A_213 = tpu.memref_slice %arg3[%mul3A_195] : memref<323584xi32, #tpu.memory_space<hbm>> -> memref<128xi32, #tpu.memory_space<hbm>>
        tpu.enqueue_dma source(%dma_start3A_213 : memref<128xi32, #tpu.memory_space<hbm>>) target(%dma_start3A_212 : memref<128xi32, #tpu.memory_space<vmem>>) target_semaphore(%arg14 : memref<!tpu.dma_semaphore, #tpu.memory_space<semaphore_mem>>)
        %mul3A_214 = arith.constant 16 : i32
        %mul3A_215 = arith.muli %mul3A_195, %mul3A_214 : i32
        %dma_start3A_216 = arith.constant 0 : i32
        %dma_start3A_217 = tpu.memref_slice %arg10[%rem3A_192, %dma_start3A_216] : memref<2x2048xf32, #tpu.memory_space<vmem>> -> memref<1x2048xf32, #tpu.memory_space<vmem>>
        %dma_start3A_218 = tpu.memref_squeeze %dma_start3A_217 : memref<1x2048xf32, #tpu.memory_space<vmem>> -> memref<2048xf32, #tpu.memory_space<vmem>>
        %dma_start3A_219 = tpu.memref_slice %arg4[%mul3A_215] : memref<5177344xf32, #tpu.memory_space<hbm>> -> memref<2048xf32, #tpu.memory_space<hbm>>
        %dma_start3A_220 = arith.constant 0 : i32
        %dma_start3A_221 = tpu.memref_slice %arg10[%rem3A_192, %dma_start3A_220] : memref<2x2048xf32, #tpu.memory_space<vmem>> -> memref<1x2048xf32, #tpu.memory_space<vmem>>
        %dma_start3A_222 = tpu.memref_squeeze %dma_start3A_221 : memref<1x2048xf32, #tpu.memory_space<vmem>> -> memref<2048xf32, #tpu.memory_space<vmem>>
        %dma_start3A_223 = tpu.memref_slice %arg4[%mul3A_215] : memref<5177344xf32, #tpu.memory_space<hbm>> -> memref<2048xf32, #tpu.memory_space<hbm>>
        tpu.enqueue_dma source(%dma_start3A_223 : memref<2048xf32, #tpu.memory_space<hbm>>) target(%dma_start3A_222 : memref<2048xf32, #tpu.memory_space<vmem>>) target_semaphore(%arg14 : memref<!tpu.dma_semaphore, #tpu.memory_space<semaphore_mem>>)
      } else {
      }
    }
    %while3A_108 = arith.constant 1 : i32
    scf.for %while3A_127 = %while3A_106 to %while3A_102 step %while3A_108  : i32 {
      %div3A_128 = arith.constant 2 : i32
      %div3A_129 = arith.divsi %while3A_127, %div3A_128 : i32
      %rem3A_130 = arith.constant 2 : i32
      %rem3A_131 = arith.remsi %while3A_127, %rem3A_130 : i32
      %rem3A_132 = arith.constant 2 : i32
      %rem3A_133 = arith.remsi %while3A_127, %rem3A_132 : i32
      %rem3A_134 = arith.constant 2 : i32
      %rem3A_135 = arith.remsi %div3A_129, %rem3A_134 : i32
      %gt3A = arith.constant 0 : i32
      %gt3A_136 = arith.cmpi sgt, %while3A_127, %gt3A : i32
      %convert_element_type3A = arith.extui %gt3A_136 : i1 to i32
      %cond3A = arith.constant 0 : i32
      %cond3A_137 = arith.cmpi ne, %convert_element_type3A, %cond3A : i32
      scf.if %cond3A_137 {
        %dma_wait3A_187 = arith.constant 0 : i32
        %dma_wait3A_188 = arith.constant 0 : i32
        %dma_wait3A_189 = arith.constant 0 : i32
        %dma_wait3A_190 = arith.constant 0 : i32
        %dma_wait3A_191 = arith.constant 0 : i32
        %dma_wait3A_192 = tpu.memref_slice %arg11[%dma_wait3A_187, %dma_wait3A_190, %dma_wait3A_191] : memref<2x128x128xf32, #tpu.memory_space<vmem>> -> memref<1x128x128xf32, #tpu.memory_space<vmem>>
        %dma_wait3A_193 = tpu.memref_squeeze %dma_wait3A_192 : memref<1x128x128xf32, #tpu.memory_space<vmem>> -> memref<128x128xf32, #tpu.memory_space<vmem>>
        %dma_wait3A_194 = arith.constant 0 : i32
        %dma_wait3A_195 = tpu.memref_slice %arg9[%dma_wait3A_188, %dma_wait3A_189, %dma_wait3A_194] : memref<2x2x128xi32, #tpu.memory_space<vmem>> -> memref<1x1x128xi32, #tpu.memory_space<vmem>>
        %dma_wait3A_196 = tpu.memref_squeeze %dma_wait3A_195 : memref<1x1x128xi32, #tpu.memory_space<vmem>> -> memref<128xi32, #tpu.memory_space<vmem>>
        %dma_wait3A_197 = arith.constant 0 : i32
        %dma_wait3A_198 = arith.constant 0 : i32
        %dma_wait3A_199 = tpu.memref_slice %arg8[%dma_wait3A_197, %dma_wait3A_198] : memref<10112x128xf32, #tpu.memory_space<vmem_shared>> -> memref<10112x128xf32, #tpu.memory_space<vmem_shared>>
        tpu.wait_indirect_dma semaphore(%arg13 : memref<!tpu.dma_semaphore, #tpu.memory_space<semaphore_mem>>) src(%dma_wait3A_193 : memref<128x128xf32, #tpu.memory_space<vmem>>) dst(%dma_wait3A_199 : memref<10112x128xf32, #tpu.memory_space<vmem_shared>>)
      } else {
      }
      %eq3A_138 = arith.constant 1 : i32
      %eq3A_139 = arith.cmpi eq, %rem3A_131, %eq3A_138 : i32
      %add3A_140 = arith.constant 1 : i32
      %add3A_141 = arith.addi %div3A_129, %add3A_140 : i32
      %lt3A = arith.cmpi slt, %add3A_141, %select_n3A : i32
      %and3A = arith.andi %eq3A_139, %lt3A : i1
      %convert_element_type3A_142 = arith.extui %and3A : i1 to i32
      %cond3A_143 = arith.constant 0 : i32
      %cond3A_144 = arith.cmpi ne, %convert_element_type3A_142, %cond3A_143 : i32
      scf.if %cond3A_144 {
        %dma_wait3A_187 = arith.constant 0 : i32
        %dma_wait3A_188 = arith.constant 0 : i32
        %dma_wait3A_189 = arith.constant 0 : i32
        %dma_wait3A_190 = tpu.memref_slice %arg9[%dma_wait3A_187, %dma_wait3A_188, %dma_wait3A_189] : memref<2x2x128xi32, #tpu.memory_space<vmem>> -> memref<1x1x128xi32, #tpu.memory_space<vmem>>
        %dma_wait3A_191 = tpu.memref_squeeze %dma_wait3A_190 : memref<1x1x128xi32, #tpu.memory_space<vmem>> -> memref<128xi32, #tpu.memory_space<vmem>>
        %dma_wait3A_192 = arith.constant 0 : i32
        %dma_wait3A_193 = tpu.memref_slice %arg2[%dma_wait3A_192] : memref<323584xi32, #tpu.memory_space<hbm>> -> memref<128xi32, #tpu.memory_space<hbm>>
        %dma_wait3A_194 = arith.constant 0 : i32
        %dma_wait3A_195 = tpu.memref_slice %arg9[%dma_wait3A_187, %dma_wait3A_188, %dma_wait3A_194] : memref<2x2x128xi32, #tpu.memory_space<vmem>> -> memref<1x1x128xi32, #tpu.memory_space<vmem>>
        %dma_wait3A_196 = tpu.memref_squeeze %dma_wait3A_195 : memref<1x1x128xi32, #tpu.memory_space<vmem>> -> memref<128xi32, #tpu.memory_space<vmem>>
        %dma_wait3A_197 = arith.constant 0 : i32
        %dma_wait3A_198 = tpu.memref_slice %arg2[%dma_wait3A_197] : memref<323584xi32, #tpu.memory_space<hbm>> -> memref<128xi32, #tpu.memory_space<hbm>>
        tpu.wait_dma2 semaphore(%arg14 : memref<!tpu.dma_semaphore, #tpu.memory_space<semaphore_mem>>) src(%dma_wait3A_198 : memref<128xi32, #tpu.memory_space<hbm>>) dst(%dma_wait3A_196 : memref<128xi32, #tpu.memory_space<vmem>>)
        %dma_wait3A_199 = arith.constant 0 : i32
        %dma_wait3A_200 = arith.constant 1 : i32
        %dma_wait3A_201 = arith.constant 0 : i32
        %dma_wait3A_202 = tpu.memref_slice %arg9[%dma_wait3A_199, %dma_wait3A_200, %dma_wait3A_201] : memref<2x2x128xi32, #tpu.memory_space<vmem>> -> memref<1x1x128xi32, #tpu.memory_space<vmem>>
        %dma_wait3A_203 = tpu.memref_squeeze %dma_wait3A_202 : memref<1x1x128xi32, #tpu.memory_space<vmem>> -> memref<128xi32, #tpu.memory_space<vmem>>
        %dma_wait3A_204 = arith.constant 0 : i32
        %dma_wait3A_205 = tpu.memref_slice %arg3[%dma_wait3A_204] : memref<323584xi32, #tpu.memory_space<hbm>> -> memref<128xi32, #tpu.memory_space<hbm>>
        %dma_wait3A_206 = arith.constant 0 : i32
        %dma_wait3A_207 = tpu.memref_slice %arg9[%dma_wait3A_199, %dma_wait3A_200, %dma_wait3A_206] : memref<2x2x128xi32, #tpu.memory_space<vmem>> -> memref<1x1x128xi32, #tpu.memory_space<vmem>>
        %dma_wait3A_208 = tpu.memref_squeeze %dma_wait3A_207 : memref<1x1x128xi32, #tpu.memory_space<vmem>> -> memref<128xi32, #tpu.memory_space<vmem>>
        %dma_wait3A_209 = arith.constant 0 : i32
        %dma_wait3A_210 = tpu.memref_slice %arg3[%dma_wait3A_209] : memref<323584xi32, #tpu.memory_space<hbm>> -> memref<128xi32, #tpu.memory_space<hbm>>
        tpu.wait_dma2 semaphore(%arg14 : memref<!tpu.dma_semaphore, #tpu.memory_space<semaphore_mem>>) src(%dma_wait3A_210 : memref<128xi32, #tpu.memory_space<hbm>>) dst(%dma_wait3A_208 : memref<128xi32, #tpu.memory_space<vmem>>)
        %dma_wait3A_211 = arith.constant 0 : i32
        %dma_wait3A_212 = arith.constant 0 : i32
        %dma_wait3A_213 = tpu.memref_slice %arg10[%dma_wait3A_211, %dma_wait3A_212] : memref<2x2048xf32, #tpu.memory_space<vmem>> -> memref<1x2048xf32, #tpu.memory_space<vmem>>
        %dma_wait3A_214 = tpu.memref_squeeze %dma_wait3A_213 : memref<1x2048xf32, #tpu.memory_space<vmem>> -> memref<2048xf32, #tpu.memory_space<vmem>>
        %dma_wait3A_215 = arith.constant 0 : i32
        %dma_wait3A_216 = tpu.memref_slice %arg4[%dma_wait3A_215] : memref<5177344xf32, #tpu.memory_space<hbm>> -> memref<2048xf32, #tpu.memory_space<hbm>>
        %dma_wait3A_217 = arith.constant 0 : i32
        %dma_wait3A_218 = tpu.memref_slice %arg10[%dma_wait3A_211, %dma_wait3A_217] : memref<2x2048xf32, #tpu.memory_space<vmem>> -> memref<1x2048xf32, #tpu.memory_space<vmem>>
        %dma_wait3A_219 = tpu.memref_squeeze %dma_wait3A_218 : memref<1x2048xf32, #tpu.memory_space<vmem>> -> memref<2048xf32, #tpu.memory_space<vmem>>
        %dma_wait3A_220 = arith.constant 0 : i32
        %dma_wait3A_221 = tpu.memref_slice %arg4[%dma_wait3A_220] : memref<5177344xf32, #tpu.memory_space<hbm>> -> memref<2048xf32, #tpu.memory_space<hbm>>
        tpu.wait_dma2 semaphore(%arg14 : memref<!tpu.dma_semaphore, #tpu.memory_space<semaphore_mem>>) src(%dma_wait3A_221 : memref<2048xf32, #tpu.memory_space<hbm>>) dst(%dma_wait3A_219 : memref<2048xf32, #tpu.memory_space<vmem>>)
      } else {
      }
      %add3A_145 = arith.constant 1 : i32
      %add3A_146 = arith.addi %while3A_127, %add3A_145 : i32
      %lt3A_147 = arith.cmpi slt, %add3A_146, %mul3A_99 : i32
      %convert_element_type3A_148 = arith.extui %lt3A_147 : i1 to i32
      %cond3A_149 = arith.constant 0 : i32
      %cond3A_150 = arith.cmpi ne, %convert_element_type3A_148, %cond3A_149 : i32
      scf.if %cond3A_150 {
        %add3A_187 = arith.constant 1 : i32
        %add3A_188 = arith.addi %while3A_127, %add3A_187 : i32
        %div3A_189 = arith.constant 2 : i32
        %div3A_190 = arith.divsi %add3A_188, %div3A_189 : i32
        %rem3A_191 = arith.constant 2 : i32
        %rem3A_192 = arith.remsi %add3A_188, %rem3A_191 : i32
        %rem3A_193 = arith.constant 2 : i32
        %rem3A_194 = arith.remsi %div3A_190, %rem3A_193 : i32
        %sub3A_195 = arith.constant 1 : i32
        %sub3A_196 = arith.subi %sub3A_195, %rem3A_192 : i32
        %rem3A_197 = arith.constant 2 : i32
        %rem3A_198 = arith.remsi %add3A_188, %rem3A_197 : i32
        %dma_start3A_199 = arith.constant 0 : i32
        %dma_start3A_200 = arith.constant 0 : i32
        %dma_start3A_201 = tpu.memref_slice %arg11[%rem3A_198, %dma_start3A_199, %dma_start3A_200] : memref<2x128x128xf32, #tpu.memory_space<vmem>> -> memref<1x128x128xf32, #tpu.memory_space<vmem>>
        %dma_start3A_202 = tpu.memref_squeeze %dma_start3A_201 : memref<1x128x128xf32, #tpu.memory_space<vmem>> -> memref<128x128xf32, #tpu.memory_space<vmem>>
        %dma_start3A_203 = arith.constant 0 : i32
        %dma_start3A_204 = tpu.memref_slice %arg9[%rem3A_194, %sub3A_196, %dma_start3A_203] : memref<2x2x128xi32, #tpu.memory_space<vmem>> -> memref<1x1x128xi32, #tpu.memory_space<vmem>>
        %dma_start3A_205 = tpu.memref_squeeze %dma_start3A_204 : memref<1x1x128xi32, #tpu.memory_space<vmem>> -> memref<128xi32, #tpu.memory_space<vmem>>
        %dma_start3A_206 = arith.constant 0 : i32
        %dma_start3A_207 = arith.constant 0 : i32
        %dma_start3A_208 = tpu.memref_slice %arg5[%dma_start3A_206, %dma_start3A_207] : memref<10112x128xf32, #tpu.memory_space<hbm>> -> memref<10112x128xf32, #tpu.memory_space<hbm>>
        tpu.enqueue_indirect_dma source(%dma_start3A_208 : memref<10112x128xf32, #tpu.memory_space<hbm>>) target(%dma_start3A_202 : memref<128x128xf32, #tpu.memory_space<vmem>>) offsets(%dma_start3A_205 : memref<128xi32, #tpu.memory_space<vmem>>) semaphore(%arg12 : memref<!tpu.dma_semaphore, #tpu.memory_space<semaphore_mem>>)
      } else {
      }
      %sub3A_151 = arith.constant 1 : i32
      %sub3A_152 = arith.subi %sub3A_151, %rem3A_131 : i32
      %dma_wait3A_153 = arith.constant 0 : i32
      %dma_wait3A_154 = arith.constant 0 : i32
      %dma_wait3A_155 = tpu.memref_slice %arg11[%rem3A_133, %dma_wait3A_153, %dma_wait3A_154] : memref<2x128x128xf32, #tpu.memory_space<vmem>> -> memref<1x128x128xf32, #tpu.memory_space<vmem>>
      %dma_wait3A_156 = tpu.memref_squeeze %dma_wait3A_155 : memref<1x128x128xf32, #tpu.memory_space<vmem>> -> memref<128x128xf32, #tpu.memory_space<vmem>>
      %dma_wait3A_157 = arith.constant 0 : i32
      %dma_wait3A_158 = tpu.memref_slice %arg9[%rem3A_135, %sub3A_152, %dma_wait3A_157] : memref<2x2x128xi32, #tpu.memory_space<vmem>> -> memref<1x1x128xi32, #tpu.memory_space<vmem>>
      %dma_wait3A_159 = tpu.memref_squeeze %dma_wait3A_158 : memref<1x1x128xi32, #tpu.memory_space<vmem>> -> memref<128xi32, #tpu.memory_space<vmem>>
      %dma_wait3A_160 = arith.constant 0 : i32
      %dma_wait3A_161 = arith.constant 0 : i32
      %dma_wait3A_162 = tpu.memref_slice %arg5[%dma_wait3A_160, %dma_wait3A_161] : memref<10112x128xf32, #tpu.memory_space<hbm>> -> memref<10112x128xf32, #tpu.memory_space<hbm>>
      tpu.wait_indirect_dma semaphore(%arg12 : memref<!tpu.dma_semaphore, #tpu.memory_space<semaphore_mem>>) src(%dma_wait3A_162 : memref<10112x128xf32, #tpu.memory_space<hbm>>) dst(%dma_wait3A_156 : memref<128x128xf32, #tpu.memory_space<vmem>>)
      %scan3A = arith.constant 0 : i32
      %scan3A_163 = arith.constant 0 : i32
      %scan3A_164 = arith.constant 128 : i32
      %scan3A_165 = arith.addi %scan3A_163, %scan3A_164 : i32
      %scan3A_166 = arith.constant 1 : i32
      scf.for %scan3A_187 = %scan3A_163 to %scan3A_165 step %scan3A_166  : i32 {
        %mul3A_188 = arith.constant 16 : i32
        %mul3A_189 = arith.muli %scan3A_187, %mul3A_188 : i32
        %get3A = arith.index_cast %rem3A_135 : i32 to index
        %get3A_190 = arith.index_cast %mul3A_189 : i32 to index
        %get3A_191 = tpu.vector_load %arg10[%get3A, %get3A_190] {strides = array<i32>} : memref<2x2048xf32, #tpu.memory_space<vmem>>, vector<1x16xf32>,
        %get3A_192 = vector.shape_cast %get3A_191 : vector<1x16xf32> to vector<16xf32>
        %get3A_193 = arith.index_cast %rem3A_133 : i32 to index
        %get3A_194 = arith.index_cast %scan3A_187 : i32 to index
        %get3A_195 = arith.constant 0 : index
        %get3A_196 = tpu.vector_load %arg11[%get3A_193, %get3A_194, %get3A_195] {strides = array<i32>} : memref<2x128x128xf32, #tpu.memory_space<vmem>>, vector<1x1x16xf32>,
        %get3A_197 = vector.shape_cast %get3A_196 : vector<1x1x16xf32> to vector<16xf32>
        %mul3A_198 = arith.mulf %get3A_197, %get3A_192 : vector<16xf32>
        %swap3A = arith.index_cast %rem3A_133 : i32 to index
        %swap3A_199 = arith.index_cast %scan3A_187 : i32 to index
        %swap3A_200 = arith.constant 0 : index
        %swap3A_201 = tpu.vector_load %arg11[%swap3A, %swap3A_199, %swap3A_200] {strides = array<i32>} : memref<2x128x128xf32, #tpu.memory_space<vmem>>, vector<1x1x16xf32>,
        %swap3A_202 = vector.shape_cast %swap3A_201 : vector<1x1x16xf32> to vector<16xf32>
        %swap3A_203 = vector.shape_cast %mul3A_198 : vector<16xf32> to vector<1x1x16xf32>
        tpu.vector_store %arg11[%swap3A, %swap3A_199, %swap3A_200], %swap3A_203 {strides = array<i32>} : memref<2x128x128xf32, #tpu.memory_space<vmem>>, vector<1x1x16xf32>,
        %get3A_204 = arith.index_cast %rem3A_133 : i32 to index
        %get3A_205 = arith.index_cast %scan3A_187 : i32 to index
        %get3A_206 = arith.constant 16 : index
        %get3A_207 = tpu.vector_load %arg11[%get3A_204, %get3A_205, %get3A_206] {strides = array<i32>} : memref<2x128x128xf32, #tpu.memory_space<vmem>>, vector<1x1x16xf32>,
        %get3A_208 = vector.shape_cast %get3A_207 : vector<1x1x16xf32> to vector<16xf32>
        %mul3A_209 = arith.mulf %get3A_208, %get3A_192 : vector<16xf32>
        %swap3A_210 = arith.index_cast %rem3A_133 : i32 to index
        %swap3A_211 = arith.index_cast %scan3A_187 : i32 to index
        %swap3A_212 = arith.constant 16 : index
        %swap3A_213 = tpu.vector_load %arg11[%swap3A_210, %swap3A_211, %swap3A_212] {strides = array<i32>} : memref<2x128x128xf32, #tpu.memory_space<vmem>>, vector<1x1x16xf32>,
        %swap3A_214 = vector.shape_cast %swap3A_213 : vector<1x1x16xf32> to vector<16xf32>
        %swap3A_215 = vector.shape_cast %mul3A_209 : vector<16xf32> to vector<1x1x16xf32>
        tpu.vector_store %arg11[%swap3A_210, %swap3A_211, %swap3A_212], %swap3A_215 {strides = array<i32>} : memref<2x128x128xf32, #tpu.memory_space<vmem>>, vector<1x1x16xf32>,
        %get3A_216 = arith.index_cast %rem3A_133 : i32 to index
        %get3A_217 = arith.index_cast %scan3A_187 : i32 to index
        %get3A_218 = arith.constant 32 : index
        %get3A_219 = tpu.vector_load %arg11[%get3A_216, %get3A_217, %get3A_218] {strides = array<i32>} : memref<2x128x128xf32, #tpu.memory_space<vmem>>, vector<1x1x16xf32>,
        %get3A_220 = vector.shape_cast %get3A_219 : vector<1x1x16xf32> to vector<16xf32>
        %mul3A_221 = arith.mulf %get3A_220, %get3A_192 : vector<16xf32>
        %swap3A_222 = arith.index_cast %rem3A_133 : i32 to index
        %swap3A_223 = arith.index_cast %scan3A_187 : i32 to index
        %swap3A_224 = arith.constant 32 : index
        %swap3A_225 = tpu.vector_load %arg11[%swap3A_222, %swap3A_223, %swap3A_224] {strides = array<i32>} : memref<2x128x128xf32, #tpu.memory_space<vmem>>, vector<1x1x16xf32>,
        %swap3A_226 = vector.shape_cast %swap3A_225 : vector<1x1x16xf32> to vector<16xf32>
        %swap3A_227 = vector.shape_cast %mul3A_221 : vector<16xf32> to vector<1x1x16xf32>
        tpu.vector_store %arg11[%swap3A_222, %swap3A_223, %swap3A_224], %swap3A_227 {strides = array<i32>} : memref<2x128x128xf32, #tpu.memory_space<vmem>>, vector<1x1x16xf32>,
        %get3A_228 = arith.index_cast %rem3A_133 : i32 to index
        %get3A_229 = arith.index_cast %scan3A_187 : i32 to index
        %get3A_230 = arith.constant 48 : index
        %get3A_231 = tpu.vector_load %arg11[%get3A_228, %get3A_229, %get3A_230] {strides = array<i32>} : memref<2x128x128xf32, #tpu.memory_space<vmem>>, vector<1x1x16xf32>,
        %get3A_232 = vector.shape_cast %get3A_231 : vector<1x1x16xf32> to vector<16xf32>
        %mul3A_233 = arith.mulf %get3A_232, %get3A_192 : vector<16xf32>
        %swap3A_234 = arith.index_cast %rem3A_133 : i32 to index
        %swap3A_235 = arith.index_cast %scan3A_187 : i32 to index
        %swap3A_236 = arith.constant 48 : index
        %swap3A_237 = tpu.vector_load %arg11[%swap3A_234, %swap3A_235, %swap3A_236] {strides = array<i32>} : memref<2x128x128xf32, #tpu.memory_space<vmem>>, vector<1x1x16xf32>,
        %swap3A_238 = vector.shape_cast %swap3A_237 : vector<1x1x16xf32> to vector<16xf32>
        %swap3A_239 = vector.shape_cast %mul3A_233 : vector<16xf32> to vector<1x1x16xf32>
        tpu.vector_store %arg11[%swap3A_234, %swap3A_235, %swap3A_236], %swap3A_239 {strides = array<i32>} : memref<2x128x128xf32, #tpu.memory_space<vmem>>, vector<1x1x16xf32>,
        %get3A_240 = arith.index_cast %rem3A_133 : i32 to index
        %get3A_241 = arith.index_cast %scan3A_187 : i32 to index
        %get3A_242 = arith.constant 64 : index
        %get3A_243 = tpu.vector_load %arg11[%get3A_240, %get3A_241, %get3A_242] {strides = array<i32>} : memref<2x128x128xf32, #tpu.memory_space<vmem>>, vector<1x1x16xf32>,
        %get3A_244 = vector.shape_cast %get3A_243 : vector<1x1x16xf32> to vector<16xf32>
        %mul3A_245 = arith.mulf %get3A_244, %get3A_192 : vector<16xf32>
        %swap3A_246 = arith.index_cast %rem3A_133 : i32 to index
        %swap3A_247 = arith.index_cast %scan3A_187 : i32 to index
        %swap3A_248 = arith.constant 64 : index
        %swap3A_249 = tpu.vector_load %arg11[%swap3A_246, %swap3A_247, %swap3A_248] {strides = array<i32>} : memref<2x128x128xf32, #tpu.memory_space<vmem>>, vector<1x1x16xf32>,
        %swap3A_250 = vector.shape_cast %swap3A_249 : vector<1x1x16xf32> to vector<16xf32>
        %swap3A_251 = vector.shape_cast %mul3A_245 : vector<16xf32> to vector<1x1x16xf32>
        tpu.vector_store %arg11[%swap3A_246, %swap3A_247, %swap3A_248], %swap3A_251 {strides = array<i32>} : memref<2x128x128xf32, #tpu.memory_space<vmem>>, vector<1x1x16xf32>,
        %get3A_252 = arith.index_cast %rem3A_133 : i32 to index
        %get3A_253 = arith.index_cast %scan3A_187 : i32 to index
        %get3A_254 = arith.constant 80 : index
        %get3A_255 = tpu.vector_load %arg11[%get3A_252, %get3A_253, %get3A_254] {strides = array<i32>} : memref<2x128x128xf32, #tpu.memory_space<vmem>>, vector<1x1x16xf32>,
        %get3A_256 = vector.shape_cast %get3A_255 : vector<1x1x16xf32> to vector<16xf32>
        %mul3A_257 = arith.mulf %get3A_256, %get3A_192 : vector<16xf32>
        %swap3A_258 = arith.index_cast %rem3A_133 : i32 to index
        %swap3A_259 = arith.index_cast %scan3A_187 : i32 to index
        %swap3A_260 = arith.constant 80 : index
        %swap3A_261 = tpu.vector_load %arg11[%swap3A_258, %swap3A_259, %swap3A_260] {strides = array<i32>} : memref<2x128x128xf32, #tpu.memory_space<vmem>>, vector<1x1x16xf32>,
        %swap3A_262 = vector.shape_cast %swap3A_261 : vector<1x1x16xf32> to vector<16xf32>
        %swap3A_263 = vector.shape_cast %mul3A_257 : vector<16xf32> to vector<1x1x16xf32>
        tpu.vector_store %arg11[%swap3A_258, %swap3A_259, %swap3A_260], %swap3A_263 {strides = array<i32>} : memref<2x128x128xf32, #tpu.memory_space<vmem>>, vector<1x1x16xf32>,
        %get3A_264 = arith.index_cast %rem3A_133 : i32 to index
        %get3A_265 = arith.index_cast %scan3A_187 : i32 to index
        %get3A_266 = arith.constant 96 : index
        %get3A_267 = tpu.vector_load %arg11[%get3A_264, %get3A_265, %get3A_266] {strides = array<i32>} : memref<2x128x128xf32, #tpu.memory_space<vmem>>, vector<1x1x16xf32>,
        %get3A_268 = vector.shape_cast %get3A_267 : vector<1x1x16xf32> to vector<16xf32>
        %mul3A_269 = arith.mulf %get3A_268, %get3A_192 : vector<16xf32>
        %swap3A_270 = arith.index_cast %rem3A_133 : i32 to index
        %swap3A_271 = arith.index_cast %scan3A_187 : i32 to index
        %swap3A_272 = arith.constant 96 : index
        %swap3A_273 = tpu.vector_load %arg11[%swap3A_270, %swap3A_271, %swap3A_272] {strides = array<i32>} : memref<2x128x128xf32, #tpu.memory_space<vmem>>, vector<1x1x16xf32>,
        %swap3A_274 = vector.shape_cast %swap3A_273 : vector<1x1x16xf32> to vector<16xf32>
        %swap3A_275 = vector.shape_cast %mul3A_269 : vector<16xf32> to vector<1x1x16xf32>
        tpu.vector_store %arg11[%swap3A_270, %swap3A_271, %swap3A_272], %swap3A_275 {strides = array<i32>} : memref<2x128x128xf32, #tpu.memory_space<vmem>>, vector<1x1x16xf32>,
        %get3A_276 = arith.index_cast %rem3A_133 : i32 to index
        %get3A_277 = arith.index_cast %scan3A_187 : i32 to index
        %get3A_278 = arith.constant 112 : index
        %get3A_279 = tpu.vector_load %arg11[%get3A_276, %get3A_277, %get3A_278] {strides = array<i32>} : memref<2x128x128xf32, #tpu.memory_space<vmem>>, vector<1x1x16xf32>,
        %get3A_280 = vector.shape_cast %get3A_279 : vector<1x1x16xf32> to vector<16xf32>
        %mul3A_281 = arith.mulf %get3A_280, %get3A_192 : vector<16xf32>
        %swap3A_282 = arith.index_cast %rem3A_133 : i32 to index
        %swap3A_283 = arith.index_cast %scan3A_187 : i32 to index
        %swap3A_284 = arith.constant 112 : index
        %swap3A_285 = tpu.vector_load %arg11[%swap3A_282, %swap3A_283, %swap3A_284] {strides = array<i32>} : memref<2x128x128xf32, #tpu.memory_space<vmem>>, vector<1x1x16xf32>,
        %swap3A_286 = vector.shape_cast %swap3A_285 : vector<1x1x16xf32> to vector<16xf32>
        %swap3A_287 = vector.shape_cast %mul3A_281 : vector<16xf32> to vector<1x1x16xf32>
        tpu.vector_store %arg11[%swap3A_282, %swap3A_283, %swap3A_284], %swap3A_287 {strides = array<i32>} : memref<2x128x128xf32, #tpu.memory_space<vmem>>, vector<1x1x16xf32>,
      }
      %scan3A_167 = arith.constant 128 : i32
      %dma_start3A_168 = arith.constant 0 : i32
      %dma_start3A_169 = arith.constant 0 : i32
      %dma_start3A_170 = tpu.memref_slice %arg11[%rem3A_133, %dma_start3A_168, %dma_start3A_169] : memref<2x128x128xf32, #tpu.memory_space<vmem>> -> memref<1x128x128xf32, #tpu.memory_space<vmem>>
      %dma_start3A_171 = tpu.memref_squeeze %dma_start3A_170 : memref<1x128x128xf32, #tpu.memory_space<vmem>> -> memref<128x128xf32, #tpu.memory_space<vmem>>
      %dma_start3A_172 = arith.constant 0 : i32
      %dma_start3A_173 = tpu.memref_slice %arg9[%rem3A_135, %rem3A_131, %dma_start3A_172] : memref<2x2x128xi32, #tpu.memory_space<vmem>> -> memref<1x1x128xi32, #tpu.memory_space<vmem>>
      %dma_start3A_174 = tpu.memref_squeeze %dma_start3A_173 : memref<1x1x128xi32, #tpu.memory_space<vmem>> -> memref<128xi32, #tpu.memory_space<vmem>>
      %dma_start3A_175 = arith.constant 0 : i32
      %dma_start3A_176 = arith.constant 0 : i32
      %dma_start3A_177 = tpu.memref_slice %arg8[%dma_start3A_175, %dma_start3A_176] : memref<10112x128xf32, #tpu.memory_space<vmem_shared>> -> memref<10112x128xf32, #tpu.memory_space<vmem_shared>>
      tpu.enqueue_indirect_dma source(%dma_start3A_171 : memref<128x128xf32, #tpu.memory_space<vmem>>) target(%dma_start3A_177 : memref<10112x128xf32, #tpu.memory_space<vmem_shared>>) offsets(%dma_start3A_174 : memref<128xi32, #tpu.memory_space<vmem>>) semaphore(%arg13 : memref<!tpu.dma_semaphore, #tpu.memory_space<semaphore_mem>>) {add = true}
      %eq3A_178 = arith.constant 0 : i32
      %eq3A_179 = arith.cmpi eq, %rem3A_131, %eq3A_178 : i32
      %add3A_180 = arith.constant 1 : i32
      %add3A_181 = arith.addi %div3A_129, %add3A_180 : i32
      %lt3A_182 = arith.cmpi slt, %add3A_181, %select_n3A : i32
      %and3A_183 = arith.andi %eq3A_179, %lt3A_182 : i1
      %convert_element_type3A_184 = arith.extui %and3A_183 : i1 to i32
      %cond3A_185 = arith.constant 0 : i32
      %cond3A_186 = arith.cmpi ne, %convert_element_type3A_184, %cond3A_185 : i32
      scf.if %cond3A_186 {
        %add3A_187 = arith.constant 1 : i32
        %add3A_188 = arith.addi %div3A_129, %add3A_187 : i32
        %add3A_189 = arith.constant 1 : i32
        %add3A_190 = arith.addi %div3A_129, %add3A_189 : i32
        %rem3A_191 = arith.constant 2 : i32
        %rem3A_192 = arith.remsi %add3A_190, %rem3A_191 : i32
        %add3A_193 = arith.addi %add3A, %add3A_188 : i32
        %mul3A_194 = arith.constant 128 : i32
        %mul3A_195 = arith.muli %add3A_193, %mul3A_194 : i32
        %dma_start3A_196 = arith.constant 0 : i32
        %dma_start3A_197 = arith.constant 0 : i32
        %dma_start3A_198 = tpu.memref_slice %arg9[%rem3A_192, %dma_start3A_196, %dma_start3A_197] : memref<2x2x128xi32, #tpu.memory_space<vmem>> -> memref<1x1x128xi32, #tpu.memory_space<vmem>>
        %dma_start3A_199 = tpu.memref_squeeze %dma_start3A_198 : memref<1x1x128xi32, #tpu.memory_space<vmem>> -> memref<128xi32, #tpu.memory_space<vmem>>
        %dma_start3A_200 = tpu.memref_slice %arg2[%mul3A_195] : memref<323584xi32, #tpu.memory_space<hbm>> -> memref<128xi32, #tpu.memory_space<hbm>>
        %dma_start3A_201 = arith.constant 0 : i32
        %dma_start3A_202 = tpu.memref_slice %arg9[%rem3A_192, %dma_start3A_196, %dma_start3A_201] : memref<2x2x128xi32, #tpu.memory_space<vmem>> -> memref<1x1x128xi32, #tpu.memory_space<vmem>>
        %dma_start3A_203 = tpu.memref_squeeze %dma_start3A_202 : memref<1x1x128xi32, #tpu.memory_space<vmem>> -> memref<128xi32, #tpu.memory_space<vmem>>
        %dma_start3A_204 = tpu.memref_slice %arg2[%mul3A_195] : memref<323584xi32, #tpu.memory_space<hbm>> -> memref<128xi32, #tpu.memory_space<hbm>>
        tpu.enqueue_dma source(%dma_start3A_204 : memref<128xi32, #tpu.memory_space<hbm>>) target(%dma_start3A_203 : memref<128xi32, #tpu.memory_space<vmem>>) target_semaphore(%arg14 : memref<!tpu.dma_semaphore, #tpu.memory_space<semaphore_mem>>)
        %dma_start3A_205 = arith.constant 1 : i32
        %dma_start3A_206 = arith.constant 0 : i32
        %dma_start3A_207 = tpu.memref_slice %arg9[%rem3A_192, %dma_start3A_205, %dma_start3A_206] : memref<2x2x128xi32, #tpu.memory_space<vmem>> -> memref<1x1x128xi32, #tpu.memory_space<vmem>>
        %dma_start3A_208 = tpu.memref_squeeze %dma_start3A_207 : memref<1x1x128xi32, #tpu.memory_space<vmem>> -> memref<128xi32, #tpu.memory_space<vmem>>
        %dma_start3A_209 = tpu.memref_slice %arg3[%mul3A_195] : memref<323584xi32, #tpu.memory_space<hbm>> -> memref<128xi32, #tpu.memory_space<hbm>>
        %dma_start3A_210 = arith.constant 0 : i32
        %dma_start3A_211 = tpu.memref_slice %arg9[%rem3A_192, %dma_start3A_205, %dma_start3A_210] : memref<2x2x128xi32, #tpu.memory_space<vmem>> -> memref<1x1x128xi32, #tpu.memory_space<vmem>>
        %dma_start3A_212 = tpu.memref_squeeze %dma_start3A_211 : memref<1x1x128xi32, #tpu.memory_space<vmem>> -> memref<128xi32, #tpu.memory_space<vmem>>
        %dma_start3A_213 = tpu.memref_slice %arg3[%mul3A_195] : memref<323584xi32, #tpu.memory_space<hbm>> -> memref<128xi32, #tpu.memory_space<hbm>>
        tpu.enqueue_dma source(%dma_start3A_213 : memref<128xi32, #tpu.memory_space<hbm>>) target(%dma_start3A_212 : memref<128xi32, #tpu.memory_space<vmem>>) target_semaphore(%arg14 : memref<!tpu.dma_semaphore, #tpu.memory_space<semaphore_mem>>)
        %mul3A_214 = arith.constant 16 : i32
        %mul3A_215 = arith.muli %mul3A_195, %mul3A_214 : i32
        %dma_start3A_216 = arith.constant 0 : i32
        %dma_start3A_217 = tpu.memref_slice %arg10[%rem3A_192, %dma_start3A_216] : memref<2x2048xf32, #tpu.memory_space<vmem>> -> memref<1x2048xf32, #tpu.memory_space<vmem>>
        %dma_start3A_218 = tpu.memref_squeeze %dma_start3A_217 : memref<1x2048xf32, #tpu.memory_space<vmem>> -> memref<2048xf32, #tpu.memory_space<vmem>>
        %dma_start3A_219 = tpu.memref_slice %arg4[%mul3A_215] : memref<5177344xf32, #tpu.memory_space<hbm>> -> memref<2048xf32, #tpu.memory_space<hbm>>
        %dma_start3A_220 = arith.constant 0 : i32
        %dma_start3A_221 = tpu.memref_slice %arg10[%rem3A_192, %dma_start3A_220] : memref<2x2048xf32, #tpu.memory_space<vmem>> -> memref<1x2048xf32, #tpu.memory_space<vmem>>
        %dma_start3A_222 = tpu.memref_squeeze %dma_start3A_221 : memref<1x2048xf32, #tpu.memory_space<vmem>> -> memref<2048xf32, #tpu.memory_space<vmem>>
        %dma_start3A_223 = tpu.memref_slice %arg4[%mul3A_215] : memref<5177344xf32, #tpu.memory_space<hbm>> -> memref<2048xf32, #tpu.memory_space<hbm>>
        tpu.enqueue_dma source(%dma_start3A_223 : memref<2048xf32, #tpu.memory_space<hbm>>) target(%dma_start3A_222 : memref<2048xf32, #tpu.memory_space<vmem>>) target_semaphore(%arg14 : memref<!tpu.dma_semaphore, #tpu.memory_space<semaphore_mem>>)
      } else {
      }
    }
    %dma_wait3A_109 = arith.constant 0 : i32
    %dma_wait3A_110 = arith.constant 0 : i32
    %dma_wait3A_111 = arith.constant 0 : i32
    %dma_wait3A_112 = arith.constant 0 : i32
    %dma_wait3A_113 = arith.constant 0 : i32
    %dma_wait3A_114 = tpu.memref_slice %arg11[%dma_wait3A_109, %dma_wait3A_112, %dma_wait3A_113] : memref<2x128x128xf32, #tpu.memory_space<vmem>> -> memref<1x128x128xf32, #tpu.memory_space<vmem>>
    %dma_wait3A_115 = tpu.memref_squeeze %dma_wait3A_114 : memref<1x128x128xf32, #tpu.memory_space<vmem>> -> memref<128x128xf32, #tpu.memory_space<vmem>>
    %dma_wait3A_116 = arith.constant 0 : i32
    %dma_wait3A_117 = tpu.memref_slice %arg9[%dma_wait3A_110, %dma_wait3A_111, %dma_wait3A_116] : memref<2x2x128xi32, #tpu.memory_space<vmem>> -> memref<1x1x128xi32, #tpu.memory_space<vmem>>
    %dma_wait3A_118 = tpu.memref_squeeze %dma_wait3A_117 : memref<1x1x128xi32, #tpu.memory_space<vmem>> -> memref<128xi32, #tpu.memory_space<vmem>>
    %dma_wait3A_119 = arith.constant 0 : i32
    %dma_wait3A_120 = arith.constant 0 : i32
    %dma_wait3A_121 = tpu.memref_slice %arg8[%dma_wait3A_119, %dma_wait3A_120] : memref<10112x128xf32, #tpu.memory_space<vmem_shared>> -> memref<10112x128xf32, #tpu.memory_space<vmem_shared>>
    tpu.wait_indirect_dma semaphore(%arg13 : memref<!tpu.dma_semaphore, #tpu.memory_space<semaphore_mem>>) src(%dma_wait3A_115 : memref<128x128xf32, #tpu.memory_space<vmem>>) dst(%dma_wait3A_121 : memref<10112x128xf32, #tpu.memory_space<vmem_shared>>)
    %barrier3A_122 = arith.constant 0 : index
    tpu.barrier barrier_id(%barrier3A_122)
    %mul3A_123 = arith.constant 632 : i32
    %mul3A_124 = arith.muli %arg1, %mul3A_123 : i32
    %mul3A_125 = arith.constant 632 : i32
    %mul3A_126 = arith.muli %arg1, %mul3A_125 : i32
    "tpu.region"() ({
      %run_scoped3A = tpu.sem_alloc : memref<!tpu.dma_semaphore, #tpu.memory_space<semaphore_mem>>
      %dma_start3A_127 = arith.constant 0 : i32
      %dma_start3A_128 = tpu.memref_slice %arg7[%arg0, %mul3A_126, %dma_start3A_127] : memref<2x10112x128xf32, #tpu.memory_space<hbm>> -> memref<1x632x128xf32, #tpu.memory_space<hbm>>
      %dma_start3A_129 = tpu.memref_squeeze %dma_start3A_128 : memref<1x632x128xf32, #tpu.memory_space<hbm>> -> memref<632x128xf32, #tpu.memory_space<hbm>>
      %dma_start3A_130 = arith.constant 0 : i32
      %dma_start3A_131 = tpu.memref_slice %arg8[%mul3A_124, %dma_start3A_130] : memref<10112x128xf32, #tpu.memory_space<vmem_shared>> -> memref<632x128xf32, #tpu.memory_space<vmem_shared>>
      tpu.enqueue_dma source(%dma_start3A_131 : memref<632x128xf32, #tpu.memory_space<vmem_shared>>) target(%dma_start3A_129 : memref<632x128xf32, #tpu.memory_space<hbm>>) target_semaphore(%run_scoped3A : memref<!tpu.dma_semaphore, #tpu.memory_space<semaphore_mem>>)
      %dma_wait3A_132 = arith.constant 0 : i32
      %dma_wait3A_133 = tpu.memref_slice %arg7[%arg0, %mul3A_126, %dma_wait3A_132] : memref<2x10112x128xf32, #tpu.memory_space<hbm>> -> memref<1x632x128xf32, #tpu.memory_space<hbm>>
      %dma_wait3A_134 = tpu.memref_squeeze %dma_wait3A_133 : memref<1x632x128xf32, #tpu.memory_space<hbm>> -> memref<632x128xf32, #tpu.memory_space<hbm>>
      %dma_wait3A_135 = arith.constant 0 : i32
      %dma_wait3A_136 = tpu.memref_slice %arg8[%mul3A_124, %dma_wait3A_135] : memref<10112x128xf32, #tpu.memory_space<vmem_shared>> -> memref<632x128xf32, #tpu.memory_space<vmem_shared>>
      tpu.wait_dma2 semaphore(%run_scoped3A : memref<!tpu.dma_semaphore, #tpu.memory_space<semaphore_mem>>) src(%dma_wait3A_136 : memref<632x128xf32, #tpu.memory_space<vmem_shared>>) dst(%dma_wait3A_134 : memref<632x128xf32, #tpu.memory_space<hbm>>)
      tpu.yield
    }) : () -> ()
    return
  }
}

module attributes {stable_mosaic.version = 14 : i64} {
  func.func @_tc_wexp_body(%arg0: i32, %arg1: memref<4096x1xf32, #tpu.memory_space<vmem>>, %arg2: memref<4096x16xf32, #tpu.memory_space<vmem>>) attributes {dimension_semantics = [#tpu.dimension_semantics<arbitrary>], iteration_bounds = array<i64: 79>, scalar_prefetch = 0 : i64, scratch_operands = 0 : i64, tpu.core_type = #tpu.core_type<tc>, window_params = [{transform_indices = @transform_0, window_bounds = array<i64: 4096, 1>}, {transform_indices = @transform_1, window_bounds = array<i64: 4096, 16>}]} {
    %get3A = arith.constant 0 : index
    %get3A_0 = arith.constant 0 : index
    %get3A_1 = vector.load %arg1[%get3A, %get3A_0] : memref<4096x1xf32, #tpu.memory_space<vmem>>, vector<4096x1xf32>
    %neg3A = arith.constant 0.000000e+00 : f32
    %neg3A_2 = vector.broadcast %neg3A : f32 to vector<4096x1xf32>
    %neg3A_3 = arith.subf %neg3A_2, %get3A_1 : vector<4096x1xf32>
    %mul3A = arith.mulf %neg3A_3, %get3A_1 : vector<4096x1xf32>
    %exp3A = math.exp %mul3A : vector<4096x1xf32>
    %broadcast_in_dim3A = vector.shape_cast %exp3A : vector<4096x1xf32> to vector<4096x1xf32>
    %broadcast_in_dim3A_4 = vector.broadcast %broadcast_in_dim3A : vector<4096x1xf32> to vector<4096x16xf32>
    %swap3A = arith.constant 0 : index
    %swap3A_5 = arith.constant 0 : index
    %swap3A_6 = vector.load %arg2[%swap3A, %swap3A_5] : memref<4096x16xf32, #tpu.memory_space<vmem>>, vector<4096x16xf32>
    tpu.vector_store %arg2[%swap3A, %swap3A_5], %broadcast_in_dim3A_4 {strides = array<i32>} : memref<4096x16xf32, #tpu.memory_space<vmem>>, vector<4096x16xf32>,
    return
  }
  func.func @transform_0(%arg0: i32) -> (i32, i32) {
    %c0_i32 = arith.constant 0 : i32
    %c0_i32_0 = arith.constant 0 : i32
    return %arg0, %c0_i32 : i32, i32
  }
  func.func @transform_1(%arg0: i32) -> (i32, i32) {
    %c0_i32 = arith.constant 0 : i32
    %c0_i32_0 = arith.constant 0 : i32
    return %arg0, %c0_i32 : i32, i32
  }
}

module attributes {stable_mosaic.version = 14 : i64} {
  func.func @_tc_prep_body(%arg0: i32, %arg1: memref<2x632x128xf32, #tpu.memory_space<vmem>>, %arg2: memref<632x128xf32, #tpu.memory_space<vmem>>, %arg3: memref<632x128xf32, #tpu.memory_space<vmem>>, %arg4: memref<632x128xf32, #tpu.memory_space<vmem>>) attributes {dimension_semantics = [#tpu.dimension_semantics<arbitrary>], iteration_bounds = array<i64: 16>, scalar_prefetch = 0 : i64, scratch_operands = 0 : i64, tpu.core_type = #tpu.core_type<tc>, window_params = [{transform_indices = @transform_0, window_bounds = array<i64: 2, 632, 128>}, {transform_indices = @transform_1, window_bounds = array<i64: 632, 128>}, {transform_indices = @transform_2, window_bounds = array<i64: 632, 128>}, {transform_indices = @transform_3, window_bounds = array<i64: 632, 128>}]} {
    %get3A = arith.constant 0 : index
    %get3A_0 = arith.constant 0 : index
    %get3A_1 = arith.constant 0 : index
    %get3A_2 = vector.load %arg1[%get3A, %get3A_0, %get3A_1] : memref<2x632x128xf32, #tpu.memory_space<vmem>>, vector<1x632x1xf32>
    %get3A_3 = vector.shape_cast %get3A_2 : vector<1x632x1xf32> to vector<632x1xf32>
    %get3A_4 = arith.constant 1 : index
    %get3A_5 = arith.constant 0 : index
    %get3A_6 = arith.constant 0 : index
    %get3A_7 = vector.load %arg1[%get3A_4, %get3A_5, %get3A_6] : memref<2x632x128xf32, #tpu.memory_space<vmem>>, vector<1x632x1xf32>
    %get3A_8 = vector.shape_cast %get3A_7 : vector<1x632x1xf32> to vector<632x1xf32>
    %add3A = arith.addf %get3A_3, %get3A_8 : vector<632x1xf32>
    %add3A_9 = arith.constant 1.000000e+00 : f32
    %add3A_10 = vector.broadcast %add3A_9 : f32 to vector<632x1xf32>
    %add3A_11 = arith.addf %add3A, %add3A_10 : vector<632x1xf32>
    %rsqrt3A = math.rsqrt %add3A_11 : vector<632x1xf32>
    %broadcast_in_dim3A = vector.shape_cast %rsqrt3A : vector<632x1xf32> to vector<632x1xf32>
    %broadcast_in_dim3A_12 = vector.broadcast %broadcast_in_dim3A : vector<632x1xf32> to vector<632x128xf32>
    %swap3A = arith.constant 0 : index
    %swap3A_13 = arith.constant 0 : index
    %swap3A_14 = vector.load %arg3[%swap3A, %swap3A_13] : memref<632x128xf32, #tpu.memory_space<vmem>>, vector<632x128xf32>
    tpu.vector_store %arg3[%swap3A, %swap3A_13], %broadcast_in_dim3A_12 {strides = array<i32>} : memref<632x128xf32, #tpu.memory_space<vmem>>, vector<632x128xf32>,
    %get3A_15 = arith.constant 0 : index
    %get3A_16 = arith.constant 0 : index
    %get3A_17 = vector.load %arg2[%get3A_15, %get3A_16] : memref<632x128xf32, #tpu.memory_space<vmem>>, vector<632x128xf32>
    %mul3A = arith.mulf %broadcast_in_dim3A_12, %get3A_17 : vector<632x128xf32>
    %swap3A_18 = arith.constant 0 : index
    %swap3A_19 = arith.constant 0 : index
    %swap3A_20 = vector.load %arg4[%swap3A_18, %swap3A_19] : memref<632x128xf32, #tpu.memory_space<vmem>>, vector<632x128xf32>
    tpu.vector_store %arg4[%swap3A_18, %swap3A_19], %mul3A {strides = array<i32>} : memref<632x128xf32, #tpu.memory_space<vmem>>, vector<632x128xf32>,
    return
  }
  func.func @transform_0(%arg0: i32) -> (i32, i32, i32) {
    %c0_i32 = arith.constant 0 : i32
    %c0_i32_0 = arith.constant 0 : i32
    %c0_i32_1 = arith.constant 0 : i32
    return %c0_i32, %arg0, %c0_i32_0 : i32, i32, i32
  }
  func.func @transform_1(%arg0: i32) -> (i32, i32) {
    %c0_i32 = arith.constant 0 : i32
    %c0_i32_0 = arith.constant 0 : i32
    return %arg0, %c0_i32 : i32, i32
  }
  func.func @transform_2(%arg0: i32) -> (i32, i32) {
    %c0_i32 = arith.constant 0 : i32
    %c0_i32_0 = arith.constant 0 : i32
    return %arg0, %c0_i32 : i32, i32
  }
  func.func @transform_3(%arg0: i32) -> (i32, i32) {
    %c0_i32 = arith.constant 0 : i32
    %c0_i32_0 = arith.constant 0 : i32
    return %arg0, %c0_i32 : i32, i32
  }
}

module attributes {stable_mosaic.version = 14 : i64} {
  func.func @_tc_dense_body(%arg0: i32, %arg1: memref<2x632x128xf32, #tpu.memory_space<vmem>>, %arg2: memref<632x128xf32, #tpu.memory_space<vmem>>, %arg3: memref<632x128xf32, #tpu.memory_space<vmem>>, %arg4: memref<128x128xf32, #tpu.memory_space<vmem>>, %arg5: memref<1x128xf32, #tpu.memory_space<vmem>>, %arg6: memref<632x128xf32, #tpu.memory_space<vmem>>, %arg7: memref<632x128xf32, #tpu.memory_space<vmem>>) attributes {dimension_semantics = [#tpu.dimension_semantics<arbitrary>], iteration_bounds = array<i64: 16>, scalar_prefetch = 0 : i64, scratch_operands = 0 : i64, tpu.core_type = #tpu.core_type<tc>, window_params = [{transform_indices = @transform_0, window_bounds = array<i64: 2, 632, 128>}, {transform_indices = @transform_1, window_bounds = array<i64: 632, 128>}, {transform_indices = @transform_2, window_bounds = array<i64: 632, 128>}, {pipeline_mode = #tpu.pipeline_mode<synchronous>, transform_indices = @transform_3, window_bounds = array<i64: 128, 128>}, {pipeline_mode = #tpu.pipeline_mode<synchronous>, transform_indices = @transform_4, window_bounds = array<i64: 1, 128>}, {transform_indices = @transform_5, window_bounds = array<i64: 632, 128>}, {transform_indices = @transform_6, window_bounds = array<i64: 632, 128>}]} {
    %get3A = arith.constant 0 : index
    %get3A_0 = arith.constant 0 : index
    %get3A_1 = arith.constant 0 : index
    %get3A_2 = vector.load %arg1[%get3A, %get3A_0, %get3A_1] : memref<2x632x128xf32, #tpu.memory_space<vmem>>, vector<1x632x128xf32>
    %get3A_3 = vector.shape_cast %get3A_2 : vector<1x632x128xf32> to vector<632x128xf32>
    %get3A_4 = arith.constant 1 : index
    %get3A_5 = arith.constant 0 : index
    %get3A_6 = arith.constant 0 : index
    %get3A_7 = vector.load %arg1[%get3A_4, %get3A_5, %get3A_6] : memref<2x632x128xf32, #tpu.memory_space<vmem>>, vector<1x632x128xf32>
    %get3A_8 = vector.shape_cast %get3A_7 : vector<1x632x128xf32> to vector<632x128xf32>
    %add3A = arith.addf %get3A_3, %get3A_8 : vector<632x128xf32>
    %get3A_9 = arith.constant 0 : index
    %get3A_10 = arith.constant 0 : index
    %get3A_11 = vector.load %arg2[%get3A_9, %get3A_10] : memref<632x128xf32, #tpu.memory_space<vmem>>, vector<632x128xf32>
    %add3A_12 = arith.addf %add3A, %get3A_11 : vector<632x128xf32>
    %get3A_13 = arith.constant 0 : index
    %get3A_14 = arith.constant 0 : index
    %get3A_15 = vector.load %arg3[%get3A_13, %get3A_14] : memref<632x128xf32, #tpu.memory_space<vmem>>, vector<632x128xf32>
    %mul3A = arith.mulf %add3A_12, %get3A_15 : vector<632x128xf32>
    %get3A_16 = arith.constant 0 : index
    %get3A_17 = arith.constant 0 : index
    %get3A_18 = vector.load %arg4[%get3A_16, %get3A_17] : memref<128x128xf32, #tpu.memory_space<vmem>>, vector<128x128xf32>
    %dot_general3A = arith.constant dense<0.000000e+00> : vector<632x128xf32>
    %dot_general3A_19 = tpu.matmul %mul3A, %get3A_18, %dot_general3A {dimension_numbers = #tpu.dot_dimension_numbers<[1], [1], [0], [0], [0, 0, 1, 0], [], []>, transpose_lhs_hint = false} : vector<632x128xf32>, vector<128x128xf32>, vector<632x128xf32> -> vector<632x128xf32>
    %get3A_20 = arith.constant 0 : index
    %get3A_21 = arith.constant 0 : index
    %get3A_22 = vector.load %arg5[%get3A_20, %get3A_21] : memref<1x128xf32, #tpu.memory_space<vmem>>, vector<1x128xf32>
    %add3A_23 = vector.broadcast %get3A_22 : vector<1x128xf32> to vector<632x128xf32>
    %add3A_24 = arith.addf %dot_general3A_19, %add3A_23 : vector<632x128xf32>
    %ge3A = arith.constant 0.000000e+00 : f32
    %ge3A_25 = vector.broadcast %ge3A : f32 to vector<632x128xf32>
    %ge3A_26 = arith.cmpf oge, %add3A_24, %ge3A_25 : vector<632x128xf32>
    %mul3A_27 = arith.constant 0.00999999977 : f32
    %mul3A_28 = vector.broadcast %mul3A_27 : f32 to vector<632x128xf32>
    %mul3A_29 = arith.mulf %mul3A_28, %add3A_24 : vector<632x128xf32>
    %select_n3A = arith.select %ge3A_26, %add3A_24, %mul3A_29 : vector<632x128xi1>, vector<632x128xf32>
    %mul3A_30 = arith.mulf %select_n3A, %select_n3A : vector<632x128xf32>
    %reduce_sum3A = arith.constant dense<0.000000e+00> : vector<632xf32>
    %reduce_sum3A_31 = vector.multi_reduction <add>, %mul3A_30, %reduce_sum3A [1] : vector<632x128xf32> to vector<632xf32>
    %broadcast_in_dim3A = vector.shape_cast %reduce_sum3A_31 : vector<632xf32> to vector<632x1xf32>
    %sqrt3A = math.sqrt %broadcast_in_dim3A : vector<632x1xf32>
    %max3A = arith.constant 9.99999996E-13 : f32
    %max3A_32 = vector.broadcast %max3A : f32 to vector<632x1xf32>
    %max3A_33 = arith.maximumf %sqrt3A, %max3A_32 : vector<632x1xf32>
    %div3A = vector.broadcast %max3A_33 : vector<632x1xf32> to vector<632x128xf32>
    %div3A_34 = arith.divf %select_n3A, %div3A : vector<632x128xf32>
    %swap3A = arith.constant 0 : index
    %swap3A_35 = arith.constant 0 : index
    %swap3A_36 = vector.load %arg6[%swap3A, %swap3A_35] : memref<632x128xf32, #tpu.memory_space<vmem>>, vector<632x128xf32>
    tpu.vector_store %arg6[%swap3A, %swap3A_35], %div3A_34 {strides = array<i32>} : memref<632x128xf32, #tpu.memory_space<vmem>>, vector<632x128xf32>,
    %get3A_37 = arith.constant 0 : index
    %get3A_38 = arith.constant 0 : index
    %get3A_39 = vector.load %arg3[%get3A_37, %get3A_38] : memref<632x128xf32, #tpu.memory_space<vmem>>, vector<632x128xf32>
    %mul3A_40 = arith.mulf %div3A_34, %get3A_39 : vector<632x128xf32>
    %swap3A_41 = arith.constant 0 : index
    %swap3A_42 = arith.constant 0 : index
    %swap3A_43 = vector.load %arg7[%swap3A_41, %swap3A_42] : memref<632x128xf32, #tpu.memory_space<vmem>>, vector<632x128xf32>
    tpu.vector_store %arg7[%swap3A_41, %swap3A_42], %mul3A_40 {strides = array<i32>} : memref<632x128xf32, #tpu.memory_space<vmem>>, vector<632x128xf32>,
    return
  }
  func.func @transform_0(%arg0: i32) -> (i32, i32, i32) {
    %c0_i32 = arith.constant 0 : i32
    %c0_i32_0 = arith.constant 0 : i32
    %c0_i32_1 = arith.constant 0 : i32
    return %c0_i32, %arg0, %c0_i32_0 : i32, i32, i32
  }
  func.func @transform_1(%arg0: i32) -> (i32, i32) {
    %c0_i32 = arith.constant 0 : i32
    %c0_i32_0 = arith.constant 0 : i32
    return %arg0, %c0_i32 : i32, i32
  }
  func.func @transform_2(%arg0: i32) -> (i32, i32) {
    %c0_i32 = arith.constant 0 : i32
    %c0_i32_0 = arith.constant 0 : i32
    return %arg0, %c0_i32 : i32, i32
  }
  func.func @transform_3(%arg0: i32) -> (i32, i32) {
    %c0_i32 = arith.constant 0 : i32
    %c0_i32_0 = arith.constant 0 : i32
    %c0_i32_1 = arith.constant 0 : i32
    return %c0_i32, %c0_i32_0 : i32, i32
  }
  func.func @transform_4(%arg0: i32) -> (i32, i32) {
    %c0_i32 = arith.constant 0 : i32
    %c0_i32_0 = arith.constant 0 : i32
    %c0_i32_1 = arith.constant 0 : i32
    return %c0_i32, %c0_i32_0 : i32, i32
  }
  func.func @transform_5(%arg0: i32) -> (i32, i32) {
    %c0_i32 = arith.constant 0 : i32
    %c0_i32_0 = arith.constant 0 : i32
    return %arg0, %c0_i32 : i32, i32
  }
  func.func @transform_6(%arg0: i32) -> (i32, i32) {
    %c0_i32 = arith.constant 0 : i32
    %c0_i32_0 = arith.constant 0 : i32
    return %arg0, %c0_i32 : i32, i32
  }
}

module attributes {stable_mosaic.version = 14 : i64} {
  func.func @_tc_dense_body(%arg0: i32, %arg1: memref<2x632x128xf32, #tpu.memory_space<vmem>>, %arg2: memref<632x128xf32, #tpu.memory_space<vmem>>, %arg3: memref<632x128xf32, #tpu.memory_space<vmem>>, %arg4: memref<128x128xf32, #tpu.memory_space<vmem>>, %arg5: memref<1x128xf32, #tpu.memory_space<vmem>>, %arg6: memref<632x128xf32, #tpu.memory_space<vmem>>, %arg7: memref<632x128xf32, #tpu.memory_space<vmem>>) attributes {dimension_semantics = [#tpu.dimension_semantics<arbitrary>], iteration_bounds = array<i64: 16>, scalar_prefetch = 0 : i64, scratch_operands = 0 : i64, tpu.core_type = #tpu.core_type<tc>, window_params = [{transform_indices = @transform_0, window_bounds = array<i64: 2, 632, 128>}, {transform_indices = @transform_1, window_bounds = array<i64: 632, 128>}, {transform_indices = @transform_2, window_bounds = array<i64: 632, 128>}, {pipeline_mode = #tpu.pipeline_mode<synchronous>, transform_indices = @transform_3, window_bounds = array<i64: 128, 128>}, {pipeline_mode = #tpu.pipeline_mode<synchronous>, transform_indices = @transform_4, window_bounds = array<i64: 1, 128>}, {transform_indices = @transform_5, window_bounds = array<i64: 632, 128>}, {transform_indices = @transform_6, window_bounds = array<i64: 632, 128>}]} {
    %get3A = arith.constant 0 : index
    %get3A_0 = arith.constant 0 : index
    %get3A_1 = arith.constant 0 : index
    %get3A_2 = vector.load %arg1[%get3A, %get3A_0, %get3A_1] : memref<2x632x128xf32, #tpu.memory_space<vmem>>, vector<1x632x128xf32>
    %get3A_3 = vector.shape_cast %get3A_2 : vector<1x632x128xf32> to vector<632x128xf32>
    %get3A_4 = arith.constant 1 : index
    %get3A_5 = arith.constant 0 : index
    %get3A_6 = arith.constant 0 : index
    %get3A_7 = vector.load %arg1[%get3A_4, %get3A_5, %get3A_6] : memref<2x632x128xf32, #tpu.memory_space<vmem>>, vector<1x632x128xf32>
    %get3A_8 = vector.shape_cast %get3A_7 : vector<1x632x128xf32> to vector<632x128xf32>
    %add3A = arith.addf %get3A_3, %get3A_8 : vector<632x128xf32>
    %get3A_9 = arith.constant 0 : index
    %get3A_10 = arith.constant 0 : index
    %get3A_11 = vector.load %arg2[%get3A_9, %get3A_10] : memref<632x128xf32, #tpu.memory_space<vmem>>, vector<632x128xf32>
    %add3A_12 = arith.addf %add3A, %get3A_11 : vector<632x128xf32>
    %get3A_13 = arith.constant 0 : index
    %get3A_14 = arith.constant 0 : index
    %get3A_15 = vector.load %arg3[%get3A_13, %get3A_14] : memref<632x128xf32, #tpu.memory_space<vmem>>, vector<632x128xf32>
    %mul3A = arith.mulf %add3A_12, %get3A_15 : vector<632x128xf32>
    %get3A_16 = arith.constant 0 : index
    %get3A_17 = arith.constant 0 : index
    %get3A_18 = vector.load %arg4[%get3A_16, %get3A_17] : memref<128x128xf32, #tpu.memory_space<vmem>>, vector<128x128xf32>
    %dot_general3A = arith.constant dense<0.000000e+00> : vector<632x128xf32>
    %dot_general3A_19 = tpu.matmul %mul3A, %get3A_18, %dot_general3A {dimension_numbers = #tpu.dot_dimension_numbers<[1], [1], [0], [0], [0, 0, 1, 0], [], []>, transpose_lhs_hint = false} : vector<632x128xf32>, vector<128x128xf32>, vector<632x128xf32> -> vector<632x128xf32>
    %get3A_20 = arith.constant 0 : index
    %get3A_21 = arith.constant 0 : index
    %get3A_22 = vector.load %arg5[%get3A_20, %get3A_21] : memref<1x128xf32, #tpu.memory_space<vmem>>, vector<1x128xf32>
    %add3A_23 = vector.broadcast %get3A_22 : vector<1x128xf32> to vector<632x128xf32>
    %add3A_24 = arith.addf %dot_general3A_19, %add3A_23 : vector<632x128xf32>
    %ge3A = arith.constant 0.000000e+00 : f32
    %ge3A_25 = vector.broadcast %ge3A : f32 to vector<632x128xf32>
    %ge3A_26 = arith.cmpf oge, %add3A_24, %ge3A_25 : vector<632x128xf32>
    %mul3A_27 = arith.constant 0.00999999977 : f32
    %mul3A_28 = vector.broadcast %mul3A_27 : f32 to vector<632x128xf32>
    %mul3A_29 = arith.mulf %mul3A_28, %add3A_24 : vector<632x128xf32>
    %select_n3A = arith.select %ge3A_26, %add3A_24, %mul3A_29 : vector<632x128xi1>, vector<632x128xf32>
    %mul3A_30 = arith.mulf %select_n3A, %select_n3A : vector<632x128xf32>
    %reduce_sum3A = arith.constant dense<0.000000e+00> : vector<632xf32>
    %reduce_sum3A_31 = vector.multi_reduction <add>, %mul3A_30, %reduce_sum3A [1] : vector<632x128xf32> to vector<632xf32>
    %broadcast_in_dim3A = vector.shape_cast %reduce_sum3A_31 : vector<632xf32> to vector<632x1xf32>
    %sqrt3A = math.sqrt %broadcast_in_dim3A : vector<632x1xf32>
    %max3A = arith.constant 9.99999996E-13 : f32
    %max3A_32 = vector.broadcast %max3A : f32 to vector<632x1xf32>
    %max3A_33 = arith.maximumf %sqrt3A, %max3A_32 : vector<632x1xf32>
    %div3A = vector.broadcast %max3A_33 : vector<632x1xf32> to vector<632x128xf32>
    %div3A_34 = arith.divf %select_n3A, %div3A : vector<632x128xf32>
    %swap3A = arith.constant 0 : index
    %swap3A_35 = arith.constant 0 : index
    %swap3A_36 = vector.load %arg6[%swap3A, %swap3A_35] : memref<632x128xf32, #tpu.memory_space<vmem>>, vector<632x128xf32>
    tpu.vector_store %arg6[%swap3A, %swap3A_35], %div3A_34 {strides = array<i32>} : memref<632x128xf32, #tpu.memory_space<vmem>>, vector<632x128xf32>,
    %get3A_37 = arith.constant 0 : index
    %get3A_38 = arith.constant 0 : index
    %get3A_39 = vector.load %arg3[%get3A_37, %get3A_38] : memref<632x128xf32, #tpu.memory_space<vmem>>, vector<632x128xf32>
    %mul3A_40 = arith.mulf %div3A_34, %get3A_39 : vector<632x128xf32>
    %swap3A_41 = arith.constant 0 : index
    %swap3A_42 = arith.constant 0 : index
    %swap3A_43 = vector.load %arg7[%swap3A_41, %swap3A_42] : memref<632x128xf32, #tpu.memory_space<vmem>>, vector<632x128xf32>
    tpu.vector_store %arg7[%swap3A_41, %swap3A_42], %mul3A_40 {strides = array<i32>} : memref<632x128xf32, #tpu.memory_space<vmem>>, vector<632x128xf32>,
    return
  }
  func.func @transform_0(%arg0: i32) -> (i32, i32, i32) {
    %c0_i32 = arith.constant 0 : i32
    %c0_i32_0 = arith.constant 0 : i32
    %c0_i32_1 = arith.constant 0 : i32
    return %c0_i32, %arg0, %c0_i32_0 : i32, i32, i32
  }
  func.func @transform_1(%arg0: i32) -> (i32, i32) {
    %c0_i32 = arith.constant 0 : i32
    %c0_i32_0 = arith.constant 0 : i32
    return %arg0, %c0_i32 : i32, i32
  }
  func.func @transform_2(%arg0: i32) -> (i32, i32) {
    %c0_i32 = arith.constant 0 : i32
    %c0_i32_0 = arith.constant 0 : i32
    return %arg0, %c0_i32 : i32, i32
  }
  func.func @transform_3(%arg0: i32) -> (i32, i32) {
    %c0_i32 = arith.constant 0 : i32
    %c0_i32_0 = arith.constant 0 : i32
    %c0_i32_1 = arith.constant 0 : i32
    return %c0_i32, %c0_i32_0 : i32, i32
  }
  func.func @transform_4(%arg0: i32) -> (i32, i32) {
    %c0_i32 = arith.constant 0 : i32
    %c0_i32_0 = arith.constant 0 : i32
    %c0_i32_1 = arith.constant 0 : i32
    return %c0_i32, %c0_i32_0 : i32, i32
  }
  func.func @transform_5(%arg0: i32) -> (i32, i32) {
    %c0_i32 = arith.constant 0 : i32
    %c0_i32_0 = arith.constant 0 : i32
    return %arg0, %c0_i32 : i32, i32
  }
  func.func @transform_6(%arg0: i32) -> (i32, i32) {
    %c0_i32 = arith.constant 0 : i32
    %c0_i32_0 = arith.constant 0 : i32
    return %arg0, %c0_i32 : i32, i32
  }
}

module attributes {stable_mosaic.version = 14 : i64} {
  func.func @_tc_attn_body(%arg0: i32, %arg1: memref<256x128xf32, #tpu.memory_space<vmem>>, %arg2: memref<384x128xf32, #tpu.memory_space<vmem>>, %arg3: memref<1x384xf32, #tpu.memory_space<vmem>>, %arg4: memref<128x128xf32, #tpu.memory_space<vmem>>, %arg5: memref<1x128xf32, #tpu.memory_space<vmem>>, %arg6: memref<8x128xf32, #tpu.memory_space<vmem>>) attributes {dimension_semantics = [#tpu.dimension_semantics<arbitrary>], iteration_bounds = array<i64: 32>, scalar_prefetch = 0 : i64, scratch_operands = 0 : i64, tpu.core_type = #tpu.core_type<tc>, window_params = [{transform_indices = @transform_0, window_bounds = array<i64: 256, 128>}, {pipeline_mode = #tpu.pipeline_mode<synchronous>, transform_indices = @transform_1, window_bounds = array<i64: 384, 128>}, {pipeline_mode = #tpu.pipeline_mode<synchronous>, transform_indices = @transform_2, window_bounds = array<i64: 1, 384>}, {pipeline_mode = #tpu.pipeline_mode<synchronous>, transform_indices = @transform_3, window_bounds = array<i64: 128, 128>}, {pipeline_mode = #tpu.pipeline_mode<synchronous>, transform_indices = @transform_4, window_bounds = array<i64: 1, 128>}, {transform_indices = @transform_5, window_bounds = array<i64: 8, 128>}]} {
    %get3A = arith.constant 0 : index
    %get3A_0 = arith.constant 0 : index
    %get3A_1 = vector.load %arg1[%get3A, %get3A_0] : memref<256x128xf32, #tpu.memory_space<vmem>>, vector<256x128xf32>
    %get3A_2 = arith.constant 0 : index
    %get3A_3 = arith.constant 0 : index
    %get3A_4 = vector.load %arg2[%get3A_2, %get3A_3] : memref<384x128xf32, #tpu.memory_space<vmem>>, vector<384x128xf32>
    %dot_general3A = arith.constant dense<0.000000e+00> : vector<256x384xf32>
    %dot_general3A_5 = tpu.matmul %get3A_1, %get3A_4, %dot_general3A {dimension_numbers = #tpu.dot_dimension_numbers<[1], [1], [0], [0], [0, 0, 1, 0], [], []>, transpose_lhs_hint = false} : vector<256x128xf32>, vector<384x128xf32>, vector<256x384xf32> -> vector<256x384xf32>
    %get3A_6 = arith.constant 0 : index
    %get3A_7 = arith.constant 0 : index
    %get3A_8 = vector.load %arg3[%get3A_6, %get3A_7] : memref<1x384xf32, #tpu.memory_space<vmem>>, vector<1x384xf32>
    %add3A = vector.broadcast %get3A_8 : vector<1x384xf32> to vector<256x384xf32>
    %add3A_9 = arith.addf %dot_general3A_5, %add3A : vector<256x384xf32>
    %iota3A = tpu.iota {dimensions = array<i32: 0>} : vector<256x256xi32>
    %jit3A = arith.constant 32 : i32
    %div3A = vector.broadcast %jit3A : i32 to vector<256x256xi32>
    %div3A_10 = arith.divsi %iota3A, %div3A : vector<256x256xi32>
    %sign3A = arith.constant 0 : i32
    %sign3A_11 = vector.broadcast %sign3A : i32 to vector<256x256xi32>
    %sign3A_12 = arith.cmpi sgt, %iota3A, %sign3A_11 : vector<256x256xi32>
    %sign3A_13 = arith.extui %sign3A_12 : vector<256x256xi1> to vector<256x256xi32>
    %sign3A_14 = arith.constant 0 : i32
    %sign3A_15 = vector.broadcast %sign3A_14 : i32 to vector<256x256xi32>
    %sign3A_16 = arith.cmpi slt, %iota3A, %sign3A_15 : vector<256x256xi32>
    %sign3A_17 = arith.extui %sign3A_16 : vector<256x256xi1> to vector<256x256xi32>
    %sign3A_18 = arith.subi %sign3A_13, %sign3A_17 : vector<256x256xi32>
    %sign3A_19 = arith.constant 0 : i32
    %sign3A_20 = arith.cmpi sgt, %jit3A, %sign3A_19 : i32
    %sign3A_21 = arith.extui %sign3A_20 : i1 to i32
    %sign3A_22 = arith.constant 0 : i32
    %sign3A_23 = arith.cmpi slt, %jit3A, %sign3A_22 : i32
    %sign3A_24 = arith.extui %sign3A_23 : i1 to i32
    %sign3A_25 = arith.subi %sign3A_21, %sign3A_24 : i32
    %ne3A = vector.broadcast %sign3A_25 : i32 to vector<256x256xi32>
    %ne3A_26 = arith.cmpi ne, %sign3A_18, %ne3A : vector<256x256xi32>
    %rem3A = vector.broadcast %jit3A : i32 to vector<256x256xi32>
    %rem3A_27 = arith.remsi %iota3A, %rem3A : vector<256x256xi32>
    %ne3A_28 = arith.constant 0 : i32
    %ne3A_29 = vector.broadcast %ne3A_28 : i32 to vector<256x256xi32>
    %ne3A_30 = arith.cmpi ne, %rem3A_27, %ne3A_29 : vector<256x256xi32>
    %and3A = arith.andi %ne3A_26, %ne3A_30 : vector<256x256xi1>
    %sub3A = arith.constant 1 : i32
    %sub3A_31 = vector.broadcast %sub3A : i32 to vector<256x256xi32>
    %sub3A_32 = arith.subi %div3A_10, %sub3A_31 : vector<256x256xi32>
    %select_n3A = arith.select %and3A, %sub3A_32, %div3A_10 : vector<256x256xi1>, vector<256x256xi32>
    %iota3A_33 = tpu.iota {dimensions = array<i32: 1>} : vector<256x256xi32>
    %jit3A_34 = arith.constant 32 : i32
    %div3A_35 = vector.broadcast %jit3A_34 : i32 to vector<256x256xi32>
    %div3A_36 = arith.divsi %iota3A_33, %div3A_35 : vector<256x256xi32>
    %sign3A_37 = arith.constant 0 : i32
    %sign3A_38 = vector.broadcast %sign3A_37 : i32 to vector<256x256xi32>
    %sign3A_39 = arith.cmpi sgt, %iota3A_33, %sign3A_38 : vector<256x256xi32>
    %sign3A_40 = arith.extui %sign3A_39 : vector<256x256xi1> to vector<256x256xi32>
    %sign3A_41 = arith.constant 0 : i32
    %sign3A_42 = vector.broadcast %sign3A_41 : i32 to vector<256x256xi32>
    %sign3A_43 = arith.cmpi slt, %iota3A_33, %sign3A_42 : vector<256x256xi32>
    %sign3A_44 = arith.extui %sign3A_43 : vector<256x256xi1> to vector<256x256xi32>
    %sign3A_45 = arith.subi %sign3A_40, %sign3A_44 : vector<256x256xi32>
    %sign3A_46 = arith.constant 0 : i32
    %sign3A_47 = arith.cmpi sgt, %jit3A_34, %sign3A_46 : i32
    %sign3A_48 = arith.extui %sign3A_47 : i1 to i32
    %sign3A_49 = arith.constant 0 : i32
    %sign3A_50 = arith.cmpi slt, %jit3A_34, %sign3A_49 : i32
    %sign3A_51 = arith.extui %sign3A_50 : i1 to i32
    %sign3A_52 = arith.subi %sign3A_48, %sign3A_51 : i32
    %ne3A_53 = vector.broadcast %sign3A_52 : i32 to vector<256x256xi32>
    %ne3A_54 = arith.cmpi ne, %sign3A_45, %ne3A_53 : vector<256x256xi32>
    %rem3A_55 = vector.broadcast %jit3A_34 : i32 to vector<256x256xi32>
    %rem3A_56 = arith.remsi %iota3A_33, %rem3A_55 : vector<256x256xi32>
    %ne3A_57 = arith.constant 0 : i32
    %ne3A_58 = vector.broadcast %ne3A_57 : i32 to vector<256x256xi32>
    %ne3A_59 = arith.cmpi ne, %rem3A_56, %ne3A_58 : vector<256x256xi32>
    %and3A_60 = arith.andi %ne3A_54, %ne3A_59 : vector<256x256xi1>
    %sub3A_61 = arith.constant 1 : i32
    %sub3A_62 = vector.broadcast %sub3A_61 : i32 to vector<256x256xi32>
    %sub3A_63 = arith.subi %div3A_36, %sub3A_62 : vector<256x256xi32>
    %select_n3A_64 = arith.select %and3A_60, %sub3A_63, %div3A_36 : vector<256x256xi1>, vector<256x256xi32>
    %eq3A = arith.cmpi eq, %select_n3A, %select_n3A_64 : vector<256x256xi32>
    %slice3A = vector.extract_strided_slice %add3A_9 {offsets = [0, 0], sizes = [256, 32], strides = [1, 1]} : vector<256x384xf32> to vector<256x32xf32>
    %slice3A_65 = vector.extract_strided_slice %add3A_9 {offsets = [0, 128], sizes = [256, 32], strides = [1, 1]} : vector<256x384xf32> to vector<256x32xf32>
    %slice3A_66 = vector.extract_strided_slice %add3A_9 {offsets = [0, 256], sizes = [256, 32], strides = [1, 1]} : vector<256x384xf32> to vector<256x32xf32>
    %dot_general3A_67 = arith.constant dense<0.000000e+00> : vector<256x256xf32>
    %dot_general3A_68 = tpu.matmul %slice3A, %slice3A_65, %dot_general3A_67 {dimension_numbers = #tpu.dot_dimension_numbers<[1], [1], [0], [0], [0, 0, 1, 0], [], []>, transpose_lhs_hint = false} : vector<256x32xf32>, vector<256x32xf32>, vector<256x256xf32> -> vector<256x256xf32>
    %mul3A = arith.constant 0.176776692 : f32
    %mul3A_69 = vector.broadcast %mul3A : f32 to vector<256x256xf32>
    %mul3A_70 = arith.mulf %dot_general3A_68, %mul3A_69 : vector<256x256xf32>
    %jit3A_71 = arith.constant -1.000000e+30 : f32
    %broadcast_in_dim3A = vector.broadcast %jit3A_71 : f32 to vector<256x256xf32>
    %select_n3A_72 = arith.select %eq3A, %mul3A_70, %broadcast_in_dim3A : vector<256x256xi1>, vector<256x256xf32>
    %reduce_max3A = arith.constant dense<0xFF800000> : vector<256xf32>
    %reduce_max3A_73 = vector.multi_reduction <maximumf>, %select_n3A_72, %reduce_max3A [1] : vector<256x256xf32> to vector<256xf32>
    %broadcast_in_dim3A_74 = vector.shape_cast %reduce_max3A_73 : vector<256xf32> to vector<256x1xf32>
    %sub3A_75 = vector.broadcast %broadcast_in_dim3A_74 : vector<256x1xf32> to vector<256x256xf32>
    %sub3A_76 = arith.subf %select_n3A_72, %sub3A_75 : vector<256x256xf32>
    %exp3A = math.exp %sub3A_76 : vector<256x256xf32>
    %reduce_sum3A = arith.constant dense<0.000000e+00> : vector<256xf32>
    %reduce_sum3A_77 = vector.multi_reduction <add>, %exp3A, %reduce_sum3A [1] : vector<256x256xf32> to vector<256xf32>
    %broadcast_in_dim3A_78 = vector.shape_cast %reduce_sum3A_77 : vector<256xf32> to vector<256x1xf32>
    %div3A_79 = vector.broadcast %broadcast_in_dim3A_78 : vector<256x1xf32> to vector<256x256xf32>
    %div3A_80 = arith.divf %exp3A, %div3A_79 : vector<256x256xf32>
    %dot_general3A_81 = arith.constant dense<0.000000e+00> : vector<256x32xf32>
    %dot_general3A_82 = tpu.matmul %div3A_80, %slice3A_66, %dot_general3A_81 {dimension_numbers = #tpu.dot_dimension_numbers<[1], [0], [0], [1], [0, 0, 1, 1], [], []>, transpose_lhs_hint = false} : vector<256x256xf32>, vector<256x32xf32>, vector<256x32xf32> -> vector<256x32xf32>
    %slice3A_83 = vector.extract_strided_slice %add3A_9 {offsets = [0, 32], sizes = [256, 32], strides = [1, 1]} : vector<256x384xf32> to vector<256x32xf32>
    %slice3A_84 = vector.extract_strided_slice %add3A_9 {offsets = [0, 160], sizes = [256, 32], strides = [1, 1]} : vector<256x384xf32> to vector<256x32xf32>
    %slice3A_85 = vector.extract_strided_slice %add3A_9 {offsets = [0, 288], sizes = [256, 32], strides = [1, 1]} : vector<256x384xf32> to vector<256x32xf32>
    %dot_general3A_86 = arith.constant dense<0.000000e+00> : vector<256x256xf32>
    %dot_general3A_87 = tpu.matmul %slice3A_83, %slice3A_84, %dot_general3A_86 {dimension_numbers = #tpu.dot_dimension_numbers<[1], [1], [0], [0], [0, 0, 1, 0], [], []>, transpose_lhs_hint = false} : vector<256x32xf32>, vector<256x32xf32>, vector<256x256xf32> -> vector<256x256xf32>
    %mul3A_88 = arith.constant 0.176776692 : f32
    %mul3A_89 = vector.broadcast %mul3A_88 : f32 to vector<256x256xf32>
    %mul3A_90 = arith.mulf %dot_general3A_87, %mul3A_89 : vector<256x256xf32>
    %jit3A_91 = arith.constant -1.000000e+30 : f32
    %broadcast_in_dim3A_92 = vector.broadcast %jit3A_91 : f32 to vector<256x256xf32>
    %select_n3A_93 = arith.select %eq3A, %mul3A_90, %broadcast_in_dim3A_92 : vector<256x256xi1>, vector<256x256xf32>
    %reduce_max3A_94 = arith.constant dense<0xFF800000> : vector<256xf32>
    %reduce_max3A_95 = vector.multi_reduction <maximumf>, %select_n3A_93, %reduce_max3A_94 [1] : vector<256x256xf32> to vector<256xf32>
    %broadcast_in_dim3A_96 = vector.shape_cast %reduce_max3A_95 : vector<256xf32> to vector<256x1xf32>
    %sub3A_97 = vector.broadcast %broadcast_in_dim3A_96 : vector<256x1xf32> to vector<256x256xf32>
    %sub3A_98 = arith.subf %select_n3A_93, %sub3A_97 : vector<256x256xf32>
    %exp3A_99 = math.exp %sub3A_98 : vector<256x256xf32>
    %reduce_sum3A_100 = arith.constant dense<0.000000e+00> : vector<256xf32>
    %reduce_sum3A_101 = vector.multi_reduction <add>, %exp3A_99, %reduce_sum3A_100 [1] : vector<256x256xf32> to vector<256xf32>
    %broadcast_in_dim3A_102 = vector.shape_cast %reduce_sum3A_101 : vector<256xf32> to vector<256x1xf32>
    %div3A_103 = vector.broadcast %broadcast_in_dim3A_102 : vector<256x1xf32> to vector<256x256xf32>
    %div3A_104 = arith.divf %exp3A_99, %div3A_103 : vector<256x256xf32>
    %dot_general3A_105 = arith.constant dense<0.000000e+00> : vector<256x32xf32>
    %dot_general3A_106 = tpu.matmul %div3A_104, %slice3A_85, %dot_general3A_105 {dimension_numbers = #tpu.dot_dimension_numbers<[1], [0], [0], [1], [0, 0, 1, 1], [], []>, transpose_lhs_hint = false} : vector<256x256xf32>, vector<256x32xf32>, vector<256x32xf32> -> vector<256x32xf32>
    %slice3A_107 = vector.extract_strided_slice %add3A_9 {offsets = [0, 64], sizes = [256, 32], strides = [1, 1]} : vector<256x384xf32> to vector<256x32xf32>
    %slice3A_108 = vector.extract_strided_slice %add3A_9 {offsets = [0, 192], sizes = [256, 32], strides = [1, 1]} : vector<256x384xf32> to vector<256x32xf32>
    %slice3A_109 = vector.extract_strided_slice %add3A_9 {offsets = [0, 320], sizes = [256, 32], strides = [1, 1]} : vector<256x384xf32> to vector<256x32xf32>
    %dot_general3A_110 = arith.constant dense<0.000000e+00> : vector<256x256xf32>
    %dot_general3A_111 = tpu.matmul %slice3A_107, %slice3A_108, %dot_general3A_110 {dimension_numbers = #tpu.dot_dimension_numbers<[1], [1], [0], [0], [0, 0, 1, 0], [], []>, transpose_lhs_hint = false} : vector<256x32xf32>, vector<256x32xf32>, vector<256x256xf32> -> vector<256x256xf32>
    %mul3A_112 = arith.constant 0.176776692 : f32
    %mul3A_113 = vector.broadcast %mul3A_112 : f32 to vector<256x256xf32>
    %mul3A_114 = arith.mulf %dot_general3A_111, %mul3A_113 : vector<256x256xf32>
    %jit3A_115 = arith.constant -1.000000e+30 : f32
    %broadcast_in_dim3A_116 = vector.broadcast %jit3A_115 : f32 to vector<256x256xf32>
    %select_n3A_117 = arith.select %eq3A, %mul3A_114, %broadcast_in_dim3A_116 : vector<256x256xi1>, vector<256x256xf32>
    %reduce_max3A_118 = arith.constant dense<0xFF800000> : vector<256xf32>
    %reduce_max3A_119 = vector.multi_reduction <maximumf>, %select_n3A_117, %reduce_max3A_118 [1] : vector<256x256xf32> to vector<256xf32>
    %broadcast_in_dim3A_120 = vector.shape_cast %reduce_max3A_119 : vector<256xf32> to vector<256x1xf32>
    %sub3A_121 = vector.broadcast %broadcast_in_dim3A_120 : vector<256x1xf32> to vector<256x256xf32>
    %sub3A_122 = arith.subf %select_n3A_117, %sub3A_121 : vector<256x256xf32>
    %exp3A_123 = math.exp %sub3A_122 : vector<256x256xf32>
    %reduce_sum3A_124 = arith.constant dense<0.000000e+00> : vector<256xf32>
    %reduce_sum3A_125 = vector.multi_reduction <add>, %exp3A_123, %reduce_sum3A_124 [1] : vector<256x256xf32> to vector<256xf32>
    %broadcast_in_dim3A_126 = vector.shape_cast %reduce_sum3A_125 : vector<256xf32> to vector<256x1xf32>
    %div3A_127 = vector.broadcast %broadcast_in_dim3A_126 : vector<256x1xf32> to vector<256x256xf32>
    %div3A_128 = arith.divf %exp3A_123, %div3A_127 : vector<256x256xf32>
    %dot_general3A_129 = arith.constant dense<0.000000e+00> : vector<256x32xf32>
    %dot_general3A_130 = tpu.matmul %div3A_128, %slice3A_109, %dot_general3A_129 {dimension_numbers = #tpu.dot_dimension_numbers<[1], [0], [0], [1], [0, 0, 1, 1], [], []>, transpose_lhs_hint = false} : vector<256x256xf32>, vector<256x32xf32>, vector<256x32xf32> -> vector<256x32xf32>
    %slice3A_131 = vector.extract_strided_slice %add3A_9 {offsets = [0, 96], sizes = [256, 32], strides = [1, 1]} : vector<256x384xf32> to vector<256x32xf32>
    %slice3A_132 = vector.extract_strided_slice %add3A_9 {offsets = [0, 224], sizes = [256, 32], strides = [1, 1]} : vector<256x384xf32> to vector<256x32xf32>
    %slice3A_133 = vector.extract_strided_slice %add3A_9 {offsets = [0, 352], sizes = [256, 32], strides = [1, 1]} : vector<256x384xf32> to vector<256x32xf32>
    %dot_general3A_134 = arith.constant dense<0.000000e+00> : vector<256x256xf32>
    %dot_general3A_135 = tpu.matmul %slice3A_131, %slice3A_132, %dot_general3A_134 {dimension_numbers = #tpu.dot_dimension_numbers<[1], [1], [0], [0], [0, 0, 1, 0], [], []>, transpose_lhs_hint = false} : vector<256x32xf32>, vector<256x32xf32>, vector<256x256xf32> -> vector<256x256xf32>
    %mul3A_136 = arith.constant 0.176776692 : f32
    %mul3A_137 = vector.broadcast %mul3A_136 : f32 to vector<256x256xf32>
    %mul3A_138 = arith.mulf %dot_general3A_135, %mul3A_137 : vector<256x256xf32>
    %jit3A_139 = arith.constant -1.000000e+30 : f32
    %broadcast_in_dim3A_140 = vector.broadcast %jit3A_139 : f32 to vector<256x256xf32>
    %select_n3A_141 = arith.select %eq3A, %mul3A_138, %broadcast_in_dim3A_140 : vector<256x256xi1>, vector<256x256xf32>
    %reduce_max3A_142 = arith.constant dense<0xFF800000> : vector<256xf32>
    %reduce_max3A_143 = vector.multi_reduction <maximumf>, %select_n3A_141, %reduce_max3A_142 [1] : vector<256x256xf32> to vector<256xf32>
    %broadcast_in_dim3A_144 = vector.shape_cast %reduce_max3A_143 : vector<256xf32> to vector<256x1xf32>
    %sub3A_145 = vector.broadcast %broadcast_in_dim3A_144 : vector<256x1xf32> to vector<256x256xf32>
    %sub3A_146 = arith.subf %select_n3A_141, %sub3A_145 : vector<256x256xf32>
    %exp3A_147 = math.exp %sub3A_146 : vector<256x256xf32>
    %reduce_sum3A_148 = arith.constant dense<0.000000e+00> : vector<256xf32>
    %reduce_sum3A_149 = vector.multi_reduction <add>, %exp3A_147, %reduce_sum3A_148 [1] : vector<256x256xf32> to vector<256xf32>
    %broadcast_in_dim3A_150 = vector.shape_cast %reduce_sum3A_149 : vector<256xf32> to vector<256x1xf32>
    %div3A_151 = vector.broadcast %broadcast_in_dim3A_150 : vector<256x1xf32> to vector<256x256xf32>
    %div3A_152 = arith.divf %exp3A_147, %div3A_151 : vector<256x256xf32>
    %dot_general3A_153 = arith.constant dense<0.000000e+00> : vector<256x32xf32>
    %dot_general3A_154 = tpu.matmul %div3A_152, %slice3A_133, %dot_general3A_153 {dimension_numbers = #tpu.dot_dimension_numbers<[1], [0], [0], [1], [0, 0, 1, 1], [], []>, transpose_lhs_hint = false} : vector<256x256xf32>, vector<256x32xf32>, vector<256x32xf32> -> vector<256x32xf32>
    %concatenate3A = tpu.concatenate %dot_general3A_82, %dot_general3A_106, %dot_general3A_130, %dot_general3A_154 in 1 : vector<256x32xf32>, vector<256x32xf32>, vector<256x32xf32>, vector<256x32xf32> -> vector<256x128xf32>
    %get3A_155 = arith.constant 0 : index
    %get3A_156 = arith.constant 0 : index
    %get3A_157 = vector.load %arg4[%get3A_155, %get3A_156] : memref<128x128xf32, #tpu.memory_space<vmem>>, vector<128x128xf32>
    %dot_general3A_158 = arith.constant dense<0.000000e+00> : vector<256x128xf32>
    %dot_general3A_159 = tpu.matmul %concatenate3A, %get3A_157, %dot_general3A_158 {dimension_numbers = #tpu.dot_dimension_numbers<[1], [1], [0], [0], [0, 0, 1, 0], [], []>, transpose_lhs_hint = false} : vector<256x128xf32>, vector<128x128xf32>, vector<256x128xf32> -> vector<256x128xf32>
    %get3A_160 = arith.constant 0 : index
    %get3A_161 = arith.constant 0 : index
    %get3A_162 = vector.load %arg5[%get3A_160, %get3A_161] : memref<1x128xf32, #tpu.memory_space<vmem>>, vector<1x128xf32>
    %add3A_163 = vector.broadcast %get3A_162 : vector<1x128xf32> to vector<256x128xf32>
    %add3A_164 = arith.addf %dot_general3A_159, %add3A_163 : vector<256x128xf32>
    %iota3A_165 = tpu.iota {dimensions = array<i32: 0>} : vector<8x256xi32>
    %iota3A_166 = tpu.iota {dimensions = array<i32: 1>} : vector<8x256xi32>
    %jit3A_167 = arith.constant 32 : i32
    %div3A_168 = vector.broadcast %jit3A_167 : i32 to vector<8x256xi32>
    %div3A_169 = arith.divsi %iota3A_166, %div3A_168 : vector<8x256xi32>
    %sign3A_170 = arith.constant 0 : i32
    %sign3A_171 = vector.broadcast %sign3A_170 : i32 to vector<8x256xi32>
    %sign3A_172 = arith.cmpi sgt, %iota3A_166, %sign3A_171 : vector<8x256xi32>
    %sign3A_173 = arith.extui %sign3A_172 : vector<8x256xi1> to vector<8x256xi32>
    %sign3A_174 = arith.constant 0 : i32
    %sign3A_175 = vector.broadcast %sign3A_174 : i32 to vector<8x256xi32>
    %sign3A_176 = arith.cmpi slt, %iota3A_166, %sign3A_175 : vector<8x256xi32>
    %sign3A_177 = arith.extui %sign3A_176 : vector<8x256xi1> to vector<8x256xi32>
    %sign3A_178 = arith.subi %sign3A_173, %sign3A_177 : vector<8x256xi32>
    %sign3A_179 = arith.constant 0 : i32
    %sign3A_180 = arith.cmpi sgt, %jit3A_167, %sign3A_179 : i32
    %sign3A_181 = arith.extui %sign3A_180 : i1 to i32
    %sign3A_182 = arith.constant 0 : i32
    %sign3A_183 = arith.cmpi slt, %jit3A_167, %sign3A_182 : i32
    %sign3A_184 = arith.extui %sign3A_183 : i1 to i32
    %sign3A_185 = arith.subi %sign3A_181, %sign3A_184 : i32
    %ne3A_186 = vector.broadcast %sign3A_185 : i32 to vector<8x256xi32>
    %ne3A_187 = arith.cmpi ne, %sign3A_178, %ne3A_186 : vector<8x256xi32>
    %rem3A_188 = vector.broadcast %jit3A_167 : i32 to vector<8x256xi32>
    %rem3A_189 = arith.remsi %iota3A_166, %rem3A_188 : vector<8x256xi32>
    %ne3A_190 = arith.constant 0 : i32
    %ne3A_191 = vector.broadcast %ne3A_190 : i32 to vector<8x256xi32>
    %ne3A_192 = arith.cmpi ne, %rem3A_189, %ne3A_191 : vector<8x256xi32>
    %and3A_193 = arith.andi %ne3A_187, %ne3A_192 : vector<8x256xi1>
    %sub3A_194 = arith.constant 1 : i32
    %sub3A_195 = vector.broadcast %sub3A_194 : i32 to vector<8x256xi32>
    %sub3A_196 = arith.subi %div3A_169, %sub3A_195 : vector<8x256xi32>
    %select_n3A_197 = arith.select %and3A_193, %sub3A_196, %div3A_169 : vector<8x256xi1>, vector<8x256xi32>
    %eq3A_198 = arith.cmpi eq, %select_n3A_197, %iota3A_165 : vector<8x256xi32>
    %jit3A_199 = arith.constant 3.125000e-02 : f32
    %jit3A_200 = arith.constant 0.000000e+00 : f32
    %broadcast_in_dim3A_201 = vector.broadcast %jit3A_199 : f32 to vector<8x256xf32>
    %broadcast_in_dim3A_202 = vector.broadcast %jit3A_200 : f32 to vector<8x256xf32>
    %select_n3A_203 = arith.select %eq3A_198, %broadcast_in_dim3A_201, %broadcast_in_dim3A_202 : vector<8x256xi1>, vector<8x256xf32>
    %dot_general3A_204 = arith.constant dense<0.000000e+00> : vector<8x128xf32>
    %dot_general3A_205 = tpu.matmul %select_n3A_203, %add3A_164, %dot_general3A_204 {dimension_numbers = #tpu.dot_dimension_numbers<[1], [0], [0], [1], [0, 0, 1, 1], [], []>, transpose_lhs_hint = false} : vector<8x256xf32>, vector<256x128xf32>, vector<8x128xf32> -> vector<8x128xf32>
    %swap3A = arith.constant 0 : index
    %swap3A_206 = arith.constant 0 : index
    %swap3A_207 = vector.load %arg6[%swap3A, %swap3A_206] : memref<8x128xf32, #tpu.memory_space<vmem>>, vector<8x128xf32>
    tpu.vector_store %arg6[%swap3A, %swap3A_206], %dot_general3A_205 {strides = array<i32>} : memref<8x128xf32, #tpu.memory_space<vmem>>, vector<8x128xf32>,
    return
  }
  func.func @transform_0(%arg0: i32) -> (i32, i32) {
    %c0_i32 = arith.constant 0 : i32
    %c0_i32_0 = arith.constant 0 : i32
    return %arg0, %c0_i32 : i32, i32
  }
  func.func @transform_1(%arg0: i32) -> (i32, i32) {
    %c0_i32 = arith.constant 0 : i32
    %c0_i32_0 = arith.constant 0 : i32
    %c0_i32_1 = arith.constant 0 : i32
    return %c0_i32, %c0_i32_0 : i32, i32
  }
  func.func @transform_2(%arg0: i32) -> (i32, i32) {
    %c0_i32 = arith.constant 0 : i32
    %c0_i32_0 = arith.constant 0 : i32
    %c0_i32_1 = arith.constant 0 : i32
    return %c0_i32, %c0_i32_0 : i32, i32
  }
  func.func @transform_3(%arg0: i32) -> (i32, i32) {
    %c0_i32 = arith.constant 0 : i32
    %c0_i32_0 = arith.constant 0 : i32
    %c0_i32_1 = arith.constant 0 : i32
    return %c0_i32, %c0_i32_0 : i32, i32
  }
  func.func @transform_4(%arg0: i32) -> (i32, i32) {
    %c0_i32 = arith.constant 0 : i32
    %c0_i32_0 = arith.constant 0 : i32
    %c0_i32_1 = arith.constant 0 : i32
    return %c0_i32, %c0_i32_0 : i32, i32
  }
  func.func @transform_5(%arg0: i32) -> (i32, i32) {
    %c0_i32 = arith.constant 0 : i32
    %c0_i32_0 = arith.constant 0 : i32
    return %arg0, %c0_i32 : i32, i32
  }
}

</mosaic_0001>

<sc_bundles>
// kernel: kernel.11.cloned.1.call-start
scs
__scs_entry_jumppad:
0x0: {  	(pc) =	sbr.rel $0x88, $3  }
0x1: {  	(tag) =	ssettag $0x0;
	lr =	simm.s32 $0x1  }
0x2: {  	[smem:$0x3F96] =	sst lr;
	_ =	strace $0xD0000000  }
0x3: {  	_ = 	snop  }
0x4: {  	_ = 	snop  }
0x5: {  	_ = 	snop  }
0x6: {  	_ = 	snop  }
0x7: {  	_ = 	snop  }
__scs_overlays_trampoline_lowered:
0x8: {  	[smem:$0x3FA5] =	sst s0  }
0x9: {  	[smem:$0x3FA6] =	sst s1  }
0xa: {  	[smem:$0x3FA7] =	sst s2  }
0xb: {  	[smem:$0x3FA8] =	sst s3  }
0xc: {  	[smem:$0x3FA9] =	sst s4  }
0xd: {  	[smem:$0x3FAA] =	sst s5  }
0xe: {  	[smem:$0x3FAB] =	sst s6  }
0xf: {  	[smem:$0x3FAC] =	sst s7  }
0x10: {  	[smem:$0x3FAD] =	sst s8  }
0x11: {  	[smem:$0x3FAE] =	sst s9;
	s0 =	simm.s32 @!p0 $0x0  }
0x12: {  	s1 =	sld [smem:$0x3F94];
	s0 =	simm.s32 @p0 $0x1  }
0x13: {  	[smem:$0x3FAF] =	sst s0;
	s0 =	simm.s32 @!p1 $0x0  }
0x14: {  	s2 =	sld [smem:$0x3F93];
	s0 =	simm.s32 @p1 $0x1  }
0x15: {  	[smem:$0x3FB0] =	sst s0;
	s0 =	simm.s32 @!p2 $0x0  }
0x16: {  	s3 =	sld [smem:$0x3FDB];
	s0 =	simm.s32 @p2 $0x1  }
0x17: {  	s4 =	simm.s32 $0x1BF5;
	[smem:$0x3FB2] =	sst s0  }
0x18: {  	s0 =	sld [smem:$0x3F95];
	_ =	swait.ge [sflag:s4], $0x0  }
0x19: {  	s7 =	sld [smem:$0x3F96]  }
0x1a: {  	s8 =	sadd.s32 $0xFFFFE003, lr  }
0x1b: {  	s9 =	sadd.s32 $0xFFFFFEF7, lr;
	s5 =	simm.s32 $0xFFFFFFFF;
	p2 =	slt.u32 s8, $0xFFFFF086  }
0x1c: {  	p1 =	slt.u32 s9, $0xF7A;
	s5 =	simm.s32 @!p2 $0x0  }
0x1d: {  	s5 =	simm.s32 @p1 $0x1;
	p0 =	seq.s32 s7, s2  }
0x1e: {  	s7 =	smul.u32 @!p0 $0xF7A, s2;
	p2 =	seq.s32 @!p0 s5, $0x0  }
0x1f: {  	s9 =	smul.u32 $0xF7A, s1;
	s8 =	simm.s32 @!p0 $0x1BF5;
	p2 =	por !p2, p0  }
0x20: {  	[sflag:s8] =	ssyncset.s32 @!p0 $0xFFFFF086;
	s6 =	sadd.s32 @!p0 s3, s7;
	s7 =	simm.s32 @!p0 $0x108  }
0x21: {  	s3 =	sadd.s32 s3, s9;
	s6 =	sadd.s32 @!p0 $0x88, s6;
	s7 =	simm.s32 @p2 $0x1082  }
0x22: {  	[simem:s7], [sflag:s8] =	dma.local @!p0 [hbm:s6], $0xF7A  }
0x23: {  	s9 =	sor.u32 $0xD0000000, s2;
	s6 =	simm.s32 $0x108;
	_ =	swait.ge @!p0 [sflag:s8], $0x0  }
0x24: {  	s3 =	sadd.s32 $0x88, s3;
	s6 =	simm.s32 @!p1 $0x1082;
	[sflag:s4] =	ssyncset.s32 $0xFFFFF086  }
0x25: {  	[simem:s6], [sflag:s4] =	dma.local [hbm:s3], $0xF7A  }
0x26: {  	[smem:$0x3F96] =	sst s1;
	(tag) =	ssettag s2;
	_ =	strace s9  }
0x27: {  	s1 =	sld [smem:$0x3FA6]  }
0x28: {  	s2 =	sld [smem:$0x3FA7]  }
0x29: {  	s4 =	sld [smem:$0x3FA9]  }
0x2a: {  	p0 =	seq.s32 s5, $0x0;
	s5 =	sld [smem:$0x3FAA]  }
0x2b: {  	s6 =	sld [smem:$0x3FAB]  }
0x2c: {  	s7 =	sld [smem:$0x3FAC]  }
0x2d: {  	s3 =	simm.s32 $0x108;
	s8 =	sld [smem:$0x3FAD]  }
0x2e: {  	s3 =	simm.s32 @!p0 $0x1082;
	s9 =	sld [smem:$0x3FAE]  }
0x2f: {  	lr =	sadd.s32 s0, s3;
	s0 =	sld [smem:$0x3FA5]  }
0x30: {  	s3 =	sld [smem:$0x3FA8]  }
0x31: {  	[smem:$0x3FB1] =	sst s10  }
0x32: {  	s10 =	sld [smem:$0x3FAF];
	_ =	sdelay $0x3  }
0x33: {  	p0 =	seq.s32 s10, $0x1;
	s10 =	sld [smem:$0x3FB1];
	_ =	sdelay $0x3  }
0x34: {  	[smem:$0x3FB1] =	sst s10  }
0x35: {  	s10 =	sld [smem:$0x3FB0];
	_ =	sdelay $0x3  }
0x36: {  	p1 =	seq.s32 s10, $0x1;
	s10 =	sld [smem:$0x3FB1];
	_ =	sdelay $0x3  }
0x37: {  	[smem:$0x3FB1] =	sst s10  }
0x38: {  	s10 =	sld [smem:$0x3FB2]  }
0x39: {  	_ = 	snop;
	(pc) =	sbr.ind lr, $3  }
0x3a: {  	_ = 	snop  }
0x3b: {  	_ = 	snop  }
0x3c: {  	p2 =	seq.s32 s10, $0x1;
	s10 =	sld [smem:$0x3FB1]  }
0x3d: {  	_ =	shalt  }
0x3e: {  	_ =	shalt  }
0x3f: {  	_ =	shalt  }
0x40: {  	_ =	shalt  }
0x41: {  	_ =	shalt  }
0x42: {  	_ =	shalt  }
0x43: {  	_ =	shalt  }
0x44: {  	_ =	shalt  }
0x45: {  	_ =	shalt  }
0x46: {  	_ =	shalt  }
0x47: {  	_ =	shalt  }
0x48: {  	_ =	shalt  }
0x49: {  	_ =	shalt  }
0x4a: {  	_ =	shalt  }
0x4b: {  	_ =	shalt  }
0x4c: {  	_ =	shalt  }
0x4d: {  	_ =	shalt  }
0x4e: {  	_ =	shalt  }
0x4f: {  	_ =	shalt  }
0x50: {  	_ =	shalt  }
0x51: {  	_ =	shalt  }
0x52: {  	_ =	shalt  }
0x53: {  	_ =	shalt  }
0x54: {  	_ =	shalt  }
0x55: {  	_ =	shalt  }
0x56: {  	_ =	shalt  }
0x57: {  	_ =	shalt  }
0x58: {  	_ =	shalt  }
0x59: {  	_ =	shalt  }
0x5a: {  	_ =	shalt  }
0x5b: {  	_ =	shalt  }
0x5c: {  	_ =	shalt  }
0x5d: {  	_ =	shalt  }
0x5e: {  	_ =	shalt  }
0x5f: {  	_ =	shalt  }
0x60: {  	_ =	shalt  }
0x61: {  	_ =	shalt  }
0x62: {  	_ =	shalt  }
0x63: {  	_ =	shalt  }
0x64: {  	_ =	shalt  }
0x65: {  	_ =	shalt  }
0x66: {  	_ =	shalt  }
0x67: {  	_ =	shalt  }
0x68: {  	_ =	shalt  }
0x69: {  	_ =	shalt  }
0x6a: {  	_ =	shalt  }
0x6b: {  	_ =	shalt  }
0x6c: {  	_ =	shalt  }
0x6d: {  	_ =	shalt  }
0x6e: {  	_ =	shalt  }
0x6f: {  	_ =	shalt  }
0x70: {  	_ =	shalt  }
0x71: {  	_ =	shalt  }
0x72: {  	_ =	shalt  }
0x73: {  	_ =	shalt  }
0x74: {  	_ =	shalt  }
0x75: {  	_ =	shalt  }
0x76: {  	_ =	shalt  }
0x77: {  	_ =	shalt  }
0x78: {  	_ =	shalt  }
0x79: {  	_ =	shalt  }
0x7a: {  	_ =	shalt  }
0x7b: {  	_ =	shalt  }
0x7c: {  	_ =	shalt  }
0x7d: {  	_ =	shalt  }
0x7e: {  	_ =	shalt  }
0x7f: {  	_ =	shalt  }
0x80: {  	_ =	shalt  }
0x81: {  	_ =	shalt  }
0x82: {  	_ =	shalt  }
0x83: {  	_ =	shalt  }
0x84: {  	_ =	shalt  }
0x85: {  	_ =	shalt  }
0x86: {  	_ =	shalt  }
0x87: {  	_ =	shalt  }
.Lfunc_end0:
.L_simem_size_0:
called_computation_lowered:
.L_overlay_start_0:
0x88: {  	s2 =	sld [smem:$0x3FD9]  }
0x89: {  	s3 =	sld [smem:$0x3FFE];
	_ =	sdelay $0x1  }
0x8a: {  	s1 =	srdreg.scid  }
0x8b: {  	s0 =	sand.u32 $0x1, s1  }
0x8c: {  	s14 =	sshll.u32 s0, $0xA;
	s2 =	sadd.s32 s3, s2  }
0x8d: {  	s2 =	sadd.s32 s2, s14  }
0x8e: {  	[smem:$0x3FBD] =	sst s2  }
0x8f: {  	_ = 	snop  }
0x90: {  	s2 =	sld [smem:$0x3FD0];
	_ =	sdelay $0x2  }
0x91: {  	s15 =	simm.s32 $0xA;
	s4 =	simm.s32 $0x10  }
0x92: {  	[smem:s4], [sflag:s15] =	dma.local [hbm:s2], $0x1  }
0x93: {  	_ =	swait.eq [sflag:s15], $0x1  }
0x94: {  	[sflag:s15] =	ssyncset.done $0x0  }
0x95: {  	[sflag:s15] =	ssyncadd.s32 $0xFFFFFFFF  }
0x96: {  	s16 =	sld [smem:$0x11];
	(tm) =	ssettm $0x1  }
0x97: {  	s17 =	sld [smem:$0x3FFB];
	_ =	sdelay $0x3  }
0x98: {  	_ =	strace s17  }
0x99: {  	s3 =	sld [smem:$0x3FFC];
	_ =	sdelay $0x3  }
0x9a: {  	_ =	strace s3  }
0x9b: {  	s3 =	sld [smem:$0x3FFD];
	_ =	sdelay $0x3  }
0x9c: {  	_ =	strace s3  }
0x9d: {  	_ =	strace $0x8FFFFFFF  }
0x9e: {  	s18 =	sld [smem:$0x3FDB];
	_ =	sdelay $0x1  }
0x9f: {  	s19 =	simm.s32 $_scs_section_size  }
0xa0: {  	s5 =	simm.s32 $_size__tile_overlayer_lowered;
	s6 =	simm.s32 $_tile_overlayer_lowered  }
0xa1: {  	s22 =	simm.s32 $0x1BFF;
	s21 =	sshll.u32 s6, $0x1;
	s3 =	sadd.s32 s19, s18  }
0xa2: {  	s7 =	simm.s32 $0x0;
	s20 =	sshll.u32 s5, $0x1;
	s5 =	sadd.s32 s21, s3  }
0xa3: {  	[timem:s7], [sflag:s22] =	dma.local [hbm:s5], s20  }
0xa4: {  	_ =	swait.ge [sflag:s22], s20  }
0xa5: {  	s4 =	ssub.s32 $0x0, s20;
	[sflag:s22] =	ssyncset.done $0x0  }
0xa6: {  	[sflag:s22] =	ssyncadd.s32 s4;
	_ =	sdelay $0x1  }
0xa7: {  	s23 =	simm.s32 $0x1B8B  }
0xa8: {  	_ =	swait.ge [sflag:s23], $0x1  }
0xa9: {  	[sflag:s23] =	ssyncset.done $0x0  }
0xaa: {  	s25 =	simm.s32 $0x1B8E;
	s24 =	sld [smem:$0x3FFE];
	[sflag:s23] =	ssyncadd.s32 $0xFFFFFFFF  }
0xab: {  	s26 =	simm.s32 $execute0_lowered;
	[smem:$0x3FD2] =	sst s25  }
0xac: {  	s5 =	sshll.u32 s26, $0x1;
	_ =	strace $0x80000046;
	[dreg:$0x1] =	wrdreg $0xFFFFFFFF  }
0xad: {  	s28 =	simm.s32 $_size_execute0_lowered;
	s3 =	sadd.s32 s3, s5;
	[dreg:$0x0] =	wrdreg $0x0  }
0xae: {  	s5 =	sshll.u32 s28, $0x1;
	[dreg:$0x2] =	wrdreg s3  }
0xaf: {  	[dreg:$0x3] =	wrdreg s5  }
0xb0: {  	[dreg:$0x4] =	wrdreg $0xC0  }
0xb1: {  	_ =	task [dreg:s7], $0x5FFFF  }
0xb2: {  	[dreg:$0x1] =	wrdreg $0xFFFFFFFF  }
0xb3: {  	[dreg:$0x0] =	wrdreg $0x60  }
0xb4: {  	[dreg:$0x2] =	wrdreg s24  }
0xb5: {  	[dreg:$0x3] =	wrdreg s16  }
0xb6: {  	[dreg:$0x4] =	wrdreg $0x0  }
0xb7: {  	[dreg:$0x5] =	wrdreg $0x9  }
0xb8: {  	_ =	task.clear_ibuf [dreg:s7], $0x6FFFF;
	_ =	strace $0x90000046  }
0xb9: {  	s29 =	simm.s32 $0x9;
	_ =	strace $0x80000048  }
0xba: {  	_ =	swait.ge [sflag:s29], $0x1  }
0xbb: {  	[sflag:s29] =	ssyncadd.s32 $0xFFFFFFFF  }
0xbc: {  	_ =	strace $0x90000048  }
0xbd: {  	_ =	sfence  }
0xbe: {  	s30 =	sld [smem:$0x0];
	_ =	sdelay $0x2  }
0xbf: {  	s31 =	sshll.u32 s1, $0xD;
	s1 =	sshrl.u32 s1, $0x2  }
0xc0: {  	s3 =	sand.u32 $0x4000, s31;
	s1 =	sadd.s32 s1, s30  }
0xc1: {  	s0 =	sor.u32 s3, s0;
	s1 =	sshll.u32 s1, $0x11  }
0xc2: {  	s0 =	sor.u32 s1, s0  }
0xc3: {  	s0 =	sadd.s32 $0x8F2B, s0  }
0xc4: {  	[sflag:s0] =	ssyncadd.remote.s32 $0x1  }
0xc5: {  	_ =	sfence.sel $0xFFFF  }
0xc6: {  	[dreg:$0x0] =	wrdreg $0xFFFFFFFF;
	(pc) =	sbr.abs _section_cstart, $3  }
0xc7: {  	[dreg:$0x1] =	wrdreg $0xFFFFFFFF  }
0xc8: {  	_ =	task.clear_ibuf [dreg:s7], $0x2FFFF;
	_ =	strace $0x9FFFFFFF  }
0xc9: {  	(tm) =	ssettm $0x7FFFFFFF  }
tec
execute0_lowered:
.L_overlay_start_1:
0x0: {  	(tag) =	ssettag $0x1  }
0x1: {  	s5 =	rddreg [dreg:$0x0]  }
0x2: {  	s2 =	rddreg [dreg:$0x1]  }
0x3: {  	s3 =	rddreg [dreg:$0x2]  }
0x4: {  	s0 =	rddreg [dreg:$0x3];
	s1 =	stileid.u32  }
0x5: {  	s7 =	srdreg.scid;
	s4 =	simm.s32 $0x0;
	s14 =	simm.s32 $0x13C00  }
0x6: {  	s15 =	simm.s32 $0x13C80;
	s16 =	simm.s32 $0x80;
	s6 =	smul.u32 $0x9E0, s1  }
0x7: {  	s17 =	simm.s32 $0x0;
	s8 =	smul.u32 $0x13C00, s1;
	s7 =	sand.u32 $0x1, s7  }
0x8: {  	[smem:$0x7FF] =	sst s4;
	s12 =	smul.u32 $0x4F000, s1;
	s30 =	sshll.u32 s1, $0x6  }
0x9: {  	s9 =	smul.u32 $0x13C000, s7;
	_ =	strace $0x80000047;
	s28 =	ssub.s32 $0x2, s7  }
0xa: {  	s31 =	smul.u32 $0x4F0, s7;
	s10 =	sadd.s32 s6, s5;
	s26 =	sshrl.u32 s8, $0x3  }
0xb: {  	s11 =	sshrl.u32 s28, $0x1;
	s29 =	sshrl.u32 s12, $0x2;
	s12 =	simm.s32 $0x1  }
0xc: {  	s8 =	sadd.s32 s8, s9;
	s6 =	sadd.s32 s26, s5;
	s9 =	ssub.s32 s28, s11  }
0xd: {  	s13 =	sadd.s32 s29, s3;
	s10 =	sadd.s32 s31, s10;
	s8 =	sshrl.u32 s8, $0x3  }
0xe: {  	s11 =	sshrl.u32 s13, $0x3;
	s13 =	simm.s32 $0x13D00;
	s8 =	sadd.s32 s8, s5  }
0xf: {  	s5 =	sadd.s32 $0x16C00, s6;
	s6 =	sor.u32 $0x1C01, s30;
	s7 =	sadd.s32 $0x3E400, s8  }
0x10: {  	s8 =	smax.u32 s9, $0x1;
	s9 =	sadd.s32 $0xCE00, s10;
	s10 =	sadd.s32 $0x3000, s10  }
.LBB2_1:
0x11: {  	[spmem:s11], [sflag:s6] =	dma.local [hbm:s5], $0x2780  }
0x12: {  	_ =	swait.ge [sflag:s12], $0x2780  }
0x13: {  	[sflag:s12] =	ssyncset.done $0x0  }
0x14: {  	[sflag:s12] =	ssyncadd.s32 $0xFFFFD880  }
0x15: {  	[tilespmem:s13], [sflag:$0x1] =	stream.linear.gather [hbm4b:s2+s4], $0x4000, $0x38;
	[tilespmem:$0x17D00] =	vst v63  }
0x16: {  	_ =	swait.ge [sflag:s12], $0x4000  }
0x17: {  	[sflag:s12] =	ssyncset.done $0x0  }
0x18: {  	[sflag:s12] =	ssyncadd.s32 $0xFFFFC000  }
0x19: {  	s18 =	sadd.s32 $0x0, s10;
	[bflag:$0x0] =	sbarrier.arrive $0xFFFF  }
0x1a: {  	[tilespmem:s14], [sflag:$0x1] =	stream.linear.gather [hbm4b:s18+s4], $0x80, $0x38;
	[tilespmem:$0x17D00] =	vst v63  }
0x1b: {  	_ =	swait.ge [sflag:s12], $0x80  }
0x1c: {  	[sflag:s12] =	ssyncset.done $0x0  }
0x1d: {  	s31 =	sadd.s32 $0x0, s9;
	[sflag:s12] =	ssyncadd.s32 $0xFFFFFF80  }
0x1e: {  	[tilespmem:s15], [sflag:$0x1] =	stream.linear.gather [hbm4b:s31+s4], $0x80, $0x38;
	[tilespmem:$0x17D00] =	vst v63  }
0x1f: {  	_ =	swait.ge [sflag:s12], $0x80  }
0x20: {  	[sflag:s12] =	ssyncset.done $0x0  }
0x21: {  	[sflag:s12] =	ssyncadd.s32 $0xFFFFFF80  }
0x22: {  	[spmem:s3] =	stream.indirect.scatter.add.f32 [tilespmem:s13], [sflag:$0x1], $0x80, s14, s16, $0xb8;
	[tilespmem:$0x17D00] =	vst v63  }
0x23: {  	_ =	swait.ge [sflag:s12], $0x4000  }
0x24: {  	[sflag:s12] =	ssyncset.done $0x0  }
0x25: {  	[sflag:s12] =	ssyncadd.s32 $0xFFFFC000  }
0x26: {  	[spmem:s3] =	stream.indirect.scatter.add.f32 [tilespmem:s13], [sflag:$0x1], $0x80, s15, s16, $0xb8;
	[tilespmem:$0x17D00] =	vst v63  }
0x27: {  	_ =	swait.ge [sflag:s12], $0x4000  }
0x28: {  	s19 =	simm.s32 $0x20;
	s18 =	simm.s32 $0x10;
	[sflag:s12] =	ssyncset.done $0x0  }
.LBB2_2:
0x29: {  	s20 =	sadd.s32 s18, s10  }
0x2a: {  	[sflag:s12] =	ssyncadd.s32 $0xFFFFC000;
	s21 =	smov.u32 s19;
	s22 =	sadd.s32 $0x10, s19  }
0x2b: {  	[tilespmem:s14], [sflag:$0x1] =	stream.linear.gather [hbm4b:s20+s4], $0x80, $0x38;
	[tilespmem:$0x17D00] =	vst v63  }
0x2c: {  	p0 =	sne.s32 s19, $0x4E0;
	_ =	swait.ge [sflag:s12], $0x80  }
0x2d: {  	[sflag:s12] =	ssyncset.done $0x0  }
0x2e: {  	s19 =	sadd.s32 s18, s9;
	s18 =	smov.u32 s21;
	[sflag:s12] =	ssyncadd.s32 $0xFFFFFF80  }
0x2f: {  	[tilespmem:s15], [sflag:$0x1] =	stream.linear.gather [hbm4b:s19+s4], $0x80, $0x38;
	[tilespmem:$0x17D00] =	vst v63  }
0x30: {  	_ =	swait.ge [sflag:s12], $0x80  }
0x31: {  	[sflag:s12] =	ssyncset.done $0x0  }
0x32: {  	[sflag:s12] =	ssyncadd.s32 $0xFFFFFF80  }
0x33: {  	[spmem:s3] =	stream.indirect.scatter.add.f32 [tilespmem:s13], [sflag:$0x1], $0x80, s14, s16, $0xb8;
	[tilespmem:$0x17D00] =	vst v63  }
0x34: {  	_ =	swait.ge [sflag:s12], $0x4000  }
.Ltmp0:
0x35: {  	[sflag:s12] =	ssyncset.done $0x0;
	(pc) =	sbr.rel @p0 .LBB2_2-.Ltmp0, $4  }
0x36: {  	[sflag:s12] =	ssyncadd.s32 $0xFFFFC000  }
0x37: {  	[spmem:s3] =	stream.indirect.scatter.add.f32 [tilespmem:s13], [sflag:$0x1], $0x80, s15, s16, $0xb8;
	[tilespmem:$0x17D00] =	vst v63  }
0x38: {  	_ =	swait.ge [sflag:s12], $0x4000  }
0x39: {  	s19 =	smov.u32 s22;
	[sflag:s12] =	ssyncset.done $0x0  }
0x3a: {  	s19 =	sadd.s32 s18, s10;
	[sflag:s12] =	ssyncadd.s32 $0xFFFFC000  }
0x3b: {  	[tilespmem:s14], [sflag:$0x1] =	stream.linear.gather [hbm4b:s19+s4], $0x80, $0x38;
	[tilespmem:$0x17D00] =	vst v63  }
0x3c: {  	_ =	swait.ge [sflag:s12], $0x80  }
0x3d: {  	[sflag:s12] =	ssyncset.done $0x0  }
0x3e: {  	s31 =	sadd.s32 s18, s9;
	[sflag:s12] =	ssyncadd.s32 $0xFFFFFF80  }
0x3f: {  	[tilespmem:s15], [sflag:$0x1] =	stream.linear.gather [hbm4b:s31+s4], $0x80, $0x38;
	[tilespmem:$0x17D00] =	vst v63  }
0x40: {  	_ =	swait.ge [sflag:s12], $0x80  }
0x41: {  	[sflag:s12] =	ssyncset.done $0x0  }
0x42: {  	[sflag:s12] =	ssyncadd.s32 $0xFFFFFF80  }
0x43: {  	[spmem:s3] =	stream.indirect.scatter.add.f32 [tilespmem:s13], [sflag:$0x1], $0x80, s14, s16, $0xb8;
	[tilespmem:$0x17D00] =	vst v63  }
0x44: {  	_ =	swait.ge [sflag:s12], $0x4000  }
0x45: {  	[sflag:s12] =	ssyncset.done $0x0  }
0x46: {  	[sflag:s12] =	ssyncadd.s32 $0xFFFFC000  }
0x47: {  	[spmem:s3] =	stream.indirect.scatter.add.f32 [tilespmem:s13], [sflag:$0x1], $0x80, s15, s16, $0xb8;
	[tilespmem:$0x17D00] =	vst v63  }
0x48: {  	_ =	swait.ge [sflag:s12], $0x4000  }
0x49: {  	s17 =	sadd.s32 $0x1, s17;
	[sflag:s12] =	ssyncset.done $0x0  }
0x4a: {  	p0 =	sne.s32 s17, s8;
	[sflag:s12] =	ssyncadd.s32 $0xFFFFC000  }
.Ltmp1:
0x4b: {  	[bflag:$0x0] =	sbarrier.arrive $0xFFFF;
	(pc) =	sbr.rel @p0 .LBB2_1-.Ltmp1, $4  }
0x4c: {  	[hbm:s7], [sflag:s6] =	dma.local [spmem:s11], $0x2780  }
0x4d: {  	_ =	swait.ge [sflag:s12], $0x2780  }
0x4e: {  	[sflag:s12] =	ssyncset.done $0x0  }
0x4f: {  	[sflag:s12] =	ssyncadd.s32 $0xFFFFD880  }
0x50: {  	_ =	sfence.sel $0x180000  }
0x51: {  	[bflag:$0x0] =	sbarrier.arrive $0xFFFF  }
0x52: {  	p0 =	sne.s32 s1, $0x0;
	_ =	strace $0x90000047  }
0x53: {  	s0 =	sadd.s32 @!p0 $0x100000, s0;
	[bflag:$0x2] =	sbarrier.arrive $0xFFFF  }
0x54: {  	[sflag:s0] =	ssyncadd.tile.s32 @!p0 $0x1;
	_ =	shalt  }
.Lfunc_end2:
_tile_overlayer_lowered:
.L_overlay_start_2:
0x55: {  	(tag) =	ssettag $0x2  }
0x56: {  	s0 =	rddreg [dreg:$0x0];
	s2 =	stileid.u32  }
0x57: {  	s1 =	rddreg [dreg:$0x1];
	p0 =	sne.s32 s2, $0x0  }
0x58: {  	s3 =	rddreg [dreg:$0x2];
	[bflag:$0x3] =	sbarrier.arrive $0xFFFF;
	s2 =	simm.s32 @!p0 $0x1C01  }
0x59: {  	[timem:s3], [sflag:s2] =	dma.local @!p0 [hbm:s0], s1  }
0x5a: {  	s0 =	simm.s32 @!p0 $0x1  }
0x5b: {  	_ =	swait.ge @!p0 [sflag:s0], s1  }
0x5c: {  	s1 =	ssub.s32 @!p0 $0x0, s1;
	[sflag:s0] =	ssyncset.done @!p0 $0x0  }
0x5d: {  	[sflag:s0] =	ssyncadd.s32 @!p0 s1  }
0x5e: {  	[bflag:$0x3] =	sbarrier.arrive $0xFFFF  }
0x5f: {  	_ =	shalt  }

// kernel: kernel.14.cloned.1.call-start
scs
__scs_entry_jumppad:
0x0: {  	(pc) =	sbr.rel $0x88, $3  }
0x1: {  	(tag) =	ssettag $0x0;
	lr =	simm.s32 $0x1  }
0x2: {  	[smem:$0x3F96] =	sst lr;
	_ =	strace $0xD0000000  }
0x3: {  	_ = 	snop  }
0x4: {  	_ = 	snop  }
0x5: {  	_ = 	snop  }
0x6: {  	_ = 	snop  }
0x7: {  	_ = 	snop  }
__scs_overlays_trampoline_lowered:
0x8: {  	[smem:$0x3FA5] =	sst s0  }
0x9: {  	[smem:$0x3FA6] =	sst s1  }
0xa: {  	[smem:$0x3FA7] =	sst s2  }
0xb: {  	[smem:$0x3FA8] =	sst s3  }
0xc: {  	[smem:$0x3FA9] =	sst s4  }
0xd: {  	[smem:$0x3FAA] =	sst s5  }
0xe: {  	[smem:$0x3FAB] =	sst s6  }
0xf: {  	[smem:$0x3FAC] =	sst s7  }
0x10: {  	[smem:$0x3FAD] =	sst s8  }
0x11: {  	[smem:$0x3FAE] =	sst s9;
	s0 =	simm.s32 @!p0 $0x0  }
0x12: {  	s1 =	sld [smem:$0x3F94];
	s0 =	simm.s32 @p0 $0x1  }
0x13: {  	[smem:$0x3FAF] =	sst s0;
	s0 =	simm.s32 @!p1 $0x0  }
0x14: {  	s2 =	sld [smem:$0x3F93];
	s0 =	simm.s32 @p1 $0x1  }
0x15: {  	[smem:$0x3FB0] =	sst s0;
	s0 =	simm.s32 @!p2 $0x0  }
0x16: {  	s3 =	sld [smem:$0x3FDB];
	s0 =	simm.s32 @p2 $0x1  }
0x17: {  	s4 =	simm.s32 $0x1BF5;
	[smem:$0x3FB2] =	sst s0  }
0x18: {  	s0 =	sld [smem:$0x3F95];
	_ =	swait.ge [sflag:s4], $0x0  }
0x19: {  	s7 =	sld [smem:$0x3F96]  }
0x1a: {  	s8 =	sadd.s32 $0xFFFFE003, lr  }
0x1b: {  	s9 =	sadd.s32 $0xFFFFFEF7, lr;
	s5 =	simm.s32 $0xFFFFFFFF;
	p2 =	slt.u32 s8, $0xFFFFF086  }
0x1c: {  	p1 =	slt.u32 s9, $0xF7A;
	s5 =	simm.s32 @!p2 $0x0  }
0x1d: {  	s5 =	simm.s32 @p1 $0x1;
	p0 =	seq.s32 s7, s2  }
0x1e: {  	s7 =	smul.u32 @!p0 $0xF7A, s2;
	p2 =	seq.s32 @!p0 s5, $0x0  }
0x1f: {  	s9 =	smul.u32 $0xF7A, s1;
	s8 =	simm.s32 @!p0 $0x1BF5;
	p2 =	por !p2, p0  }
0x20: {  	[sflag:s8] =	ssyncset.s32 @!p0 $0xFFFFF086;
	s6 =	sadd.s32 @!p0 s3, s7;
	s7 =	simm.s32 @!p0 $0x108  }
0x21: {  	s3 =	sadd.s32 s3, s9;
	s6 =	sadd.s32 @!p0 $0x88, s6;
	s7 =	simm.s32 @p2 $0x1082  }
0x22: {  	[simem:s7], [sflag:s8] =	dma.local @!p0 [hbm:s6], $0xF7A  }
0x23: {  	s9 =	sor.u32 $0xD0000000, s2;
	s6 =	simm.s32 $0x108;
	_ =	swait.ge @!p0 [sflag:s8], $0x0  }
0x24: {  	s3 =	sadd.s32 $0x88, s3;
	s6 =	simm.s32 @!p1 $0x1082;
	[sflag:s4] =	ssyncset.s32 $0xFFFFF086  }
0x25: {  	[simem:s6], [sflag:s4] =	dma.local [hbm:s3], $0xF7A  }
0x26: {  	[smem:$0x3F96] =	sst s1;
	(tag) =	ssettag s2;
	_ =	strace s9  }
0x27: {  	s1 =	sld [smem:$0x3FA6]  }
0x28: {  	s2 =	sld [smem:$0x3FA7]  }
0x29: {  	s4 =	sld [smem:$0x3FA9]  }
0x2a: {  	p0 =	seq.s32 s5, $0x0;
	s5 =	sld [smem:$0x3FAA]  }
0x2b: {  	s6 =	sld [smem:$0x3FAB]  }
0x2c: {  	s7 =	sld [smem:$0x3FAC]  }
0x2d: {  	s3 =	simm.s32 $0x108;
	s8 =	sld [smem:$0x3FAD]  }
0x2e: {  	s3 =	simm.s32 @!p0 $0x1082;
	s9 =	sld [smem:$0x3FAE]  }
0x2f: {  	lr =	sadd.s32 s0, s3;
	s0 =	sld [smem:$0x3FA5]  }
0x30: {  	s3 =	sld [smem:$0x3FA8]  }
0x31: {  	[smem:$0x3FB1] =	sst s10  }
0x32: {  	s10 =	sld [smem:$0x3FAF];
	_ =	sdelay $0x3  }
0x33: {  	p0 =	seq.s32 s10, $0x1;
	s10 =	sld [smem:$0x3FB1];
	_ =	sdelay $0x3  }
0x34: {  	[smem:$0x3FB1] =	sst s10  }
0x35: {  	s10 =	sld [smem:$0x3FB0];
	_ =	sdelay $0x3  }
0x36: {  	p1 =	seq.s32 s10, $0x1;
	s10 =	sld [smem:$0x3FB1];
	_ =	sdelay $0x3  }
0x37: {  	[smem:$0x3FB1] =	sst s10  }
0x38: {  	s10 =	sld [smem:$0x3FB2]  }
0x39: {  	_ = 	snop;
	(pc) =	sbr.ind lr, $3  }
0x3a: {  	_ = 	snop  }
0x3b: {  	_ = 	snop  }
0x3c: {  	p2 =	seq.s32 s10, $0x1;
	s10 =	sld [smem:$0x3FB1]  }
0x3d: {  	_ =	shalt  }
0x3e: {  	_ =	shalt  }
0x3f: {  	_ =	shalt  }
0x40: {  	_ =	shalt  }
0x41: {  	_ =	shalt  }
0x42: {  	_ =	shalt  }
0x43: {  	_ =	shalt  }
0x44: {  	_ =	shalt  }
0x45: {  	_ =	shalt  }
0x46: {  	_ =	shalt  }
0x47: {  	_ =	shalt  }
0x48: {  	_ =	shalt  }
0x49: {  	_ =	shalt  }
0x4a: {  	_ =	shalt  }
0x4b: {  	_ =	shalt  }
0x4c: {  	_ =	shalt  }
0x4d: {  	_ =	shalt  }
0x4e: {  	_ =	shalt  }
0x4f: {  	_ =	shalt  }
0x50: {  	_ =	shalt  }
0x51: {  	_ =	shalt  }
0x52: {  	_ =	shalt  }
0x53: {  	_ =	shalt  }
0x54: {  	_ =	shalt  }
0x55: {  	_ =	shalt  }
0x56: {  	_ =	shalt  }
0x57: {  	_ =	shalt  }
0x58: {  	_ =	shalt  }
0x59: {  	_ =	shalt  }
0x5a: {  	_ =	shalt  }
0x5b: {  	_ =	shalt  }
0x5c: {  	_ =	shalt  }
0x5d: {  	_ =	shalt  }
0x5e: {  	_ =	shalt  }
0x5f: {  	_ =	shalt  }
0x60: {  	_ =	shalt  }
0x61: {  	_ =	shalt  }
0x62: {  	_ =	shalt  }
0x63: {  	_ =	shalt  }
0x64: {  	_ =	shalt  }
0x65: {  	_ =	shalt  }
0x66: {  	_ =	shalt  }
0x67: {  	_ =	shalt  }
0x68: {  	_ =	shalt  }
0x69: {  	_ =	shalt  }
0x6a: {  	_ =	shalt  }
0x6b: {  	_ =	shalt  }
0x6c: {  	_ =	shalt  }
0x6d: {  	_ =	shalt  }
0x6e: {  	_ =	shalt  }
0x6f: {  	_ =	shalt  }
0x70: {  	_ =	shalt  }
0x71: {  	_ =	shalt  }
0x72: {  	_ =	shalt  }
0x73: {  	_ =	shalt  }
0x74: {  	_ =	shalt  }
0x75: {  	_ =	shalt  }
0x76: {  	_ =	shalt  }
0x77: {  	_ =	shalt  }
0x78: {  	_ =	shalt  }
0x79: {  	_ =	shalt  }
0x7a: {  	_ =	shalt  }
0x7b: {  	_ =	shalt  }
0x7c: {  	_ =	shalt  }
0x7d: {  	_ =	shalt  }
0x7e: {  	_ =	shalt  }
0x7f: {  	_ =	shalt  }
0x80: {  	_ =	shalt  }
0x81: {  	_ =	shalt  }
0x82: {  	_ =	shalt  }
0x83: {  	_ =	shalt  }
0x84: {  	_ =	shalt  }
0x85: {  	_ =	shalt  }
0x86: {  	_ =	shalt  }
0x87: {  	_ =	shalt  }
.Lfunc_end0:
.L_simem_size_0:
called_computation.1_lowered:
.L_overlay_start_0:
0x88: {  	s2 =	sld [smem:$0x3FD9]  }
0x89: {  	s3 =	sld [smem:$0x3FFE];
	_ =	sdelay $0x1  }
0x8a: {  	s1 =	srdreg.scid  }
0x8b: {  	s0 =	sand.u32 $0x1, s1  }
0x8c: {  	s16 =	sshll.u32 s0, $0xA;
	s2 =	sadd.s32 s3, s2  }
0x8d: {  	s2 =	sadd.s32 s2, s16  }
0x8e: {  	[smem:$0x3FBD] =	sst s2  }
0x8f: {  	_ = 	snop  }
0x90: {  	(tm) =	ssettm $0x1  }
0x91: {  	s17 =	sld [smem:$0x3FFB];
	_ =	sdelay $0x3  }
0x92: {  	_ =	strace s17  }
0x93: {  	s2 =	sld [smem:$0x3FFC];
	_ =	sdelay $0x3  }
0x94: {  	_ =	strace s2  }
0x95: {  	s2 =	sld [smem:$0x3FFD];
	_ =	sdelay $0x3  }
0x96: {  	_ =	strace s2  }
0x97: {  	_ =	strace $0x8FFFFFFF  }
0x98: {  	s18 =	sld [smem:$0x3FDB];
	_ =	sdelay $0x1  }
0x99: {  	s19 =	simm.s32 $_scs_section_size  }
0x9a: {  	s4 =	simm.s32 $_size__tile_overlayer_lowered;
	s5 =	simm.s32 $_tile_overlayer_lowered  }
0x9b: {  	s22 =	simm.s32 $0x1BFF;
	s21 =	sshll.u32 s5, $0x1;
	s2 =	sadd.s32 s19, s18  }
0x9c: {  	s6 =	simm.s32 $0x0;
	s20 =	sshll.u32 s4, $0x1;
	s4 =	sadd.s32 s21, s2  }
0x9d: {  	[timem:s6], [sflag:s22] =	dma.local [hbm:s4], s20  }
0x9e: {  	_ =	swait.ge [sflag:s22], s20  }
0x9f: {  	s3 =	ssub.s32 $0x0, s20;
	[sflag:s22] =	ssyncset.done $0x0  }
0xa0: {  	[sflag:s22] =	ssyncadd.s32 s3;
	_ =	sdelay $0x1  }
0xa1: {  	s23 =	simm.s32 $0x1B8B  }
0xa2: {  	_ =	swait.ge [sflag:s23], $0x1  }
0xa3: {  	[sflag:s23] =	ssyncset.done $0x0  }
0xa4: {  	s25 =	simm.s32 $0x1B8E;
	s24 =	sld [smem:$0x3FFE];
	[sflag:s23] =	ssyncadd.s32 $0xFFFFFFFF  }
0xa5: {  	s26 =	simm.s32 $execute0_lowered;
	[smem:$0x3FD2] =	sst s25  }
0xa6: {  	s4 =	sshll.u32 s26, $0x1;
	_ =	strace $0x80000049;
	[dreg:$0x1] =	wrdreg $0xFFFFFFFF  }
0xa7: {  	s28 =	simm.s32 $_size_execute0_lowered;
	s2 =	sadd.s32 s2, s4;
	[dreg:$0x0] =	wrdreg $0x0  }
0xa8: {  	s4 =	sshll.u32 s28, $0x1;
	[dreg:$0x2] =	wrdreg s2  }
0xa9: {  	[dreg:$0x3] =	wrdreg s4  }
0xaa: {  	[dreg:$0x4] =	wrdreg $0xC0  }
0xab: {  	_ =	task [dreg:s6], $0x5FFFF  }
0xac: {  	[dreg:$0x1] =	wrdreg $0xFFFFFFFF  }
0xad: {  	[dreg:$0x0] =	wrdreg $0x60  }
0xae: {  	[dreg:$0x2] =	wrdreg s24  }
0xaf: {  	[dreg:$0x3] =	wrdreg $0x0  }
0xb0: {  	[dreg:$0x4] =	wrdreg $0x9  }
0xb1: {  	_ =	task.clear_ibuf [dreg:s6], $0x5FFFF;
	_ =	strace $0x90000049  }
0xb2: {  	s29 =	simm.s32 $0x9;
	_ =	strace $0x8000004B  }
0xb3: {  	_ =	swait.ge [sflag:s29], $0x1  }
0xb4: {  	[sflag:s29] =	ssyncadd.s32 $0xFFFFFFFF  }
0xb5: {  	_ =	strace $0x9000004B  }
0xb6: {  	_ =	sfence  }
0xb7: {  	s30 =	sld [smem:$0x0];
	_ =	sdelay $0x2  }
0xb8: {  	s31 =	sshll.u32 s1, $0xD;
	s1 =	sshrl.u32 s1, $0x2  }
0xb9: {  	s3 =	sand.u32 $0x4000, s31;
	s1 =	sadd.s32 s1, s30  }
0xba: {  	s0 =	sor.u32 s3, s0;
	s1 =	sshll.u32 s1, $0x11  }
0xbb: {  	s0 =	sor.u32 s1, s0  }
0xbc: {  	s0 =	sadd.s32 $0x8F2B, s0  }
0xbd: {  	[sflag:s0] =	ssyncadd.remote.s32 $0x1  }
0xbe: {  	_ =	sfence.sel $0xFFFF  }
0xbf: {  	[dreg:$0x0] =	wrdreg $0xFFFFFFFF;
	(pc) =	sbr.abs _section_cstart, $3  }
0xc0: {  	[dreg:$0x1] =	wrdreg $0xFFFFFFFF  }
0xc1: {  	_ =	task.clear_ibuf [dreg:s6], $0x2FFFF;
	_ =	strace $0x9FFFFFFF  }
0xc2: {  	(tm) =	ssettm $0x7FFFFFFF  }
0xc3: {  	_ =	shalt  }
tec
execute0_lowered:
.L_overlay_start_1:
0x0: {  	(tag) =	ssettag $0x1  }
0x1: {  	s0 =	rddreg [dreg:$0x0]  }
0x2: {  	s1 =	rddreg [dreg:$0x1];
	s2 =	simm.s32 $0x0;
	s14 =	stileid.u32  }
0x3: {  	s3 =	srdreg.scid;
	s7 =	simm.s32 $0x65;
	s19 =	simm.s32 $0x4  }
0x4: {  	s29 =	simm.s32 $0x3;
	s30 =	simm.s32 $0x80;
	[smem:$0x7FF] =	sst s2  }
0x5: {  	s4 =	sadd.s32 $0x3000, s0;
	s5 =	sadd.s32 $0xCE00, s0;
	s9 =	smul.u32 $0x13C00, s14  }
0x6: {  	s6 =	sadd.s32 $0x8D400, s0;
	s3 =	sand.u32 $0x1, s3;
	s13 =	smul.u32 $0x4F000, s14  }
0x7: {  	s8 =	sadd.s32 $0x3E400, s0;
	s24 =	sshll.u32 s14, $0x6;
	s10 =	smul.u32 $0x13C000, s3  }
0x8: {  	_ =	strace $0x8000004A;
	p0 =	seq.s32 s3, $0x0;
	s11 =	smul.u32 $0x650, s3  }
0x9: {  	s3 =	ssub.s32 $0x2, s3;
	s7 =	simm.s32 @!p0 $0x39;
	s12 =	sshrl.u32 s9, $0x3  }
0xa: {  	s21 =	sshrl.u32 s3, $0x1;
	s22 =	sshrl.u32 s13, $0x2;
	s9 =	sadd.s32 s9, s10  }
0xb: {  	s20 =	smul.u32 s14, s7;
	s12 =	sadd.s32 s12, s0;
	s3 =	ssub.s32 s3, s21  }
0xc: {  	s10 =	sadd.s32 s22, s1;
	s15 =	sshll.u32 s7, $0x1;
	s9 =	sshrl.u32 s9, $0x3  }
0xd: {  	s23 =	sadd.s32 $0x16C00, s12;
	s31 =	smax.u32 s3, $0x1;
	s18 =	sshrl.u32 s10, $0x3  }
0xe: {  	s3 =	simm.s32 $0x2;
	s0 =	sadd.s32 s9, s0;
	[dreg:$0x3] =	wrdreg s23  }
0xf: {  	s9 =	sadd.s32 s11, s20;
	s11 =	sor.u32 $0x1C04, s24;
	[dreg:$0x7] =	wrdreg s31  }
0x10: {  	s20 =	simm.s32 $0x0;
	s25 =	sshll.u32 s9, $0x4;
	s0 =	sadd.s32 $0x12B400, s0  }
0x11: {  	s26 =	sshll.u32 s9, $0x8;
	s28 =	sadd.s32 s4, s25;
	[dreg:$0x6] =	wrdreg s0  }
0x12: {  	s12 =	sadd.s32 s5, s25;
	s14 =	sadd.s32 s6, s26;
	[dreg:$0x4] =	wrdreg s28  }
0x13: {  	s0 =	simm.s32 $0x1;
	[dreg:$0x5] =	wrdreg s12;
	s23 =	sadd.s32 $0x10, s14  }
.LBB2_1:
0x14: {  	s10 =	rddreg [dreg:$0x3]  }
0x15: {  	[spmem:s18], [sflag:s11] =	dma.local [hbm:s10], $0x2780  }
0x16: {  	_ =	swait.ge [sflag:s19], $0x2780  }
0x17: {  	[sflag:s19] =	ssyncset.done $0x0  }
0x18: {  	[sflag:s19] =	ssyncadd.s32 $0xFFFFD880  }
0x19: {  	[bflag:$0x0] =	sbarrier.arrive $0xFFFF  }
0x1a: {  	s12 =	simm.s32 $0x13C00;
	s26 =	rddreg [dreg:$0x4]  }
0x1b: {  	[tilespmem:s12], [sflag:$0x3] =	stream.linear.gather [hbm4b:s26+s2], $0x80, $0x38;
	[tilespmem:$0x1CE00] =	vst v63  }
0x1c: {  	s28 =	rddreg [dreg:$0x5];
	s12 =	simm.s32 $0x13C80  }
0x1d: {  	[tilespmem:s12], [sflag:$0x3] =	stream.linear.gather [hbm4b:s28+s2], $0x80, $0x38;
	[tilespmem:$0x1CE00] =	vst v63  }
0x1e: {  	s31 =	simm.s32 $0x13E00  }
0x1f: {  	[tilespmem:s31], [sflag:$0x3] =	stream.linear.gather [hbm4b:s14+s2], $0x80, $0x38;
	[tilespmem:$0x1CE00] =	vst v63  }
0x20: {  	s13 =	simm.s32 $0x13F00  }
0x21: {  	[tilespmem:s13], [sflag:$0x3] =	stream.linear.gather [hbm4b:s23+s2], $0x80, $0x38;
	[tilespmem:$0x1CE00] =	vst v63  }
0x22: {  	s16 =	sadd.s32 $0x20, s14;
	s13 =	simm.s32 $0x14000  }
0x23: {  	[tilespmem:s13], [sflag:$0x3] =	stream.linear.gather [hbm4b:s16+s2], $0x80, $0x38;
	[tilespmem:$0x1CE00] =	vst v63  }
0x24: {  	s17 =	sadd.s32 $0x30, s14;
	s21 =	simm.s32 $0x14100  }
0x25: {  	[tilespmem:s21], [sflag:$0x3] =	stream.linear.gather [hbm4b:s17+s2], $0x80, $0x38;
	[tilespmem:$0x1CE00] =	vst v63  }
0x26: {  	s22 =	sadd.s32 $0x40, s14;
	s24 =	simm.s32 $0x14200  }
0x27: {  	[tilespmem:s24], [sflag:$0x3] =	stream.linear.gather [hbm4b:s22+s2], $0x80, $0x38;
	[tilespmem:$0x1CE00] =	vst v63  }
0x28: {  	s25 =	sadd.s32 $0x50, s14;
	s26 =	simm.s32 $0x14300  }
0x29: {  	[tilespmem:s26], [sflag:$0x3] =	stream.linear.gather [hbm4b:s25+s2], $0x80, $0x38;
	[tilespmem:$0x1CE00] =	vst v63  }
0x2a: {  	s28 =	sadd.s32 $0x60, s14;
	s31 =	simm.s32 $0x14400  }
0x2b: {  	[tilespmem:s31], [sflag:$0x3] =	stream.linear.gather [hbm4b:s28+s2], $0x80, $0x38;
	[tilespmem:$0x1CE00] =	vst v63  }
0x2c: {  	s13 =	sadd.s32 $0x70, s14;
	s16 =	simm.s32 $0x14500  }
0x2d: {  	[tilespmem:s16], [sflag:$0x3] =	stream.linear.gather [hbm4b:s13+s2], $0x80, $0x38;
	[tilespmem:$0x1CE00] =	vst v63  }
0x2e: {  	s17 =	sadd.s32 $0x80, s14;
	s21 =	simm.s32 $0x14600  }
0x2f: {  	[tilespmem:s21], [sflag:$0x3] =	stream.linear.gather [hbm4b:s17+s2], $0x80, $0x38;
	[tilespmem:$0x1CE00] =	vst v63  }
0x30: {  	s22 =	sadd.s32 $0x90, s14;
	s24 =	simm.s32 $0x14700  }
0x31: {  	[tilespmem:s24], [sflag:$0x3] =	stream.linear.gather [hbm4b:s22+s2], $0x80, $0x38;
	[tilespmem:$0x1CE00] =	vst v63  }
0x32: {  	s25 =	sadd.s32 $0xA0, s14;
	s26 =	simm.s32 $0x14800  }
0x33: {  	[tilespmem:s26], [sflag:$0x3] =	stream.linear.gather [hbm4b:s25+s2], $0x80, $0x38;
	[tilespmem:$0x1CE00] =	vst v63  }
0x34: {  	s28 =	sadd.s32 $0xB0, s14;
	s31 =	simm.s32 $0x14900  }
0x35: {  	[tilespmem:s31], [sflag:$0x3] =	stream.linear.gather [hbm4b:s28+s2], $0x80, $0x38;
	[tilespmem:$0x1CE00] =	vst v63  }
0x36: {  	s16 =	sadd.s32 $0xC0, s14;
	s17 =	simm.s32 $0x14A00  }
0x37: {  	[tilespmem:s17], [sflag:$0x3] =	stream.linear.gather [hbm4b:s16+s2], $0x80, $0x38;
	[tilespmem:$0x1CE00] =	vst v63  }
0x38: {  	s21 =	sadd.s32 $0xD0, s14;
	s22 =	simm.s32 $0x14B00  }
0x39: {  	[tilespmem:s22], [sflag:$0x3] =	stream.linear.gather [hbm4b:s21+s2], $0x80, $0x38;
	[tilespmem:$0x1CE00] =	vst v63  }
0x3a: {  	s24 =	sadd.s32 $0xE0, s14;
	s25 =	simm.s32 $0x14C00  }
0x3b: {  	[tilespmem:s25], [sflag:$0x3] =	stream.linear.gather [hbm4b:s24+s2], $0x80, $0x38;
	[tilespmem:$0x1CE00] =	vst v63  }
0x3c: {  	s26 =	sadd.s32 $0xF0, s14;
	s28 =	simm.s32 $0x14D00  }
0x3d: {  	[tilespmem:s28], [sflag:$0x3] =	stream.linear.gather [hbm4b:s26+s2], $0x80, $0x38;
	[tilespmem:$0x1CE00] =	vst v63  }
0x3e: {  	_ =	swait.ge [sflag:s29], $0x80  }
0x3f: {  	[sflag:s29] =	ssyncset.done $0x0  }
0x40: {  	[sflag:s29] =	ssyncadd.s32 $0xFFFFFF80  }
0x41: {  	_ =	swait.ge [sflag:s29], $0x80  }
0x42: {  	[sflag:s29] =	ssyncset.done $0x0  }
0x43: {  	[sflag:s29] =	ssyncadd.s32 $0xFFFFFF80  }
0x44: {  	_ =	swait.ge [sflag:s29], $0x800  }
0x45: {  	p0 =	por $0x0, $0x0;
	[sflag:s29] =	ssyncset.done $0x0  }
0x46: {  	s31 =	simm.s32 $0x14E00;
	s22 =	simm.s32 $0x0;
	[sflag:s29] =	ssyncadd.s32 $0xFFFFF800  }
0x47: {  	[tilespmem:s31], [sflag:$0x1] =	stream.indirect.gather [hbm4b:s8+s30], $0x80, s12, s30, $0xb8;
	[tilespmem:$0x1CE00] =	vst v63  }
.LBB2_2:
0x48: {  	s10 =	sshrl.u32 s22, $0x1;
	p2 =	seq.s32 s22, $0x0  }
0x49: {  	s12 =	sand.u32 @!p2 $0x1, s22;
	s24 =	sadd.s32 @!p2 $0x1, s10  }
0x4a: {  	s13 =	simm.s32 @!p2 $0x2;
	p3 =	seq.s32 @!p2 s12, $0x1;
	p1 =	sge.u32 @!p2 s24, s7  }
0x4b: {  	_ =	swait.ge @!p2 [sflag:s13], $0x4000;
	p3 =	por @!p2 !p3, p1  }
0x4c: {  	[sflag:s13] =	ssyncset.done @!p2 $0x0;
	p4 =	por p3, p2  }
0x4d: {  	[sflag:s13] =	ssyncadd.s32 @!p2 $0xFFFFC000;
	s12 =	simm.s32 @!p4 $0x3  }
0x4e: {  	_ =	swait.ge @!p4 [sflag:s12], $0x80  }
0x4f: {  	[sflag:s12] =	ssyncset.done @!p4 $0x0  }
0x50: {  	[sflag:s12] =	ssyncadd.s32 @!p4 $0xFFFFFF80  }
0x51: {  	s25 =	sand.u32 $0x1, s22;
	s22 =	sadd.s32 $0x1, s22;
	_ =	swait.ge @!p4 [sflag:s12], $0x80  }
0x52: {  	p5 =	sge.u32 s22, s15;
	[sflag:s12] =	ssyncset.done @!p4 $0x0  }
0x53: {  	s21 =	sand.u32 @!p5 $0x1, s22;
	[sflag:s12] =	ssyncadd.s32 @!p4 $0xFFFFFF80  }
0x54: {  	s26 =	sshll.u32 @!p5 s22, $0x7;
	s13 =	simm.s32 $0x1;
	_ =	swait.ge @!p4 [sflag:s12], $0x800  }
0x55: {  	s26 =	sand.u32 @!p5 $0x100, s26;
	s28 =	sshll.u32 @!p5 s21, $0x7;
	[sflag:s12] =	ssyncset.done @!p4 $0x0  }
0x56: {  	[sflag:s12] =	ssyncadd.s32 @!p4 $0xFFFFF800;
	s12 =	sshll.u32 @!p5 s21, $0xE;
	s21 =	ssub.s32 @!p5 s26, s28  }
0x57: {  	s26 =	simm.s32 @!p5 $0x80;
	s12 =	sadd.s32 @!p5 $0x14E00, s12;
	s21 =	sadd.s32 @!p5 $0x13C80, s21  }
0x58: {  	[tilespmem:s12], [sflag:$0x1] =	stream.indirect.gather @!p5 [hbm4b:s8+s26], $0x80, s21, s26, $0xb8;
	[tilespmem:$0x1CE00] =	vst v63  }
0x59: {  	s31 =	simm.s32 $0x0;
	s13 =	simm.s32 @!p0 $0x0;
	_ =	swait.ge [sflag:s0], $0x4000  }
0x5a: {  	s13 =	sshll.u32 s13, $0xE;
	s28 =	sand.u32 $0x1, s10;
	[sflag:s0] =	ssyncset.done $0x0  }
0x5b: {  	s10 =	sshll.u32 s28, $0x7;
	s21 =	sadd.s32 $0x14E40, s13;
	[sflag:s0] =	ssyncadd.s32 $0xFFFFC000  }
0x5c: {  	s16 =	sand.u32 $0xF00, s31;
	s10 =	sor.u32 $0x13E00, s10;
	v4 =	vld [tilespmem:s21+$0x30]  }
0x5d: {  	s17 =	sand.u32 $0x70, s31;
	s12 =	sadd.s32 s16, s10;
	v7 =	vld [tilespmem:s21+$0x10]  }
0x5e: {  	s12 =	sadd.s32 s17, s12;
	v5 =	vld [tilespmem:s21+$0xFFFFFFC0]  }
0x5f: {  	v1 =	vld [tilespmem:s12+$0x0]  }
0x60: {  	v9 =	vld [tilespmem:s21+$0xFFFFFFE0]  }
0x61: {  	v0 =	vld [tilespmem:s21+$0xFFFFFFF0]  }
0x62: {  	v2 =	vld [tilespmem:s21+$0x20]  }
0x63: {  	p1 =	por !p1, p2;
	v3 =	vld [tilespmem:s21+$0xFFFFFFD0]  }
0x64: {  	p3 =	por !p3, p2;
	p4 =	por @!p4 $0x1, $0x1;
	p5 =	slt.u32 @!p2 s24, s7;
	v6 =	vmul.f32 v5, v1;
	v5 =	vld [tilespmem:s21+$0x0]  }
0x65: {  	s26 =	sshll.u32 s25, $0xE;
	s24 =	simm.s32 @p2 $0x1;
	p4 =	por @!p3 p5, p5  }
0x66: {  	s13 =	simm.s32 $0x10;
	p4 =	por @!p1 p5, p5;
	p1 =	por $0x1, $0x1;
	v8 =	vmul.f32 v4, v1  }
0x67: {  	p1 =	por @!p2 p4, p4;
	s12 =	sadd.s32 $0x14E00, s26;
	s26 =	smov.u32 s21;
	v4 =	vmul.f32 v9, v1;
	v7 =	vmul.f32 v7, v1  }
.LBB2_3:
0x68: {  	p2 =	sne.s32 s13, $0x7F0;
	v3 =	vmul.f32 v3, v1;
	v2 =	vmul.f32 v2, v1;
	[tilespmem:s21+$0x30] =	vst v8;
	s31 =	sadd.s32 $0x20, s31;
	s26 =	sadd.s32 $0x80, s26  }
0x69: {  	s16 =	smov.u32 s13;
	s13 =	sadd.s32 $0x10, s13;
	[tilespmem:s21+$0xFFFFFFC0] =	vst v6;
	v6 =	vmul.f32 v0, v1;
	v1 =	vmul.f32 v5, v1  }
0x6a: {  	[tilespmem:s21+$0x10] =	vst v7  }
0x6b: {  	v0 =	vld [tilespmem:s26+$0xFFFFFFF0];
	[tilespmem:s21+$0xFFFFFFE0] =	vst v4  }
0x6c: {  	v4 =	vld [tilespmem:s26+$0x30];
	[tilespmem:s21+$0xFFFFFFF0] =	vst v6  }
0x6d: {  	s17 =	sand.u32 $0xF00, s31;
	v7 =	vld [tilespmem:s26+$0x10];
	[tilespmem:s21+$0x0] =	vst v1  }
0x6e: {  	s16 =	sand.u32 $0x70, s16;
	s17 =	sadd.s32 s17, s10;
	v6 =	vld [tilespmem:s26+$0xFFFFFFC0];
	[tilespmem:s21+$0x20] =	vst v2  }
0x6f: {  	s16 =	sadd.s32 s16, s17;
	v9 =	vld [tilespmem:s26+$0xFFFFFFE0];
	[tilespmem:s21+$0xFFFFFFD0] =	vst v3;
	s21 =	smov.u32 s26  }
0x70: {  	v1 =	vld [tilespmem:s16+$0x0]  }
0x71: {  	v2 =	vld [tilespmem:s26+$0x20]  }
.Ltmp0:
0x72: {  	v3 =	vld [tilespmem:s26+$0xFFFFFFD0];
	(pc) =	sbr.rel @p2 .LBB2_3-.Ltmp0, $3  }
0x73: {  	v5 =	vld [tilespmem:s26+$0x0];
	_ =	sdelay $0x1  }
0x74: {  	v6 =	vmul.f32 v6, v1;
	v8 =	vmul.f32 v4, v1  }
0x75: {  	v4 =	vmul.f32 v9, v1;
	v7 =	vmul.f32 v7, v1  }
0x76: {  	[tilespmem:s21+$0x30] =	vst v8  }
0x77: {  	[tilespmem:s21+$0xFFFFFFC0] =	vst v6  }
0x78: {  	v0 =	vmul.f32 v0, v1;
	[tilespmem:s21+$0x10] =	vst v7  }
0x79: {  	v2 =	vmul.f32 v2, v1;
	[tilespmem:s21+$0xFFFFFFE0] =	vst v4  }
0x7a: {  	v63 =	vmul.f32 v3, v1;
	[tilespmem:s21+$0xFFFFFFF0] =	vst v0  }
0x7b: {  	s10 =	sshll.u32 s28, $0x8;
	s13 =	sshll.u32 s25, $0x7;
	v5 =	vmul.f32 v5, v1;
	[tilespmem:s21+$0x20] =	vst v2  }
0x7c: {  	p2 =	sne.s32 s25, $0x0;
	p1 =	por !p1, !p1;
	s10 =	sor.u32 s13, s10;
	[tilespmem:s21+$0xFFFFFFD0] =	vst v63  }
0x7d: {  	p1 =	por p2, p1;
	s10 =	sor.u32 $0x13C00, s10;
	[tilespmem:s21+$0x0] =	vst v5  }
0x7e: {  	[spmem:s1] =	stream.indirect.scatter.add.f32 [tilespmem:s12], [sflag:$0x2], $0x80, s10, s30, $0xb8;
	[tilespmem:$0x1CE00] =	vst v63  }
0x7f: {  	s10 =	sadd.s32 @!p1 s9, s24  }
0x80: {  	s12 =	sand.u32 @!p1 $0x1, s24;
	s24 =	simm.s32 @!p1 $0x0;
	s13 =	sshll.u32 @!p1 s10, $0x4  }
0x81: {  	s16 =	sshll.u32 @!p1 s12, $0x8;
	s10 =	sshll.u32 @!p1 s10, $0x8;
	s13 =	sand.u32 @!p1 $0x1FFFFFF0, s13  }
0x82: {  	s12 =	sshll.u32 @!p1 s12, $0x7;
	s17 =	sor.u32 @!p1 $0x13C00, s16;
	s21 =	sadd.s32 @!p1 s4, s13  }
0x83: {  	[tilespmem:s17], [sflag:$0x3] =	stream.linear.gather @!p1 [hbm4b:s21+s24], $0x80, $0x38;
	[tilespmem:$0x1CE00] =	vst v63  }
0x84: {  	s16 =	sor.u32 @!p1 $0x13C80, s16;
	s10 =	sand.u32 @!p1 $0x1FFFFF00, s10;
	s13 =	sadd.s32 @!p1 s5, s13  }
0x85: {  	[tilespmem:s16], [sflag:$0x3] =	stream.linear.gather @!p1 [hbm4b:s13+s24], $0x80, $0x38;
	[tilespmem:$0x1CE00] =	vst v63  }
0x86: {  	s10 =	sadd.s32 @!p1 s6, s10;
	s13 =	sor.u32 @!p1 $0x13E00, s12  }
0x87: {  	[tilespmem:s13], [sflag:$0x3] =	stream.linear.gather @!p1 [hbm4b:s10+s24], $0x80, $0x38;
	[tilespmem:$0x1CE00] =	vst v63  }
0x88: {  	s16 =	sor.u32 @!p1 $0x13F00, s12;
	s13 =	sadd.s32 @!p1 $0x10, s10  }
0x89: {  	[tilespmem:s16], [sflag:$0x3] =	stream.linear.gather @!p1 [hbm4b:s13+s24], $0x80, $0x38;
	[tilespmem:$0x1CE00] =	vst v63  }
0x8a: {  	s13 =	sadd.s32 @!p1 $0x20, s10;
	s16 =	sor.u32 @!p1 $0x14000, s12  }
0x8b: {  	[tilespmem:s16], [sflag:$0x3] =	stream.linear.gather @!p1 [hbm4b:s13+s24], $0x80, $0x38;
	[tilespmem:$0x1CE00] =	vst v63  }
0x8c: {  	s13 =	sadd.s32 @!p1 $0x30, s10;
	s16 =	sor.u32 @!p1 $0x14100, s12  }
0x8d: {  	[tilespmem:s16], [sflag:$0x3] =	stream.linear.gather @!p1 [hbm4b:s13+s24], $0x80, $0x38;
	[tilespmem:$0x1CE00] =	vst v63  }
0x8e: {  	s13 =	sadd.s32 @!p1 $0x40, s10;
	s16 =	sor.u32 @!p1 $0x14200, s12  }
0x8f: {  	[tilespmem:s16], [sflag:$0x3] =	stream.linear.gather @!p1 [hbm4b:s13+s24], $0x80, $0x38;
	[tilespmem:$0x1CE00] =	vst v63  }
0x90: {  	s13 =	sadd.s32 @!p1 $0x50, s10;
	s16 =	sor.u32 @!p1 $0x14300, s12  }
0x91: {  	[tilespmem:s16], [sflag:$0x3] =	stream.linear.gather @!p1 [hbm4b:s13+s24], $0x80, $0x38;
	[tilespmem:$0x1CE00] =	vst v63  }
0x92: {  	s13 =	sadd.s32 @!p1 $0x60, s10;
	s16 =	sor.u32 @!p1 $0x14400, s12  }
0x93: {  	[tilespmem:s16], [sflag:$0x3] =	stream.linear.gather @!p1 [hbm4b:s13+s24], $0x80, $0x38;
	[tilespmem:$0x1CE00] =	vst v63  }
0x94: {  	s13 =	sadd.s32 @!p1 $0x70, s10;
	s16 =	sor.u32 @!p1 $0x14500, s12  }
0x95: {  	[tilespmem:s16], [sflag:$0x3] =	stream.linear.gather @!p1 [hbm4b:s13+s24], $0x80, $0x38;
	[tilespmem:$0x1CE00] =	vst v63  }
0x96: {  	s13 =	sadd.s32 @!p1 $0x80, s10;
	s16 =	sor.u32 @!p1 $0x14600, s12  }
0x97: {  	[tilespmem:s16], [sflag:$0x3] =	stream.linear.gather @!p1 [hbm4b:s13+s24], $0x80, $0x38;
	[tilespmem:$0x1CE00] =	vst v63  }
0x98: {  	s13 =	sadd.s32 @!p1 $0x90, s10;
	s16 =	sor.u32 @!p1 $0x14700, s12  }
0x99: {  	[tilespmem:s16], [sflag:$0x3] =	stream.linear.gather @!p1 [hbm4b:s13+s24], $0x80, $0x38;
	[tilespmem:$0x1CE00] =	vst v63  }
0x9a: {  	s13 =	sadd.s32 @!p1 $0xA0, s10;
	s16 =	sor.u32 @!p1 $0x14800, s12  }
0x9b: {  	[tilespmem:s16], [sflag:$0x3] =	stream.linear.gather @!p1 [hbm4b:s13+s24], $0x80, $0x38;
	[tilespmem:$0x1CE00] =	vst v63  }
0x9c: {  	s13 =	sadd.s32 @!p1 $0xB0, s10;
	s16 =	sor.u32 @!p1 $0x14900, s12  }
0x9d: {  	[tilespmem:s16], [sflag:$0x3] =	stream.linear.gather @!p1 [hbm4b:s13+s24], $0x80, $0x38;
	[tilespmem:$0x1CE00] =	vst v63  }
0x9e: {  	s13 =	sadd.s32 @!p1 $0xC0, s10;
	s16 =	sor.u32 @!p1 $0x14A00, s12  }
0x9f: {  	[tilespmem:s16], [sflag:$0x3] =	stream.linear.gather @!p1 [hbm4b:s13+s24], $0x80, $0x38;
	[tilespmem:$0x1CE00] =	vst v63  }
0xa0: {  	s13 =	sadd.s32 @!p1 $0xD0, s10;
	s16 =	sor.u32 @!p1 $0x14B00, s12  }
0xa1: {  	[tilespmem:s16], [sflag:$0x3] =	stream.linear.gather @!p1 [hbm4b:s13+s24], $0x80, $0x38;
	[tilespmem:$0x1CE00] =	vst v63  }
0xa2: {  	s13 =	sadd.s32 @!p1 $0xE0, s10;
	s16 =	sor.u32 @!p1 $0x14C00, s12  }
0xa3: {  	[tilespmem:s16], [sflag:$0x3] =	stream.linear.gather @!p1 [hbm4b:s13+s24], $0x80, $0x38;
	[tilespmem:$0x1CE00] =	vst v63  }
0xa4: {  	s10 =	sadd.s32 @!p1 $0xF0, s10;
	s12 =	sor.u32 @!p1 $0x14D00, s12  }
0xa5: {  	[tilespmem:s12], [sflag:$0x3] =	stream.linear.gather @!p1 [hbm4b:s10+s24], $0x80, $0x38;
	[tilespmem:$0x1CE00] =	vst v63  }
0xa6: {  	p1 =	sne.s32 s22, s15  }
.Ltmp1:
0xa7: {  	_ = 	snop;
	(pc) =	sbr.rel @p1 .LBB2_2-.Ltmp1, $2  }
0xa8: {  	_ =	sdelay $0x2  }
0xa9: {  	p0 =	por !p0, !p0  }
0xaa: {  	_ =	swait.ge [sflag:s3], $0x4000  }
0xab: {  	[sflag:s3] =	ssyncset.done $0x0  }
0xac: {  	[sflag:s3] =	ssyncadd.s32 $0xFFFFC000  }
0xad: {  	[bflag:$0x0] =	sbarrier.arrive $0xFFFF  }
0xae: {  	s10 =	rddreg [dreg:$0x6]  }
0xaf: {  	[hbm:s10], [sflag:s11] =	dma.local [spmem:s18], $0x2780  }
0xb0: {  	_ =	swait.ge [sflag:s19], $0x2780  }
0xb1: {  	s20 =	sadd.s32 $0x1, s20;
	s31 =	rddreg [dreg:$0x7]  }
0xb2: {  	p0 =	sne.s32 s20, s31  }
.Ltmp2:
0xb3: {  	_ = 	snop;
	(pc) =	sbr.rel @p0 .LBB2_1-.Ltmp2, $3  }
0xb4: {  	_ =	sdelay $0x1  }
0xb5: {  	[sflag:s19] =	ssyncset.done $0x0  }
0xb6: {  	[sflag:s19] =	ssyncadd.s32 $0xFFFFD880  }
0xb7: {  	_ =	sfence.sel $0x180000  }
0xb8: {  	[bflag:$0x0] =	sbarrier.arrive $0xFFFF  }
0xb9: {  	_ =	strace $0x9000004A  }
0xba: {  	s0 =	stileid.u32;
	[bflag:$0x2] =	sbarrier.arrive $0xFFFF  }
0xbb: {  	p0 =	sne.s32 s0, $0x0;
	s0 =	rddreg [dreg:$0x2]  }
0xbc: {  	s0 =	sadd.s32 @!p0 $0x100000, s0  }
0xbd: {  	[sflag:s0] =	ssyncadd.tile.s32 @!p0 $0x1;
	_ =	shalt  }
.Lfunc_end2:
_tile_overlayer_lowered:
.L_overlay_start_2:
0xbe: {  	(tag) =	ssettag $0x2  }
0xbf: {  	s0 =	rddreg [dreg:$0x0];
	s2 =	stileid.u32  }
0xc0: {  	s1 =	rddreg [dreg:$0x1];
	p0 =	sne.s32 s2, $0x0  }
0xc1: {  	s3 =	rddreg [dreg:$0x2];
	[bflag:$0x3] =	sbarrier.arrive $0xFFFF;
	s2 =	simm.s32 @!p0 $0x1C04  }
0xc2: {  	[timem:s3], [sflag:s2] =	dma.local @!p0 [hbm:s0], s1  }
0xc3: {  	s0 =	simm.s32 @!p0 $0x4  }
0xc4: {  	_ =	swait.ge @!p0 [sflag:s0], s1  }
0xc5: {  	s1 =	ssub.s32 @!p0 $0x0, s1;
	[sflag:s0] =	ssyncset.done @!p0 $0x0  }
0xc6: {  	[sflag:s0] =	ssyncadd.s32 @!p0 s1  }
0xc7: {  	[bflag:$0x3] =	sbarrier.arrive $0xFFFF  }
0xc8: {  	_ =	shalt  }

// kernel: kernel.17.cloned.1.call-start
scs
__scs_entry_jumppad:
0x0: {  	(pc) =	sbr.rel $0x88, $3  }
0x1: {  	(tag) =	ssettag $0x0;
	lr =	simm.s32 $0x1  }
0x2: {  	[smem:$0x3F96] =	sst lr;
	_ =	strace $0xD0000000  }
0x3: {  	_ = 	snop  }
0x4: {  	_ = 	snop  }
0x5: {  	_ = 	snop  }
0x6: {  	_ = 	snop  }
0x7: {  	_ = 	snop  }
__scs_overlays_trampoline_lowered:
0x8: {  	[smem:$0x3FA5] =	sst s0  }
0x9: {  	[smem:$0x3FA6] =	sst s1  }
0xa: {  	[smem:$0x3FA7] =	sst s2  }
0xb: {  	[smem:$0x3FA8] =	sst s3  }
0xc: {  	[smem:$0x3FA9] =	sst s4  }
0xd: {  	[smem:$0x3FAA] =	sst s5  }
0xe: {  	[smem:$0x3FAB] =	sst s6  }
0xf: {  	[smem:$0x3FAC] =	sst s7  }
0x10: {  	[smem:$0x3FAD] =	sst s8  }
0x11: {  	[smem:$0x3FAE] =	sst s9;
	s0 =	simm.s32 @!p0 $0x0  }
0x12: {  	s1 =	sld [smem:$0x3F94];
	s0 =	simm.s32 @p0 $0x1  }
0x13: {  	[smem:$0x3FAF] =	sst s0;
	s0 =	simm.s32 @!p1 $0x0  }
0x14: {  	s2 =	sld [smem:$0x3F93];
	s0 =	simm.s32 @p1 $0x1  }
0x15: {  	[smem:$0x3FB0] =	sst s0;
	s0 =	simm.s32 @!p2 $0x0  }
0x16: {  	s3 =	sld [smem:$0x3FDB];
	s0 =	simm.s32 @p2 $0x1  }
0x17: {  	s4 =	simm.s32 $0x1BF5;
	[smem:$0x3FB2] =	sst s0  }
0x18: {  	s0 =	sld [smem:$0x3F95];
	_ =	swait.ge [sflag:s4], $0x0  }
0x19: {  	s7 =	sld [smem:$0x3F96]  }
0x1a: {  	s8 =	sadd.s32 $0xFFFFE003, lr  }
0x1b: {  	s9 =	sadd.s32 $0xFFFFFEF7, lr;
	s5 =	simm.s32 $0xFFFFFFFF;
	p2 =	slt.u32 s8, $0xFFFFF086  }
0x1c: {  	p1 =	slt.u32 s9, $0xF7A;
	s5 =	simm.s32 @!p2 $0x0  }
0x1d: {  	s5 =	simm.s32 @p1 $0x1;
	p0 =	seq.s32 s7, s2  }
0x1e: {  	s7 =	smul.u32 @!p0 $0xF7A, s2;
	p2 =	seq.s32 @!p0 s5, $0x0  }
0x1f: {  	s9 =	smul.u32 $0xF7A, s1;
	s8 =	simm.s32 @!p0 $0x1BF5;
	p2 =	por !p2, p0  }
0x20: {  	[sflag:s8] =	ssyncset.s32 @!p0 $0xFFFFF086;
	s6 =	sadd.s32 @!p0 s3, s7;
	s7 =	simm.s32 @!p0 $0x108  }
0x21: {  	s3 =	sadd.s32 s3, s9;
	s6 =	sadd.s32 @!p0 $0x88, s6;
	s7 =	simm.s32 @p2 $0x1082  }
0x22: {  	[simem:s7], [sflag:s8] =	dma.local @!p0 [hbm:s6], $0xF7A  }
0x23: {  	s9 =	sor.u32 $0xD0000000, s2;
	s6 =	simm.s32 $0x108;
	_ =	swait.ge @!p0 [sflag:s8], $0x0  }
0x24: {  	s3 =	sadd.s32 $0x88, s3;
	s6 =	simm.s32 @!p1 $0x1082;
	[sflag:s4] =	ssyncset.s32 $0xFFFFF086  }
0x25: {  	[simem:s6], [sflag:s4] =	dma.local [hbm:s3], $0xF7A  }
0x26: {  	[smem:$0x3F96] =	sst s1;
	(tag) =	ssettag s2;
	_ =	strace s9  }
0x27: {  	s1 =	sld [smem:$0x3FA6]  }
0x28: {  	s2 =	sld [smem:$0x3FA7]  }
0x29: {  	s4 =	sld [smem:$0x3FA9]  }
0x2a: {  	p0 =	seq.s32 s5, $0x0;
	s5 =	sld [smem:$0x3FAA]  }
0x2b: {  	s6 =	sld [smem:$0x3FAB]  }
0x2c: {  	s7 =	sld [smem:$0x3FAC]  }
0x2d: {  	s3 =	simm.s32 $0x108;
	s8 =	sld [smem:$0x3FAD]  }
0x2e: {  	s3 =	simm.s32 @!p0 $0x1082;
	s9 =	sld [smem:$0x3FAE]  }
0x2f: {  	lr =	sadd.s32 s0, s3;
	s0 =	sld [smem:$0x3FA5]  }
0x30: {  	s3 =	sld [smem:$0x3FA8]  }
0x31: {  	[smem:$0x3FB1] =	sst s10  }
0x32: {  	s10 =	sld [smem:$0x3FAF];
	_ =	sdelay $0x3  }
0x33: {  	p0 =	seq.s32 s10, $0x1;
	s10 =	sld [smem:$0x3FB1];
	_ =	sdelay $0x3  }
0x34: {  	[smem:$0x3FB1] =	sst s10  }
0x35: {  	s10 =	sld [smem:$0x3FB0];
	_ =	sdelay $0x3  }
0x36: {  	p1 =	seq.s32 s10, $0x1;
	s10 =	sld [smem:$0x3FB1];
	_ =	sdelay $0x3  }
0x37: {  	[smem:$0x3FB1] =	sst s10  }
0x38: {  	s10 =	sld [smem:$0x3FB2]  }
0x39: {  	_ = 	snop;
	(pc) =	sbr.ind lr, $3  }
0x3a: {  	_ = 	snop  }
0x3b: {  	_ = 	snop  }
0x3c: {  	p2 =	seq.s32 s10, $0x1;
	s10 =	sld [smem:$0x3FB1]  }
0x3d: {  	_ =	shalt  }
0x3e: {  	_ =	shalt  }
0x3f: {  	_ =	shalt  }
0x40: {  	_ =	shalt  }
0x41: {  	_ =	shalt  }
0x42: {  	_ =	shalt  }
0x43: {  	_ =	shalt  }
0x44: {  	_ =	shalt  }
0x45: {  	_ =	shalt  }
0x46: {  	_ =	shalt  }
0x47: {  	_ =	shalt  }
0x48: {  	_ =	shalt  }
0x49: {  	_ =	shalt  }
0x4a: {  	_ =	shalt  }
0x4b: {  	_ =	shalt  }
0x4c: {  	_ =	shalt  }
0x4d: {  	_ =	shalt  }
0x4e: {  	_ =	shalt  }
0x4f: {  	_ =	shalt  }
0x50: {  	_ =	shalt  }
0x51: {  	_ =	shalt  }
0x52: {  	_ =	shalt  }
0x53: {  	_ =	shalt  }
0x54: {  	_ =	shalt  }
0x55: {  	_ =	shalt  }
0x56: {  	_ =	shalt  }
0x57: {  	_ =	shalt  }
0x58: {  	_ =	shalt  }
0x59: {  	_ =	shalt  }
0x5a: {  	_ =	shalt  }
0x5b: {  	_ =	shalt  }
0x5c: {  	_ =	shalt  }
0x5d: {  	_ =	shalt  }
0x5e: {  	_ =	shalt  }
0x5f: {  	_ =	shalt  }
0x60: {  	_ =	shalt  }
0x61: {  	_ =	shalt  }
0x62: {  	_ =	shalt  }
0x63: {  	_ =	shalt  }
0x64: {  	_ =	shalt  }
0x65: {  	_ =	shalt  }
0x66: {  	_ =	shalt  }
0x67: {  	_ =	shalt  }
0x68: {  	_ =	shalt  }
0x69: {  	_ =	shalt  }
0x6a: {  	_ =	shalt  }
0x6b: {  	_ =	shalt  }
0x6c: {  	_ =	shalt  }
0x6d: {  	_ =	shalt  }
0x6e: {  	_ =	shalt  }
0x6f: {  	_ =	shalt  }
0x70: {  	_ =	shalt  }
0x71: {  	_ =	shalt  }
0x72: {  	_ =	shalt  }
0x73: {  	_ =	shalt  }
0x74: {  	_ =	shalt  }
0x75: {  	_ =	shalt  }
0x76: {  	_ =	shalt  }
0x77: {  	_ =	shalt  }
0x78: {  	_ =	shalt  }
0x79: {  	_ =	shalt  }
0x7a: {  	_ =	shalt  }
0x7b: {  	_ =	shalt  }
0x7c: {  	_ =	shalt  }
0x7d: {  	_ =	shalt  }
0x7e: {  	_ =	shalt  }
0x7f: {  	_ =	shalt  }
0x80: {  	_ =	shalt  }
0x81: {  	_ =	shalt  }
0x82: {  	_ =	shalt  }
0x83: {  	_ =	shalt  }
0x84: {  	_ =	shalt  }
0x85: {  	_ =	shalt  }
0x86: {  	_ =	shalt  }
0x87: {  	_ =	shalt  }
.Lfunc_end0:
.L_simem_size_0:
called_computation.2_lowered:
.L_overlay_start_0:
0x88: {  	s2 =	sld [smem:$0x3FD9]  }
0x89: {  	s3 =	sld [smem:$0x3FFE];
	_ =	sdelay $0x1  }
0x8a: {  	s1 =	srdreg.scid  }
0x8b: {  	s0 =	sand.u32 $0x1, s1  }
0x8c: {  	s16 =	sshll.u32 s0, $0xA;
	s2 =	sadd.s32 s3, s2  }
0x8d: {  	s2 =	sadd.s32 s2, s16  }
0x8e: {  	[smem:$0x3FBD] =	sst s2  }
0x8f: {  	_ = 	snop  }
0x90: {  	(tm) =	ssettm $0x1  }
0x91: {  	s17 =	sld [smem:$0x3FFB];
	_ =	sdelay $0x3  }
0x92: {  	_ =	strace s17  }
0x93: {  	s2 =	sld [smem:$0x3FFC];
	_ =	sdelay $0x3  }
0x94: {  	_ =	strace s2  }
0x95: {  	s2 =	sld [smem:$0x3FFD];
	_ =	sdelay $0x3  }
0x96: {  	_ =	strace s2  }
0x97: {  	_ =	strace $0x8FFFFFFF  }
0x98: {  	s18 =	sld [smem:$0x3FDB];
	_ =	sdelay $0x1  }
0x99: {  	s19 =	simm.s32 $_scs_section_size  }
0x9a: {  	s4 =	simm.s32 $_size__tile_overlayer_lowered;
	s5 =	simm.s32 $_tile_overlayer_lowered  }
0x9b: {  	s22 =	simm.s32 $0x1BFF;
	s21 =	sshll.u32 s5, $0x1;
	s2 =	sadd.s32 s19, s18  }
0x9c: {  	s6 =	simm.s32 $0x0;
	s20 =	sshll.u32 s4, $0x1;
	s4 =	sadd.s32 s21, s2  }
0x9d: {  	[timem:s6], [sflag:s22] =	dma.local [hbm:s4], s20  }
0x9e: {  	_ =	swait.ge [sflag:s22], s20  }
0x9f: {  	s3 =	ssub.s32 $0x0, s20;
	[sflag:s22] =	ssyncset.done $0x0  }
0xa0: {  	[sflag:s22] =	ssyncadd.s32 s3;
	_ =	sdelay $0x1  }
0xa1: {  	s23 =	simm.s32 $0x1B8B  }
0xa2: {  	_ =	swait.ge [sflag:s23], $0x1  }
0xa3: {  	[sflag:s23] =	ssyncset.done $0x0  }
0xa4: {  	s25 =	simm.s32 $0x1B8E;
	s24 =	sld [smem:$0x3FFE];
	[sflag:s23] =	ssyncadd.s32 $0xFFFFFFFF  }
0xa5: {  	s26 =	simm.s32 $execute0_lowered;
	[smem:$0x3FD2] =	sst s25  }
0xa6: {  	s4 =	sshll.u32 s26, $0x1;
	_ =	strace $0x8000004C;
	[dreg:$0x1] =	wrdreg $0xFFFFFFFF  }
0xa7: {  	s28 =	simm.s32 $_size_execute0_lowered;
	s2 =	sadd.s32 s2, s4;
	[dreg:$0x0] =	wrdreg $0x0  }
0xa8: {  	s4 =	sshll.u32 s28, $0x1;
	[dreg:$0x2] =	wrdreg s2  }
0xa9: {  	[dreg:$0x3] =	wrdreg s4  }
0xaa: {  	[dreg:$0x4] =	wrdreg $0xC0  }
0xab: {  	_ =	task [dreg:s6], $0x5FFFF  }
0xac: {  	[dreg:$0x1] =	wrdreg $0xFFFFFFFF  }
0xad: {  	[dreg:$0x0] =	wrdreg $0x60  }
0xae: {  	[dreg:$0x2] =	wrdreg s24  }
0xaf: {  	[dreg:$0x3] =	wrdreg $0x0  }
0xb0: {  	[dreg:$0x4] =	wrdreg $0x9  }
0xb1: {  	_ =	task.clear_ibuf [dreg:s6], $0x5FFFF;
	_ =	strace $0x9000004C  }
0xb2: {  	s29 =	simm.s32 $0x9;
	_ =	strace $0x8000004E  }
0xb3: {  	_ =	swait.ge [sflag:s29], $0x1  }
0xb4: {  	[sflag:s29] =	ssyncadd.s32 $0xFFFFFFFF  }
0xb5: {  	_ =	strace $0x9000004E  }
0xb6: {  	_ =	sfence  }
0xb7: {  	s30 =	sld [smem:$0x0];
	_ =	sdelay $0x2  }
0xb8: {  	s31 =	sshll.u32 s1, $0xD;
	s1 =	sshrl.u32 s1, $0x2  }
0xb9: {  	s3 =	sand.u32 $0x4000, s31;
	s1 =	sadd.s32 s1, s30  }
0xba: {  	s0 =	sor.u32 s3, s0;
	s1 =	sshll.u32 s1, $0x11  }
0xbb: {  	s0 =	sor.u32 s1, s0  }
0xbc: {  	s0 =	sadd.s32 $0x8F2B, s0  }
0xbd: {  	[sflag:s0] =	ssyncadd.remote.s32 $0x1  }
0xbe: {  	_ =	sfence.sel $0xFFFF  }
0xbf: {  	[dreg:$0x0] =	wrdreg $0xFFFFFFFF;
	(pc) =	sbr.abs _section_cstart, $3  }
0xc0: {  	[dreg:$0x1] =	wrdreg $0xFFFFFFFF  }
0xc1: {  	_ =	task.clear_ibuf [dreg:s6], $0x2FFFF;
	_ =	strace $0x9FFFFFFF  }
0xc2: {  	(tm) =	ssettm $0x7FFFFFFF  }
0xc3: {  	_ =	shalt  }
tec
execute0_lowered:
.L_overlay_start_1:
0x0: {  	(tag) =	ssettag $0x1  }
0x1: {  	s0 =	rddreg [dreg:$0x0]  }
0x2: {  	s1 =	rddreg [dreg:$0x1];
	s2 =	simm.s32 $0x0;
	s14 =	stileid.u32  }
0x3: {  	s3 =	srdreg.scid;
	s7 =	simm.s32 $0x65;
	s19 =	simm.s32 $0x4  }
0x4: {  	s29 =	simm.s32 $0x3;
	s30 =	simm.s32 $0x80;
	[smem:$0x7FF] =	sst s2  }
0x5: {  	s4 =	sadd.s32 $0x3000, s0;
	s5 =	sadd.s32 $0xCE00, s0;
	s9 =	smul.u32 $0x13C00, s14  }
0x6: {  	s6 =	sadd.s32 $0x8D400, s0;
	s3 =	sand.u32 $0x1, s3;
	s13 =	smul.u32 $0x4F000, s14  }
0x7: {  	s8 =	sadd.s32 $0x3E400, s0;
	s24 =	sshll.u32 s14, $0x6;
	s10 =	smul.u32 $0x13C000, s3  }
0x8: {  	_ =	strace $0x8000004D;
	p0 =	seq.s32 s3, $0x0;
	s11 =	smul.u32 $0x650, s3  }
0x9: {  	s3 =	ssub.s32 $0x2, s3;
	s7 =	simm.s32 @!p0 $0x39;
	s12 =	sshrl.u32 s9, $0x3  }
0xa: {  	s21 =	sshrl.u32 s3, $0x1;
	s22 =	sshrl.u32 s13, $0x2;
	s9 =	sadd.s32 s9, s10  }
0xb: {  	s20 =	smul.u32 s14, s7;
	s12 =	sadd.s32 s12, s0;
	s3 =	ssub.s32 s3, s21  }
0xc: {  	s10 =	sadd.s32 s22, s1;
	s15 =	sshll.u32 s7, $0x1;
	s9 =	sshrl.u32 s9, $0x3  }
0xd: {  	s23 =	sadd.s32 $0x16C00, s12;
	s31 =	smax.u32 s3, $0x1;
	s18 =	sshrl.u32 s10, $0x3  }
0xe: {  	s3 =	simm.s32 $0x2;
	s0 =	sadd.s32 s9, s0;
	[dreg:$0x3] =	wrdreg s23  }
0xf: {  	s9 =	sadd.s32 s11, s20;
	s11 =	sor.u32 $0x1C04, s24;
	[dreg:$0x7] =	wrdreg s31  }
0x10: {  	s20 =	simm.s32 $0x0;
	s25 =	sshll.u32 s9, $0x4;
	s0 =	sadd.s32 $0x12B400, s0  }
0x11: {  	s26 =	sshll.u32 s9, $0x8;
	s28 =	sadd.s32 s4, s25;
	[dreg:$0x6] =	wrdreg s0  }
0x12: {  	s12 =	sadd.s32 s5, s25;
	s14 =	sadd.s32 s6, s26;
	[dreg:$0x4] =	wrdreg s28  }
0x13: {  	s0 =	simm.s32 $0x1;
	[dreg:$0x5] =	wrdreg s12;
	s23 =	sadd.s32 $0x10, s14  }
.LBB2_1:
0x14: {  	s10 =	rddreg [dreg:$0x3]  }
0x15: {  	[spmem:s18], [sflag:s11] =	dma.local [hbm:s10], $0x2780  }
0x16: {  	_ =	swait.ge [sflag:s19], $0x2780  }
0x17: {  	[sflag:s19] =	ssyncset.done $0x0  }
0x18: {  	[sflag:s19] =	ssyncadd.s32 $0xFFFFD880  }
0x19: {  	[bflag:$0x0] =	sbarrier.arrive $0xFFFF  }
0x1a: {  	s12 =	simm.s32 $0x13C00;
	s26 =	rddreg [dreg:$0x4]  }
0x1b: {  	[tilespmem:s12], [sflag:$0x3] =	stream.linear.gather [hbm4b:s26+s2], $0x80, $0x38;
	[tilespmem:$0x1CE00] =	vst v63  }
0x1c: {  	s28 =	rddreg [dreg:$0x5];
	s12 =	simm.s32 $0x13C80  }
0x1d: {  	[tilespmem:s12], [sflag:$0x3] =	stream.linear.gather [hbm4b:s28+s2], $0x80, $0x38;
	[tilespmem:$0x1CE00] =	vst v63  }
0x1e: {  	s31 =	simm.s32 $0x13E00  }
0x1f: {  	[tilespmem:s31], [sflag:$0x3] =	stream.linear.gather [hbm4b:s14+s2], $0x80, $0x38;
	[tilespmem:$0x1CE00] =	vst v63  }
0x20: {  	s13 =	simm.s32 $0x13F00  }
0x21: {  	[tilespmem:s13], [sflag:$0x3] =	stream.linear.gather [hbm4b:s23+s2], $0x80, $0x38;
	[tilespmem:$0x1CE00] =	vst v63  }
0x22: {  	s16 =	sadd.s32 $0x20, s14;
	s13 =	simm.s32 $0x14000  }
0x23: {  	[tilespmem:s13], [sflag:$0x3] =	stream.linear.gather [hbm4b:s16+s2], $0x80, $0x38;
	[tilespmem:$0x1CE00] =	vst v63  }
0x24: {  	s17 =	sadd.s32 $0x30, s14;
	s21 =	simm.s32 $0x14100  }
0x25: {  	[tilespmem:s21], [sflag:$0x3] =	stream.linear.gather [hbm4b:s17+s2], $0x80, $0x38;
	[tilespmem:$0x1CE00] =	vst v63  }
0x26: {  	s22 =	sadd.s32 $0x40, s14;
	s24 =	simm.s32 $0x14200  }
0x27: {  	[tilespmem:s24], [sflag:$0x3] =	stream.linear.gather [hbm4b:s22+s2], $0x80, $0x38;
	[tilespmem:$0x1CE00] =	vst v63  }
0x28: {  	s25 =	sadd.s32 $0x50, s14;
	s26 =	simm.s32 $0x14300  }
0x29: {  	[tilespmem:s26], [sflag:$0x3] =	stream.linear.gather [hbm4b:s25+s2], $0x80, $0x38;
	[tilespmem:$0x1CE00] =	vst v63  }
0x2a: {  	s28 =	sadd.s32 $0x60, s14;
	s31 =	simm.s32 $0x14400  }
0x2b: {  	[tilespmem:s31], [sflag:$0x3] =	stream.linear.gather [hbm4b:s28+s2], $0x80, $0x38;
	[tilespmem:$0x1CE00] =	vst v63  }
0x2c: {  	s13 =	sadd.s32 $0x70, s14;
	s16 =	simm.s32 $0x14500  }
0x2d: {  	[tilespmem:s16], [sflag:$0x3] =	stream.linear.gather [hbm4b:s13+s2], $0x80, $0x38;
	[tilespmem:$0x1CE00] =	vst v63  }
0x2e: {  	s17 =	sadd.s32 $0x80, s14;
	s21 =	simm.s32 $0x14600  }
0x2f: {  	[tilespmem:s21], [sflag:$0x3] =	stream.linear.gather [hbm4b:s17+s2], $0x80, $0x38;
	[tilespmem:$0x1CE00] =	vst v63  }
0x30: {  	s22 =	sadd.s32 $0x90, s14;
	s24 =	simm.s32 $0x14700  }
0x31: {  	[tilespmem:s24], [sflag:$0x3] =	stream.linear.gather [hbm4b:s22+s2], $0x80, $0x38;
	[tilespmem:$0x1CE00] =	vst v63  }
0x32: {  	s25 =	sadd.s32 $0xA0, s14;
	s26 =	simm.s32 $0x14800  }
0x33: {  	[tilespmem:s26], [sflag:$0x3] =	stream.linear.gather [hbm4b:s25+s2], $0x80, $0x38;
	[tilespmem:$0x1CE00] =	vst v63  }
0x34: {  	s28 =	sadd.s32 $0xB0, s14;
	s31 =	simm.s32 $0x14900  }
0x35: {  	[tilespmem:s31], [sflag:$0x3] =	stream.linear.gather [hbm4b:s28+s2], $0x80, $0x38;
	[tilespmem:$0x1CE00] =	vst v63  }
0x36: {  	s16 =	sadd.s32 $0xC0, s14;
	s17 =	simm.s32 $0x14A00  }
0x37: {  	[tilespmem:s17], [sflag:$0x3] =	stream.linear.gather [hbm4b:s16+s2], $0x80, $0x38;
	[tilespmem:$0x1CE00] =	vst v63  }
0x38: {  	s21 =	sadd.s32 $0xD0, s14;
	s22 =	simm.s32 $0x14B00  }
0x39: {  	[tilespmem:s22], [sflag:$0x3] =	stream.linear.gather [hbm4b:s21+s2], $0x80, $0x38;
	[tilespmem:$0x1CE00] =	vst v63  }
0x3a: {  	s24 =	sadd.s32 $0xE0, s14;
	s25 =	simm.s32 $0x14C00  }
0x3b: {  	[tilespmem:s25], [sflag:$0x3] =	stream.linear.gather [hbm4b:s24+s2], $0x80, $0x38;
	[tilespmem:$0x1CE00] =	vst v63  }
0x3c: {  	s26 =	sadd.s32 $0xF0, s14;
	s28 =	simm.s32 $0x14D00  }
0x3d: {  	[tilespmem:s28], [sflag:$0x3] =	stream.linear.gather [hbm4b:s26+s2], $0x80, $0x38;
	[tilespmem:$0x1CE00] =	vst v63  }
0x3e: {  	_ =	swait.ge [sflag:s29], $0x80  }
0x3f: {  	[sflag:s29] =	ssyncset.done $0x0  }
0x40: {  	[sflag:s29] =	ssyncadd.s32 $0xFFFFFF80  }
0x41: {  	_ =	swait.ge [sflag:s29], $0x80  }
0x42: {  	[sflag:s29] =	ssyncset.done $0x0  }
0x43: {  	[sflag:s29] =	ssyncadd.s32 $0xFFFFFF80  }
0x44: {  	_ =	swait.ge [sflag:s29], $0x800  }
0x45: {  	p0 =	por $0x0, $0x0;
	[sflag:s29] =	ssyncset.done $0x0  }
0x46: {  	s31 =	simm.s32 $0x14E00;
	s22 =	simm.s32 $0x0;
	[sflag:s29] =	ssyncadd.s32 $0xFFFFF800  }
0x47: {  	[tilespmem:s31], [sflag:$0x1] =	stream.indirect.gather [hbm4b:s8+s30], $0x80, s12, s30, $0xb8;
	[tilespmem:$0x1CE00] =	vst v63  }
.LBB2_2:
0x48: {  	s10 =	sshrl.u32 s22, $0x1;
	p2 =	seq.s32 s22, $0x0  }
0x49: {  	s12 =	sand.u32 @!p2 $0x1, s22;
	s24 =	sadd.s32 @!p2 $0x1, s10  }
0x4a: {  	s13 =	simm.s32 @!p2 $0x2;
	p3 =	seq.s32 @!p2 s12, $0x1;
	p1 =	sge.u32 @!p2 s24, s7  }
0x4b: {  	_ =	swait.ge @!p2 [sflag:s13], $0x4000;
	p3 =	por @!p2 !p3, p1  }
0x4c: {  	[sflag:s13] =	ssyncset.done @!p2 $0x0;
	p4 =	por p3, p2  }
0x4d: {  	[sflag:s13] =	ssyncadd.s32 @!p2 $0xFFFFC000;
	s12 =	simm.s32 @!p4 $0x3  }
0x4e: {  	_ =	swait.ge @!p4 [sflag:s12], $0x80  }
0x4f: {  	[sflag:s12] =	ssyncset.done @!p4 $0x0  }
0x50: {  	[sflag:s12] =	ssyncadd.s32 @!p4 $0xFFFFFF80  }
0x51: {  	s25 =	sand.u32 $0x1, s22;
	s22 =	sadd.s32 $0x1, s22;
	_ =	swait.ge @!p4 [sflag:s12], $0x80  }
0x52: {  	p5 =	sge.u32 s22, s15;
	[sflag:s12] =	ssyncset.done @!p4 $0x0  }
0x53: {  	s21 =	sand.u32 @!p5 $0x1, s22;
	[sflag:s12] =	ssyncadd.s32 @!p4 $0xFFFFFF80  }
0x54: {  	s26 =	sshll.u32 @!p5 s22, $0x7;
	s13 =	simm.s32 $0x1;
	_ =	swait.ge @!p4 [sflag:s12], $0x800  }
0x55: {  	s26 =	sand.u32 @!p5 $0x100, s26;
	s28 =	sshll.u32 @!p5 s21, $0x7;
	[sflag:s12] =	ssyncset.done @!p4 $0x0  }
0x56: {  	[sflag:s12] =	ssyncadd.s32 @!p4 $0xFFFFF800;
	s12 =	sshll.u32 @!p5 s21, $0xE;
	s21 =	ssub.s32 @!p5 s26, s28  }
0x57: {  	s26 =	simm.s32 @!p5 $0x80;
	s12 =	sadd.s32 @!p5 $0x14E00, s12;
	s21 =	sadd.s32 @!p5 $0x13C80, s21  }
0x58: {  	[tilespmem:s12], [sflag:$0x1] =	stream.indirect.gather @!p5 [hbm4b:s8+s26], $0x80, s21, s26, $0xb8;
	[tilespmem:$0x1CE00] =	vst v63  }
0x59: {  	s31 =	simm.s32 $0x0;
	s13 =	simm.s32 @!p0 $0x0;
	_ =	swait.ge [sflag:s0], $0x4000  }
0x5a: {  	s13 =	sshll.u32 s13, $0xE;
	s28 =	sand.u32 $0x1, s10;
	[sflag:s0] =	ssyncset.done $0x0  }
0x5b: {  	s10 =	sshll.u32 s28, $0x7;
	s21 =	sadd.s32 $0x14E40, s13;
	[sflag:s0] =	ssyncadd.s32 $0xFFFFC000  }
0x5c: {  	s16 =	sand.u32 $0xF00, s31;
	s10 =	sor.u32 $0x13E00, s10;
	v4 =	vld [tilespmem:s21+$0x30]  }
0x5d: {  	s17 =	sand.u32 $0x70, s31;
	s12 =	sadd.s32 s16, s10;
	v7 =	vld [tilespmem:s21+$0x10]  }
0x5e: {  	s12 =	sadd.s32 s17, s12;
	v5 =	vld [tilespmem:s21+$0xFFFFFFC0]  }
0x5f: {  	v1 =	vld [tilespmem:s12+$0x0]  }
0x60: {  	v9 =	vld [tilespmem:s21+$0xFFFFFFE0]  }
0x61: {  	v0 =	vld [tilespmem:s21+$0xFFFFFFF0]  }
0x62: {  	v2 =	vld [tilespmem:s21+$0x20]  }
0x63: {  	p1 =	por !p1, p2;
	v3 =	vld [tilespmem:s21+$0xFFFFFFD0]  }
0x64: {  	p3 =	por !p3, p2;
	p4 =	por @!p4 $0x1, $0x1;
	p5 =	slt.u32 @!p2 s24, s7;
	v6 =	vmul.f32 v5, v1;
	v5 =	vld [tilespmem:s21+$0x0]  }
0x65: {  	s26 =	sshll.u32 s25, $0xE;
	s24 =	simm.s32 @p2 $0x1;
	p4 =	por @!p3 p5, p5  }
0x66: {  	s13 =	simm.s32 $0x10;
	p4 =	por @!p1 p5, p5;
	p1 =	por $0x1, $0x1;
	v8 =	vmul.f32 v4, v1  }
0x67: {  	p1 =	por @!p2 p4, p4;
	s12 =	sadd.s32 $0x14E00, s26;
	s26 =	smov.u32 s21;
	v4 =	vmul.f32 v9, v1;
	v7 =	vmul.f32 v7, v1  }
.LBB2_3:
0x68: {  	p2 =	sne.s32 s13, $0x7F0;
	v3 =	vmul.f32 v3, v1;
	v2 =	vmul.f32 v2, v1;
	[tilespmem:s21+$0x30] =	vst v8;
	s31 =	sadd.s32 $0x20, s31;
	s26 =	sadd.s32 $0x80, s26  }
0x69: {  	s16 =	smov.u32 s13;
	s13 =	sadd.s32 $0x10, s13;
	[tilespmem:s21+$0xFFFFFFC0] =	vst v6;
	v6 =	vmul.f32 v0, v1;
	v1 =	vmul.f32 v5, v1  }
0x6a: {  	[tilespmem:s21+$0x10] =	vst v7  }
0x6b: {  	v0 =	vld [tilespmem:s26+$0xFFFFFFF0];
	[tilespmem:s21+$0xFFFFFFE0] =	vst v4  }
0x6c: {  	v4 =	vld [tilespmem:s26+$0x30];
	[tilespmem:s21+$0xFFFFFFF0] =	vst v6  }
0x6d: {  	s17 =	sand.u32 $0xF00, s31;
	v7 =	vld [tilespmem:s26+$0x10];
	[tilespmem:s21+$0x0] =	vst v1  }
0x6e: {  	s16 =	sand.u32 $0x70, s16;
	s17 =	sadd.s32 s17, s10;
	v6 =	vld [tilespmem:s26+$0xFFFFFFC0];
	[tilespmem:s21+$0x20] =	vst v2  }
0x6f: {  	s16 =	sadd.s32 s16, s17;
	v9 =	vld [tilespmem:s26+$0xFFFFFFE0];
	[tilespmem:s21+$0xFFFFFFD0] =	vst v3;
	s21 =	smov.u32 s26  }
0x70: {  	v1 =	vld [tilespmem:s16+$0x0]  }
0x71: {  	v2 =	vld [tilespmem:s26+$0x20]  }
.Ltmp0:
0x72: {  	v3 =	vld [tilespmem:s26+$0xFFFFFFD0];
	(pc) =	sbr.rel @p2 .LBB2_3-.Ltmp0, $3  }
0x73: {  	v5 =	vld [tilespmem:s26+$0x0];
	_ =	sdelay $0x1  }
0x74: {  	v6 =	vmul.f32 v6, v1;
	v8 =	vmul.f32 v4, v1  }
0x75: {  	v4 =	vmul.f32 v9, v1;
	v7 =	vmul.f32 v7, v1  }
0x76: {  	[tilespmem:s21+$0x30] =	vst v8  }
0x77: {  	[tilespmem:s21+$0xFFFFFFC0] =	vst v6  }
0x78: {  	v0 =	vmul.f32 v0, v1;
	[tilespmem:s21+$0x10] =	vst v7  }
0x79: {  	v2 =	vmul.f32 v2, v1;
	[tilespmem:s21+$0xFFFFFFE0] =	vst v4  }
0x7a: {  	v63 =	vmul.f32 v3, v1;
	[tilespmem:s21+$0xFFFFFFF0] =	vst v0  }
0x7b: {  	s10 =	sshll.u32 s28, $0x8;
	s13 =	sshll.u32 s25, $0x7;
	v5 =	vmul.f32 v5, v1;
	[tilespmem:s21+$0x20] =	vst v2  }
0x7c: {  	p2 =	sne.s32 s25, $0x0;
	p1 =	por !p1, !p1;
	s10 =	sor.u32 s13, s10;
	[tilespmem:s21+$0xFFFFFFD0] =	vst v63  }
0x7d: {  	p1 =	por p2, p1;
	s10 =	sor.u32 $0x13C00, s10;
	[tilespmem:s21+$0x0] =	vst v5  }
0x7e: {  	[spmem:s1] =	stream.indirect.scatter.add.f32 [tilespmem:s12], [sflag:$0x2], $0x80, s10, s30, $0xb8;
	[tilespmem:$0x1CE00] =	vst v63  }
0x7f: {  	s10 =	sadd.s32 @!p1 s9, s24  }
0x80: {  	s12 =	sand.u32 @!p1 $0x1, s24;
	s24 =	simm.s32 @!p1 $0x0;
	s13 =	sshll.u32 @!p1 s10, $0x4  }
0x81: {  	s16 =	sshll.u32 @!p1 s12, $0x8;
	s10 =	sshll.u32 @!p1 s10, $0x8;
	s13 =	sand.u32 @!p1 $0x1FFFFFF0, s13  }
0x82: {  	s12 =	sshll.u32 @!p1 s12, $0x7;
	s17 =	sor.u32 @!p1 $0x13C00, s16;
	s21 =	sadd.s32 @!p1 s4, s13  }
0x83: {  	[tilespmem:s17], [sflag:$0x3] =	stream.linear.gather @!p1 [hbm4b:s21+s24], $0x80, $0x38;
	[tilespmem:$0x1CE00] =	vst v63  }
0x84: {  	s16 =	sor.u32 @!p1 $0x13C80, s16;
	s10 =	sand.u32 @!p1 $0x1FFFFF00, s10;
	s13 =	sadd.s32 @!p1 s5, s13  }
0x85: {  	[tilespmem:s16], [sflag:$0x3] =	stream.linear.gather @!p1 [hbm4b:s13+s24], $0x80, $0x38;
	[tilespmem:$0x1CE00] =	vst v63  }
0x86: {  	s10 =	sadd.s32 @!p1 s6, s10;
	s13 =	sor.u32 @!p1 $0x13E00, s12  }
0x87: {  	[tilespmem:s13], [sflag:$0x3] =	stream.linear.gather @!p1 [hbm4b:s10+s24], $0x80, $0x38;
	[tilespmem:$0x1CE00] =	vst v63  }
0x88: {  	s16 =	sor.u32 @!p1 $0x13F00, s12;
	s13 =	sadd.s32 @!p1 $0x10, s10  }
0x89: {  	[tilespmem:s16], [sflag:$0x3] =	stream.linear.gather @!p1 [hbm4b:s13+s24], $0x80, $0x38;
	[tilespmem:$0x1CE00] =	vst v63  }
0x8a: {  	s13 =	sadd.s32 @!p1 $0x20, s10;
	s16 =	sor.u32 @!p1 $0x14000, s12  }
0x8b: {  	[tilespmem:s16], [sflag:$0x3] =	stream.linear.gather @!p1 [hbm4b:s13+s24], $0x80, $0x38;
	[tilespmem:$0x1CE00] =	vst v63  }
0x8c: {  	s13 =	sadd.s32 @!p1 $0x30, s10;
	s16 =	sor.u32 @!p1 $0x14100, s12  }
0x8d: {  	[tilespmem:s16], [sflag:$0x3] =	stream.linear.gather @!p1 [hbm4b:s13+s24], $0x80, $0x38;
	[tilespmem:$0x1CE00] =	vst v63  }
0x8e: {  	s13 =	sadd.s32 @!p1 $0x40, s10;
	s16 =	sor.u32 @!p1 $0x14200, s12  }
0x8f: {  	[tilespmem:s16], [sflag:$0x3] =	stream.linear.gather @!p1 [hbm4b:s13+s24], $0x80, $0x38;
	[tilespmem:$0x1CE00] =	vst v63  }
0x90: {  	s13 =	sadd.s32 @!p1 $0x50, s10;
	s16 =	sor.u32 @!p1 $0x14300, s12  }
0x91: {  	[tilespmem:s16], [sflag:$0x3] =	stream.linear.gather @!p1 [hbm4b:s13+s24], $0x80, $0x38;
	[tilespmem:$0x1CE00] =	vst v63  }
0x92: {  	s13 =	sadd.s32 @!p1 $0x60, s10;
	s16 =	sor.u32 @!p1 $0x14400, s12  }
0x93: {  	[tilespmem:s16], [sflag:$0x3] =	stream.linear.gather @!p1 [hbm4b:s13+s24], $0x80, $0x38;
	[tilespmem:$0x1CE00] =	vst v63  }
0x94: {  	s13 =	sadd.s32 @!p1 $0x70, s10;
	s16 =	sor.u32 @!p1 $0x14500, s12  }
0x95: {  	[tilespmem:s16], [sflag:$0x3] =	stream.linear.gather @!p1 [hbm4b:s13+s24], $0x80, $0x38;
	[tilespmem:$0x1CE00] =	vst v63  }
0x96: {  	s13 =	sadd.s32 @!p1 $0x80, s10;
	s16 =	sor.u32 @!p1 $0x14600, s12  }
0x97: {  	[tilespmem:s16], [sflag:$0x3] =	stream.linear.gather @!p1 [hbm4b:s13+s24], $0x80, $0x38;
	[tilespmem:$0x1CE00] =	vst v63  }
0x98: {  	s13 =	sadd.s32 @!p1 $0x90, s10;
	s16 =	sor.u32 @!p1 $0x14700, s12  }
0x99: {  	[tilespmem:s16], [sflag:$0x3] =	stream.linear.gather @!p1 [hbm4b:s13+s24], $0x80, $0x38;
	[tilespmem:$0x1CE00] =	vst v63  }
0x9a: {  	s13 =	sadd.s32 @!p1 $0xA0, s10;
	s16 =	sor.u32 @!p1 $0x14800, s12  }
0x9b: {  	[tilespmem:s16], [sflag:$0x3] =	stream.linear.gather @!p1 [hbm4b:s13+s24], $0x80, $0x38;
	[tilespmem:$0x1CE00] =	vst v63  }
0x9c: {  	s13 =	sadd.s32 @!p1 $0xB0, s10;
	s16 =	sor.u32 @!p1 $0x14900, s12  }
0x9d: {  	[tilespmem:s16], [sflag:$0x3] =	stream.linear.gather @!p1 [hbm4b:s13+s24], $0x80, $0x38;
	[tilespmem:$0x1CE00] =	vst v63  }
0x9e: {  	s13 =	sadd.s32 @!p1 $0xC0, s10;
	s16 =	sor.u32 @!p1 $0x14A00, s12  }
0x9f: {  	[tilespmem:s16], [sflag:$0x3] =	stream.linear.gather @!p1 [hbm4b:s13+s24], $0x80, $0x38;
	[tilespmem:$0x1CE00] =	vst v63  }
0xa0: {  	s13 =	sadd.s32 @!p1 $0xD0, s10;
	s16 =	sor.u32 @!p1 $0x14B00, s12  }
0xa1: {  	[tilespmem:s16], [sflag:$0x3] =	stream.linear.gather @!p1 [hbm4b:s13+s24], $0x80, $0x38;
	[tilespmem:$0x1CE00] =	vst v63  }
0xa2: {  	s13 =	sadd.s32 @!p1 $0xE0, s10;
	s16 =	sor.u32 @!p1 $0x14C00, s12  }
0xa3: {  	[tilespmem:s16], [sflag:$0x3] =	stream.linear.gather @!p1 [hbm4b:s13+s24], $0x80, $0x38;
	[tilespmem:$0x1CE00] =	vst v63  }
0xa4: {  	s10 =	sadd.s32 @!p1 $0xF0, s10;
	s12 =	sor.u32 @!p1 $0x14D00, s12  }
0xa5: {  	[tilespmem:s12], [sflag:$0x3] =	stream.linear.gather @!p1 [hbm4b:s10+s24], $0x80, $0x38;
	[tilespmem:$0x1CE00] =	vst v63  }
0xa6: {  	p1 =	sne.s32 s22, s15  }
.Ltmp1:
0xa7: {  	_ = 	snop;
	(pc) =	sbr.rel @p1 .LBB2_2-.Ltmp1, $2  }
0xa8: {  	_ =	sdelay $0x2  }
0xa9: {  	p0 =	por !p0, !p0  }
0xaa: {  	_ =	swait.ge [sflag:s3], $0x4000  }
0xab: {  	[sflag:s3] =	ssyncset.done $0x0  }
0xac: {  	[sflag:s3] =	ssyncadd.s32 $0xFFFFC000  }
0xad: {  	[bflag:$0x0] =	sbarrier.arrive $0xFFFF  }
0xae: {  	s10 =	rddreg [dreg:$0x6]  }
0xaf: {  	[hbm:s10], [sflag:s11] =	dma.local [spmem:s18], $0x2780  }
0xb0: {  	_ =	swait.ge [sflag:s19], $0x2780  }
0xb1: {  	s20 =	sadd.s32 $0x1, s20;
	s31 =	rddreg [dreg:$0x7]  }
0xb2: {  	p0 =	sne.s32 s20, s31  }
.Ltmp2:
0xb3: {  	_ = 	snop;
	(pc) =	sbr.rel @p0 .LBB2_1-.Ltmp2, $3  }
0xb4: {  	_ =	sdelay $0x1  }
0xb5: {  	[sflag:s19] =	ssyncset.done $0x0  }
0xb6: {  	[sflag:s19] =	ssyncadd.s32 $0xFFFFD880  }
0xb7: {  	_ =	sfence.sel $0x180000  }
0xb8: {  	[bflag:$0x0] =	sbarrier.arrive $0xFFFF  }
0xb9: {  	_ =	strace $0x9000004D  }
0xba: {  	s0 =	stileid.u32;
	[bflag:$0x2] =	sbarrier.arrive $0xFFFF  }
0xbb: {  	p0 =	sne.s32 s0, $0x0;
	s0 =	rddreg [dreg:$0x2]  }
0xbc: {  	s0 =	sadd.s32 @!p0 $0x100000, s0  }
0xbd: {  	[sflag:s0] =	ssyncadd.tile.s32 @!p0 $0x1;
	_ =	shalt  }
.Lfunc_end2:
_tile_overlayer_lowered:
.L_overlay_start_2:
0xbe: {  	(tag) =	ssettag $0x2  }
0xbf: {  	s0 =	rddreg [dreg:$0x0];
	s2 =	stileid.u32  }
0xc0: {  	s1 =	rddreg [dreg:$0x1];
	p0 =	sne.s32 s2, $0x0  }
0xc1: {  	s3 =	rddreg [dreg:$0x2];
	[bflag:$0x3] =	sbarrier.arrive $0xFFFF;
	s2 =	simm.s32 @!p0 $0x1C04  }
0xc2: {  	[timem:s3], [sflag:s2] =	dma.local @!p0 [hbm:s0], s1  }
0xc3: {  	s0 =	simm.s32 @!p0 $0x4  }
0xc4: {  	_ =	swait.ge @!p0 [sflag:s0], s1  }
0xc5: {  	s1 =	ssub.s32 @!p0 $0x0, s1;
	[sflag:s0] =	ssyncset.done @!p0 $0x0  }
0xc6: {  	[sflag:s0] =	ssyncadd.s32 @!p0 s1  }
0xc7: {  	[bflag:$0x3] =	sbarrier.arrive $0xFFFF  }
0xc8: {  	_ =	shalt  }

// kernel: kernel.20.cloned.1.call-start
scs
__scs_entry_jumppad:
0x0: {  	(pc) =	sbr.rel $0x88, $3  }
0x1: {  	(tag) =	ssettag $0x0;
	lr =	simm.s32 $0x1  }
0x2: {  	[smem:$0x3F96] =	sst lr;
	_ =	strace $0xD0000000  }
0x3: {  	_ = 	snop  }
0x4: {  	_ = 	snop  }
0x5: {  	_ = 	snop  }
0x6: {  	_ = 	snop  }
0x7: {  	_ = 	snop  }
__scs_overlays_trampoline_lowered:
0x8: {  	[smem:$0x3FA5] =	sst s0  }
0x9: {  	[smem:$0x3FA6] =	sst s1  }
0xa: {  	[smem:$0x3FA7] =	sst s2  }
0xb: {  	[smem:$0x3FA8] =	sst s3  }
0xc: {  	[smem:$0x3FA9] =	sst s4  }
0xd: {  	[smem:$0x3FAA] =	sst s5  }
0xe: {  	[smem:$0x3FAB] =	sst s6  }
0xf: {  	[smem:$0x3FAC] =	sst s7  }
0x10: {  	[smem:$0x3FAD] =	sst s8  }
0x11: {  	[smem:$0x3FAE] =	sst s9;
	s0 =	simm.s32 @!p0 $0x0  }
0x12: {  	s1 =	sld [smem:$0x3F94];
	s0 =	simm.s32 @p0 $0x1  }
0x13: {  	[smem:$0x3FAF] =	sst s0;
	s0 =	simm.s32 @!p1 $0x0  }
0x14: {  	s2 =	sld [smem:$0x3F93];
	s0 =	simm.s32 @p1 $0x1  }
0x15: {  	[smem:$0x3FB0] =	sst s0;
	s0 =	simm.s32 @!p2 $0x0  }
0x16: {  	s3 =	sld [smem:$0x3FDB];
	s0 =	simm.s32 @p2 $0x1  }
0x17: {  	s4 =	simm.s32 $0x1BF5;
	[smem:$0x3FB2] =	sst s0  }
0x18: {  	s0 =	sld [smem:$0x3F95];
	_ =	swait.ge [sflag:s4], $0x0  }
0x19: {  	s7 =	sld [smem:$0x3F96]  }
0x1a: {  	s8 =	sadd.s32 $0xFFFFE003, lr  }
0x1b: {  	s9 =	sadd.s32 $0xFFFFFEF7, lr;
	s5 =	simm.s32 $0xFFFFFFFF;
	p2 =	slt.u32 s8, $0xFFFFF086  }
0x1c: {  	p1 =	slt.u32 s9, $0xF7A;
	s5 =	simm.s32 @!p2 $0x0  }
0x1d: {  	s5 =	simm.s32 @p1 $0x1;
	p0 =	seq.s32 s7, s2  }
0x1e: {  	s7 =	smul.u32 @!p0 $0xF7A, s2;
	p2 =	seq.s32 @!p0 s5, $0x0  }
0x1f: {  	s9 =	smul.u32 $0xF7A, s1;
	s8 =	simm.s32 @!p0 $0x1BF5;
	p2 =	por !p2, p0  }
0x20: {  	[sflag:s8] =	ssyncset.s32 @!p0 $0xFFFFF086;
	s6 =	sadd.s32 @!p0 s3, s7;
	s7 =	simm.s32 @!p0 $0x108  }
0x21: {  	s3 =	sadd.s32 s3, s9;
	s6 =	sadd.s32 @!p0 $0x88, s6;
	s7 =	simm.s32 @p2 $0x1082  }
0x22: {  	[simem:s7], [sflag:s8] =	dma.local @!p0 [hbm:s6], $0xF7A  }
0x23: {  	s9 =	sor.u32 $0xD0000000, s2;
	s6 =	simm.s32 $0x108;
	_ =	swait.ge @!p0 [sflag:s8], $0x0  }
0x24: {  	s3 =	sadd.s32 $0x88, s3;
	s6 =	simm.s32 @!p1 $0x1082;
	[sflag:s4] =	ssyncset.s32 $0xFFFFF086  }
0x25: {  	[simem:s6], [sflag:s4] =	dma.local [hbm:s3], $0xF7A  }
0x26: {  	[smem:$0x3F96] =	sst s1;
	(tag) =	ssettag s2;
	_ =	strace s9  }
0x27: {  	s1 =	sld [smem:$0x3FA6]  }
0x28: {  	s2 =	sld [smem:$0x3FA7]  }
0x29: {  	s4 =	sld [smem:$0x3FA9]  }
0x2a: {  	p0 =	seq.s32 s5, $0x0;
	s5 =	sld [smem:$0x3FAA]  }
0x2b: {  	s6 =	sld [smem:$0x3FAB]  }
0x2c: {  	s7 =	sld [smem:$0x3FAC]  }
0x2d: {  	s3 =	simm.s32 $0x108;
	s8 =	sld [smem:$0x3FAD]  }
0x2e: {  	s3 =	simm.s32 @!p0 $0x1082;
	s9 =	sld [smem:$0x3FAE]  }
0x2f: {  	lr =	sadd.s32 s0, s3;
	s0 =	sld [smem:$0x3FA5]  }
0x30: {  	s3 =	sld [smem:$0x3FA8]  }
0x31: {  	[smem:$0x3FB1] =	sst s10  }
0x32: {  	s10 =	sld [smem:$0x3FAF];
	_ =	sdelay $0x3  }
0x33: {  	p0 =	seq.s32 s10, $0x1;
	s10 =	sld [smem:$0x3FB1];
	_ =	sdelay $0x3  }
0x34: {  	[smem:$0x3FB1] =	sst s10  }
0x35: {  	s10 =	sld [smem:$0x3FB0];
	_ =	sdelay $0x3  }
0x36: {  	p1 =	seq.s32 s10, $0x1;
	s10 =	sld [smem:$0x3FB1];
	_ =	sdelay $0x3  }
0x37: {  	[smem:$0x3FB1] =	sst s10  }
0x38: {  	s10 =	sld [smem:$0x3FB2]  }
0x39: {  	_ = 	snop;
	(pc) =	sbr.ind lr, $3  }
0x3a: {  	_ = 	snop  }
0x3b: {  	_ = 	snop  }
0x3c: {  	p2 =	seq.s32 s10, $0x1;
	s10 =	sld [smem:$0x3FB1]  }
0x3d: {  	_ =	shalt  }
0x3e: {  	_ =	shalt  }
0x3f: {  	_ =	shalt  }
0x40: {  	_ =	shalt  }
0x41: {  	_ =	shalt  }
0x42: {  	_ =	shalt  }
0x43: {  	_ =	shalt  }
0x44: {  	_ =	shalt  }
0x45: {  	_ =	shalt  }
0x46: {  	_ =	shalt  }
0x47: {  	_ =	shalt  }
0x48: {  	_ =	shalt  }
0x49: {  	_ =	shalt  }
0x4a: {  	_ =	shalt  }
0x4b: {  	_ =	shalt  }
0x4c: {  	_ =	shalt  }
0x4d: {  	_ =	shalt  }
0x4e: {  	_ =	shalt  }
0x4f: {  	_ =	shalt  }
0x50: {  	_ =	shalt  }
0x51: {  	_ =	shalt  }
0x52: {  	_ =	shalt  }
0x53: {  	_ =	shalt  }
0x54: {  	_ =	shalt  }
0x55: {  	_ =	shalt  }
0x56: {  	_ =	shalt  }
0x57: {  	_ =	shalt  }
0x58: {  	_ =	shalt  }
0x59: {  	_ =	shalt  }
0x5a: {  	_ =	shalt  }
0x5b: {  	_ =	shalt  }
0x5c: {  	_ =	shalt  }
0x5d: {  	_ =	shalt  }
0x5e: {  	_ =	shalt  }
0x5f: {  	_ =	shalt  }
0x60: {  	_ =	shalt  }
0x61: {  	_ =	shalt  }
0x62: {  	_ =	shalt  }
0x63: {  	_ =	shalt  }
0x64: {  	_ =	shalt  }
0x65: {  	_ =	shalt  }
0x66: {  	_ =	shalt  }
0x67: {  	_ =	shalt  }
0x68: {  	_ =	shalt  }
0x69: {  	_ =	shalt  }
0x6a: {  	_ =	shalt  }
0x6b: {  	_ =	shalt  }
0x6c: {  	_ =	shalt  }
0x6d: {  	_ =	shalt  }
0x6e: {  	_ =	shalt  }
0x6f: {  	_ =	shalt  }
0x70: {  	_ =	shalt  }
0x71: {  	_ =	shalt  }
0x72: {  	_ =	shalt  }
0x73: {  	_ =	shalt  }
0x74: {  	_ =	shalt  }
0x75: {  	_ =	shalt  }
0x76: {  	_ =	shalt  }
0x77: {  	_ =	shalt  }
0x78: {  	_ =	shalt  }
0x79: {  	_ =	shalt  }
0x7a: {  	_ =	shalt  }
0x7b: {  	_ =	shalt  }
0x7c: {  	_ =	shalt  }
0x7d: {  	_ =	shalt  }
0x7e: {  	_ =	shalt  }
0x7f: {  	_ =	shalt  }
0x80: {  	_ =	shalt  }
0x81: {  	_ =	shalt  }
0x82: {  	_ =	shalt  }
0x83: {  	_ =	shalt  }
0x84: {  	_ =	shalt  }
0x85: {  	_ =	shalt  }
0x86: {  	_ =	shalt  }
0x87: {  	_ =	shalt  }
.Lfunc_end0:
.L_simem_size_0:
called_computation.3_lowered:
.L_overlay_start_0:
0x88: {  	s2 =	sld [smem:$0x3FD9]  }
0x89: {  	s3 =	sld [smem:$0x3FFE];
	_ =	sdelay $0x1  }
0x8a: {  	s1 =	srdreg.scid  }
0x8b: {  	s0 =	sand.u32 $0x1, s1  }
0x8c: {  	s14 =	sshll.u32 s0, $0xA;
	s2 =	sadd.s32 s3, s2  }
0x8d: {  	s2 =	sadd.s32 s2, s14  }
0x8e: {  	[smem:$0x3FBD] =	sst s2  }
0x8f: {  	_ = 	snop  }
0x90: {  	s2 =	sld [smem:$0x3FD0];
	_ =	sdelay $0x2  }
0x91: {  	s15 =	simm.s32 $0xA;
	s4 =	simm.s32 $0x10  }
0x92: {  	[smem:s4], [sflag:s15] =	dma.local [hbm:s2], $0x1  }
0x93: {  	_ =	swait.eq [sflag:s15], $0x1  }
0x94: {  	[sflag:s15] =	ssyncset.done $0x0  }
0x95: {  	[sflag:s15] =	ssyncadd.s32 $0xFFFFFFFF  }
0x96: {  	s16 =	sld [smem:$0x11];
	(tm) =	ssettm $0x1  }
0x97: {  	s17 =	sld [smem:$0x3FFB];
	_ =	sdelay $0x3  }
0x98: {  	_ =	strace s17  }
0x99: {  	s3 =	sld [smem:$0x3FFC];
	_ =	sdelay $0x3  }
0x9a: {  	_ =	strace s3  }
0x9b: {  	s3 =	sld [smem:$0x3FFD];
	_ =	sdelay $0x3  }
0x9c: {  	_ =	strace s3  }
0x9d: {  	_ =	strace $0x8FFFFFFF  }
0x9e: {  	s18 =	sld [smem:$0x3FDB];
	_ =	sdelay $0x1  }
0x9f: {  	s19 =	simm.s32 $_scs_section_size  }
0xa0: {  	s5 =	simm.s32 $_size__tile_overlayer_lowered;
	s6 =	simm.s32 $_tile_overlayer_lowered  }
0xa1: {  	s22 =	simm.s32 $0x1BFF;
	s21 =	sshll.u32 s6, $0x1;
	s3 =	sadd.s32 s19, s18  }
0xa2: {  	s7 =	simm.s32 $0x0;
	s20 =	sshll.u32 s5, $0x1;
	s5 =	sadd.s32 s21, s3  }
0xa3: {  	[timem:s7], [sflag:s22] =	dma.local [hbm:s5], s20  }
0xa4: {  	_ =	swait.ge [sflag:s22], s20  }
0xa5: {  	s4 =	ssub.s32 $0x0, s20;
	[sflag:s22] =	ssyncset.done $0x0  }
0xa6: {  	[sflag:s22] =	ssyncadd.s32 s4;
	_ =	sdelay $0x1  }
0xa7: {  	s23 =	simm.s32 $0x1B8B  }
0xa8: {  	_ =	swait.ge [sflag:s23], $0x1  }
0xa9: {  	[sflag:s23] =	ssyncset.done $0x0  }
0xaa: {  	s25 =	simm.s32 $0x1B8E;
	s24 =	sld [smem:$0x3FFE];
	[sflag:s23] =	ssyncadd.s32 $0xFFFFFFFF  }
0xab: {  	s26 =	simm.s32 $execute0_lowered;
	[smem:$0x3FD2] =	sst s25  }
0xac: {  	s5 =	sshll.u32 s26, $0x1;
	_ =	strace $0x8000004F;
	[dreg:$0x1] =	wrdreg $0xFFFFFFFF  }
0xad: {  	s28 =	simm.s32 $_size_execute0_lowered;
	s3 =	sadd.s32 s3, s5;
	[dreg:$0x0] =	wrdreg $0x0  }
0xae: {  	s5 =	sshll.u32 s28, $0x1;
	[dreg:$0x2] =	wrdreg s3  }
0xaf: {  	[dreg:$0x3] =	wrdreg s5  }
0xb0: {  	[dreg:$0x4] =	wrdreg $0xC0  }
0xb1: {  	_ =	task [dreg:s7], $0x5FFFF  }
0xb2: {  	[dreg:$0x1] =	wrdreg $0xFFFFFFFF  }
0xb3: {  	[dreg:$0x0] =	wrdreg $0x60  }
0xb4: {  	[dreg:$0x2] =	wrdreg s16  }
0xb5: {  	[dreg:$0x3] =	wrdreg s24  }
0xb6: {  	[dreg:$0x4] =	wrdreg $0x9  }
0xb7: {  	_ =	task.clear_ibuf [dreg:s7], $0x5FFFF;
	_ =	strace $0x9000004F  }
0xb8: {  	s29 =	simm.s32 $0x9;
	_ =	strace $0x80000051  }
0xb9: {  	_ =	swait.ge [sflag:s29], $0x1  }
0xba: {  	[sflag:s29] =	ssyncadd.s32 $0xFFFFFFFF  }
0xbb: {  	_ =	strace $0x90000051  }
0xbc: {  	_ =	sfence  }
0xbd: {  	s30 =	sld [smem:$0x0];
	_ =	sdelay $0x2  }
0xbe: {  	s31 =	sshll.u32 s1, $0xD;
	s1 =	sshrl.u32 s1, $0x2  }
0xbf: {  	s3 =	sand.u32 $0x4000, s31;
	s1 =	sadd.s32 s1, s30  }
0xc0: {  	s0 =	sor.u32 s3, s0;
	s1 =	sshll.u32 s1, $0x11  }
0xc1: {  	s0 =	sor.u32 s1, s0  }
0xc2: {  	s0 =	sadd.s32 $0x8F2B, s0  }
0xc3: {  	[sflag:s0] =	ssyncadd.remote.s32 $0x1  }
0xc4: {  	_ =	sfence.sel $0xFFFF  }
0xc5: {  	[dreg:$0x0] =	wrdreg $0xFFFFFFFF;
	(pc) =	sbr.abs _section_cstart, $3  }
0xc6: {  	[dreg:$0x1] =	wrdreg $0xFFFFFFFF  }
0xc7: {  	_ =	task.clear_ibuf [dreg:s7], $0x2FFFF;
	_ =	strace $0x9FFFFFFF  }
0xc8: {  	(tm) =	ssettm $0x7FFFFFFF  }
0xc9: {  	_ =	shalt  }
tec
execute0_lowered:
.L_overlay_start_1:
0x0: {  	(tag) =	ssettag $0x1  }
0x1: {  	s1 =	srdreg.scid;
	s0 =	stileid.u32  }
0x2: {  	s12 =	sand.u32 $0x1, s1;
	s28 =	sshll.u32 s0, $0x1  }
0x3: {  	s11 =	rddreg [dreg:$0x0];
	s8 =	sor.u32 s12, s28  }
0x4: {  	s9 =	rddreg [dreg:$0x1];
	s13 =	smul.u32 $0x108, s8  }
0x5: {  	s2 =	simm.s32 $0x0;
	s1 =	rddreg [dreg:$0x2]  }
0x6: {  	[smem:$0x7FF] =	sst s2;
	s3 =	sshrl.u32 s13, $0x3  }
0x7: {  	_ =	strace $0x80000050;
	s4 =	sadd.s32 s11, s3;
	s3 =	simm.s32 $0x2  }
0x8: {  	[tilespmem:s2], [sflag:$0x2] =	stream.linear.gather [hbm4b:s4+s2], $0x80, $0x38;
	[tilespmem:$0x4080] =	vst v63  }
0x9: {  	_ =	swait.ge [sflag:s3], $0x80  }
0xa: {  	s6 =	simm.s32 $0x80;
	[sflag:s3] =	ssyncset.done $0x0  }
0xb: {  	s7 =	simm.s32 $0x1;
	s5 =	sadd.s32 $0x3000, s9;
	[sflag:s3] =	ssyncadd.s32 $0xFFFFFF80  }
0xc: {  	[tilespmem:s6], [sflag:$0x1] =	stream.indirect.gather [hbm4b:s5+s6], $0x80, s2, s6, $0xb8;
	[tilespmem:$0x4080] =	vst v63  }
0xd: {  	s8 =	smul.u32 $0x1080, s8;
	_ =	swait.ge [sflag:s7], $0x4000  }
0xe: {  	s14 =	sadd.s32 $0x2A800, s9;
	[sflag:s7] =	ssyncset.done $0x0  }
0xf: {  	s8 =	sadd.s32 s14, s8;
	[sflag:s7] =	ssyncadd.s32 $0xFFFFC000  }
0x10: {  	[hbm4b:s8+s2] =	stream.linear.scatter [tilespmem:s6], [sflag:$0x2], $0x4000, $0x38;
	[tilespmem:$0x4080] =	vst v63  }
0x11: {  	s10 =	sadd.s32 $0x80, s13;
	_ =	swait.ge [sflag:s3], $0x4000  }
0x12: {  	s29 =	sshrl.u32 s10, $0x3;
	[sflag:s3] =	ssyncset.done $0x0  }
0x13: {  	s9 =	sadd.s32 s11, s29;
	[sflag:s3] =	ssyncadd.s32 $0xFFFFC000  }
0x14: {  	[tilespmem:s2], [sflag:$0x2] =	stream.linear.gather [hbm4b:s9+s2], $0x80, $0x38;
	[tilespmem:$0x4080] =	vst v63  }
0x15: {  	_ =	swait.ge [sflag:s3], $0x80  }
0x16: {  	[sflag:s3] =	ssyncset.done $0x0  }
0x17: {  	[sflag:s3] =	ssyncadd.s32 $0xFFFFFF80  }
0x18: {  	[tilespmem:s6], [sflag:$0x1] =	stream.indirect.gather [hbm4b:s5+s6], $0x80, s2, s6, $0xb8;
	[tilespmem:$0x4080] =	vst v63  }
0x19: {  	_ =	swait.ge [sflag:s7], $0x4000  }
0x1a: {  	s10 =	sshll.u32 s10, $0x4;
	[sflag:s7] =	ssyncset.done $0x0  }
0x1b: {  	s10 =	sadd.s32 s14, s10;
	[sflag:s7] =	ssyncadd.s32 $0xFFFFC000  }
0x1c: {  	[hbm4b:s10+s2] =	stream.linear.scatter [tilespmem:s6], [sflag:$0x2], $0x4000, $0x38;
	[tilespmem:$0x4080] =	vst v63  }
0x1d: {  	s13 =	sadd.s32 $0x100, s13;
	_ =	swait.ge [sflag:s3], $0x4000  }
0x1e: {  	s15 =	sshrl.u32 s13, $0x3;
	[sflag:s3] =	ssyncset.done $0x0  }
0x1f: {  	s30 =	ssub.s32 $0x2, s12;
	s11 =	sadd.s32 s11, s15;
	[sflag:s3] =	ssyncadd.s32 $0xFFFFC000  }
0x20: {  	[tilespmem:s2], [sflag:$0x2] =	stream.linear.gather [hbm4b:s11+s2], $0x8, $0x38;
	[tilespmem:$0x4080] =	vst v63  }
0x21: {  	s16 =	sshrl.u32 s30, $0x1;
	_ =	swait.ge [sflag:s3], $0x8  }
0x22: {  	s15 =	ssub.s32 s30, s16;
	[sflag:s3] =	ssyncset.done $0x0  }
0x23: {  	s12 =	simm.s32 $0x8;
	s31 =	smax.u32 s15, $0x1;
	[sflag:s3] =	ssyncadd.s32 $0xFFFFFFF8  }
0x24: {  	[tilespmem:s6], [sflag:$0x1] =	stream.indirect.gather [hbm4b:s5+s12], $0x80, s2, s12, $0xb8;
	[tilespmem:$0x4080] =	vst v63  }
0x25: {  	p0 =	sne.s32 s31, $0x1;
	_ =	swait.ge [sflag:s7], $0x400  }
.Ltmp0:
0x26: {  	s13 =	sshll.u32 s13, $0x4;
	[sflag:s7] =	ssyncset.done $0x0;
	(pc) =	sbr.rel @!p0 .LBB2_2-.Ltmp0, $4  }
0x27: {  	s13 =	sadd.s32 s14, s13;
	[sflag:s7] =	ssyncadd.s32 $0xFFFFFC00  }
0x28: {  	[hbm4b:s13+s2] =	stream.linear.scatter [tilespmem:s6], [sflag:$0x2], $0x400, $0x38;
	[tilespmem:$0x4080] =	vst v63  }
0x29: {  	_ =	swait.ge [sflag:s3], $0x400  }
0x2a: {  	s14 =	sadd.s32 $0xFFFFFFFF, s31;
	[sflag:s3] =	ssyncset.done $0x0  }
.LBB2_1:
0x2b: {  	p0 =	sne.s32 s14, $0x1;
	s14 =	sadd.s32 $0xFFFFFFFF, s14;
	[sflag:s3] =	ssyncadd.s32 $0xFFFFFC00  }
0x2c: {  	[tilespmem:s2], [sflag:$0x2] =	stream.linear.gather [hbm4b:s4+s2], $0x80, $0x38;
	[tilespmem:$0x4080] =	vst v63  }
0x2d: {  	_ =	swait.ge [sflag:s3], $0x80  }
0x2e: {  	[sflag:s3] =	ssyncset.done $0x0  }
0x2f: {  	[sflag:s3] =	ssyncadd.s32 $0xFFFFFF80  }
0x30: {  	[tilespmem:s6], [sflag:$0x1] =	stream.indirect.gather [hbm4b:s5+s6], $0x80, s2, s6, $0xb8;
	[tilespmem:$0x4080] =	vst v63  }
0x31: {  	_ =	swait.ge [sflag:s7], $0x4000  }
0x32: {  	[sflag:s7] =	ssyncset.done $0x0  }
0x33: {  	[sflag:s7] =	ssyncadd.s32 $0xFFFFC000  }
0x34: {  	[hbm4b:s8+s2] =	stream.linear.scatter [tilespmem:s6], [sflag:$0x2], $0x4000, $0x38;
	[tilespmem:$0x4080] =	vst v63  }
0x35: {  	_ =	swait.ge [sflag:s3], $0x4000  }
0x36: {  	[sflag:s3] =	ssyncset.done $0x0  }
0x37: {  	[sflag:s3] =	ssyncadd.s32 $0xFFFFC000  }
0x38: {  	[tilespmem:s2], [sflag:$0x2] =	stream.linear.gather [hbm4b:s9+s2], $0x80, $0x38;
	[tilespmem:$0x4080] =	vst v63  }
0x39: {  	_ =	swait.ge [sflag:s3], $0x80  }
0x3a: {  	[sflag:s3] =	ssyncset.done $0x0  }
0x3b: {  	[sflag:s3] =	ssyncadd.s32 $0xFFFFFF80  }
0x3c: {  	[tilespmem:s6], [sflag:$0x1] =	stream.indirect.gather [hbm4b:s5+s6], $0x80, s2, s6, $0xb8;
	[tilespmem:$0x4080] =	vst v63  }
0x3d: {  	_ =	swait.ge [sflag:s7], $0x4000  }
0x3e: {  	[sflag:s7] =	ssyncset.done $0x0  }
0x3f: {  	[sflag:s7] =	ssyncadd.s32 $0xFFFFC000  }
0x40: {  	[hbm4b:s10+s2] =	stream.linear.scatter [tilespmem:s6], [sflag:$0x2], $0x4000, $0x38;
	[tilespmem:$0x4080] =	vst v63  }
0x41: {  	_ =	swait.ge [sflag:s3], $0x4000  }
0x42: {  	[sflag:s3] =	ssyncset.done $0x0  }
0x43: {  	[sflag:s3] =	ssyncadd.s32 $0xFFFFC000  }
0x44: {  	[tilespmem:s2], [sflag:$0x2] =	stream.linear.gather [hbm4b:s11+s2], $0x8, $0x38;
	[tilespmem:$0x4080] =	vst v63  }
0x45: {  	_ =	swait.ge [sflag:s3], $0x8  }
0x46: {  	[sflag:s3] =	ssyncset.done $0x0  }
0x47: {  	[sflag:s3] =	ssyncadd.s32 $0xFFFFFFF8  }
0x48: {  	[tilespmem:s6], [sflag:$0x1] =	stream.indirect.gather [hbm4b:s5+s12], $0x80, s2, s12, $0xb8;
	[tilespmem:$0x4080] =	vst v63  }
0x49: {  	_ =	swait.ge [sflag:s7], $0x400  }
.Ltmp1:
0x4a: {  	[sflag:s7] =	ssyncset.done $0x0;
	(pc) =	sbr.rel @p0 .LBB2_1-.Ltmp1, $4  }
0x4b: {  	[sflag:s7] =	ssyncadd.s32 $0xFFFFFC00  }
0x4c: {  	[hbm4b:s13+s2] =	stream.linear.scatter [tilespmem:s6], [sflag:$0x2], $0x400, $0x38;
	[tilespmem:$0x4080] =	vst v63  }
0x4d: {  	_ =	swait.ge [sflag:s3], $0x400  }
0x4e: {  	[sflag:s3] =	ssyncset.done $0x0  }
.LBB2_2:
0x4f: {  	[sflag:s3] =	ssyncadd.s32 $0xFFFFFC00  }
0x50: {  	_ =	sfence.sel $0x180000  }
0x51: {  	[bflag:$0x0] =	sbarrier.arrive $0xFFFF  }
0x52: {  	p0 =	sne.s32 s0, $0x0;
	_ =	strace $0x90000050  }
0x53: {  	s0 =	sadd.s32 @!p0 $0x100000, s1;
	[bflag:$0x2] =	sbarrier.arrive $0xFFFF  }
0x54: {  	[sflag:s0] =	ssyncadd.tile.s32 @!p0 $0x1;
	_ =	shalt  }
.Lfunc_end2:
_tile_overlayer_lowered:
.L_overlay_start_2:
0x55: {  	(tag) =	ssettag $0x2  }
0x56: {  	s0 =	rddreg [dreg:$0x0];
	s2 =	stileid.u32  }
0x57: {  	s1 =	rddreg [dreg:$0x1];
	p0 =	sne.s32 s2, $0x0  }
0x58: {  	s3 =	rddreg [dreg:$0x2];
	[bflag:$0x3] =	sbarrier.arrive $0xFFFF;
	s2 =	simm.s32 @!p0 $0x1C02  }
0x59: {  	[timem:s3], [sflag:s2] =	dma.local @!p0 [hbm:s0], s1  }
0x5a: {  	s0 =	simm.s32 @!p0 $0x2  }
0x5b: {  	_ =	swait.ge @!p0 [sflag:s0], s1  }
0x5c: {  	s1 =	ssub.s32 @!p0 $0x0, s1;
	[sflag:s0] =	ssyncset.done @!p0 $0x0  }
0x5d: {  	[sflag:s0] =	ssyncadd.s32 @!p0 s1  }
0x5e: {  	[bflag:$0x3] =	sbarrier.arrive $0xFFFF  }
0x5f: {  	_ =	shalt  }

</sc_bundles>
